<compile_context>
chip_gen: v7x
topology: tpu7x:2x2x1
jax: 0.10.2.dev20260603
libtpu: 0.0.44.dev20260713+nightly
codegen_flags: <defaults>
</compile_context>

<pallas_src>
import functools

import jax
import jax.numpy as jnp
from jax import lax
from jax.experimental import pallas as pl
from jax.experimental.pallas import tpu as pltpu
from jax.experimental.pallas import tpu_sc as plsc

DIM = 64
N_POS = 5
N_CTX = 25
S = 32
NBUF = 2
NC = 2
NS = 16
NW = NC * NS
LANES = 16
NIDX = (1 + N_CTX) * S
SLAB = 1024


def _sc_dots(v_bf, u_bf, idx_slabs, B):
    per_w = B // NW
    n_chunks = per_w // S

    mesh = plsc.VectorSubcoreMesh(core_axis_name="c", subcore_axis_name="s")

    @functools.partial(
        pl.kernel,
        mesh=mesh,
        compiler_params=pltpu.CompilerParams(
            use_tc_tiling_on_sc=False, needs_layout_passes=False),
        out_type=jax.ShapeDtypeStruct((B // 4, 128), jnp.float32),
        scratch_types=[
            pltpu.VMEM((NBUF, SLAB), jnp.int32),
            pltpu.VMEM((NBUF, S, DIM), jnp.float32),
            pltpu.VMEM((NBUF, N_CTX, S, DIM), jnp.float32),
            pltpu.VMEM((128, 128), jnp.float32),
            pltpu.SemaphoreType.DMA,
            pltpu.SemaphoreType.DMA,
        ],
    )
    def sc_kernel(v_hbm, u_hbm, idx_hbm, out_hbm,
                  idx_v, v_buf, u_buf, dots, sg0, sg1):
        wid = lax.axis_index("s") * NC + lax.axis_index("c")
        sgs = (sg0, sg1)

        def issue(chunk, b):
            slab = (wid * n_chunks + chunk) * SLAB
            pltpu.sync_copy(idx_hbm.at[pl.ds(slab, SLAB)], idx_v.at[b])
            pltpu.async_copy(v_hbm.at[idx_v.at[b, pl.ds(0, S)]],
                             v_buf.at[b], sgs[b])
            for j in range(N_CTX):
                pltpu.async_copy(u_hbm.at[idx_v.at[b, pl.ds((1 + j) * S, S)]],
                                 u_buf.at[b, j], sgs[b])

        def drain_gathers(b):
            pltpu.make_async_copy(v_hbm.at[idx_v.at[b, pl.ds(0, S)]],
                                  v_buf.at[b], sgs[b]).wait()
            for j in range(N_CTX):
                pltpu.make_async_copy(
                    u_hbm.at[idx_v.at[b, pl.ds((1 + j) * S, S)]],
                    u_buf.at[b, j], sgs[b]).wait()

        def compute(b, chunk):
            def body_s(s, carry):
                c = [v_buf[b, s, pl.ds(t * LANES, LANES)] for t in range(4)]
                lane = lax.iota(jnp.int32, LANES)
                dlo = jnp.zeros((LANES,), jnp.float32)
                dhi = jnp.full((LANES,), 30.0, jnp.float32)
                for j in range(N_CTX):
                    acc = u_buf[b, j, s, pl.ds(0, LANES)] * c[0]
                    for t in range(1, 4):
                        acc = acc + u_buf[b, j, s, pl.ds(t * LANES, LANES)] * c[t]
                    d = jnp.sum(acc)
                    d = d if j < N_POS else -d
                    if j < LANES:
                        dlo = jnp.where(lane == j, d, dlo)
                    else:
                        dhi = jnp.where(lane == (j - LANES), d, dhi)
                g = chunk * S + s
                row = g >> 2
                lb = (g & 3) * 2 * LANES
                dots[row, pl.ds(lb, LANES)] = dlo
                dots[row, pl.ds(lb + LANES, LANES)] = dhi
                return carry
            lax.fori_loop(0, S, body_s, 0)

        issue(0, 0)

        def outer(i, carry):
            for b in range(NBUF):
                chunk = NBUF * i + b
                nb = 1 - b

                @pl.when(chunk + 1 < n_chunks)
                def _():
                    issue(chunk + 1, nb)

                drain_gathers(b)
                compute(b, chunk)
            return carry

        lax.fori_loop(0, n_chunks // NBUF, outer, 0)
        pltpu.sync_copy(dots, out_hbm.at[pl.ds(wid * (per_w // 4), per_w // 4)])

    return sc_kernel(v_bf, u_bf, idx_slabs)


def _loss_body(dots_ref, out_ref):
    x = dots_ref[...]
    y = jax.nn.log_sigmoid(x)
    col = lax.broadcasted_iota(jnp.int32, (128, 4), 0)
    grp = lax.broadcasted_iota(jnp.int32, (128, 4), 1)
    sel = ((col // 32) == grp).astype(jnp.float32)
    out_ref[...] = -lax.dot(y, sel, precision=lax.Precision.HIGHEST)


def kernel(center_words, positive_words, negative_words, v_weight, u_weight):
    B = center_words.shape[0]
    all_idx = jnp.concatenate(
        [center_words[None, :], positive_words.T, negative_words.T], axis=0)
    all_idx = all_idx.astype(jnp.int32)

    n_chunks = B // NW // S
    slabs = all_idx.reshape(1 + N_CTX, NW, n_chunks, S)
    slabs = slabs.transpose(1, 2, 0, 3).reshape(NW * n_chunks, NIDX)
    slabs = jnp.pad(slabs, ((0, 0), (0, SLAB - NIDX)))
    idx_slabs = slabs.reshape(-1)

    dots = _sc_dots(v_weight, u_weight, idx_slabs, B)

    bt = 1024
    loss4 = pl.pallas_call(
        _loss_body,
        grid=(B // 4 // bt,),
        in_specs=[pl.BlockSpec((bt, 128), lambda i: (i, 0))],
        out_specs=pl.BlockSpec((bt, 4), lambda i: (i, 0)),
        out_shape=jax.ShapeDtypeStruct((B // 4, 4), jnp.float32),
    )(dots)
    return loss4.reshape(B)

# --- scband reference (transcript-rebuilt; emitter-appended) ---
"""Pipeline reference for scband-my-word2-vec-73976516706405 (READ-ONLY COPY).

The authoritative reference and input builder live on the scoring server;
editing this copy changes nothing except your own understanding.
"""

import jax, jax.numpy as jnp
import numpy as np

VOCAB = 1000000
DIM = 64
B = 16384
N_POS = 5
N_NEG = 20


def setup_inputs(seed: int = 0) -> dict:
    key = jax.random.key(seed)
    k1, k2, k3, k4, k5 = jax.random.split(key, 5)
    center_words = jax.random.randint(k1, (B,), 0, VOCAB, dtype=jnp.int64 if jax.config.jax_enable_x64 else jnp.int32).astype(jnp.int32)
    positive_words = jax.random.randint(k2, (B, N_POS), 0, VOCAB).astype(jnp.int32)
    negative_words = jax.random.randint(k3, (B, N_NEG), 0, VOCAB).astype(jnp.int32)
    v_weight = jax.random.normal(k4, (VOCAB, DIM), dtype=jnp.float32)
    u_weight = jax.random.normal(k5, (VOCAB, DIM), dtype=jnp.float32)
    return {
        "center_words": center_words,
        "positive_words": positive_words,
        "negative_words": negative_words,
        "v_weight": v_weight,
        "u_weight": u_weight,
    }


def reference(center_words, positive_words, negative_words, v_weight, u_weight):
    # center_embedding: [B, D] -> [B, D, 1]
    center_embedding = jnp.take(v_weight, center_words, axis=0)
    center_embedding = center_embedding[:, :, None]
    # positive / negative embeddings from the u table
    positive_embedding = jnp.take(u_weight, positive_words, axis=0)  # [B, C, D]
    negative_embedding = jnp.take(u_weight, negative_words, axis=0)  # [B, K, D]
    # batched matmul (bmm)
    pos_dot = jnp.matmul(positive_embedding, center_embedding)  # [B, C, 1]
    pos_dot = jnp.squeeze(pos_dot, axis=2)                      # [B, C]
    pos_loss = jax.nn.log_sigmoid(pos_dot).sum(axis=1)          # [B]
    neg_dot = jnp.matmul(negative_embedding, center_embedding)  # [B, K, 1]
    neg_dot = jnp.squeeze(neg_dot, axis=2)                      # [B, K]
    neg_loss = jax.nn.log_sigmoid(-neg_dot).sum(axis=1)         # [B]
    loss = -1.0 * (pos_loss + neg_loss)
    return loss

if __name__ == "__main__":
    import jax
    _d = setup_inputs()
    print(jax.jit(kernel)(*tuple(_d.values())))

</pallas_src>

<mosaic_0001>
#map = affine_map<(d0, d1) -> (0, 0)>
#map1 = affine_map<(d0, d1) -> (0)>
module attributes {stable_mosaic.version = 14 : i64} {
  func.func @sc_kernel(%arg0: i32, %arg1: i32, %arg2: memref<1000000x64xf32, #tpu.memory_space<hbm>>, %arg3: memref<1000000x64xf32, #tpu.memory_space<hbm>>, %arg4: memref<524288xi32, #tpu.memory_space<hbm>>, %arg5: memref<4096x128xf32, #tpu.memory_space<hbm>>, %arg6: memref<2x1024xi32, #tpu.memory_space<vmem>>, %arg7: memref<2x32x64xf32, #tpu.memory_space<vmem>>, %arg8: memref<2x25x32x64xf32, #tpu.memory_space<vmem>>, %arg9: memref<128x128xf32, #tpu.memory_space<vmem>>, %arg10: memref<!tpu.dma_semaphore, #tpu.memory_space<semaphore_mem>>, %arg11: memref<!tpu.dma_semaphore, #tpu.memory_space<semaphore_mem>>) attributes {dimension_semantics = [#tpu.dimension_semantics<core_parallel>, #tpu.dimension_semantics<subcore_parallel>], iteration_bounds = array<i64: 2, 16>, scalar_prefetch = 0 : i64, scratch_operands = 6 : i64, tpu.core_type = #tpu.core_type<sc_vector_subcore>, window_params = [{transform_indices = #map}, {transform_indices = #map}, {transform_indices = #map1}, {transform_indices = #map}]} {
    %mul3A = arith.constant 2 : i32
    %mul3A_0 = arith.muli %arg1, %mul3A : i32
    %add3A = arith.addi %mul3A_0, %arg0 : i32
    %mul3A_1 = arith.constant 16 : i32
    %mul3A_2 = arith.muli %add3A, %mul3A_1 : i32
    %add3A_3 = arith.constant 0 : i32
    %add3A_4 = arith.addi %mul3A_2, %add3A_3 : i32
    %mul3A_5 = arith.constant 1024 : i32
    %mul3A_6 = arith.muli %add3A_4, %mul3A_5 : i32
    %run_scoped3A = arith.constant 0 : i32
    "tpu.region"() ({
      %run_scoped3A_350 = tpu.sem_alloc : memref<!tpu.dma_semaphore, #tpu.memory_space<semaphore_mem>>
      %dma_start3A_351 = arith.constant 0 : i32
      %dma_start3A_352 = tpu.memref_slice %arg6[%run_scoped3A, %dma_start3A_351] : memref<2x1024xi32, #tpu.memory_space<vmem>> -> memref<1x1024xi32, #tpu.memory_space<vmem>>
      %dma_start3A_353 = tpu.memref_squeeze %dma_start3A_352 : memref<1x1024xi32, #tpu.memory_space<vmem>> -> memref<1024xi32, #tpu.memory_space<vmem>>
      %dma_start3A_354 = tpu.memref_slice %arg4[%mul3A_6] : memref<524288xi32, #tpu.memory_space<hbm>> -> memref<1024xi32, #tpu.memory_space<hbm>>
      %dma_start3A_355 = arith.constant 0 : i32
      %dma_start3A_356 = tpu.memref_slice %arg6[%run_scoped3A, %dma_start3A_355] : memref<2x1024xi32, #tpu.memory_space<vmem>> -> memref<1x1024xi32, #tpu.memory_space<vmem>>
      %dma_start3A_357 = tpu.memref_squeeze %dma_start3A_356 : memref<1x1024xi32, #tpu.memory_space<vmem>> -> memref<1024xi32, #tpu.memory_space<vmem>>
      %dma_start3A_358 = tpu.memref_slice %arg4[%mul3A_6] : memref<524288xi32, #tpu.memory_space<hbm>> -> memref<1024xi32, #tpu.memory_space<hbm>>
      tpu.enqueue_dma source(%dma_start3A_358 : memref<1024xi32, #tpu.memory_space<hbm>>) target(%dma_start3A_357 : memref<1024xi32, #tpu.memory_space<vmem>>) target_semaphore(%run_scoped3A_350 : memref<!tpu.dma_semaphore, #tpu.memory_space<semaphore_mem>>)
      %dma_wait3A = arith.constant 0 : i32
      %dma_wait3A_359 = tpu.memref_slice %arg6[%run_scoped3A, %dma_wait3A] : memref<2x1024xi32, #tpu.memory_space<vmem>> -> memref<1x1024xi32, #tpu.memory_space<vmem>>
      %dma_wait3A_360 = tpu.memref_squeeze %dma_wait3A_359 : memref<1x1024xi32, #tpu.memory_space<vmem>> -> memref<1024xi32, #tpu.memory_space<vmem>>
      %dma_wait3A_361 = tpu.memref_slice %arg4[%mul3A_6] : memref<524288xi32, #tpu.memory_space<hbm>> -> memref<1024xi32, #tpu.memory_space<hbm>>
      %dma_wait3A_362 = arith.constant 0 : i32
      %dma_wait3A_363 = tpu.memref_slice %arg6[%run_scoped3A, %dma_wait3A_362] : memref<2x1024xi32, #tpu.memory_space<vmem>> -> memref<1x1024xi32, #tpu.memory_space<vmem>>
      %dma_wait3A_364 = tpu.memref_squeeze %dma_wait3A_363 : memref<1x1024xi32, #tpu.memory_space<vmem>> -> memref<1024xi32, #tpu.memory_space<vmem>>
      %dma_wait3A_365 = tpu.memref_slice %arg4[%mul3A_6] : memref<524288xi32, #tpu.memory_space<hbm>> -> memref<1024xi32, #tpu.memory_space<hbm>>
      tpu.wait_dma2 semaphore(%run_scoped3A_350 : memref<!tpu.dma_semaphore, #tpu.memory_space<semaphore_mem>>) src(%dma_wait3A_365 : memref<1024xi32, #tpu.memory_space<hbm>>) dst(%dma_wait3A_364 : memref<1024xi32, #tpu.memory_space<vmem>>)
      tpu.yield
    }) : () -> ()
    %dma_start3A = arith.constant 0 : i32
    %dma_start3A_7 = arith.constant 0 : i32
    %dma_start3A_8 = arith.constant 0 : i32
    %dma_start3A_9 = arith.constant 0 : i32
    %dma_start3A_10 = tpu.memref_slice %arg7[%dma_start3A_7, %dma_start3A_8, %dma_start3A_9] : memref<2x32x64xf32, #tpu.memory_space<vmem>> -> memref<1x32x64xf32, #tpu.memory_space<vmem>>
    %dma_start3A_11 = tpu.memref_squeeze %dma_start3A_10 : memref<1x32x64xf32, #tpu.memory_space<vmem>> -> memref<32x64xf32, #tpu.memory_space<vmem>>
    %dma_start3A_12 = arith.constant 0 : i32
    %dma_start3A_13 = tpu.memref_slice %arg6[%dma_start3A, %dma_start3A_12] : memref<2x1024xi32, #tpu.memory_space<vmem>> -> memref<1x32xi32, #tpu.memory_space<vmem>>
    %dma_start3A_14 = tpu.memref_squeeze %dma_start3A_13 : memref<1x32xi32, #tpu.memory_space<vmem>> -> memref<32xi32, #tpu.memory_space<vmem>>
    %dma_start3A_15 = arith.constant 0 : i32
    %dma_start3A_16 = arith.constant 0 : i32
    %dma_start3A_17 = tpu.memref_slice %arg2[%dma_start3A_15, %dma_start3A_16] : memref<1000000x64xf32, #tpu.memory_space<hbm>> -> memref<1000000x64xf32, #tpu.memory_space<hbm>>
    tpu.enqueue_indirect_dma source(%dma_start3A_17 : memref<1000000x64xf32, #tpu.memory_space<hbm>>) target(%dma_start3A_11 : memref<32x64xf32, #tpu.memory_space<vmem>>) offsets(%dma_start3A_14 : memref<32xi32, #tpu.memory_space<vmem>>) semaphore(%arg10 : memref<!tpu.dma_semaphore, #tpu.memory_space<semaphore_mem>>)
    %dma_start3A_18 = arith.constant 0 : i32
    %dma_start3A_19 = arith.constant 0 : i32
    %dma_start3A_20 = arith.constant 0 : i32
    %dma_start3A_21 = arith.constant 0 : i32
    %dma_start3A_22 = arith.constant 0 : i32
    %dma_start3A_23 = tpu.memref_slice %arg8[%dma_start3A_19, %dma_start3A_20, %dma_start3A_21, %dma_start3A_22] : memref<2x25x32x64xf32, #tpu.memory_space<vmem>> -> memref<1x1x32x64xf32, #tpu.memory_space<vmem>>
    %dma_start3A_24 = tpu.memref_squeeze %dma_start3A_23 : memref<1x1x32x64xf32, #tpu.memory_space<vmem>> -> memref<32x64xf32, #tpu.memory_space<vmem>>
    %dma_start3A_25 = arith.constant 32 : i32
    %dma_start3A_26 = tpu.memref_slice %arg6[%dma_start3A_18, %dma_start3A_25] : memref<2x1024xi32, #tpu.memory_space<vmem>> -> memref<1x32xi32, #tpu.memory_space<vmem>>
    %dma_start3A_27 = tpu.memref_squeeze %dma_start3A_26 : memref<1x32xi32, #tpu.memory_space<vmem>> -> memref<32xi32, #tpu.memory_space<vmem>>
    %dma_start3A_28 = arith.constant 0 : i32
    %dma_start3A_29 = arith.constant 0 : i32
    %dma_start3A_30 = tpu.memref_slice %arg3[%dma_start3A_28, %dma_start3A_29] : memref<1000000x64xf32, #tpu.memory_space<hbm>> -> memref<1000000x64xf32, #tpu.memory_space<hbm>>
    tpu.enqueue_indirect_dma source(%dma_start3A_30 : memref<1000000x64xf32, #tpu.memory_space<hbm>>) target(%dma_start3A_24 : memref<32x64xf32, #tpu.memory_space<vmem>>) offsets(%dma_start3A_27 : memref<32xi32, #tpu.memory_space<vmem>>) semaphore(%arg10 : memref<!tpu.dma_semaphore, #tpu.memory_space<semaphore_mem>>)
    %dma_start3A_31 = arith.constant 0 : i32
    %dma_start3A_32 = arith.constant 0 : i32
    %dma_start3A_33 = arith.constant 1 : i32
    %dma_start3A_34 = arith.constant 0 : i32
    %dma_start3A_35 = arith.constant 0 : i32
    %dma_start3A_36 = tpu.memref_slice %arg8[%dma_start3A_32, %dma_start3A_33, %dma_start3A_34, %dma_start3A_35] : memref<2x25x32x64xf32, #tpu.memory_space<vmem>> -> memref<1x1x32x64xf32, #tpu.memory_space<vmem>>
    %dma_start3A_37 = tpu.memref_squeeze %dma_start3A_36 : memref<1x1x32x64xf32, #tpu.memory_space<vmem>> -> memref<32x64xf32, #tpu.memory_space<vmem>>
    %dma_start3A_38 = arith.constant 64 : i32
    %dma_start3A_39 = tpu.memref_slice %arg6[%dma_start3A_31, %dma_start3A_38] : memref<2x1024xi32, #tpu.memory_space<vmem>> -> memref<1x32xi32, #tpu.memory_space<vmem>>
    %dma_start3A_40 = tpu.memref_squeeze %dma_start3A_39 : memref<1x32xi32, #tpu.memory_space<vmem>> -> memref<32xi32, #tpu.memory_space<vmem>>
    %dma_start3A_41 = arith.constant 0 : i32
    %dma_start3A_42 = arith.constant 0 : i32
    %dma_start3A_43 = tpu.memref_slice %arg3[%dma_start3A_41, %dma_start3A_42] : memref<1000000x64xf32, #tpu.memory_space<hbm>> -> memref<1000000x64xf32, #tpu.memory_space<hbm>>
    tpu.enqueue_indirect_dma source(%dma_start3A_43 : memref<1000000x64xf32, #tpu.memory_space<hbm>>) target(%dma_start3A_37 : memref<32x64xf32, #tpu.memory_space<vmem>>) offsets(%dma_start3A_40 : memref<32xi32, #tpu.memory_space<vmem>>) semaphore(%arg10 : memref<!tpu.dma_semaphore, #tpu.memory_space<semaphore_mem>>)
    %dma_start3A_44 = arith.constant 0 : i32
    %dma_start3A_45 = arith.constant 0 : i32
    %dma_start3A_46 = arith.constant 2 : i32
    %dma_start3A_47 = arith.constant 0 : i32
    %dma_start3A_48 = arith.constant 0 : i32
    %dma_start3A_49 = tpu.memref_slice %arg8[%dma_start3A_45, %dma_start3A_46, %dma_start3A_47, %dma_start3A_48] : memref<2x25x32x64xf32, #tpu.memory_space<vmem>> -> memref<1x1x32x64xf32, #tpu.memory_space<vmem>>
    %dma_start3A_50 = tpu.memref_squeeze %dma_start3A_49 : memref<1x1x32x64xf32, #tpu.memory_space<vmem>> -> memref<32x64xf32, #tpu.memory_space<vmem>>
    %dma_start3A_51 = arith.constant 96 : i32
    %dma_start3A_52 = tpu.memref_slice %arg6[%dma_start3A_44, %dma_start3A_51] : memref<2x1024xi32, #tpu.memory_space<vmem>> -> memref<1x32xi32, #tpu.memory_space<vmem>>
    %dma_start3A_53 = tpu.memref_squeeze %dma_start3A_52 : memref<1x32xi32, #tpu.memory_space<vmem>> -> memref<32xi32, #tpu.memory_space<vmem>>
    %dma_start3A_54 = arith.constant 0 : i32
    %dma_start3A_55 = arith.constant 0 : i32
    %dma_start3A_56 = tpu.memref_slice %arg3[%dma_start3A_54, %dma_start3A_55] : memref<1000000x64xf32, #tpu.memory_space<hbm>> -> memref<1000000x64xf32, #tpu.memory_space<hbm>>
    tpu.enqueue_indirect_dma source(%dma_start3A_56 : memref<1000000x64xf32, #tpu.memory_space<hbm>>) target(%dma_start3A_50 : memref<32x64xf32, #tpu.memory_space<vmem>>) offsets(%dma_start3A_53 : memref<32xi32, #tpu.memory_space<vmem>>) semaphore(%arg10 : memref<!tpu.dma_semaphore, #tpu.memory_space<semaphore_mem>>)
    %dma_start3A_57 = arith.constant 0 : i32
    %dma_start3A_58 = arith.constant 0 : i32
    %dma_start3A_59 = arith.constant 3 : i32
    %dma_start3A_60 = arith.constant 0 : i32
    %dma_start3A_61 = arith.constant 0 : i32
    %dma_start3A_62 = tpu.memref_slice %arg8[%dma_start3A_58, %dma_start3A_59, %dma_start3A_60, %dma_start3A_61] : memref<2x25x32x64xf32, #tpu.memory_space<vmem>> -> memref<1x1x32x64xf32, #tpu.memory_space<vmem>>
    %dma_start3A_63 = tpu.memref_squeeze %dma_start3A_62 : memref<1x1x32x64xf32, #tpu.memory_space<vmem>> -> memref<32x64xf32, #tpu.memory_space<vmem>>
    %dma_start3A_64 = arith.constant 128 : i32
    %dma_start3A_65 = tpu.memref_slice %arg6[%dma_start3A_57, %dma_start3A_64] : memref<2x1024xi32, #tpu.memory_space<vmem>> -> memref<1x32xi32, #tpu.memory_space<vmem>>
    %dma_start3A_66 = tpu.memref_squeeze %dma_start3A_65 : memref<1x32xi32, #tpu.memory_space<vmem>> -> memref<32xi32, #tpu.memory_space<vmem>>
    %dma_start3A_67 = arith.constant 0 : i32
    %dma_start3A_68 = arith.constant 0 : i32
    %dma_start3A_69 = tpu.memref_slice %arg3[%dma_start3A_67, %dma_start3A_68] : memref<1000000x64xf32, #tpu.memory_space<hbm>> -> memref<1000000x64xf32, #tpu.memory_space<hbm>>
    tpu.enqueue_indirect_dma source(%dma_start3A_69 : memref<1000000x64xf32, #tpu.memory_space<hbm>>) target(%dma_start3A_63 : memref<32x64xf32, #tpu.memory_space<vmem>>) offsets(%dma_start3A_66 : memref<32xi32, #tpu.memory_space<vmem>>) semaphore(%arg10 : memref<!tpu.dma_semaphore, #tpu.memory_space<semaphore_mem>>)
    %dma_start3A_70 = arith.constant 0 : i32
    %dma_start3A_71 = arith.constant 0 : i32
    %dma_start3A_72 = arith.constant 4 : i32
    %dma_start3A_73 = arith.constant 0 : i32
    %dma_start3A_74 = arith.constant 0 : i32
    %dma_start3A_75 = tpu.memref_slice %arg8[%dma_start3A_71, %dma_start3A_72, %dma_start3A_73, %dma_start3A_74] : memref<2x25x32x64xf32, #tpu.memory_space<vmem>> -> memref<1x1x32x64xf32, #tpu.memory_space<vmem>>
    %dma_start3A_76 = tpu.memref_squeeze %dma_start3A_75 : memref<1x1x32x64xf32, #tpu.memory_space<vmem>> -> memref<32x64xf32, #tpu.memory_space<vmem>>
    %dma_start3A_77 = arith.constant 160 : i32
    %dma_start3A_78 = tpu.memref_slice %arg6[%dma_start3A_70, %dma_start3A_77] : memref<2x1024xi32, #tpu.memory_space<vmem>> -> memref<1x32xi32, #tpu.memory_space<vmem>>
    %dma_start3A_79 = tpu.memref_squeeze %dma_start3A_78 : memref<1x32xi32, #tpu.memory_space<vmem>> -> memref<32xi32, #tpu.memory_space<vmem>>
    %dma_start3A_80 = arith.constant 0 : i32
    %dma_start3A_81 = arith.constant 0 : i32
    %dma_start3A_82 = tpu.memref_slice %arg3[%dma_start3A_80, %dma_start3A_81] : memref<1000000x64xf32, #tpu.memory_space<hbm>> -> memref<1000000x64xf32, #tpu.memory_space<hbm>>
    tpu.enqueue_indirect_dma source(%dma_start3A_82 : memref<1000000x64xf32, #tpu.memory_space<hbm>>) target(%dma_start3A_76 : memref<32x64xf32, #tpu.memory_space<vmem>>) offsets(%dma_start3A_79 : memref<32xi32, #tpu.memory_space<vmem>>) semaphore(%arg10 : memref<!tpu.dma_semaphore, #tpu.memory_space<semaphore_mem>>)
    %dma_start3A_83 = arith.constant 0 : i32
    %dma_start3A_84 = arith.constant 0 : i32
    %dma_start3A_85 = arith.constant 5 : i32
    %dma_start3A_86 = arith.constant 0 : i32
    %dma_start3A_87 = arith.constant 0 : i32
    %dma_start3A_88 = tpu.memref_slice %arg8[%dma_start3A_84, %dma_start3A_85, %dma_start3A_86, %dma_start3A_87] : memref<2x25x32x64xf32, #tpu.memory_space<vmem>> -> memref<1x1x32x64xf32, #tpu.memory_space<vmem>>
    %dma_start3A_89 = tpu.memref_squeeze %dma_start3A_88 : memref<1x1x32x64xf32, #tpu.memory_space<vmem>> -> memref<32x64xf32, #tpu.memory_space<vmem>>
    %dma_start3A_90 = arith.constant 192 : i32
    %dma_start3A_91 = tpu.memref_slice %arg6[%dma_start3A_83, %dma_start3A_90] : memref<2x1024xi32, #tpu.memory_space<vmem>> -> memref<1x32xi32, #tpu.memory_space<vmem>>
    %dma_start3A_92 = tpu.memref_squeeze %dma_start3A_91 : memref<1x32xi32, #tpu.memory_space<vmem>> -> memref<32xi32, #tpu.memory_space<vmem>>
    %dma_start3A_93 = arith.constant 0 : i32
    %dma_start3A_94 = arith.constant 0 : i32
    %dma_start3A_95 = tpu.memref_slice %arg3[%dma_start3A_93, %dma_start3A_94] : memref<1000000x64xf32, #tpu.memory_space<hbm>> -> memref<1000000x64xf32, #tpu.memory_space<hbm>>
    tpu.enqueue_indirect_dma source(%dma_start3A_95 : memref<1000000x64xf32, #tpu.memory_space<hbm>>) target(%dma_start3A_89 : memref<32x64xf32, #tpu.memory_space<vmem>>) offsets(%dma_start3A_92 : memref<32xi32, #tpu.memory_space<vmem>>) semaphore(%arg10 : memref<!tpu.dma_semaphore, #tpu.memory_space<semaphore_mem>>)
    %dma_start3A_96 = arith.constant 0 : i32
    %dma_start3A_97 = arith.constant 0 : i32
    %dma_start3A_98 = arith.constant 6 : i32
    %dma_start3A_99 = arith.constant 0 : i32
    %dma_start3A_100 = arith.constant 0 : i32
    %dma_start3A_101 = tpu.memref_slice %arg8[%dma_start3A_97, %dma_start3A_98, %dma_start3A_99, %dma_start3A_100] : memref<2x25x32x64xf32, #tpu.memory_space<vmem>> -> memref<1x1x32x64xf32, #tpu.memory_space<vmem>>
    %dma_start3A_102 = tpu.memref_squeeze %dma_start3A_101 : memref<1x1x32x64xf32, #tpu.memory_space<vmem>> -> memref<32x64xf32, #tpu.memory_space<vmem>>
    %dma_start3A_103 = arith.constant 224 : i32
    %dma_start3A_104 = tpu.memref_slice %arg6[%dma_start3A_96, %dma_start3A_103] : memref<2x1024xi32, #tpu.memory_space<vmem>> -> memref<1x32xi32, #tpu.memory_space<vmem>>
    %dma_start3A_105 = tpu.memref_squeeze %dma_start3A_104 : memref<1x32xi32, #tpu.memory_space<vmem>> -> memref<32xi32, #tpu.memory_space<vmem>>
    %dma_start3A_106 = arith.constant 0 : i32
    %dma_start3A_107 = arith.constant 0 : i32
    %dma_start3A_108 = tpu.memref_slice %arg3[%dma_start3A_106, %dma_start3A_107] : memref<1000000x64xf32, #tpu.memory_space<hbm>> -> memref<1000000x64xf32, #tpu.memory_space<hbm>>
    tpu.enqueue_indirect_dma source(%dma_start3A_108 : memref<1000000x64xf32, #tpu.memory_space<hbm>>) target(%dma_start3A_102 : memref<32x64xf32, #tpu.memory_space<vmem>>) offsets(%dma_start3A_105 : memref<32xi32, #tpu.memory_space<vmem>>) semaphore(%arg10 : memref<!tpu.dma_semaphore, #tpu.memory_space<semaphore_mem>>)
    %dma_start3A_109 = arith.constant 0 : i32
    %dma_start3A_110 = arith.constant 0 : i32
    %dma_start3A_111 = arith.constant 7 : i32
    %dma_start3A_112 = arith.constant 0 : i32
    %dma_start3A_113 = arith.constant 0 : i32
    %dma_start3A_114 = tpu.memref_slice %arg8[%dma_start3A_110, %dma_start3A_111, %dma_start3A_112, %dma_start3A_113] : memref<2x25x32x64xf32, #tpu.memory_space<vmem>> -> memref<1x1x32x64xf32, #tpu.memory_space<vmem>>
    %dma_start3A_115 = tpu.memref_squeeze %dma_start3A_114 : memref<1x1x32x64xf32, #tpu.memory_space<vmem>> -> memref<32x64xf32, #tpu.memory_space<vmem>>
    %dma_start3A_116 = arith.constant 256 : i32
    %dma_start3A_117 = tpu.memref_slice %arg6[%dma_start3A_109, %dma_start3A_116] : memref<2x1024xi32, #tpu.memory_space<vmem>> -> memref<1x32xi32, #tpu.memory_space<vmem>>
    %dma_start3A_118 = tpu.memref_squeeze %dma_start3A_117 : memref<1x32xi32, #tpu.memory_space<vmem>> -> memref<32xi32, #tpu.memory_space<vmem>>
    %dma_start3A_119 = arith.constant 0 : i32
    %dma_start3A_120 = arith.constant 0 : i32
    %dma_start3A_121 = tpu.memref_slice %arg3[%dma_start3A_119, %dma_start3A_120] : memref<1000000x64xf32, #tpu.memory_space<hbm>> -> memref<1000000x64xf32, #tpu.memory_space<hbm>>
    tpu.enqueue_indirect_dma source(%dma_start3A_121 : memref<1000000x64xf32, #tpu.memory_space<hbm>>) target(%dma_start3A_115 : memref<32x64xf32, #tpu.memory_space<vmem>>) offsets(%dma_start3A_118 : memref<32xi32, #tpu.memory_space<vmem>>) semaphore(%arg10 : memref<!tpu.dma_semaphore, #tpu.memory_space<semaphore_mem>>)
    %dma_start3A_122 = arith.constant 0 : i32
    %dma_start3A_123 = arith.constant 0 : i32
    %dma_start3A_124 = arith.constant 8 : i32
    %dma_start3A_125 = arith.constant 0 : i32
    %dma_start3A_126 = arith.constant 0 : i32
    %dma_start3A_127 = tpu.memref_slice %arg8[%dma_start3A_123, %dma_start3A_124, %dma_start3A_125, %dma_start3A_126] : memref<2x25x32x64xf32, #tpu.memory_space<vmem>> -> memref<1x1x32x64xf32, #tpu.memory_space<vmem>>
    %dma_start3A_128 = tpu.memref_squeeze %dma_start3A_127 : memref<1x1x32x64xf32, #tpu.memory_space<vmem>> -> memref<32x64xf32, #tpu.memory_space<vmem>>
    %dma_start3A_129 = arith.constant 288 : i32
    %dma_start3A_130 = tpu.memref_slice %arg6[%dma_start3A_122, %dma_start3A_129] : memref<2x1024xi32, #tpu.memory_space<vmem>> -> memref<1x32xi32, #tpu.memory_space<vmem>>
    %dma_start3A_131 = tpu.memref_squeeze %dma_start3A_130 : memref<1x32xi32, #tpu.memory_space<vmem>> -> memref<32xi32, #tpu.memory_space<vmem>>
    %dma_start3A_132 = arith.constant 0 : i32
    %dma_start3A_133 = arith.constant 0 : i32
    %dma_start3A_134 = tpu.memref_slice %arg3[%dma_start3A_132, %dma_start3A_133] : memref<1000000x64xf32, #tpu.memory_space<hbm>> -> memref<1000000x64xf32, #tpu.memory_space<hbm>>
    tpu.enqueue_indirect_dma source(%dma_start3A_134 : memref<1000000x64xf32, #tpu.memory_space<hbm>>) target(%dma_start3A_128 : memref<32x64xf32, #tpu.memory_space<vmem>>) offsets(%dma_start3A_131 : memref<32xi32, #tpu.memory_space<vmem>>) semaphore(%arg10 : memref<!tpu.dma_semaphore, #tpu.memory_space<semaphore_mem>>)
    %dma_start3A_135 = arith.constant 0 : i32
    %dma_start3A_136 = arith.constant 0 : i32
    %dma_start3A_137 = arith.constant 9 : i32
    %dma_start3A_138 = arith.constant 0 : i32
    %dma_start3A_139 = arith.constant 0 : i32
    %dma_start3A_140 = tpu.memref_slice %arg8[%dma_start3A_136, %dma_start3A_137, %dma_start3A_138, %dma_start3A_139] : memref<2x25x32x64xf32, #tpu.memory_space<vmem>> -> memref<1x1x32x64xf32, #tpu.memory_space<vmem>>
    %dma_start3A_141 = tpu.memref_squeeze %dma_start3A_140 : memref<1x1x32x64xf32, #tpu.memory_space<vmem>> -> memref<32x64xf32, #tpu.memory_space<vmem>>
    %dma_start3A_142 = arith.constant 320 : i32
    %dma_start3A_143 = tpu.memref_slice %arg6[%dma_start3A_135, %dma_start3A_142] : memref<2x1024xi32, #tpu.memory_space<vmem>> -> memref<1x32xi32, #tpu.memory_space<vmem>>
    %dma_start3A_144 = tpu.memref_squeeze %dma_start3A_143 : memref<1x32xi32, #tpu.memory_space<vmem>> -> memref<32xi32, #tpu.memory_space<vmem>>
    %dma_start3A_145 = arith.constant 0 : i32
    %dma_start3A_146 = arith.constant 0 : i32
    %dma_start3A_147 = tpu.memref_slice %arg3[%dma_start3A_145, %dma_start3A_146] : memref<1000000x64xf32, #tpu.memory_space<hbm>> -> memref<1000000x64xf32, #tpu.memory_space<hbm>>
    tpu.enqueue_indirect_dma source(%dma_start3A_147 : memref<1000000x64xf32, #tpu.memory_space<hbm>>) target(%dma_start3A_141 : memref<32x64xf32, #tpu.memory_space<vmem>>) offsets(%dma_start3A_144 : memref<32xi32, #tpu.memory_space<vmem>>) semaphore(%arg10 : memref<!tpu.dma_semaphore, #tpu.memory_space<semaphore_mem>>)
    %dma_start3A_148 = arith.constant 0 : i32
    %dma_start3A_149 = arith.constant 0 : i32
    %dma_start3A_150 = arith.constant 10 : i32
    %dma_start3A_151 = arith.constant 0 : i32
    %dma_start3A_152 = arith.constant 0 : i32
    %dma_start3A_153 = tpu.memref_slice %arg8[%dma_start3A_149, %dma_start3A_150, %dma_start3A_151, %dma_start3A_152] : memref<2x25x32x64xf32, #tpu.memory_space<vmem>> -> memref<1x1x32x64xf32, #tpu.memory_space<vmem>>
    %dma_start3A_154 = tpu.memref_squeeze %dma_start3A_153 : memref<1x1x32x64xf32, #tpu.memory_space<vmem>> -> memref<32x64xf32, #tpu.memory_space<vmem>>
    %dma_start3A_155 = arith.constant 352 : i32
    %dma_start3A_156 = tpu.memref_slice %arg6[%dma_start3A_148, %dma_start3A_155] : memref<2x1024xi32, #tpu.memory_space<vmem>> -> memref<1x32xi32, #tpu.memory_space<vmem>>
    %dma_start3A_157 = tpu.memref_squeeze %dma_start3A_156 : memref<1x32xi32, #tpu.memory_space<vmem>> -> memref<32xi32, #tpu.memory_space<vmem>>
    %dma_start3A_158 = arith.constant 0 : i32
    %dma_start3A_159 = arith.constant 0 : i32
    %dma_start3A_160 = tpu.memref_slice %arg3[%dma_start3A_158, %dma_start3A_159] : memref<1000000x64xf32, #tpu.memory_space<hbm>> -> memref<1000000x64xf32, #tpu.memory_space<hbm>>
    tpu.enqueue_indirect_dma source(%dma_start3A_160 : memref<1000000x64xf32, #tpu.memory_space<hbm>>) target(%dma_start3A_154 : memref<32x64xf32, #tpu.memory_space<vmem>>) offsets(%dma_start3A_157 : memref<32xi32, #tpu.memory_space<vmem>>) semaphore(%arg10 : memref<!tpu.dma_semaphore, #tpu.memory_space<semaphore_mem>>)
    %dma_start3A_161 = arith.constant 0 : i32
    %dma_start3A_162 = arith.constant 0 : i32
    %dma_start3A_163 = arith.constant 11 : i32
    %dma_start3A_164 = arith.constant 0 : i32
    %dma_start3A_165 = arith.constant 0 : i32
    %dma_start3A_166 = tpu.memref_slice %arg8[%dma_start3A_162, %dma_start3A_163, %dma_start3A_164, %dma_start3A_165] : memref<2x25x32x64xf32, #tpu.memory_space<vmem>> -> memref<1x1x32x64xf32, #tpu.memory_space<vmem>>
    %dma_start3A_167 = tpu.memref_squeeze %dma_start3A_166 : memref<1x1x32x64xf32, #tpu.memory_space<vmem>> -> memref<32x64xf32, #tpu.memory_space<vmem>>
    %dma_start3A_168 = arith.constant 384 : i32
    %dma_start3A_169 = tpu.memref_slice %arg6[%dma_start3A_161, %dma_start3A_168] : memref<2x1024xi32, #tpu.memory_space<vmem>> -> memref<1x32xi32, #tpu.memory_space<vmem>>
    %dma_start3A_170 = tpu.memref_squeeze %dma_start3A_169 : memref<1x32xi32, #tpu.memory_space<vmem>> -> memref<32xi32, #tpu.memory_space<vmem>>
    %dma_start3A_171 = arith.constant 0 : i32
    %dma_start3A_172 = arith.constant 0 : i32
    %dma_start3A_173 = tpu.memref_slice %arg3[%dma_start3A_171, %dma_start3A_172] : memref<1000000x64xf32, #tpu.memory_space<hbm>> -> memref<1000000x64xf32, #tpu.memory_space<hbm>>
    tpu.enqueue_indirect_dma source(%dma_start3A_173 : memref<1000000x64xf32, #tpu.memory_space<hbm>>) target(%dma_start3A_167 : memref<32x64xf32, #tpu.memory_space<vmem>>) offsets(%dma_start3A_170 : memref<32xi32, #tpu.memory_space<vmem>>) semaphore(%arg10 : memref<!tpu.dma_semaphore, #tpu.memory_space<semaphore_mem>>)
    %dma_start3A_174 = arith.constant 0 : i32
    %dma_start3A_175 = arith.constant 0 : i32
    %dma_start3A_176 = arith.constant 12 : i32
    %dma_start3A_177 = arith.constant 0 : i32
    %dma_start3A_178 = arith.constant 0 : i32
    %dma_start3A_179 = tpu.memref_slice %arg8[%dma_start3A_175, %dma_start3A_176, %dma_start3A_177, %dma_start3A_178] : memref<2x25x32x64xf32, #tpu.memory_space<vmem>> -> memref<1x1x32x64xf32, #tpu.memory_space<vmem>>
    %dma_start3A_180 = tpu.memref_squeeze %dma_start3A_179 : memref<1x1x32x64xf32, #tpu.memory_space<vmem>> -> memref<32x64xf32, #tpu.memory_space<vmem>>
    %dma_start3A_181 = arith.constant 416 : i32
    %dma_start3A_182 = tpu.memref_slice %arg6[%dma_start3A_174, %dma_start3A_181] : memref<2x1024xi32, #tpu.memory_space<vmem>> -> memref<1x32xi32, #tpu.memory_space<vmem>>
    %dma_start3A_183 = tpu.memref_squeeze %dma_start3A_182 : memref<1x32xi32, #tpu.memory_space<vmem>> -> memref<32xi32, #tpu.memory_space<vmem>>
    %dma_start3A_184 = arith.constant 0 : i32
    %dma_start3A_185 = arith.constant 0 : i32
    %dma_start3A_186 = tpu.memref_slice %arg3[%dma_start3A_184, %dma_start3A_185] : memref<1000000x64xf32, #tpu.memory_space<hbm>> -> memref<1000000x64xf32, #tpu.memory_space<hbm>>
    tpu.enqueue_indirect_dma source(%dma_start3A_186 : memref<1000000x64xf32, #tpu.memory_space<hbm>>) target(%dma_start3A_180 : memref<32x64xf32, #tpu.memory_space<vmem>>) offsets(%dma_start3A_183 : memref<32xi32, #tpu.memory_space<vmem>>) semaphore(%arg10 : memref<!tpu.dma_semaphore, #tpu.memory_space<semaphore_mem>>)
    %dma_start3A_187 = arith.constant 0 : i32
    %dma_start3A_188 = arith.constant 0 : i32
    %dma_start3A_189 = arith.constant 13 : i32
    %dma_start3A_190 = arith.constant 0 : i32
    %dma_start3A_191 = arith.constant 0 : i32
    %dma_start3A_192 = tpu.memref_slice %arg8[%dma_start3A_188, %dma_start3A_189, %dma_start3A_190, %dma_start3A_191] : memref<2x25x32x64xf32, #tpu.memory_space<vmem>> -> memref<1x1x32x64xf32, #tpu.memory_space<vmem>>
    %dma_start3A_193 = tpu.memref_squeeze %dma_start3A_192 : memref<1x1x32x64xf32, #tpu.memory_space<vmem>> -> memref<32x64xf32, #tpu.memory_space<vmem>>
    %dma_start3A_194 = arith.constant 448 : i32
    %dma_start3A_195 = tpu.memref_slice %arg6[%dma_start3A_187, %dma_start3A_194] : memref<2x1024xi32, #tpu.memory_space<vmem>> -> memref<1x32xi32, #tpu.memory_space<vmem>>
    %dma_start3A_196 = tpu.memref_squeeze %dma_start3A_195 : memref<1x32xi32, #tpu.memory_space<vmem>> -> memref<32xi32, #tpu.memory_space<vmem>>
    %dma_start3A_197 = arith.constant 0 : i32
    %dma_start3A_198 = arith.constant 0 : i32
    %dma_start3A_199 = tpu.memref_slice %arg3[%dma_start3A_197, %dma_start3A_198] : memref<1000000x64xf32, #tpu.memory_space<hbm>> -> memref<1000000x64xf32, #tpu.memory_space<hbm>>
    tpu.enqueue_indirect_dma source(%dma_start3A_199 : memref<1000000x64xf32, #tpu.memory_space<hbm>>) target(%dma_start3A_193 : memref<32x64xf32, #tpu.memory_space<vmem>>) offsets(%dma_start3A_196 : memref<32xi32, #tpu.memory_space<vmem>>) semaphore(%arg10 : memref<!tpu.dma_semaphore, #tpu.memory_space<semaphore_mem>>)
    %dma_start3A_200 = arith.constant 0 : i32
    %dma_start3A_201 = arith.constant 0 : i32
    %dma_start3A_202 = arith.constant 14 : i32
    %dma_start3A_203 = arith.constant 0 : i32
    %dma_start3A_204 = arith.constant 0 : i32
    %dma_start3A_205 = tpu.memref_slice %arg8[%dma_start3A_201, %dma_start3A_202, %dma_start3A_203, %dma_start3A_204] : memref<2x25x32x64xf32, #tpu.memory_space<vmem>> -> memref<1x1x32x64xf32, #tpu.memory_space<vmem>>
    %dma_start3A_206 = tpu.memref_squeeze %dma_start3A_205 : memref<1x1x32x64xf32, #tpu.memory_space<vmem>> -> memref<32x64xf32, #tpu.memory_space<vmem>>
    %dma_start3A_207 = arith.constant 480 : i32
    %dma_start3A_208 = tpu.memref_slice %arg6[%dma_start3A_200, %dma_start3A_207] : memref<2x1024xi32, #tpu.memory_space<vmem>> -> memref<1x32xi32, #tpu.memory_space<vmem>>
    %dma_start3A_209 = tpu.memref_squeeze %dma_start3A_208 : memref<1x32xi32, #tpu.memory_space<vmem>> -> memref<32xi32, #tpu.memory_space<vmem>>
    %dma_start3A_210 = arith.constant 0 : i32
    %dma_start3A_211 = arith.constant 0 : i32
    %dma_start3A_212 = tpu.memref_slice %arg3[%dma_start3A_210, %dma_start3A_211] : memref<1000000x64xf32, #tpu.memory_space<hbm>> -> memref<1000000x64xf32, #tpu.memory_space<hbm>>
    tpu.enqueue_indirect_dma source(%dma_start3A_212 : memref<1000000x64xf32, #tpu.memory_space<hbm>>) target(%dma_start3A_206 : memref<32x64xf32, #tpu.memory_space<vmem>>) offsets(%dma_start3A_209 : memref<32xi32, #tpu.memory_space<vmem>>) semaphore(%arg10 : memref<!tpu.dma_semaphore, #tpu.memory_space<semaphore_mem>>)
    %dma_start3A_213 = arith.constant 0 : i32
    %dma_start3A_214 = arith.constant 0 : i32
    %dma_start3A_215 = arith.constant 15 : i32
    %dma_start3A_216 = arith.constant 0 : i32
    %dma_start3A_217 = arith.constant 0 : i32
    %dma_start3A_218 = tpu.memref_slice %arg8[%dma_start3A_214, %dma_start3A_215, %dma_start3A_216, %dma_start3A_217] : memref<2x25x32x64xf32, #tpu.memory_space<vmem>> -> memref<1x1x32x64xf32, #tpu.memory_space<vmem>>
    %dma_start3A_219 = tpu.memref_squeeze %dma_start3A_218 : memref<1x1x32x64xf32, #tpu.memory_space<vmem>> -> memref<32x64xf32, #tpu.memory_space<vmem>>
    %dma_start3A_220 = arith.constant 512 : i32
    %dma_start3A_221 = tpu.memref_slice %arg6[%dma_start3A_213, %dma_start3A_220] : memref<2x1024xi32, #tpu.memory_space<vmem>> -> memref<1x32xi32, #tpu.memory_space<vmem>>
    %dma_start3A_222 = tpu.memref_squeeze %dma_start3A_221 : memref<1x32xi32, #tpu.memory_space<vmem>> -> memref<32xi32, #tpu.memory_space<vmem>>
    %dma_start3A_223 = arith.constant 0 : i32
    %dma_start3A_224 = arith.constant 0 : i32
    %dma_start3A_225 = tpu.memref_slice %arg3[%dma_start3A_223, %dma_start3A_224] : memref<1000000x64xf32, #tpu.memory_space<hbm>> -> memref<1000000x64xf32, #tpu.memory_space<hbm>>
    tpu.enqueue_indirect_dma source(%dma_start3A_225 : memref<1000000x64xf32, #tpu.memory_space<hbm>>) target(%dma_start3A_219 : memref<32x64xf32, #tpu.memory_space<vmem>>) offsets(%dma_start3A_222 : memref<32xi32, #tpu.memory_space<vmem>>) semaphore(%arg10 : memref<!tpu.dma_semaphore, #tpu.memory_space<semaphore_mem>>)
    %dma_start3A_226 = arith.constant 0 : i32
    %dma_start3A_227 = arith.constant 0 : i32
    %dma_start3A_228 = arith.constant 16 : i32
    %dma_start3A_229 = arith.constant 0 : i32
    %dma_start3A_230 = arith.constant 0 : i32
    %dma_start3A_231 = tpu.memref_slice %arg8[%dma_start3A_227, %dma_start3A_228, %dma_start3A_229, %dma_start3A_230] : memref<2x25x32x64xf32, #tpu.memory_space<vmem>> -> memref<1x1x32x64xf32, #tpu.memory_space<vmem>>
    %dma_start3A_232 = tpu.memref_squeeze %dma_start3A_231 : memref<1x1x32x64xf32, #tpu.memory_space<vmem>> -> memref<32x64xf32, #tpu.memory_space<vmem>>
    %dma_start3A_233 = arith.constant 544 : i32
    %dma_start3A_234 = tpu.memref_slice %arg6[%dma_start3A_226, %dma_start3A_233] : memref<2x1024xi32, #tpu.memory_space<vmem>> -> memref<1x32xi32, #tpu.memory_space<vmem>>
    %dma_start3A_235 = tpu.memref_squeeze %dma_start3A_234 : memref<1x32xi32, #tpu.memory_space<vmem>> -> memref<32xi32, #tpu.memory_space<vmem>>
    %dma_start3A_236 = arith.constant 0 : i32
    %dma_start3A_237 = arith.constant 0 : i32
    %dma_start3A_238 = tpu.memref_slice %arg3[%dma_start3A_236, %dma_start3A_237] : memref<1000000x64xf32, #tpu.memory_space<hbm>> -> memref<1000000x64xf32, #tpu.memory_space<hbm>>
    tpu.enqueue_indirect_dma source(%dma_start3A_238 : memref<1000000x64xf32, #tpu.memory_space<hbm>>) target(%dma_start3A_232 : memref<32x64xf32, #tpu.memory_space<vmem>>) offsets(%dma_start3A_235 : memref<32xi32, #tpu.memory_space<vmem>>) semaphore(%arg10 : memref<!tpu.dma_semaphore, #tpu.memory_space<semaphore_mem>>)
    %dma_start3A_239 = arith.constant 0 : i32
    %dma_start3A_240 = arith.constant 0 : i32
    %dma_start3A_241 = arith.constant 17 : i32
    %dma_start3A_242 = arith.constant 0 : i32
    %dma_start3A_243 = arith.constant 0 : i32
    %dma_start3A_244 = tpu.memref_slice %arg8[%dma_start3A_240, %dma_start3A_241, %dma_start3A_242, %dma_start3A_243] : memref<2x25x32x64xf32, #tpu.memory_space<vmem>> -> memref<1x1x32x64xf32, #tpu.memory_space<vmem>>
    %dma_start3A_245 = tpu.memref_squeeze %dma_start3A_244 : memref<1x1x32x64xf32, #tpu.memory_space<vmem>> -> memref<32x64xf32, #tpu.memory_space<vmem>>
    %dma_start3A_246 = arith.constant 576 : i32
    %dma_start3A_247 = tpu.memref_slice %arg6[%dma_start3A_239, %dma_start3A_246] : memref<2x1024xi32, #tpu.memory_space<vmem>> -> memref<1x32xi32, #tpu.memory_space<vmem>>
    %dma_start3A_248 = tpu.memref_squeeze %dma_start3A_247 : memref<1x32xi32, #tpu.memory_space<vmem>> -> memref<32xi32, #tpu.memory_space<vmem>>
    %dma_start3A_249 = arith.constant 0 : i32
    %dma_start3A_250 = arith.constant 0 : i32
    %dma_start3A_251 = tpu.memref_slice %arg3[%dma_start3A_249, %dma_start3A_250] : memref<1000000x64xf32, #tpu.memory_space<hbm>> -> memref<1000000x64xf32, #tpu.memory_space<hbm>>
    tpu.enqueue_indirect_dma source(%dma_start3A_251 : memref<1000000x64xf32, #tpu.memory_space<hbm>>) target(%dma_start3A_245 : memref<32x64xf32, #tpu.memory_space<vmem>>) offsets(%dma_start3A_248 : memref<32xi32, #tpu.memory_space<vmem>>) semaphore(%arg10 : memref<!tpu.dma_semaphore, #tpu.memory_space<semaphore_mem>>)
    %dma_start3A_252 = arith.constant 0 : i32
    %dma_start3A_253 = arith.constant 0 : i32
    %dma_start3A_254 = arith.constant 18 : i32
    %dma_start3A_255 = arith.constant 0 : i32
    %dma_start3A_256 = arith.constant 0 : i32
    %dma_start3A_257 = tpu.memref_slice %arg8[%dma_start3A_253, %dma_start3A_254, %dma_start3A_255, %dma_start3A_256] : memref<2x25x32x64xf32, #tpu.memory_space<vmem>> -> memref<1x1x32x64xf32, #tpu.memory_space<vmem>>
    %dma_start3A_258 = tpu.memref_squeeze %dma_start3A_257 : memref<1x1x32x64xf32, #tpu.memory_space<vmem>> -> memref<32x64xf32, #tpu.memory_space<vmem>>
    %dma_start3A_259 = arith.constant 608 : i32
    %dma_start3A_260 = tpu.memref_slice %arg6[%dma_start3A_252, %dma_start3A_259] : memref<2x1024xi32, #tpu.memory_space<vmem>> -> memref<1x32xi32, #tpu.memory_space<vmem>>
    %dma_start3A_261 = tpu.memref_squeeze %dma_start3A_260 : memref<1x32xi32, #tpu.memory_space<vmem>> -> memref<32xi32, #tpu.memory_space<vmem>>
    %dma_start3A_262 = arith.constant 0 : i32
    %dma_start3A_263 = arith.constant 0 : i32
    %dma_start3A_264 = tpu.memref_slice %arg3[%dma_start3A_262, %dma_start3A_263] : memref<1000000x64xf32, #tpu.memory_space<hbm>> -> memref<1000000x64xf32, #tpu.memory_space<hbm>>
    tpu.enqueue_indirect_dma source(%dma_start3A_264 : memref<1000000x64xf32, #tpu.memory_space<hbm>>) target(%dma_start3A_258 : memref<32x64xf32, #tpu.memory_space<vmem>>) offsets(%dma_start3A_261 : memref<32xi32, #tpu.memory_space<vmem>>) semaphore(%arg10 : memref<!tpu.dma_semaphore, #tpu.memory_space<semaphore_mem>>)
    %dma_start3A_265 = arith.constant 0 : i32
    %dma_start3A_266 = arith.constant 0 : i32
    %dma_start3A_267 = arith.constant 19 : i32
    %dma_start3A_268 = arith.constant 0 : i32
    %dma_start3A_269 = arith.constant 0 : i32
    %dma_start3A_270 = tpu.memref_slice %arg8[%dma_start3A_266, %dma_start3A_267, %dma_start3A_268, %dma_start3A_269] : memref<2x25x32x64xf32, #tpu.memory_space<vmem>> -> memref<1x1x32x64xf32, #tpu.memory_space<vmem>>
    %dma_start3A_271 = tpu.memref_squeeze %dma_start3A_270 : memref<1x1x32x64xf32, #tpu.memory_space<vmem>> -> memref<32x64xf32, #tpu.memory_space<vmem>>
    %dma_start3A_272 = arith.constant 640 : i32
    %dma_start3A_273 = tpu.memref_slice %arg6[%dma_start3A_265, %dma_start3A_272] : memref<2x1024xi32, #tpu.memory_space<vmem>> -> memref<1x32xi32, #tpu.memory_space<vmem>>
    %dma_start3A_274 = tpu.memref_squeeze %dma_start3A_273 : memref<1x32xi32, #tpu.memory_space<vmem>> -> memref<32xi32, #tpu.memory_space<vmem>>
    %dma_start3A_275 = arith.constant 0 : i32
    %dma_start3A_276 = arith.constant 0 : i32
    %dma_start3A_277 = tpu.memref_slice %arg3[%dma_start3A_275, %dma_start3A_276] : memref<1000000x64xf32, #tpu.memory_space<hbm>> -> memref<1000000x64xf32, #tpu.memory_space<hbm>>
    tpu.enqueue_indirect_dma source(%dma_start3A_277 : memref<1000000x64xf32, #tpu.memory_space<hbm>>) target(%dma_start3A_271 : memref<32x64xf32, #tpu.memory_space<vmem>>) offsets(%dma_start3A_274 : memref<32xi32, #tpu.memory_space<vmem>>) semaphore(%arg10 : memref<!tpu.dma_semaphore, #tpu.memory_space<semaphore_mem>>)
    %dma_start3A_278 = arith.constant 0 : i32
    %dma_start3A_279 = arith.constant 0 : i32
    %dma_start3A_280 = arith.constant 20 : i32
    %dma_start3A_281 = arith.constant 0 : i32
    %dma_start3A_282 = arith.constant 0 : i32
    %dma_start3A_283 = tpu.memref_slice %arg8[%dma_start3A_279, %dma_start3A_280, %dma_start3A_281, %dma_start3A_282] : memref<2x25x32x64xf32, #tpu.memory_space<vmem>> -> memref<1x1x32x64xf32, #tpu.memory_space<vmem>>
    %dma_start3A_284 = tpu.memref_squeeze %dma_start3A_283 : memref<1x1x32x64xf32, #tpu.memory_space<vmem>> -> memref<32x64xf32, #tpu.memory_space<vmem>>
    %dma_start3A_285 = arith.constant 672 : i32
    %dma_start3A_286 = tpu.memref_slice %arg6[%dma_start3A_278, %dma_start3A_285] : memref<2x1024xi32, #tpu.memory_space<vmem>> -> memref<1x32xi32, #tpu.memory_space<vmem>>
    %dma_start3A_287 = tpu.memref_squeeze %dma_start3A_286 : memref<1x32xi32, #tpu.memory_space<vmem>> -> memref<32xi32, #tpu.memory_space<vmem>>
    %dma_start3A_288 = arith.constant 0 : i32
    %dma_start3A_289 = arith.constant 0 : i32
    %dma_start3A_290 = tpu.memref_slice %arg3[%dma_start3A_288, %dma_start3A_289] : memref<1000000x64xf32, #tpu.memory_space<hbm>> -> memref<1000000x64xf32, #tpu.memory_space<hbm>>
    tpu.enqueue_indirect_dma source(%dma_start3A_290 : memref<1000000x64xf32, #tpu.memory_space<hbm>>) target(%dma_start3A_284 : memref<32x64xf32, #tpu.memory_space<vmem>>) offsets(%dma_start3A_287 : memref<32xi32, #tpu.memory_space<vmem>>) semaphore(%arg10 : memref<!tpu.dma_semaphore, #tpu.memory_space<semaphore_mem>>)
    %dma_start3A_291 = arith.constant 0 : i32
    %dma_start3A_292 = arith.constant 0 : i32
    %dma_start3A_293 = arith.constant 21 : i32
    %dma_start3A_294 = arith.constant 0 : i32
    %dma_start3A_295 = arith.constant 0 : i32
    %dma_start3A_296 = tpu.memref_slice %arg8[%dma_start3A_292, %dma_start3A_293, %dma_start3A_294, %dma_start3A_295] : memref<2x25x32x64xf32, #tpu.memory_space<vmem>> -> memref<1x1x32x64xf32, #tpu.memory_space<vmem>>
    %dma_start3A_297 = tpu.memref_squeeze %dma_start3A_296 : memref<1x1x32x64xf32, #tpu.memory_space<vmem>> -> memref<32x64xf32, #tpu.memory_space<vmem>>
    %dma_start3A_298 = arith.constant 704 : i32
    %dma_start3A_299 = tpu.memref_slice %arg6[%dma_start3A_291, %dma_start3A_298] : memref<2x1024xi32, #tpu.memory_space<vmem>> -> memref<1x32xi32, #tpu.memory_space<vmem>>
    %dma_start3A_300 = tpu.memref_squeeze %dma_start3A_299 : memref<1x32xi32, #tpu.memory_space<vmem>> -> memref<32xi32, #tpu.memory_space<vmem>>
    %dma_start3A_301 = arith.constant 0 : i32
    %dma_start3A_302 = arith.constant 0 : i32
    %dma_start3A_303 = tpu.memref_slice %arg3[%dma_start3A_301, %dma_start3A_302] : memref<1000000x64xf32, #tpu.memory_space<hbm>> -> memref<1000000x64xf32, #tpu.memory_space<hbm>>
    tpu.enqueue_indirect_dma source(%dma_start3A_303 : memref<1000000x64xf32, #tpu.memory_space<hbm>>) target(%dma_start3A_297 : memref<32x64xf32, #tpu.memory_space<vmem>>) offsets(%dma_start3A_300 : memref<32xi32, #tpu.memory_space<vmem>>) semaphore(%arg10 : memref<!tpu.dma_semaphore, #tpu.memory_space<semaphore_mem>>)
    %dma_start3A_304 = arith.constant 0 : i32
    %dma_start3A_305 = arith.constant 0 : i32
    %dma_start3A_306 = arith.constant 22 : i32
    %dma_start3A_307 = arith.constant 0 : i32
    %dma_start3A_308 = arith.constant 0 : i32
    %dma_start3A_309 = tpu.memref_slice %arg8[%dma_start3A_305, %dma_start3A_306, %dma_start3A_307, %dma_start3A_308] : memref<2x25x32x64xf32, #tpu.memory_space<vmem>> -> memref<1x1x32x64xf32, #tpu.memory_space<vmem>>
    %dma_start3A_310 = tpu.memref_squeeze %dma_start3A_309 : memref<1x1x32x64xf32, #tpu.memory_space<vmem>> -> memref<32x64xf32, #tpu.memory_space<vmem>>
    %dma_start3A_311 = arith.constant 736 : i32
    %dma_start3A_312 = tpu.memref_slice %arg6[%dma_start3A_304, %dma_start3A_311] : memref<2x1024xi32, #tpu.memory_space<vmem>> -> memref<1x32xi32, #tpu.memory_space<vmem>>
    %dma_start3A_313 = tpu.memref_squeeze %dma_start3A_312 : memref<1x32xi32, #tpu.memory_space<vmem>> -> memref<32xi32, #tpu.memory_space<vmem>>
    %dma_start3A_314 = arith.constant 0 : i32
    %dma_start3A_315 = arith.constant 0 : i32
    %dma_start3A_316 = tpu.memref_slice %arg3[%dma_start3A_314, %dma_start3A_315] : memref<1000000x64xf32, #tpu.memory_space<hbm>> -> memref<1000000x64xf32, #tpu.memory_space<hbm>>
    tpu.enqueue_indirect_dma source(%dma_start3A_316 : memref<1000000x64xf32, #tpu.memory_space<hbm>>) target(%dma_start3A_310 : memref<32x64xf32, #tpu.memory_space<vmem>>) offsets(%dma_start3A_313 : memref<32xi32, #tpu.memory_space<vmem>>) semaphore(%arg10 : memref<!tpu.dma_semaphore, #tpu.memory_space<semaphore_mem>>)
    %dma_start3A_317 = arith.constant 0 : i32
    %dma_start3A_318 = arith.constant 0 : i32
    %dma_start3A_319 = arith.constant 23 : i32
    %dma_start3A_320 = arith.constant 0 : i32
    %dma_start3A_321 = arith.constant 0 : i32
    %dma_start3A_322 = tpu.memref_slice %arg8[%dma_start3A_318, %dma_start3A_319, %dma_start3A_320, %dma_start3A_321] : memref<2x25x32x64xf32, #tpu.memory_space<vmem>> -> memref<1x1x32x64xf32, #tpu.memory_space<vmem>>
    %dma_start3A_323 = tpu.memref_squeeze %dma_start3A_322 : memref<1x1x32x64xf32, #tpu.memory_space<vmem>> -> memref<32x64xf32, #tpu.memory_space<vmem>>
    %dma_start3A_324 = arith.constant 768 : i32
    %dma_start3A_325 = tpu.memref_slice %arg6[%dma_start3A_317, %dma_start3A_324] : memref<2x1024xi32, #tpu.memory_space<vmem>> -> memref<1x32xi32, #tpu.memory_space<vmem>>
    %dma_start3A_326 = tpu.memref_squeeze %dma_start3A_325 : memref<1x32xi32, #tpu.memory_space<vmem>> -> memref<32xi32, #tpu.memory_space<vmem>>
    %dma_start3A_327 = arith.constant 0 : i32
    %dma_start3A_328 = arith.constant 0 : i32
    %dma_start3A_329 = tpu.memref_slice %arg3[%dma_start3A_327, %dma_start3A_328] : memref<1000000x64xf32, #tpu.memory_space<hbm>> -> memref<1000000x64xf32, #tpu.memory_space<hbm>>
    tpu.enqueue_indirect_dma source(%dma_start3A_329 : memref<1000000x64xf32, #tpu.memory_space<hbm>>) target(%dma_start3A_323 : memref<32x64xf32, #tpu.memory_space<vmem>>) offsets(%dma_start3A_326 : memref<32xi32, #tpu.memory_space<vmem>>) semaphore(%arg10 : memref<!tpu.dma_semaphore, #tpu.memory_space<semaphore_mem>>)
    %dma_start3A_330 = arith.constant 0 : i32
    %dma_start3A_331 = arith.constant 0 : i32
    %dma_start3A_332 = arith.constant 24 : i32
    %dma_start3A_333 = arith.constant 0 : i32
    %dma_start3A_334 = arith.constant 0 : i32
    %dma_start3A_335 = tpu.memref_slice %arg8[%dma_start3A_331, %dma_start3A_332, %dma_start3A_333, %dma_start3A_334] : memref<2x25x32x64xf32, #tpu.memory_space<vmem>> -> memref<1x1x32x64xf32, #tpu.memory_space<vmem>>
    %dma_start3A_336 = tpu.memref_squeeze %dma_start3A_335 : memref<1x1x32x64xf32, #tpu.memory_space<vmem>> -> memref<32x64xf32, #tpu.memory_space<vmem>>
    %dma_start3A_337 = arith.constant 800 : i32
    %dma_start3A_338 = tpu.memref_slice %arg6[%dma_start3A_330, %dma_start3A_337] : memref<2x1024xi32, #tpu.memory_space<vmem>> -> memref<1x32xi32, #tpu.memory_space<vmem>>
    %dma_start3A_339 = tpu.memref_squeeze %dma_start3A_338 : memref<1x32xi32, #tpu.memory_space<vmem>> -> memref<32xi32, #tpu.memory_space<vmem>>
    %dma_start3A_340 = arith.constant 0 : i32
    %dma_start3A_341 = arith.constant 0 : i32
    %dma_start3A_342 = tpu.memref_slice %arg3[%dma_start3A_340, %dma_start3A_341] : memref<1000000x64xf32, #tpu.memory_space<hbm>> -> memref<1000000x64xf32, #tpu.memory_space<hbm>>
    tpu.enqueue_indirect_dma source(%dma_start3A_342 : memref<1000000x64xf32, #tpu.memory_space<hbm>>) target(%dma_start3A_336 : memref<32x64xf32, #tpu.memory_space<vmem>>) offsets(%dma_start3A_339 : memref<32xi32, #tpu.memory_space<vmem>>) semaphore(%arg10 : memref<!tpu.dma_semaphore, #tpu.memory_space<semaphore_mem>>)
    %scan3A = arith.constant 0 : i32
    %scan3A_343 = arith.constant 0 : i32
    %scan3A_344 = arith.constant 8 : i32
    %scan3A_345 = arith.addi %scan3A_343, %scan3A_344 : i32
    %scan3A_346 = arith.constant 1 : i32
    scf.for %scan3A_350 = %scan3A_343 to %scan3A_345 step %scan3A_346  : i32 {
      %mul3A_351 = arith.constant 2 : i32
      %mul3A_352 = arith.muli %mul3A_351, %scan3A_350 : i32
      %add3A_353 = arith.constant 0 : i32
      %add3A_354 = arith.addi %mul3A_352, %add3A_353 : i32
      %add3A_355 = arith.constant 1 : i32
      %add3A_356 = arith.addi %add3A_354, %add3A_355 : i32
      %lt3A = arith.constant 16 : i32
      %lt3A_357 = arith.cmpi slt, %add3A_356, %lt3A : i32
      %convert_element_type3A = arith.extui %lt3A_357 : i1 to i32
      %cond3A = arith.constant 0 : i32
      %cond3A_358 = arith.cmpi ne, %convert_element_type3A, %cond3A : i32
      scf.if %cond3A_358 {
        %add3A_1055 = arith.constant 1 : i32
        %add3A_1056 = arith.addi %add3A_354, %add3A_1055 : i32
        %mul3A_1057 = arith.constant 16 : i32
        %mul3A_1058 = arith.muli %add3A, %mul3A_1057 : i32
        %add3A_1059 = arith.addi %mul3A_1058, %add3A_1056 : i32
        %mul3A_1060 = arith.constant 1024 : i32
        %mul3A_1061 = arith.muli %add3A_1059, %mul3A_1060 : i32
        %run_scoped3A_1062 = arith.constant 1 : i32
        "tpu.region"() ({
          %run_scoped3A_1400 = tpu.sem_alloc : memref<!tpu.dma_semaphore, #tpu.memory_space<semaphore_mem>>
          %dma_start3A_1401 = arith.constant 0 : i32
          %dma_start3A_1402 = tpu.memref_slice %arg6[%run_scoped3A_1062, %dma_start3A_1401] : memref<2x1024xi32, #tpu.memory_space<vmem>> -> memref<1x1024xi32, #tpu.memory_space<vmem>>
          %dma_start3A_1403 = tpu.memref_squeeze %dma_start3A_1402 : memref<1x1024xi32, #tpu.memory_space<vmem>> -> memref<1024xi32, #tpu.memory_space<vmem>>
          %dma_start3A_1404 = tpu.memref_slice %arg4[%mul3A_1061] : memref<524288xi32, #tpu.memory_space<hbm>> -> memref<1024xi32, #tpu.memory_space<hbm>>
          %dma_start3A_1405 = arith.constant 0 : i32
          %dma_start3A_1406 = tpu.memref_slice %arg6[%run_scoped3A_1062, %dma_start3A_1405] : memref<2x1024xi32, #tpu.memory_space<vmem>> -> memref<1x1024xi32, #tpu.memory_space<vmem>>
          %dma_start3A_1407 = tpu.memref_squeeze %dma_start3A_1406 : memref<1x1024xi32, #tpu.memory_space<vmem>> -> memref<1024xi32, #tpu.memory_space<vmem>>
          %dma_start3A_1408 = tpu.memref_slice %arg4[%mul3A_1061] : memref<524288xi32, #tpu.memory_space<hbm>> -> memref<1024xi32, #tpu.memory_space<hbm>>
          tpu.enqueue_dma source(%dma_start3A_1408 : memref<1024xi32, #tpu.memory_space<hbm>>) target(%dma_start3A_1407 : memref<1024xi32, #tpu.memory_space<vmem>>) target_semaphore(%run_scoped3A_1400 : memref<!tpu.dma_semaphore, #tpu.memory_space<semaphore_mem>>)
          %dma_wait3A_1409 = arith.constant 0 : i32
          %dma_wait3A_1410 = tpu.memref_slice %arg6[%run_scoped3A_1062, %dma_wait3A_1409] : memref<2x1024xi32, #tpu.memory_space<vmem>> -> memref<1x1024xi32, #tpu.memory_space<vmem>>
          %dma_wait3A_1411 = tpu.memref_squeeze %dma_wait3A_1410 : memref<1x1024xi32, #tpu.memory_space<vmem>> -> memref<1024xi32, #tpu.memory_space<vmem>>
          %dma_wait3A_1412 = tpu.memref_slice %arg4[%mul3A_1061] : memref<524288xi32, #tpu.memory_space<hbm>> -> memref<1024xi32, #tpu.memory_space<hbm>>
          %dma_wait3A_1413 = arith.constant 0 : i32
          %dma_wait3A_1414 = tpu.memref_slice %arg6[%run_scoped3A_1062, %dma_wait3A_1413] : memref<2x1024xi32, #tpu.memory_space<vmem>> -> memref<1x1024xi32, #tpu.memory_space<vmem>>
          %dma_wait3A_1415 = tpu.memref_squeeze %dma_wait3A_1414 : memref<1x1024xi32, #tpu.memory_space<vmem>> -> memref<1024xi32, #tpu.memory_space<vmem>>
          %dma_wait3A_1416 = tpu.memref_slice %arg4[%mul3A_1061] : memref<524288xi32, #tpu.memory_space<hbm>> -> memref<1024xi32, #tpu.memory_space<hbm>>
          tpu.wait_dma2 semaphore(%run_scoped3A_1400 : memref<!tpu.dma_semaphore, #tpu.memory_space<semaphore_mem>>) src(%dma_wait3A_1416 : memref<1024xi32, #tpu.memory_space<hbm>>) dst(%dma_wait3A_1415 : memref<1024xi32, #tpu.memory_space<vmem>>)
          tpu.yield
        }) : () -> ()
        %dma_start3A_1063 = arith.constant 1 : i32
        %dma_start3A_1064 = arith.constant 1 : i32
        %dma_start3A_1065 = arith.constant 0 : i32
        %dma_start3A_1066 = arith.constant 0 : i32
        %dma_start3A_1067 = tpu.memref_slice %arg7[%dma_start3A_1064, %dma_start3A_1065, %dma_start3A_1066] : memref<2x32x64xf32, #tpu.memory_space<vmem>> -> memref<1x32x64xf32, #tpu.memory_space<vmem>>
        %dma_start3A_1068 = tpu.memref_squeeze %dma_start3A_1067 : memref<1x32x64xf32, #tpu.memory_space<vmem>> -> memref<32x64xf32, #tpu.memory_space<vmem>>
        %dma_start3A_1069 = arith.constant 0 : i32
        %dma_start3A_1070 = tpu.memref_slice %arg6[%dma_start3A_1063, %dma_start3A_1069] : memref<2x1024xi32, #tpu.memory_space<vmem>> -> memref<1x32xi32, #tpu.memory_space<vmem>>
        %dma_start3A_1071 = tpu.memref_squeeze %dma_start3A_1070 : memref<1x32xi32, #tpu.memory_space<vmem>> -> memref<32xi32, #tpu.memory_space<vmem>>
        %dma_start3A_1072 = arith.constant 0 : i32
        %dma_start3A_1073 = arith.constant 0 : i32
        %dma_start3A_1074 = tpu.memref_slice %arg2[%dma_start3A_1072, %dma_start3A_1073] : memref<1000000x64xf32, #tpu.memory_space<hbm>> -> memref<1000000x64xf32, #tpu.memory_space<hbm>>
        tpu.enqueue_indirect_dma source(%dma_start3A_1074 : memref<1000000x64xf32, #tpu.memory_space<hbm>>) target(%dma_start3A_1068 : memref<32x64xf32, #tpu.memory_space<vmem>>) offsets(%dma_start3A_1071 : memref<32xi32, #tpu.memory_space<vmem>>) semaphore(%arg11 : memref<!tpu.dma_semaphore, #tpu.memory_space<semaphore_mem>>)
        %dma_start3A_1075 = arith.constant 1 : i32
        %dma_start3A_1076 = arith.constant 1 : i32
        %dma_start3A_1077 = arith.constant 0 : i32
        %dma_start3A_1078 = arith.constant 0 : i32
        %dma_start3A_1079 = arith.constant 0 : i32
        %dma_start3A_1080 = tpu.memref_slice %arg8[%dma_start3A_1076, %dma_start3A_1077, %dma_start3A_1078, %dma_start3A_1079] : memref<2x25x32x64xf32, #tpu.memory_space<vmem>> -> memref<1x1x32x64xf32, #tpu.memory_space<vmem>>
        %dma_start3A_1081 = tpu.memref_squeeze %dma_start3A_1080 : memref<1x1x32x64xf32, #tpu.memory_space<vmem>> -> memref<32x64xf32, #tpu.memory_space<vmem>>
        %dma_start3A_1082 = arith.constant 32 : i32
        %dma_start3A_1083 = tpu.memref_slice %arg6[%dma_start3A_1075, %dma_start3A_1082] : memref<2x1024xi32, #tpu.memory_space<vmem>> -> memref<1x32xi32, #tpu.memory_space<vmem>>
        %dma_start3A_1084 = tpu.memref_squeeze %dma_start3A_1083 : memref<1x32xi32, #tpu.memory_space<vmem>> -> memref<32xi32, #tpu.memory_space<vmem>>
        %dma_start3A_1085 = arith.constant 0 : i32
        %dma_start3A_1086 = arith.constant 0 : i32
        %dma_start3A_1087 = tpu.memref_slice %arg3[%dma_start3A_1085, %dma_start3A_1086] : memref<1000000x64xf32, #tpu.memory_space<hbm>> -> memref<1000000x64xf32, #tpu.memory_space<hbm>>
        tpu.enqueue_indirect_dma source(%dma_start3A_1087 : memref<1000000x64xf32, #tpu.memory_space<hbm>>) target(%dma_start3A_1081 : memref<32x64xf32, #tpu.memory_space<vmem>>) offsets(%dma_start3A_1084 : memref<32xi32, #tpu.memory_space<vmem>>) semaphore(%arg11 : memref<!tpu.dma_semaphore, #tpu.memory_space<semaphore_mem>>)
        %dma_start3A_1088 = arith.constant 1 : i32
        %dma_start3A_1089 = arith.constant 1 : i32
        %dma_start3A_1090 = arith.constant 1 : i32
        %dma_start3A_1091 = arith.constant 0 : i32
        %dma_start3A_1092 = arith.constant 0 : i32
        %dma_start3A_1093 = tpu.memref_slice %arg8[%dma_start3A_1089, %dma_start3A_1090, %dma_start3A_1091, %dma_start3A_1092] : memref<2x25x32x64xf32, #tpu.memory_space<vmem>> -> memref<1x1x32x64xf32, #tpu.memory_space<vmem>>
        %dma_start3A_1094 = tpu.memref_squeeze %dma_start3A_1093 : memref<1x1x32x64xf32, #tpu.memory_space<vmem>> -> memref<32x64xf32, #tpu.memory_space<vmem>>
        %dma_start3A_1095 = arith.constant 64 : i32
        %dma_start3A_1096 = tpu.memref_slice %arg6[%dma_start3A_1088, %dma_start3A_1095] : memref<2x1024xi32, #tpu.memory_space<vmem>> -> memref<1x32xi32, #tpu.memory_space<vmem>>
        %dma_start3A_1097 = tpu.memref_squeeze %dma_start3A_1096 : memref<1x32xi32, #tpu.memory_space<vmem>> -> memref<32xi32, #tpu.memory_space<vmem>>
        %dma_start3A_1098 = arith.constant 0 : i32
        %dma_start3A_1099 = arith.constant 0 : i32
        %dma_start3A_1100 = tpu.memref_slice %arg3[%dma_start3A_1098, %dma_start3A_1099] : memref<1000000x64xf32, #tpu.memory_space<hbm>> -> memref<1000000x64xf32, #tpu.memory_space<hbm>>
        tpu.enqueue_indirect_dma source(%dma_start3A_1100 : memref<1000000x64xf32, #tpu.memory_space<hbm>>) target(%dma_start3A_1094 : memref<32x64xf32, #tpu.memory_space<vmem>>) offsets(%dma_start3A_1097 : memref<32xi32, #tpu.memory_space<vmem>>) semaphore(%arg11 : memref<!tpu.dma_semaphore, #tpu.memory_space<semaphore_mem>>)
        %dma_start3A_1101 = arith.constant 1 : i32
        %dma_start3A_1102 = arith.constant 1 : i32
        %dma_start3A_1103 = arith.constant 2 : i32
        %dma_start3A_1104 = arith.constant 0 : i32
        %dma_start3A_1105 = arith.constant 0 : i32
        %dma_start3A_1106 = tpu.memref_slice %arg8[%dma_start3A_1102, %dma_start3A_1103, %dma_start3A_1104, %dma_start3A_1105] : memref<2x25x32x64xf32, #tpu.memory_space<vmem>> -> memref<1x1x32x64xf32, #tpu.memory_space<vmem>>
        %dma_start3A_1107 = tpu.memref_squeeze %dma_start3A_1106 : memref<1x1x32x64xf32, #tpu.memory_space<vmem>> -> memref<32x64xf32, #tpu.memory_space<vmem>>
        %dma_start3A_1108 = arith.constant 96 : i32
        %dma_start3A_1109 = tpu.memref_slice %arg6[%dma_start3A_1101, %dma_start3A_1108] : memref<2x1024xi32, #tpu.memory_space<vmem>> -> memref<1x32xi32, #tpu.memory_space<vmem>>
        %dma_start3A_1110 = tpu.memref_squeeze %dma_start3A_1109 : memref<1x32xi32, #tpu.memory_space<vmem>> -> memref<32xi32, #tpu.memory_space<vmem>>
        %dma_start3A_1111 = arith.constant 0 : i32
        %dma_start3A_1112 = arith.constant 0 : i32
        %dma_start3A_1113 = tpu.memref_slice %arg3[%dma_start3A_1111, %dma_start3A_1112] : memref<1000000x64xf32, #tpu.memory_space<hbm>> -> memref<1000000x64xf32, #tpu.memory_space<hbm>>
        tpu.enqueue_indirect_dma source(%dma_start3A_1113 : memref<1000000x64xf32, #tpu.memory_space<hbm>>) target(%dma_start3A_1107 : memref<32x64xf32, #tpu.memory_space<vmem>>) offsets(%dma_start3A_1110 : memref<32xi32, #tpu.memory_space<vmem>>) semaphore(%arg11 : memref<!tpu.dma_semaphore, #tpu.memory_space<semaphore_mem>>)
        %dma_start3A_1114 = arith.constant 1 : i32
        %dma_start3A_1115 = arith.constant 1 : i32
        %dma_start3A_1116 = arith.constant 3 : i32
        %dma_start3A_1117 = arith.constant 0 : i32
        %dma_start3A_1118 = arith.constant 0 : i32
        %dma_start3A_1119 = tpu.memref_slice %arg8[%dma_start3A_1115, %dma_start3A_1116, %dma_start3A_1117, %dma_start3A_1118] : memref<2x25x32x64xf32, #tpu.memory_space<vmem>> -> memref<1x1x32x64xf32, #tpu.memory_space<vmem>>
        %dma_start3A_1120 = tpu.memref_squeeze %dma_start3A_1119 : memref<1x1x32x64xf32, #tpu.memory_space<vmem>> -> memref<32x64xf32, #tpu.memory_space<vmem>>
        %dma_start3A_1121 = arith.constant 128 : i32
        %dma_start3A_1122 = tpu.memref_slice %arg6[%dma_start3A_1114, %dma_start3A_1121] : memref<2x1024xi32, #tpu.memory_space<vmem>> -> memref<1x32xi32, #tpu.memory_space<vmem>>
        %dma_start3A_1123 = tpu.memref_squeeze %dma_start3A_1122 : memref<1x32xi32, #tpu.memory_space<vmem>> -> memref<32xi32, #tpu.memory_space<vmem>>
        %dma_start3A_1124 = arith.constant 0 : i32
        %dma_start3A_1125 = arith.constant 0 : i32
        %dma_start3A_1126 = tpu.memref_slice %arg3[%dma_start3A_1124, %dma_start3A_1125] : memref<1000000x64xf32, #tpu.memory_space<hbm>> -> memref<1000000x64xf32, #tpu.memory_space<hbm>>
        tpu.enqueue_indirect_dma source(%dma_start3A_1126 : memref<1000000x64xf32, #tpu.memory_space<hbm>>) target(%dma_start3A_1120 : memref<32x64xf32, #tpu.memory_space<vmem>>) offsets(%dma_start3A_1123 : memref<32xi32, #tpu.memory_space<vmem>>) semaphore(%arg11 : memref<!tpu.dma_semaphore, #tpu.memory_space<semaphore_mem>>)
        %dma_start3A_1127 = arith.constant 1 : i32
        %dma_start3A_1128 = arith.constant 1 : i32
        %dma_start3A_1129 = arith.constant 4 : i32
        %dma_start3A_1130 = arith.constant 0 : i32
        %dma_start3A_1131 = arith.constant 0 : i32
        %dma_start3A_1132 = tpu.memref_slice %arg8[%dma_start3A_1128, %dma_start3A_1129, %dma_start3A_1130, %dma_start3A_1131] : memref<2x25x32x64xf32, #tpu.memory_space<vmem>> -> memref<1x1x32x64xf32, #tpu.memory_space<vmem>>
        %dma_start3A_1133 = tpu.memref_squeeze %dma_start3A_1132 : memref<1x1x32x64xf32, #tpu.memory_space<vmem>> -> memref<32x64xf32, #tpu.memory_space<vmem>>
        %dma_start3A_1134 = arith.constant 160 : i32
        %dma_start3A_1135 = tpu.memref_slice %arg6[%dma_start3A_1127, %dma_start3A_1134] : memref<2x1024xi32, #tpu.memory_space<vmem>> -> memref<1x32xi32, #tpu.memory_space<vmem>>
        %dma_start3A_1136 = tpu.memref_squeeze %dma_start3A_1135 : memref<1x32xi32, #tpu.memory_space<vmem>> -> memref<32xi32, #tpu.memory_space<vmem>>
        %dma_start3A_1137 = arith.constant 0 : i32
        %dma_start3A_1138 = arith.constant 0 : i32
        %dma_start3A_1139 = tpu.memref_slice %arg3[%dma_start3A_1137, %dma_start3A_1138] : memref<1000000x64xf32, #tpu.memory_space<hbm>> -> memref<1000000x64xf32, #tpu.memory_space<hbm>>
        tpu.enqueue_indirect_dma source(%dma_start3A_1139 : memref<1000000x64xf32, #tpu.memory_space<hbm>>) target(%dma_start3A_1133 : memref<32x64xf32, #tpu.memory_space<vmem>>) offsets(%dma_start3A_1136 : memref<32xi32, #tpu.memory_space<vmem>>) semaphore(%arg11 : memref<!tpu.dma_semaphore, #tpu.memory_space<semaphore_mem>>)
        %dma_start3A_1140 = arith.constant 1 : i32
        %dma_start3A_1141 = arith.constant 1 : i32
        %dma_start3A_1142 = arith.constant 5 : i32
        %dma_start3A_1143 = arith.constant 0 : i32
        %dma_start3A_1144 = arith.constant 0 : i32
        %dma_start3A_1145 = tpu.memref_slice %arg8[%dma_start3A_1141, %dma_start3A_1142, %dma_start3A_1143, %dma_start3A_1144] : memref<2x25x32x64xf32, #tpu.memory_space<vmem>> -> memref<1x1x32x64xf32, #tpu.memory_space<vmem>>
        %dma_start3A_1146 = tpu.memref_squeeze %dma_start3A_1145 : memref<1x1x32x64xf32, #tpu.memory_space<vmem>> -> memref<32x64xf32, #tpu.memory_space<vmem>>
        %dma_start3A_1147 = arith.constant 192 : i32
        %dma_start3A_1148 = tpu.memref_slice %arg6[%dma_start3A_1140, %dma_start3A_1147] : memref<2x1024xi32, #tpu.memory_space<vmem>> -> memref<1x32xi32, #tpu.memory_space<vmem>>
        %dma_start3A_1149 = tpu.memref_squeeze %dma_start3A_1148 : memref<1x32xi32, #tpu.memory_space<vmem>> -> memref<32xi32, #tpu.memory_space<vmem>>
        %dma_start3A_1150 = arith.constant 0 : i32
        %dma_start3A_1151 = arith.constant 0 : i32
        %dma_start3A_1152 = tpu.memref_slice %arg3[%dma_start3A_1150, %dma_start3A_1151] : memref<1000000x64xf32, #tpu.memory_space<hbm>> -> memref<1000000x64xf32, #tpu.memory_space<hbm>>
        tpu.enqueue_indirect_dma source(%dma_start3A_1152 : memref<1000000x64xf32, #tpu.memory_space<hbm>>) target(%dma_start3A_1146 : memref<32x64xf32, #tpu.memory_space<vmem>>) offsets(%dma_start3A_1149 : memref<32xi32, #tpu.memory_space<vmem>>) semaphore(%arg11 : memref<!tpu.dma_semaphore, #tpu.memory_space<semaphore_mem>>)
        %dma_start3A_1153 = arith.constant 1 : i32
        %dma_start3A_1154 = arith.constant 1 : i32
        %dma_start3A_1155 = arith.constant 6 : i32
        %dma_start3A_1156 = arith.constant 0 : i32
        %dma_start3A_1157 = arith.constant 0 : i32
        %dma_start3A_1158 = tpu.memref_slice %arg8[%dma_start3A_1154, %dma_start3A_1155, %dma_start3A_1156, %dma_start3A_1157] : memref<2x25x32x64xf32, #tpu.memory_space<vmem>> -> memref<1x1x32x64xf32, #tpu.memory_space<vmem>>
        %dma_start3A_1159 = tpu.memref_squeeze %dma_start3A_1158 : memref<1x1x32x64xf32, #tpu.memory_space<vmem>> -> memref<32x64xf32, #tpu.memory_space<vmem>>
        %dma_start3A_1160 = arith.constant 224 : i32
        %dma_start3A_1161 = tpu.memref_slice %arg6[%dma_start3A_1153, %dma_start3A_1160] : memref<2x1024xi32, #tpu.memory_space<vmem>> -> memref<1x32xi32, #tpu.memory_space<vmem>>
        %dma_start3A_1162 = tpu.memref_squeeze %dma_start3A_1161 : memref<1x32xi32, #tpu.memory_space<vmem>> -> memref<32xi32, #tpu.memory_space<vmem>>
        %dma_start3A_1163 = arith.constant 0 : i32
        %dma_start3A_1164 = arith.constant 0 : i32
        %dma_start3A_1165 = tpu.memref_slice %arg3[%dma_start3A_1163, %dma_start3A_1164] : memref<1000000x64xf32, #tpu.memory_space<hbm>> -> memref<1000000x64xf32, #tpu.memory_space<hbm>>
        tpu.enqueue_indirect_dma source(%dma_start3A_1165 : memref<1000000x64xf32, #tpu.memory_space<hbm>>) target(%dma_start3A_1159 : memref<32x64xf32, #tpu.memory_space<vmem>>) offsets(%dma_start3A_1162 : memref<32xi32, #tpu.memory_space<vmem>>) semaphore(%arg11 : memref<!tpu.dma_semaphore, #tpu.memory_space<semaphore_mem>>)
        %dma_start3A_1166 = arith.constant 1 : i32
        %dma_start3A_1167 = arith.constant 1 : i32
        %dma_start3A_1168 = arith.constant 7 : i32
        %dma_start3A_1169 = arith.constant 0 : i32
        %dma_start3A_1170 = arith.constant 0 : i32
        %dma_start3A_1171 = tpu.memref_slice %arg8[%dma_start3A_1167, %dma_start3A_1168, %dma_start3A_1169, %dma_start3A_1170] : memref<2x25x32x64xf32, #tpu.memory_space<vmem>> -> memref<1x1x32x64xf32, #tpu.memory_space<vmem>>
        %dma_start3A_1172 = tpu.memref_squeeze %dma_start3A_1171 : memref<1x1x32x64xf32, #tpu.memory_space<vmem>> -> memref<32x64xf32, #tpu.memory_space<vmem>>
        %dma_start3A_1173 = arith.constant 256 : i32
        %dma_start3A_1174 = tpu.memref_slice %arg6[%dma_start3A_1166, %dma_start3A_1173] : memref<2x1024xi32, #tpu.memory_space<vmem>> -> memref<1x32xi32, #tpu.memory_space<vmem>>
        %dma_start3A_1175 = tpu.memref_squeeze %dma_start3A_1174 : memref<1x32xi32, #tpu.memory_space<vmem>> -> memref<32xi32, #tpu.memory_space<vmem>>
        %dma_start3A_1176 = arith.constant 0 : i32
        %dma_start3A_1177 = arith.constant 0 : i32
        %dma_start3A_1178 = tpu.memref_slice %arg3[%dma_start3A_1176, %dma_start3A_1177] : memref<1000000x64xf32, #tpu.memory_space<hbm>> -> memref<1000000x64xf32, #tpu.memory_space<hbm>>
        tpu.enqueue_indirect_dma source(%dma_start3A_1178 : memref<1000000x64xf32, #tpu.memory_space<hbm>>) target(%dma_start3A_1172 : memref<32x64xf32, #tpu.memory_space<vmem>>) offsets(%dma_start3A_1175 : memref<32xi32, #tpu.memory_space<vmem>>) semaphore(%arg11 : memref<!tpu.dma_semaphore, #tpu.memory_space<semaphore_mem>>)
        %dma_start3A_1179 = arith.constant 1 : i32
        %dma_start3A_1180 = arith.constant 1 : i32
        %dma_start3A_1181 = arith.constant 8 : i32
        %dma_start3A_1182 = arith.constant 0 : i32
        %dma_start3A_1183 = arith.constant 0 : i32
        %dma_start3A_1184 = tpu.memref_slice %arg8[%dma_start3A_1180, %dma_start3A_1181, %dma_start3A_1182, %dma_start3A_1183] : memref<2x25x32x64xf32, #tpu.memory_space<vmem>> -> memref<1x1x32x64xf32, #tpu.memory_space<vmem>>
        %dma_start3A_1185 = tpu.memref_squeeze %dma_start3A_1184 : memref<1x1x32x64xf32, #tpu.memory_space<vmem>> -> memref<32x64xf32, #tpu.memory_space<vmem>>
        %dma_start3A_1186 = arith.constant 288 : i32
        %dma_start3A_1187 = tpu.memref_slice %arg6[%dma_start3A_1179, %dma_start3A_1186] : memref<2x1024xi32, #tpu.memory_space<vmem>> -> memref<1x32xi32, #tpu.memory_space<vmem>>
        %dma_start3A_1188 = tpu.memref_squeeze %dma_start3A_1187 : memref<1x32xi32, #tpu.memory_space<vmem>> -> memref<32xi32, #tpu.memory_space<vmem>>
        %dma_start3A_1189 = arith.constant 0 : i32
        %dma_start3A_1190 = arith.constant 0 : i32
        %dma_start3A_1191 = tpu.memref_slice %arg3[%dma_start3A_1189, %dma_start3A_1190] : memref<1000000x64xf32, #tpu.memory_space<hbm>> -> memref<1000000x64xf32, #tpu.memory_space<hbm>>
        tpu.enqueue_indirect_dma source(%dma_start3A_1191 : memref<1000000x64xf32, #tpu.memory_space<hbm>>) target(%dma_start3A_1185 : memref<32x64xf32, #tpu.memory_space<vmem>>) offsets(%dma_start3A_1188 : memref<32xi32, #tpu.memory_space<vmem>>) semaphore(%arg11 : memref<!tpu.dma_semaphore, #tpu.memory_space<semaphore_mem>>)
        %dma_start3A_1192 = arith.constant 1 : i32
        %dma_start3A_1193 = arith.constant 1 : i32
        %dma_start3A_1194 = arith.constant 9 : i32
        %dma_start3A_1195 = arith.constant 0 : i32
        %dma_start3A_1196 = arith.constant 0 : i32
        %dma_start3A_1197 = tpu.memref_slice %arg8[%dma_start3A_1193, %dma_start3A_1194, %dma_start3A_1195, %dma_start3A_1196] : memref<2x25x32x64xf32, #tpu.memory_space<vmem>> -> memref<1x1x32x64xf32, #tpu.memory_space<vmem>>
        %dma_start3A_1198 = tpu.memref_squeeze %dma_start3A_1197 : memref<1x1x32x64xf32, #tpu.memory_space<vmem>> -> memref<32x64xf32, #tpu.memory_space<vmem>>
        %dma_start3A_1199 = arith.constant 320 : i32
        %dma_start3A_1200 = tpu.memref_slice %arg6[%dma_start3A_1192, %dma_start3A_1199] : memref<2x1024xi32, #tpu.memory_space<vmem>> -> memref<1x32xi32, #tpu.memory_space<vmem>>
        %dma_start3A_1201 = tpu.memref_squeeze %dma_start3A_1200 : memref<1x32xi32, #tpu.memory_space<vmem>> -> memref<32xi32, #tpu.memory_space<vmem>>
        %dma_start3A_1202 = arith.constant 0 : i32
        %dma_start3A_1203 = arith.constant 0 : i32
        %dma_start3A_1204 = tpu.memref_slice %arg3[%dma_start3A_1202, %dma_start3A_1203] : memref<1000000x64xf32, #tpu.memory_space<hbm>> -> memref<1000000x64xf32, #tpu.memory_space<hbm>>
        tpu.enqueue_indirect_dma source(%dma_start3A_1204 : memref<1000000x64xf32, #tpu.memory_space<hbm>>) target(%dma_start3A_1198 : memref<32x64xf32, #tpu.memory_space<vmem>>) offsets(%dma_start3A_1201 : memref<32xi32, #tpu.memory_space<vmem>>) semaphore(%arg11 : memref<!tpu.dma_semaphore, #tpu.memory_space<semaphore_mem>>)
        %dma_start3A_1205 = arith.constant 1 : i32
        %dma_start3A_1206 = arith.constant 1 : i32
        %dma_start3A_1207 = arith.constant 10 : i32
        %dma_start3A_1208 = arith.constant 0 : i32
        %dma_start3A_1209 = arith.constant 0 : i32
        %dma_start3A_1210 = tpu.memref_slice %arg8[%dma_start3A_1206, %dma_start3A_1207, %dma_start3A_1208, %dma_start3A_1209] : memref<2x25x32x64xf32, #tpu.memory_space<vmem>> -> memref<1x1x32x64xf32, #tpu.memory_space<vmem>>
        %dma_start3A_1211 = tpu.memref_squeeze %dma_start3A_1210 : memref<1x1x32x64xf32, #tpu.memory_space<vmem>> -> memref<32x64xf32, #tpu.memory_space<vmem>>
        %dma_start3A_1212 = arith.constant 352 : i32
        %dma_start3A_1213 = tpu.memref_slice %arg6[%dma_start3A_1205, %dma_start3A_1212] : memref<2x1024xi32, #tpu.memory_space<vmem>> -> memref<1x32xi32, #tpu.memory_space<vmem>>
        %dma_start3A_1214 = tpu.memref_squeeze %dma_start3A_1213 : memref<1x32xi32, #tpu.memory_space<vmem>> -> memref<32xi32, #tpu.memory_space<vmem>>
        %dma_start3A_1215 = arith.constant 0 : i32
        %dma_start3A_1216 = arith.constant 0 : i32
        %dma_start3A_1217 = tpu.memref_slice %arg3[%dma_start3A_1215, %dma_start3A_1216] : memref<1000000x64xf32, #tpu.memory_space<hbm>> -> memref<1000000x64xf32, #tpu.memory_space<hbm>>
        tpu.enqueue_indirect_dma source(%dma_start3A_1217 : memref<1000000x64xf32, #tpu.memory_space<hbm>>) target(%dma_start3A_1211 : memref<32x64xf32, #tpu.memory_space<vmem>>) offsets(%dma_start3A_1214 : memref<32xi32, #tpu.memory_space<vmem>>) semaphore(%arg11 : memref<!tpu.dma_semaphore, #tpu.memory_space<semaphore_mem>>)
        %dma_start3A_1218 = arith.constant 1 : i32
        %dma_start3A_1219 = arith.constant 1 : i32
        %dma_start3A_1220 = arith.constant 11 : i32
        %dma_start3A_1221 = arith.constant 0 : i32
        %dma_start3A_1222 = arith.constant 0 : i32
        %dma_start3A_1223 = tpu.memref_slice %arg8[%dma_start3A_1219, %dma_start3A_1220, %dma_start3A_1221, %dma_start3A_1222] : memref<2x25x32x64xf32, #tpu.memory_space<vmem>> -> memref<1x1x32x64xf32, #tpu.memory_space<vmem>>
        %dma_start3A_1224 = tpu.memref_squeeze %dma_start3A_1223 : memref<1x1x32x64xf32, #tpu.memory_space<vmem>> -> memref<32x64xf32, #tpu.memory_space<vmem>>
        %dma_start3A_1225 = arith.constant 384 : i32
        %dma_start3A_1226 = tpu.memref_slice %arg6[%dma_start3A_1218, %dma_start3A_1225] : memref<2x1024xi32, #tpu.memory_space<vmem>> -> memref<1x32xi32, #tpu.memory_space<vmem>>
        %dma_start3A_1227 = tpu.memref_squeeze %dma_start3A_1226 : memref<1x32xi32, #tpu.memory_space<vmem>> -> memref<32xi32, #tpu.memory_space<vmem>>
        %dma_start3A_1228 = arith.constant 0 : i32
        %dma_start3A_1229 = arith.constant 0 : i32
        %dma_start3A_1230 = tpu.memref_slice %arg3[%dma_start3A_1228, %dma_start3A_1229] : memref<1000000x64xf32, #tpu.memory_space<hbm>> -> memref<1000000x64xf32, #tpu.memory_space<hbm>>
        tpu.enqueue_indirect_dma source(%dma_start3A_1230 : memref<1000000x64xf32, #tpu.memory_space<hbm>>) target(%dma_start3A_1224 : memref<32x64xf32, #tpu.memory_space<vmem>>) offsets(%dma_start3A_1227 : memref<32xi32, #tpu.memory_space<vmem>>) semaphore(%arg11 : memref<!tpu.dma_semaphore, #tpu.memory_space<semaphore_mem>>)
        %dma_start3A_1231 = arith.constant 1 : i32
        %dma_start3A_1232 = arith.constant 1 : i32
        %dma_start3A_1233 = arith.constant 12 : i32
        %dma_start3A_1234 = arith.constant 0 : i32
        %dma_start3A_1235 = arith.constant 0 : i32
        %dma_start3A_1236 = tpu.memref_slice %arg8[%dma_start3A_1232, %dma_start3A_1233, %dma_start3A_1234, %dma_start3A_1235] : memref<2x25x32x64xf32, #tpu.memory_space<vmem>> -> memref<1x1x32x64xf32, #tpu.memory_space<vmem>>
        %dma_start3A_1237 = tpu.memref_squeeze %dma_start3A_1236 : memref<1x1x32x64xf32, #tpu.memory_space<vmem>> -> memref<32x64xf32, #tpu.memory_space<vmem>>
        %dma_start3A_1238 = arith.constant 416 : i32
        %dma_start3A_1239 = tpu.memref_slice %arg6[%dma_start3A_1231, %dma_start3A_1238] : memref<2x1024xi32, #tpu.memory_space<vmem>> -> memref<1x32xi32, #tpu.memory_space<vmem>>
        %dma_start3A_1240 = tpu.memref_squeeze %dma_start3A_1239 : memref<1x32xi32, #tpu.memory_space<vmem>> -> memref<32xi32, #tpu.memory_space<vmem>>
        %dma_start3A_1241 = arith.constant 0 : i32
        %dma_start3A_1242 = arith.constant 0 : i32
        %dma_start3A_1243 = tpu.memref_slice %arg3[%dma_start3A_1241, %dma_start3A_1242] : memref<1000000x64xf32, #tpu.memory_space<hbm>> -> memref<1000000x64xf32, #tpu.memory_space<hbm>>
        tpu.enqueue_indirect_dma source(%dma_start3A_1243 : memref<1000000x64xf32, #tpu.memory_space<hbm>>) target(%dma_start3A_1237 : memref<32x64xf32, #tpu.memory_space<vmem>>) offsets(%dma_start3A_1240 : memref<32xi32, #tpu.memory_space<vmem>>) semaphore(%arg11 : memref<!tpu.dma_semaphore, #tpu.memory_space<semaphore_mem>>)
        %dma_start3A_1244 = arith.constant 1 : i32
        %dma_start3A_1245 = arith.constant 1 : i32
        %dma_start3A_1246 = arith.constant 13 : i32
        %dma_start3A_1247 = arith.constant 0 : i32
        %dma_start3A_1248 = arith.constant 0 : i32
        %dma_start3A_1249 = tpu.memref_slice %arg8[%dma_start3A_1245, %dma_start3A_1246, %dma_start3A_1247, %dma_start3A_1248] : memref<2x25x32x64xf32, #tpu.memory_space<vmem>> -> memref<1x1x32x64xf32, #tpu.memory_space<vmem>>
        %dma_start3A_1250 = tpu.memref_squeeze %dma_start3A_1249 : memref<1x1x32x64xf32, #tpu.memory_space<vmem>> -> memref<32x64xf32, #tpu.memory_space<vmem>>
        %dma_start3A_1251 = arith.constant 448 : i32
        %dma_start3A_1252 = tpu.memref_slice %arg6[%dma_start3A_1244, %dma_start3A_1251] : memref<2x1024xi32, #tpu.memory_space<vmem>> -> memref<1x32xi32, #tpu.memory_space<vmem>>
        %dma_start3A_1253 = tpu.memref_squeeze %dma_start3A_1252 : memref<1x32xi32, #tpu.memory_space<vmem>> -> memref<32xi32, #tpu.memory_space<vmem>>
        %dma_start3A_1254 = arith.constant 0 : i32
        %dma_start3A_1255 = arith.constant 0 : i32
        %dma_start3A_1256 = tpu.memref_slice %arg3[%dma_start3A_1254, %dma_start3A_1255] : memref<1000000x64xf32, #tpu.memory_space<hbm>> -> memref<1000000x64xf32, #tpu.memory_space<hbm>>
        tpu.enqueue_indirect_dma source(%dma_start3A_1256 : memref<1000000x64xf32, #tpu.memory_space<hbm>>) target(%dma_start3A_1250 : memref<32x64xf32, #tpu.memory_space<vmem>>) offsets(%dma_start3A_1253 : memref<32xi32, #tpu.memory_space<vmem>>) semaphore(%arg11 : memref<!tpu.dma_semaphore, #tpu.memory_space<semaphore_mem>>)
        %dma_start3A_1257 = arith.constant 1 : i32
        %dma_start3A_1258 = arith.constant 1 : i32
        %dma_start3A_1259 = arith.constant 14 : i32
        %dma_start3A_1260 = arith.constant 0 : i32
        %dma_start3A_1261 = arith.constant 0 : i32
        %dma_start3A_1262 = tpu.memref_slice %arg8[%dma_start3A_1258, %dma_start3A_1259, %dma_start3A_1260, %dma_start3A_1261] : memref<2x25x32x64xf32, #tpu.memory_space<vmem>> -> memref<1x1x32x64xf32, #tpu.memory_space<vmem>>
        %dma_start3A_1263 = tpu.memref_squeeze %dma_start3A_1262 : memref<1x1x32x64xf32, #tpu.memory_space<vmem>> -> memref<32x64xf32, #tpu.memory_space<vmem>>
        %dma_start3A_1264 = arith.constant 480 : i32
        %dma_start3A_1265 = tpu.memref_slice %arg6[%dma_start3A_1257, %dma_start3A_1264] : memref<2x1024xi32, #tpu.memory_space<vmem>> -> memref<1x32xi32, #tpu.memory_space<vmem>>
        %dma_start3A_1266 = tpu.memref_squeeze %dma_start3A_1265 : memref<1x32xi32, #tpu.memory_space<vmem>> -> memref<32xi32, #tpu.memory_space<vmem>>
        %dma_start3A_1267 = arith.constant 0 : i32
        %dma_start3A_1268 = arith.constant 0 : i32
        %dma_start3A_1269 = tpu.memref_slice %arg3[%dma_start3A_1267, %dma_start3A_1268] : memref<1000000x64xf32, #tpu.memory_space<hbm>> -> memref<1000000x64xf32, #tpu.memory_space<hbm>>
        tpu.enqueue_indirect_dma source(%dma_start3A_1269 : memref<1000000x64xf32, #tpu.memory_space<hbm>>) target(%dma_start3A_1263 : memref<32x64xf32, #tpu.memory_space<vmem>>) offsets(%dma_start3A_1266 : memref<32xi32, #tpu.memory_space<vmem>>) semaphore(%arg11 : memref<!tpu.dma_semaphore, #tpu.memory_space<semaphore_mem>>)
        %dma_start3A_1270 = arith.constant 1 : i32
        %dma_start3A_1271 = arith.constant 1 : i32
        %dma_start3A_1272 = arith.constant 15 : i32
        %dma_start3A_1273 = arith.constant 0 : i32
        %dma_start3A_1274 = arith.constant 0 : i32
        %dma_start3A_1275 = tpu.memref_slice %arg8[%dma_start3A_1271, %dma_start3A_1272, %dma_start3A_1273, %dma_start3A_1274] : memref<2x25x32x64xf32, #tpu.memory_space<vmem>> -> memref<1x1x32x64xf32, #tpu.memory_space<vmem>>
        %dma_start3A_1276 = tpu.memref_squeeze %dma_start3A_1275 : memref<1x1x32x64xf32, #tpu.memory_space<vmem>> -> memref<32x64xf32, #tpu.memory_space<vmem>>
        %dma_start3A_1277 = arith.constant 512 : i32
        %dma_start3A_1278 = tpu.memref_slice %arg6[%dma_start3A_1270, %dma_start3A_1277] : memref<2x1024xi32, #tpu.memory_space<vmem>> -> memref<1x32xi32, #tpu.memory_space<vmem>>
        %dma_start3A_1279 = tpu.memref_squeeze %dma_start3A_1278 : memref<1x32xi32, #tpu.memory_space<vmem>> -> memref<32xi32, #tpu.memory_space<vmem>>
        %dma_start3A_1280 = arith.constant 0 : i32
        %dma_start3A_1281 = arith.constant 0 : i32
        %dma_start3A_1282 = tpu.memref_slice %arg3[%dma_start3A_1280, %dma_start3A_1281] : memref<1000000x64xf32, #tpu.memory_space<hbm>> -> memref<1000000x64xf32, #tpu.memory_space<hbm>>
        tpu.enqueue_indirect_dma source(%dma_start3A_1282 : memref<1000000x64xf32, #tpu.memory_space<hbm>>) target(%dma_start3A_1276 : memref<32x64xf32, #tpu.memory_space<vmem>>) offsets(%dma_start3A_1279 : memref<32xi32, #tpu.memory_space<vmem>>) semaphore(%arg11 : memref<!tpu.dma_semaphore, #tpu.memory_space<semaphore_mem>>)
        %dma_start3A_1283 = arith.constant 1 : i32
        %dma_start3A_1284 = arith.constant 1 : i32
        %dma_start3A_1285 = arith.constant 16 : i32
        %dma_start3A_1286 = arith.constant 0 : i32
        %dma_start3A_1287 = arith.constant 0 : i32
        %dma_start3A_1288 = tpu.memref_slice %arg8[%dma_start3A_1284, %dma_start3A_1285, %dma_start3A_1286, %dma_start3A_1287] : memref<2x25x32x64xf32, #tpu.memory_space<vmem>> -> memref<1x1x32x64xf32, #tpu.memory_space<vmem>>
        %dma_start3A_1289 = tpu.memref_squeeze %dma_start3A_1288 : memref<1x1x32x64xf32, #tpu.memory_space<vmem>> -> memref<32x64xf32, #tpu.memory_space<vmem>>
        %dma_start3A_1290 = arith.constant 544 : i32
        %dma_start3A_1291 = tpu.memref_slice %arg6[%dma_start3A_1283, %dma_start3A_1290] : memref<2x1024xi32, #tpu.memory_space<vmem>> -> memref<1x32xi32, #tpu.memory_space<vmem>>
        %dma_start3A_1292 = tpu.memref_squeeze %dma_start3A_1291 : memref<1x32xi32, #tpu.memory_space<vmem>> -> memref<32xi32, #tpu.memory_space<vmem>>
        %dma_start3A_1293 = arith.constant 0 : i32
        %dma_start3A_1294 = arith.constant 0 : i32
        %dma_start3A_1295 = tpu.memref_slice %arg3[%dma_start3A_1293, %dma_start3A_1294] : memref<1000000x64xf32, #tpu.memory_space<hbm>> -> memref<1000000x64xf32, #tpu.memory_space<hbm>>
        tpu.enqueue_indirect_dma source(%dma_start3A_1295 : memref<1000000x64xf32, #tpu.memory_space<hbm>>) target(%dma_start3A_1289 : memref<32x64xf32, #tpu.memory_space<vmem>>) offsets(%dma_start3A_1292 : memref<32xi32, #tpu.memory_space<vmem>>) semaphore(%arg11 : memref<!tpu.dma_semaphore, #tpu.memory_space<semaphore_mem>>)
        %dma_start3A_1296 = arith.constant 1 : i32
        %dma_start3A_1297 = arith.constant 1 : i32
        %dma_start3A_1298 = arith.constant 17 : i32
        %dma_start3A_1299 = arith.constant 0 : i32
        %dma_start3A_1300 = arith.constant 0 : i32
        %dma_start3A_1301 = tpu.memref_slice %arg8[%dma_start3A_1297, %dma_start3A_1298, %dma_start3A_1299, %dma_start3A_1300] : memref<2x25x32x64xf32, #tpu.memory_space<vmem>> -> memref<1x1x32x64xf32, #tpu.memory_space<vmem>>
        %dma_start3A_1302 = tpu.memref_squeeze %dma_start3A_1301 : memref<1x1x32x64xf32, #tpu.memory_space<vmem>> -> memref<32x64xf32, #tpu.memory_space<vmem>>
        %dma_start3A_1303 = arith.constant 576 : i32
        %dma_start3A_1304 = tpu.memref_slice %arg6[%dma_start3A_1296, %dma_start3A_1303] : memref<2x1024xi32, #tpu.memory_space<vmem>> -> memref<1x32xi32, #tpu.memory_space<vmem>>
        %dma_start3A_1305 = tpu.memref_squeeze %dma_start3A_1304 : memref<1x32xi32, #tpu.memory_space<vmem>> -> memref<32xi32, #tpu.memory_space<vmem>>
        %dma_start3A_1306 = arith.constant 0 : i32
        %dma_start3A_1307 = arith.constant 0 : i32
        %dma_start3A_1308 = tpu.memref_slice %arg3[%dma_start3A_1306, %dma_start3A_1307] : memref<1000000x64xf32, #tpu.memory_space<hbm>> -> memref<1000000x64xf32, #tpu.memory_space<hbm>>
        tpu.enqueue_indirect_dma source(%dma_start3A_1308 : memref<1000000x64xf32, #tpu.memory_space<hbm>>) target(%dma_start3A_1302 : memref<32x64xf32, #tpu.memory_space<vmem>>) offsets(%dma_start3A_1305 : memref<32xi32, #tpu.memory_space<vmem>>) semaphore(%arg11 : memref<!tpu.dma_semaphore, #tpu.memory_space<semaphore_mem>>)
        %dma_start3A_1309 = arith.constant 1 : i32
        %dma_start3A_1310 = arith.constant 1 : i32
        %dma_start3A_1311 = arith.constant 18 : i32
        %dma_start3A_1312 = arith.constant 0 : i32
        %dma_start3A_1313 = arith.constant 0 : i32
        %dma_start3A_1314 = tpu.memref_slice %arg8[%dma_start3A_1310, %dma_start3A_1311, %dma_start3A_1312, %dma_start3A_1313] : memref<2x25x32x64xf32, #tpu.memory_space<vmem>> -> memref<1x1x32x64xf32, #tpu.memory_space<vmem>>
        %dma_start3A_1315 = tpu.memref_squeeze %dma_start3A_1314 : memref<1x1x32x64xf32, #tpu.memory_space<vmem>> -> memref<32x64xf32, #tpu.memory_space<vmem>>
        %dma_start3A_1316 = arith.constant 608 : i32
        %dma_start3A_1317 = tpu.memref_slice %arg6[%dma_start3A_1309, %dma_start3A_1316] : memref<2x1024xi32, #tpu.memory_space<vmem>> -> memref<1x32xi32, #tpu.memory_space<vmem>>
        %dma_start3A_1318 = tpu.memref_squeeze %dma_start3A_1317 : memref<1x32xi32, #tpu.memory_space<vmem>> -> memref<32xi32, #tpu.memory_space<vmem>>
        %dma_start3A_1319 = arith.constant 0 : i32
        %dma_start3A_1320 = arith.constant 0 : i32
        %dma_start3A_1321 = tpu.memref_slice %arg3[%dma_start3A_1319, %dma_start3A_1320] : memref<1000000x64xf32, #tpu.memory_space<hbm>> -> memref<1000000x64xf32, #tpu.memory_space<hbm>>
        tpu.enqueue_indirect_dma source(%dma_start3A_1321 : memref<1000000x64xf32, #tpu.memory_space<hbm>>) target(%dma_start3A_1315 : memref<32x64xf32, #tpu.memory_space<vmem>>) offsets(%dma_start3A_1318 : memref<32xi32, #tpu.memory_space<vmem>>) semaphore(%arg11 : memref<!tpu.dma_semaphore, #tpu.memory_space<semaphore_mem>>)
        %dma_start3A_1322 = arith.constant 1 : i32
        %dma_start3A_1323 = arith.constant 1 : i32
        %dma_start3A_1324 = arith.constant 19 : i32
        %dma_start3A_1325 = arith.constant 0 : i32
        %dma_start3A_1326 = arith.constant 0 : i32
        %dma_start3A_1327 = tpu.memref_slice %arg8[%dma_start3A_1323, %dma_start3A_1324, %dma_start3A_1325, %dma_start3A_1326] : memref<2x25x32x64xf32, #tpu.memory_space<vmem>> -> memref<1x1x32x64xf32, #tpu.memory_space<vmem>>
        %dma_start3A_1328 = tpu.memref_squeeze %dma_start3A_1327 : memref<1x1x32x64xf32, #tpu.memory_space<vmem>> -> memref<32x64xf32, #tpu.memory_space<vmem>>
        %dma_start3A_1329 = arith.constant 640 : i32
        %dma_start3A_1330 = tpu.memref_slice %arg6[%dma_start3A_1322, %dma_start3A_1329] : memref<2x1024xi32, #tpu.memory_space<vmem>> -> memref<1x32xi32, #tpu.memory_space<vmem>>
        %dma_start3A_1331 = tpu.memref_squeeze %dma_start3A_1330 : memref<1x32xi32, #tpu.memory_space<vmem>> -> memref<32xi32, #tpu.memory_space<vmem>>
        %dma_start3A_1332 = arith.constant 0 : i32
        %dma_start3A_1333 = arith.constant 0 : i32
        %dma_start3A_1334 = tpu.memref_slice %arg3[%dma_start3A_1332, %dma_start3A_1333] : memref<1000000x64xf32, #tpu.memory_space<hbm>> -> memref<1000000x64xf32, #tpu.memory_space<hbm>>
        tpu.enqueue_indirect_dma source(%dma_start3A_1334 : memref<1000000x64xf32, #tpu.memory_space<hbm>>) target(%dma_start3A_1328 : memref<32x64xf32, #tpu.memory_space<vmem>>) offsets(%dma_start3A_1331 : memref<32xi32, #tpu.memory_space<vmem>>) semaphore(%arg11 : memref<!tpu.dma_semaphore, #tpu.memory_space<semaphore_mem>>)
        %dma_start3A_1335 = arith.constant 1 : i32
        %dma_start3A_1336 = arith.constant 1 : i32
        %dma_start3A_1337 = arith.constant 20 : i32
        %dma_start3A_1338 = arith.constant 0 : i32
        %dma_start3A_1339 = arith.constant 0 : i32
        %dma_start3A_1340 = tpu.memref_slice %arg8[%dma_start3A_1336, %dma_start3A_1337, %dma_start3A_1338, %dma_start3A_1339] : memref<2x25x32x64xf32, #tpu.memory_space<vmem>> -> memref<1x1x32x64xf32, #tpu.memory_space<vmem>>
        %dma_start3A_1341 = tpu.memref_squeeze %dma_start3A_1340 : memref<1x1x32x64xf32, #tpu.memory_space<vmem>> -> memref<32x64xf32, #tpu.memory_space<vmem>>
        %dma_start3A_1342 = arith.constant 672 : i32
        %dma_start3A_1343 = tpu.memref_slice %arg6[%dma_start3A_1335, %dma_start3A_1342] : memref<2x1024xi32, #tpu.memory_space<vmem>> -> memref<1x32xi32, #tpu.memory_space<vmem>>
        %dma_start3A_1344 = tpu.memref_squeeze %dma_start3A_1343 : memref<1x32xi32, #tpu.memory_space<vmem>> -> memref<32xi32, #tpu.memory_space<vmem>>
        %dma_start3A_1345 = arith.constant 0 : i32
        %dma_start3A_1346 = arith.constant 0 : i32
        %dma_start3A_1347 = tpu.memref_slice %arg3[%dma_start3A_1345, %dma_start3A_1346] : memref<1000000x64xf32, #tpu.memory_space<hbm>> -> memref<1000000x64xf32, #tpu.memory_space<hbm>>
        tpu.enqueue_indirect_dma source(%dma_start3A_1347 : memref<1000000x64xf32, #tpu.memory_space<hbm>>) target(%dma_start3A_1341 : memref<32x64xf32, #tpu.memory_space<vmem>>) offsets(%dma_start3A_1344 : memref<32xi32, #tpu.memory_space<vmem>>) semaphore(%arg11 : memref<!tpu.dma_semaphore, #tpu.memory_space<semaphore_mem>>)
        %dma_start3A_1348 = arith.constant 1 : i32
        %dma_start3A_1349 = arith.constant 1 : i32
        %dma_start3A_1350 = arith.constant 21 : i32
        %dma_start3A_1351 = arith.constant 0 : i32
        %dma_start3A_1352 = arith.constant 0 : i32
        %dma_start3A_1353 = tpu.memref_slice %arg8[%dma_start3A_1349, %dma_start3A_1350, %dma_start3A_1351, %dma_start3A_1352] : memref<2x25x32x64xf32, #tpu.memory_space<vmem>> -> memref<1x1x32x64xf32, #tpu.memory_space<vmem>>
        %dma_start3A_1354 = tpu.memref_squeeze %dma_start3A_1353 : memref<1x1x32x64xf32, #tpu.memory_space<vmem>> -> memref<32x64xf32, #tpu.memory_space<vmem>>
        %dma_start3A_1355 = arith.constant 704 : i32
        %dma_start3A_1356 = tpu.memref_slice %arg6[%dma_start3A_1348, %dma_start3A_1355] : memref<2x1024xi32, #tpu.memory_space<vmem>> -> memref<1x32xi32, #tpu.memory_space<vmem>>
        %dma_start3A_1357 = tpu.memref_squeeze %dma_start3A_1356 : memref<1x32xi32, #tpu.memory_space<vmem>> -> memref<32xi32, #tpu.memory_space<vmem>>
        %dma_start3A_1358 = arith.constant 0 : i32
        %dma_start3A_1359 = arith.constant 0 : i32
        %dma_start3A_1360 = tpu.memref_slice %arg3[%dma_start3A_1358, %dma_start3A_1359] : memref<1000000x64xf32, #tpu.memory_space<hbm>> -> memref<1000000x64xf32, #tpu.memory_space<hbm>>
        tpu.enqueue_indirect_dma source(%dma_start3A_1360 : memref<1000000x64xf32, #tpu.memory_space<hbm>>) target(%dma_start3A_1354 : memref<32x64xf32, #tpu.memory_space<vmem>>) offsets(%dma_start3A_1357 : memref<32xi32, #tpu.memory_space<vmem>>) semaphore(%arg11 : memref<!tpu.dma_semaphore, #tpu.memory_space<semaphore_mem>>)
        %dma_start3A_1361 = arith.constant 1 : i32
        %dma_start3A_1362 = arith.constant 1 : i32
        %dma_start3A_1363 = arith.constant 22 : i32
        %dma_start3A_1364 = arith.constant 0 : i32
        %dma_start3A_1365 = arith.constant 0 : i32
        %dma_start3A_1366 = tpu.memref_slice %arg8[%dma_start3A_1362, %dma_start3A_1363, %dma_start3A_1364, %dma_start3A_1365] : memref<2x25x32x64xf32, #tpu.memory_space<vmem>> -> memref<1x1x32x64xf32, #tpu.memory_space<vmem>>
        %dma_start3A_1367 = tpu.memref_squeeze %dma_start3A_1366 : memref<1x1x32x64xf32, #tpu.memory_space<vmem>> -> memref<32x64xf32, #tpu.memory_space<vmem>>
        %dma_start3A_1368 = arith.constant 736 : i32
        %dma_start3A_1369 = tpu.memref_slice %arg6[%dma_start3A_1361, %dma_start3A_1368] : memref<2x1024xi32, #tpu.memory_space<vmem>> -> memref<1x32xi32, #tpu.memory_space<vmem>>
        %dma_start3A_1370 = tpu.memref_squeeze %dma_start3A_1369 : memref<1x32xi32, #tpu.memory_space<vmem>> -> memref<32xi32, #tpu.memory_space<vmem>>
        %dma_start3A_1371 = arith.constant 0 : i32
        %dma_start3A_1372 = arith.constant 0 : i32
        %dma_start3A_1373 = tpu.memref_slice %arg3[%dma_start3A_1371, %dma_start3A_1372] : memref<1000000x64xf32, #tpu.memory_space<hbm>> -> memref<1000000x64xf32, #tpu.memory_space<hbm>>
        tpu.enqueue_indirect_dma source(%dma_start3A_1373 : memref<1000000x64xf32, #tpu.memory_space<hbm>>) target(%dma_start3A_1367 : memref<32x64xf32, #tpu.memory_space<vmem>>) offsets(%dma_start3A_1370 : memref<32xi32, #tpu.memory_space<vmem>>) semaphore(%arg11 : memref<!tpu.dma_semaphore, #tpu.memory_space<semaphore_mem>>)
        %dma_start3A_1374 = arith.constant 1 : i32
        %dma_start3A_1375 = arith.constant 1 : i32
        %dma_start3A_1376 = arith.constant 23 : i32
        %dma_start3A_1377 = arith.constant 0 : i32
        %dma_start3A_1378 = arith.constant 0 : i32
        %dma_start3A_1379 = tpu.memref_slice %arg8[%dma_start3A_1375, %dma_start3A_1376, %dma_start3A_1377, %dma_start3A_1378] : memref<2x25x32x64xf32, #tpu.memory_space<vmem>> -> memref<1x1x32x64xf32, #tpu.memory_space<vmem>>
        %dma_start3A_1380 = tpu.memref_squeeze %dma_start3A_1379 : memref<1x1x32x64xf32, #tpu.memory_space<vmem>> -> memref<32x64xf32, #tpu.memory_space<vmem>>
        %dma_start3A_1381 = arith.constant 768 : i32
        %dma_start3A_1382 = tpu.memref_slice %arg6[%dma_start3A_1374, %dma_start3A_1381] : memref<2x1024xi32, #tpu.memory_space<vmem>> -> memref<1x32xi32, #tpu.memory_space<vmem>>
        %dma_start3A_1383 = tpu.memref_squeeze %dma_start3A_1382 : memref<1x32xi32, #tpu.memory_space<vmem>> -> memref<32xi32, #tpu.memory_space<vmem>>
        %dma_start3A_1384 = arith.constant 0 : i32
        %dma_start3A_1385 = arith.constant 0 : i32
        %dma_start3A_1386 = tpu.memref_slice %arg3[%dma_start3A_1384, %dma_start3A_1385] : memref<1000000x64xf32, #tpu.memory_space<hbm>> -> memref<1000000x64xf32, #tpu.memory_space<hbm>>
        tpu.enqueue_indirect_dma source(%dma_start3A_1386 : memref<1000000x64xf32, #tpu.memory_space<hbm>>) target(%dma_start3A_1380 : memref<32x64xf32, #tpu.memory_space<vmem>>) offsets(%dma_start3A_1383 : memref<32xi32, #tpu.memory_space<vmem>>) semaphore(%arg11 : memref<!tpu.dma_semaphore, #tpu.memory_space<semaphore_mem>>)
        %dma_start3A_1387 = arith.constant 1 : i32
        %dma_start3A_1388 = arith.constant 1 : i32
        %dma_start3A_1389 = arith.constant 24 : i32
        %dma_start3A_1390 = arith.constant 0 : i32
        %dma_start3A_1391 = arith.constant 0 : i32
        %dma_start3A_1392 = tpu.memref_slice %arg8[%dma_start3A_1388, %dma_start3A_1389, %dma_start3A_1390, %dma_start3A_1391] : memref<2x25x32x64xf32, #tpu.memory_space<vmem>> -> memref<1x1x32x64xf32, #tpu.memory_space<vmem>>
        %dma_start3A_1393 = tpu.memref_squeeze %dma_start3A_1392 : memref<1x1x32x64xf32, #tpu.memory_space<vmem>> -> memref<32x64xf32, #tpu.memory_space<vmem>>
        %dma_start3A_1394 = arith.constant 800 : i32
        %dma_start3A_1395 = tpu.memref_slice %arg6[%dma_start3A_1387, %dma_start3A_1394] : memref<2x1024xi32, #tpu.memory_space<vmem>> -> memref<1x32xi32, #tpu.memory_space<vmem>>
        %dma_start3A_1396 = tpu.memref_squeeze %dma_start3A_1395 : memref<1x32xi32, #tpu.memory_space<vmem>> -> memref<32xi32, #tpu.memory_space<vmem>>
        %dma_start3A_1397 = arith.constant 0 : i32
        %dma_start3A_1398 = arith.constant 0 : i32
        %dma_start3A_1399 = tpu.memref_slice %arg3[%dma_start3A_1397, %dma_start3A_1398] : memref<1000000x64xf32, #tpu.memory_space<hbm>> -> memref<1000000x64xf32, #tpu.memory_space<hbm>>
        tpu.enqueue_indirect_dma source(%dma_start3A_1399 : memref<1000000x64xf32, #tpu.memory_space<hbm>>) target(%dma_start3A_1393 : memref<32x64xf32, #tpu.memory_space<vmem>>) offsets(%dma_start3A_1396 : memref<32xi32, #tpu.memory_space<vmem>>) semaphore(%arg11 : memref<!tpu.dma_semaphore, #tpu.memory_space<semaphore_mem>>)
      } else {
      }
      %dma_wait3A = arith.constant 0 : i32
      %dma_wait3A_359 = arith.constant 0 : i32
      %dma_wait3A_360 = arith.constant 0 : i32
      %dma_wait3A_361 = arith.constant 0 : i32
      %dma_wait3A_362 = tpu.memref_slice %arg7[%dma_wait3A_359, %dma_wait3A_360, %dma_wait3A_361] : memref<2x32x64xf32, #tpu.memory_space<vmem>> -> memref<1x32x64xf32, #tpu.memory_space<vmem>>
      %dma_wait3A_363 = tpu.memref_squeeze %dma_wait3A_362 : memref<1x32x64xf32, #tpu.memory_space<vmem>> -> memref<32x64xf32, #tpu.memory_space<vmem>>
      %dma_wait3A_364 = arith.constant 0 : i32
      %dma_wait3A_365 = tpu.memref_slice %arg6[%dma_wait3A, %dma_wait3A_364] : memref<2x1024xi32, #tpu.memory_space<vmem>> -> memref<1x32xi32, #tpu.memory_space<vmem>>
      %dma_wait3A_366 = tpu.memref_squeeze %dma_wait3A_365 : memref<1x32xi32, #tpu.memory_space<vmem>> -> memref<32xi32, #tpu.memory_space<vmem>>
      %dma_wait3A_367 = arith.constant 0 : i32
      %dma_wait3A_368 = arith.constant 0 : i32
      %dma_wait3A_369 = tpu.memref_slice %arg2[%dma_wait3A_367, %dma_wait3A_368] : memref<1000000x64xf32, #tpu.memory_space<hbm>> -> memref<1000000x64xf32, #tpu.memory_space<hbm>>
      tpu.wait_indirect_dma semaphore(%arg10 : memref<!tpu.dma_semaphore, #tpu.memory_space<semaphore_mem>>) src(%dma_wait3A_369 : memref<1000000x64xf32, #tpu.memory_space<hbm>>) dst(%dma_wait3A_363 : memref<32x64xf32, #tpu.memory_space<vmem>>)
      %dma_wait3A_370 = arith.constant 0 : i32
      %dma_wait3A_371 = arith.constant 0 : i32
      %dma_wait3A_372 = arith.constant 0 : i32
      %dma_wait3A_373 = arith.constant 0 : i32
      %dma_wait3A_374 = arith.constant 0 : i32
      %dma_wait3A_375 = tpu.memref_slice %arg8[%dma_wait3A_371, %dma_wait3A_372, %dma_wait3A_373, %dma_wait3A_374] : memref<2x25x32x64xf32, #tpu.memory_space<vmem>> -> memref<1x1x32x64xf32, #tpu.memory_space<vmem>>
      %dma_wait3A_376 = tpu.memref_squeeze %dma_wait3A_375 : memref<1x1x32x64xf32, #tpu.memory_space<vmem>> -> memref<32x64xf32, #tpu.memory_space<vmem>>
      %dma_wait3A_377 = arith.constant 32 : i32
      %dma_wait3A_378 = tpu.memref_slice %arg6[%dma_wait3A_370, %dma_wait3A_377] : memref<2x1024xi32, #tpu.memory_space<vmem>> -> memref<1x32xi32, #tpu.memory_space<vmem>>
      %dma_wait3A_379 = tpu.memref_squeeze %dma_wait3A_378 : memref<1x32xi32, #tpu.memory_space<vmem>> -> memref<32xi32, #tpu.memory_space<vmem>>
      %dma_wait3A_380 = arith.constant 0 : i32
      %dma_wait3A_381 = arith.constant 0 : i32
      %dma_wait3A_382 = tpu.memref_slice %arg3[%dma_wait3A_380, %dma_wait3A_381] : memref<1000000x64xf32, #tpu.memory_space<hbm>> -> memref<1000000x64xf32, #tpu.memory_space<hbm>>
      tpu.wait_indirect_dma semaphore(%arg10 : memref<!tpu.dma_semaphore, #tpu.memory_space<semaphore_mem>>) src(%dma_wait3A_382 : memref<1000000x64xf32, #tpu.memory_space<hbm>>) dst(%dma_wait3A_376 : memref<32x64xf32, #tpu.memory_space<vmem>>)
      %dma_wait3A_383 = arith.constant 0 : i32
      %dma_wait3A_384 = arith.constant 0 : i32
      %dma_wait3A_385 = arith.constant 1 : i32
      %dma_wait3A_386 = arith.constant 0 : i32
      %dma_wait3A_387 = arith.constant 0 : i32
      %dma_wait3A_388 = tpu.memref_slice %arg8[%dma_wait3A_384, %dma_wait3A_385, %dma_wait3A_386, %dma_wait3A_387] : memref<2x25x32x64xf32, #tpu.memory_space<vmem>> -> memref<1x1x32x64xf32, #tpu.memory_space<vmem>>
      %dma_wait3A_389 = tpu.memref_squeeze %dma_wait3A_388 : memref<1x1x32x64xf32, #tpu.memory_space<vmem>> -> memref<32x64xf32, #tpu.memory_space<vmem>>
      %dma_wait3A_390 = arith.constant 64 : i32
      %dma_wait3A_391 = tpu.memref_slice %arg6[%dma_wait3A_383, %dma_wait3A_390] : memref<2x1024xi32, #tpu.memory_space<vmem>> -> memref<1x32xi32, #tpu.memory_space<vmem>>
      %dma_wait3A_392 = tpu.memref_squeeze %dma_wait3A_391 : memref<1x32xi32, #tpu.memory_space<vmem>> -> memref<32xi32, #tpu.memory_space<vmem>>
      %dma_wait3A_393 = arith.constant 0 : i32
      %dma_wait3A_394 = arith.constant 0 : i32
      %dma_wait3A_395 = tpu.memref_slice %arg3[%dma_wait3A_393, %dma_wait3A_394] : memref<1000000x64xf32, #tpu.memory_space<hbm>> -> memref<1000000x64xf32, #tpu.memory_space<hbm>>
      tpu.wait_indirect_dma semaphore(%arg10 : memref<!tpu.dma_semaphore, #tpu.memory_space<semaphore_mem>>) src(%dma_wait3A_395 : memref<1000000x64xf32, #tpu.memory_space<hbm>>) dst(%dma_wait3A_389 : memref<32x64xf32, #tpu.memory_space<vmem>>)
      %dma_wait3A_396 = arith.constant 0 : i32
      %dma_wait3A_397 = arith.constant 0 : i32
      %dma_wait3A_398 = arith.constant 2 : i32
      %dma_wait3A_399 = arith.constant 0 : i32
      %dma_wait3A_400 = arith.constant 0 : i32
      %dma_wait3A_401 = tpu.memref_slice %arg8[%dma_wait3A_397, %dma_wait3A_398, %dma_wait3A_399, %dma_wait3A_400] : memref<2x25x32x64xf32, #tpu.memory_space<vmem>> -> memref<1x1x32x64xf32, #tpu.memory_space<vmem>>
      %dma_wait3A_402 = tpu.memref_squeeze %dma_wait3A_401 : memref<1x1x32x64xf32, #tpu.memory_space<vmem>> -> memref<32x64xf32, #tpu.memory_space<vmem>>
      %dma_wait3A_403 = arith.constant 96 : i32
      %dma_wait3A_404 = tpu.memref_slice %arg6[%dma_wait3A_396, %dma_wait3A_403] : memref<2x1024xi32, #tpu.memory_space<vmem>> -> memref<1x32xi32, #tpu.memory_space<vmem>>
      %dma_wait3A_405 = tpu.memref_squeeze %dma_wait3A_404 : memref<1x32xi32, #tpu.memory_space<vmem>> -> memref<32xi32, #tpu.memory_space<vmem>>
      %dma_wait3A_406 = arith.constant 0 : i32
      %dma_wait3A_407 = arith.constant 0 : i32
      %dma_wait3A_408 = tpu.memref_slice %arg3[%dma_wait3A_406, %dma_wait3A_407] : memref<1000000x64xf32, #tpu.memory_space<hbm>> -> memref<1000000x64xf32, #tpu.memory_space<hbm>>
      tpu.wait_indirect_dma semaphore(%arg10 : memref<!tpu.dma_semaphore, #tpu.memory_space<semaphore_mem>>) src(%dma_wait3A_408 : memref<1000000x64xf32, #tpu.memory_space<hbm>>) dst(%dma_wait3A_402 : memref<32x64xf32, #tpu.memory_space<vmem>>)
      %dma_wait3A_409 = arith.constant 0 : i32
      %dma_wait3A_410 = arith.constant 0 : i32
      %dma_wait3A_411 = arith.constant 3 : i32
      %dma_wait3A_412 = arith.constant 0 : i32
      %dma_wait3A_413 = arith.constant 0 : i32
      %dma_wait3A_414 = tpu.memref_slice %arg8[%dma_wait3A_410, %dma_wait3A_411, %dma_wait3A_412, %dma_wait3A_413] : memref<2x25x32x64xf32, #tpu.memory_space<vmem>> -> memref<1x1x32x64xf32, #tpu.memory_space<vmem>>
      %dma_wait3A_415 = tpu.memref_squeeze %dma_wait3A_414 : memref<1x1x32x64xf32, #tpu.memory_space<vmem>> -> memref<32x64xf32, #tpu.memory_space<vmem>>
      %dma_wait3A_416 = arith.constant 128 : i32
      %dma_wait3A_417 = tpu.memref_slice %arg6[%dma_wait3A_409, %dma_wait3A_416] : memref<2x1024xi32, #tpu.memory_space<vmem>> -> memref<1x32xi32, #tpu.memory_space<vmem>>
      %dma_wait3A_418 = tpu.memref_squeeze %dma_wait3A_417 : memref<1x32xi32, #tpu.memory_space<vmem>> -> memref<32xi32, #tpu.memory_space<vmem>>
      %dma_wait3A_419 = arith.constant 0 : i32
      %dma_wait3A_420 = arith.constant 0 : i32
      %dma_wait3A_421 = tpu.memref_slice %arg3[%dma_wait3A_419, %dma_wait3A_420] : memref<1000000x64xf32, #tpu.memory_space<hbm>> -> memref<1000000x64xf32, #tpu.memory_space<hbm>>
      tpu.wait_indirect_dma semaphore(%arg10 : memref<!tpu.dma_semaphore, #tpu.memory_space<semaphore_mem>>) src(%dma_wait3A_421 : memref<1000000x64xf32, #tpu.memory_space<hbm>>) dst(%dma_wait3A_415 : memref<32x64xf32, #tpu.memory_space<vmem>>)
      %dma_wait3A_422 = arith.constant 0 : i32
      %dma_wait3A_423 = arith.constant 0 : i32
      %dma_wait3A_424 = arith.constant 4 : i32
      %dma_wait3A_425 = arith.constant 0 : i32
      %dma_wait3A_426 = arith.constant 0 : i32
      %dma_wait3A_427 = tpu.memref_slice %arg8[%dma_wait3A_423, %dma_wait3A_424, %dma_wait3A_425, %dma_wait3A_426] : memref<2x25x32x64xf32, #tpu.memory_space<vmem>> -> memref<1x1x32x64xf32, #tpu.memory_space<vmem>>
      %dma_wait3A_428 = tpu.memref_squeeze %dma_wait3A_427 : memref<1x1x32x64xf32, #tpu.memory_space<vmem>> -> memref<32x64xf32, #tpu.memory_space<vmem>>
      %dma_wait3A_429 = arith.constant 160 : i32
      %dma_wait3A_430 = tpu.memref_slice %arg6[%dma_wait3A_422, %dma_wait3A_429] : memref<2x1024xi32, #tpu.memory_space<vmem>> -> memref<1x32xi32, #tpu.memory_space<vmem>>
      %dma_wait3A_431 = tpu.memref_squeeze %dma_wait3A_430 : memref<1x32xi32, #tpu.memory_space<vmem>> -> memref<32xi32, #tpu.memory_space<vmem>>
      %dma_wait3A_432 = arith.constant 0 : i32
      %dma_wait3A_433 = arith.constant 0 : i32
      %dma_wait3A_434 = tpu.memref_slice %arg3[%dma_wait3A_432, %dma_wait3A_433] : memref<1000000x64xf32, #tpu.memory_space<hbm>> -> memref<1000000x64xf32, #tpu.memory_space<hbm>>
      tpu.wait_indirect_dma semaphore(%arg10 : memref<!tpu.dma_semaphore, #tpu.memory_space<semaphore_mem>>) src(%dma_wait3A_434 : memref<1000000x64xf32, #tpu.memory_space<hbm>>) dst(%dma_wait3A_428 : memref<32x64xf32, #tpu.memory_space<vmem>>)
      %dma_wait3A_435 = arith.constant 0 : i32
      %dma_wait3A_436 = arith.constant 0 : i32
      %dma_wait3A_437 = arith.constant 5 : i32
      %dma_wait3A_438 = arith.constant 0 : i32
      %dma_wait3A_439 = arith.constant 0 : i32
      %dma_wait3A_440 = tpu.memref_slice %arg8[%dma_wait3A_436, %dma_wait3A_437, %dma_wait3A_438, %dma_wait3A_439] : memref<2x25x32x64xf32, #tpu.memory_space<vmem>> -> memref<1x1x32x64xf32, #tpu.memory_space<vmem>>
      %dma_wait3A_441 = tpu.memref_squeeze %dma_wait3A_440 : memref<1x1x32x64xf32, #tpu.memory_space<vmem>> -> memref<32x64xf32, #tpu.memory_space<vmem>>
      %dma_wait3A_442 = arith.constant 192 : i32
      %dma_wait3A_443 = tpu.memref_slice %arg6[%dma_wait3A_435, %dma_wait3A_442] : memref<2x1024xi32, #tpu.memory_space<vmem>> -> memref<1x32xi32, #tpu.memory_space<vmem>>
      %dma_wait3A_444 = tpu.memref_squeeze %dma_wait3A_443 : memref<1x32xi32, #tpu.memory_space<vmem>> -> memref<32xi32, #tpu.memory_space<vmem>>
      %dma_wait3A_445 = arith.constant 0 : i32
      %dma_wait3A_446 = arith.constant 0 : i32
      %dma_wait3A_447 = tpu.memref_slice %arg3[%dma_wait3A_445, %dma_wait3A_446] : memref<1000000x64xf32, #tpu.memory_space<hbm>> -> memref<1000000x64xf32, #tpu.memory_space<hbm>>
      tpu.wait_indirect_dma semaphore(%arg10 : memref<!tpu.dma_semaphore, #tpu.memory_space<semaphore_mem>>) src(%dma_wait3A_447 : memref<1000000x64xf32, #tpu.memory_space<hbm>>) dst(%dma_wait3A_441 : memref<32x64xf32, #tpu.memory_space<vmem>>)
      %dma_wait3A_448 = arith.constant 0 : i32
      %dma_wait3A_449 = arith.constant 0 : i32
      %dma_wait3A_450 = arith.constant 6 : i32
      %dma_wait3A_451 = arith.constant 0 : i32
      %dma_wait3A_452 = arith.constant 0 : i32
      %dma_wait3A_453 = tpu.memref_slice %arg8[%dma_wait3A_449, %dma_wait3A_450, %dma_wait3A_451, %dma_wait3A_452] : memref<2x25x32x64xf32, #tpu.memory_space<vmem>> -> memref<1x1x32x64xf32, #tpu.memory_space<vmem>>
      %dma_wait3A_454 = tpu.memref_squeeze %dma_wait3A_453 : memref<1x1x32x64xf32, #tpu.memory_space<vmem>> -> memref<32x64xf32, #tpu.memory_space<vmem>>
      %dma_wait3A_455 = arith.constant 224 : i32
      %dma_wait3A_456 = tpu.memref_slice %arg6[%dma_wait3A_448, %dma_wait3A_455] : memref<2x1024xi32, #tpu.memory_space<vmem>> -> memref<1x32xi32, #tpu.memory_space<vmem>>
      %dma_wait3A_457 = tpu.memref_squeeze %dma_wait3A_456 : memref<1x32xi32, #tpu.memory_space<vmem>> -> memref<32xi32, #tpu.memory_space<vmem>>
      %dma_wait3A_458 = arith.constant 0 : i32
      %dma_wait3A_459 = arith.constant 0 : i32
      %dma_wait3A_460 = tpu.memref_slice %arg3[%dma_wait3A_458, %dma_wait3A_459] : memref<1000000x64xf32, #tpu.memory_space<hbm>> -> memref<1000000x64xf32, #tpu.memory_space<hbm>>
      tpu.wait_indirect_dma semaphore(%arg10 : memref<!tpu.dma_semaphore, #tpu.memory_space<semaphore_mem>>) src(%dma_wait3A_460 : memref<1000000x64xf32, #tpu.memory_space<hbm>>) dst(%dma_wait3A_454 : memref<32x64xf32, #tpu.memory_space<vmem>>)
      %dma_wait3A_461 = arith.constant 0 : i32
      %dma_wait3A_462 = arith.constant 0 : i32
      %dma_wait3A_463 = arith.constant 7 : i32
      %dma_wait3A_464 = arith.constant 0 : i32
      %dma_wait3A_465 = arith.constant 0 : i32
      %dma_wait3A_466 = tpu.memref_slice %arg8[%dma_wait3A_462, %dma_wait3A_463, %dma_wait3A_464, %dma_wait3A_465] : memref<2x25x32x64xf32, #tpu.memory_space<vmem>> -> memref<1x1x32x64xf32, #tpu.memory_space<vmem>>
      %dma_wait3A_467 = tpu.memref_squeeze %dma_wait3A_466 : memref<1x1x32x64xf32, #tpu.memory_space<vmem>> -> memref<32x64xf32, #tpu.memory_space<vmem>>
      %dma_wait3A_468 = arith.constant 256 : i32
      %dma_wait3A_469 = tpu.memref_slice %arg6[%dma_wait3A_461, %dma_wait3A_468] : memref<2x1024xi32, #tpu.memory_space<vmem>> -> memref<1x32xi32, #tpu.memory_space<vmem>>
      %dma_wait3A_470 = tpu.memref_squeeze %dma_wait3A_469 : memref<1x32xi32, #tpu.memory_space<vmem>> -> memref<32xi32, #tpu.memory_space<vmem>>
      %dma_wait3A_471 = arith.constant 0 : i32
      %dma_wait3A_472 = arith.constant 0 : i32
      %dma_wait3A_473 = tpu.memref_slice %arg3[%dma_wait3A_471, %dma_wait3A_472] : memref<1000000x64xf32, #tpu.memory_space<hbm>> -> memref<1000000x64xf32, #tpu.memory_space<hbm>>
      tpu.wait_indirect_dma semaphore(%arg10 : memref<!tpu.dma_semaphore, #tpu.memory_space<semaphore_mem>>) src(%dma_wait3A_473 : memref<1000000x64xf32, #tpu.memory_space<hbm>>) dst(%dma_wait3A_467 : memref<32x64xf32, #tpu.memory_space<vmem>>)
      %dma_wait3A_474 = arith.constant 0 : i32
      %dma_wait3A_475 = arith.constant 0 : i32
      %dma_wait3A_476 = arith.constant 8 : i32
      %dma_wait3A_477 = arith.constant 0 : i32
      %dma_wait3A_478 = arith.constant 0 : i32
      %dma_wait3A_479 = tpu.memref_slice %arg8[%dma_wait3A_475, %dma_wait3A_476, %dma_wait3A_477, %dma_wait3A_478] : memref<2x25x32x64xf32, #tpu.memory_space<vmem>> -> memref<1x1x32x64xf32, #tpu.memory_space<vmem>>
      %dma_wait3A_480 = tpu.memref_squeeze %dma_wait3A_479 : memref<1x1x32x64xf32, #tpu.memory_space<vmem>> -> memref<32x64xf32, #tpu.memory_space<vmem>>
      %dma_wait3A_481 = arith.constant 288 : i32
      %dma_wait3A_482 = tpu.memref_slice %arg6[%dma_wait3A_474, %dma_wait3A_481] : memref<2x1024xi32, #tpu.memory_space<vmem>> -> memref<1x32xi32, #tpu.memory_space<vmem>>
      %dma_wait3A_483 = tpu.memref_squeeze %dma_wait3A_482 : memref<1x32xi32, #tpu.memory_space<vmem>> -> memref<32xi32, #tpu.memory_space<vmem>>
      %dma_wait3A_484 = arith.constant 0 : i32
      %dma_wait3A_485 = arith.constant 0 : i32
      %dma_wait3A_486 = tpu.memref_slice %arg3[%dma_wait3A_484, %dma_wait3A_485] : memref<1000000x64xf32, #tpu.memory_space<hbm>> -> memref<1000000x64xf32, #tpu.memory_space<hbm>>
      tpu.wait_indirect_dma semaphore(%arg10 : memref<!tpu.dma_semaphore, #tpu.memory_space<semaphore_mem>>) src(%dma_wait3A_486 : memref<1000000x64xf32, #tpu.memory_space<hbm>>) dst(%dma_wait3A_480 : memref<32x64xf32, #tpu.memory_space<vmem>>)
      %dma_wait3A_487 = arith.constant 0 : i32
      %dma_wait3A_488 = arith.constant 0 : i32
      %dma_wait3A_489 = arith.constant 9 : i32
      %dma_wait3A_490 = arith.constant 0 : i32
      %dma_wait3A_491 = arith.constant 0 : i32
      %dma_wait3A_492 = tpu.memref_slice %arg8[%dma_wait3A_488, %dma_wait3A_489, %dma_wait3A_490, %dma_wait3A_491] : memref<2x25x32x64xf32, #tpu.memory_space<vmem>> -> memref<1x1x32x64xf32, #tpu.memory_space<vmem>>
      %dma_wait3A_493 = tpu.memref_squeeze %dma_wait3A_492 : memref<1x1x32x64xf32, #tpu.memory_space<vmem>> -> memref<32x64xf32, #tpu.memory_space<vmem>>
      %dma_wait3A_494 = arith.constant 320 : i32
      %dma_wait3A_495 = tpu.memref_slice %arg6[%dma_wait3A_487, %dma_wait3A_494] : memref<2x1024xi32, #tpu.memory_space<vmem>> -> memref<1x32xi32, #tpu.memory_space<vmem>>
      %dma_wait3A_496 = tpu.memref_squeeze %dma_wait3A_495 : memref<1x32xi32, #tpu.memory_space<vmem>> -> memref<32xi32, #tpu.memory_space<vmem>>
      %dma_wait3A_497 = arith.constant 0 : i32
      %dma_wait3A_498 = arith.constant 0 : i32
      %dma_wait3A_499 = tpu.memref_slice %arg3[%dma_wait3A_497, %dma_wait3A_498] : memref<1000000x64xf32, #tpu.memory_space<hbm>> -> memref<1000000x64xf32, #tpu.memory_space<hbm>>
      tpu.wait_indirect_dma semaphore(%arg10 : memref<!tpu.dma_semaphore, #tpu.memory_space<semaphore_mem>>) src(%dma_wait3A_499 : memref<1000000x64xf32, #tpu.memory_space<hbm>>) dst(%dma_wait3A_493 : memref<32x64xf32, #tpu.memory_space<vmem>>)
      %dma_wait3A_500 = arith.constant 0 : i32
      %dma_wait3A_501 = arith.constant 0 : i32
      %dma_wait3A_502 = arith.constant 10 : i32
      %dma_wait3A_503 = arith.constant 0 : i32
      %dma_wait3A_504 = arith.constant 0 : i32
      %dma_wait3A_505 = tpu.memref_slice %arg8[%dma_wait3A_501, %dma_wait3A_502, %dma_wait3A_503, %dma_wait3A_504] : memref<2x25x32x64xf32, #tpu.memory_space<vmem>> -> memref<1x1x32x64xf32, #tpu.memory_space<vmem>>
      %dma_wait3A_506 = tpu.memref_squeeze %dma_wait3A_505 : memref<1x1x32x64xf32, #tpu.memory_space<vmem>> -> memref<32x64xf32, #tpu.memory_space<vmem>>
      %dma_wait3A_507 = arith.constant 352 : i32
      %dma_wait3A_508 = tpu.memref_slice %arg6[%dma_wait3A_500, %dma_wait3A_507] : memref<2x1024xi32, #tpu.memory_space<vmem>> -> memref<1x32xi32, #tpu.memory_space<vmem>>
      %dma_wait3A_509 = tpu.memref_squeeze %dma_wait3A_508 : memref<1x32xi32, #tpu.memory_space<vmem>> -> memref<32xi32, #tpu.memory_space<vmem>>
      %dma_wait3A_510 = arith.constant 0 : i32
      %dma_wait3A_511 = arith.constant 0 : i32
      %dma_wait3A_512 = tpu.memref_slice %arg3[%dma_wait3A_510, %dma_wait3A_511] : memref<1000000x64xf32, #tpu.memory_space<hbm>> -> memref<1000000x64xf32, #tpu.memory_space<hbm>>
      tpu.wait_indirect_dma semaphore(%arg10 : memref<!tpu.dma_semaphore, #tpu.memory_space<semaphore_mem>>) src(%dma_wait3A_512 : memref<1000000x64xf32, #tpu.memory_space<hbm>>) dst(%dma_wait3A_506 : memref<32x64xf32, #tpu.memory_space<vmem>>)
      %dma_wait3A_513 = arith.constant 0 : i32
      %dma_wait3A_514 = arith.constant 0 : i32
      %dma_wait3A_515 = arith.constant 11 : i32
      %dma_wait3A_516 = arith.constant 0 : i32
      %dma_wait3A_517 = arith.constant 0 : i32
      %dma_wait3A_518 = tpu.memref_slice %arg8[%dma_wait3A_514, %dma_wait3A_515, %dma_wait3A_516, %dma_wait3A_517] : memref<2x25x32x64xf32, #tpu.memory_space<vmem>> -> memref<1x1x32x64xf32, #tpu.memory_space<vmem>>
      %dma_wait3A_519 = tpu.memref_squeeze %dma_wait3A_518 : memref<1x1x32x64xf32, #tpu.memory_space<vmem>> -> memref<32x64xf32, #tpu.memory_space<vmem>>
      %dma_wait3A_520 = arith.constant 384 : i32
      %dma_wait3A_521 = tpu.memref_slice %arg6[%dma_wait3A_513, %dma_wait3A_520] : memref<2x1024xi32, #tpu.memory_space<vmem>> -> memref<1x32xi32, #tpu.memory_space<vmem>>
      %dma_wait3A_522 = tpu.memref_squeeze %dma_wait3A_521 : memref<1x32xi32, #tpu.memory_space<vmem>> -> memref<32xi32, #tpu.memory_space<vmem>>
      %dma_wait3A_523 = arith.constant 0 : i32
      %dma_wait3A_524 = arith.constant 0 : i32
      %dma_wait3A_525 = tpu.memref_slice %arg3[%dma_wait3A_523, %dma_wait3A_524] : memref<1000000x64xf32, #tpu.memory_space<hbm>> -> memref<1000000x64xf32, #tpu.memory_space<hbm>>
      tpu.wait_indirect_dma semaphore(%arg10 : memref<!tpu.dma_semaphore, #tpu.memory_space<semaphore_mem>>) src(%dma_wait3A_525 : memref<1000000x64xf32, #tpu.memory_space<hbm>>) dst(%dma_wait3A_519 : memref<32x64xf32, #tpu.memory_space<vmem>>)
      %dma_wait3A_526 = arith.constant 0 : i32
      %dma_wait3A_527 = arith.constant 0 : i32
      %dma_wait3A_528 = arith.constant 12 : i32
      %dma_wait3A_529 = arith.constant 0 : i32
      %dma_wait3A_530 = arith.constant 0 : i32
      %dma_wait3A_531 = tpu.memref_slice %arg8[%dma_wait3A_527, %dma_wait3A_528, %dma_wait3A_529, %dma_wait3A_530] : memref<2x25x32x64xf32, #tpu.memory_space<vmem>> -> memref<1x1x32x64xf32, #tpu.memory_space<vmem>>
      %dma_wait3A_532 = tpu.memref_squeeze %dma_wait3A_531 : memref<1x1x32x64xf32, #tpu.memory_space<vmem>> -> memref<32x64xf32, #tpu.memory_space<vmem>>
      %dma_wait3A_533 = arith.constant 416 : i32
      %dma_wait3A_534 = tpu.memref_slice %arg6[%dma_wait3A_526, %dma_wait3A_533] : memref<2x1024xi32, #tpu.memory_space<vmem>> -> memref<1x32xi32, #tpu.memory_space<vmem>>
      %dma_wait3A_535 = tpu.memref_squeeze %dma_wait3A_534 : memref<1x32xi32, #tpu.memory_space<vmem>> -> memref<32xi32, #tpu.memory_space<vmem>>
      %dma_wait3A_536 = arith.constant 0 : i32
      %dma_wait3A_537 = arith.constant 0 : i32
      %dma_wait3A_538 = tpu.memref_slice %arg3[%dma_wait3A_536, %dma_wait3A_537] : memref<1000000x64xf32, #tpu.memory_space<hbm>> -> memref<1000000x64xf32, #tpu.memory_space<hbm>>
      tpu.wait_indirect_dma semaphore(%arg10 : memref<!tpu.dma_semaphore, #tpu.memory_space<semaphore_mem>>) src(%dma_wait3A_538 : memref<1000000x64xf32, #tpu.memory_space<hbm>>) dst(%dma_wait3A_532 : memref<32x64xf32, #tpu.memory_space<vmem>>)
      %dma_wait3A_539 = arith.constant 0 : i32
      %dma_wait3A_540 = arith.constant 0 : i32
      %dma_wait3A_541 = arith.constant 13 : i32
      %dma_wait3A_542 = arith.constant 0 : i32
      %dma_wait3A_543 = arith.constant 0 : i32
      %dma_wait3A_544 = tpu.memref_slice %arg8[%dma_wait3A_540, %dma_wait3A_541, %dma_wait3A_542, %dma_wait3A_543] : memref<2x25x32x64xf32, #tpu.memory_space<vmem>> -> memref<1x1x32x64xf32, #tpu.memory_space<vmem>>
      %dma_wait3A_545 = tpu.memref_squeeze %dma_wait3A_544 : memref<1x1x32x64xf32, #tpu.memory_space<vmem>> -> memref<32x64xf32, #tpu.memory_space<vmem>>
      %dma_wait3A_546 = arith.constant 448 : i32
      %dma_wait3A_547 = tpu.memref_slice %arg6[%dma_wait3A_539, %dma_wait3A_546] : memref<2x1024xi32, #tpu.memory_space<vmem>> -> memref<1x32xi32, #tpu.memory_space<vmem>>
      %dma_wait3A_548 = tpu.memref_squeeze %dma_wait3A_547 : memref<1x32xi32, #tpu.memory_space<vmem>> -> memref<32xi32, #tpu.memory_space<vmem>>
      %dma_wait3A_549 = arith.constant 0 : i32
      %dma_wait3A_550 = arith.constant 0 : i32
      %dma_wait3A_551 = tpu.memref_slice %arg3[%dma_wait3A_549, %dma_wait3A_550] : memref<1000000x64xf32, #tpu.memory_space<hbm>> -> memref<1000000x64xf32, #tpu.memory_space<hbm>>
      tpu.wait_indirect_dma semaphore(%arg10 : memref<!tpu.dma_semaphore, #tpu.memory_space<semaphore_mem>>) src(%dma_wait3A_551 : memref<1000000x64xf32, #tpu.memory_space<hbm>>) dst(%dma_wait3A_545 : memref<32x64xf32, #tpu.memory_space<vmem>>)
      %dma_wait3A_552 = arith.constant 0 : i32
      %dma_wait3A_553 = arith.constant 0 : i32
      %dma_wait3A_554 = arith.constant 14 : i32
      %dma_wait3A_555 = arith.constant 0 : i32
      %dma_wait3A_556 = arith.constant 0 : i32
      %dma_wait3A_557 = tpu.memref_slice %arg8[%dma_wait3A_553, %dma_wait3A_554, %dma_wait3A_555, %dma_wait3A_556] : memref<2x25x32x64xf32, #tpu.memory_space<vmem>> -> memref<1x1x32x64xf32, #tpu.memory_space<vmem>>
      %dma_wait3A_558 = tpu.memref_squeeze %dma_wait3A_557 : memref<1x1x32x64xf32, #tpu.memory_space<vmem>> -> memref<32x64xf32, #tpu.memory_space<vmem>>
      %dma_wait3A_559 = arith.constant 480 : i32
      %dma_wait3A_560 = tpu.memref_slice %arg6[%dma_wait3A_552, %dma_wait3A_559] : memref<2x1024xi32, #tpu.memory_space<vmem>> -> memref<1x32xi32, #tpu.memory_space<vmem>>
      %dma_wait3A_561 = tpu.memref_squeeze %dma_wait3A_560 : memref<1x32xi32, #tpu.memory_space<vmem>> -> memref<32xi32, #tpu.memory_space<vmem>>
      %dma_wait3A_562 = arith.constant 0 : i32
      %dma_wait3A_563 = arith.constant 0 : i32
      %dma_wait3A_564 = tpu.memref_slice %arg3[%dma_wait3A_562, %dma_wait3A_563] : memref<1000000x64xf32, #tpu.memory_space<hbm>> -> memref<1000000x64xf32, #tpu.memory_space<hbm>>
      tpu.wait_indirect_dma semaphore(%arg10 : memref<!tpu.dma_semaphore, #tpu.memory_space<semaphore_mem>>) src(%dma_wait3A_564 : memref<1000000x64xf32, #tpu.memory_space<hbm>>) dst(%dma_wait3A_558 : memref<32x64xf32, #tpu.memory_space<vmem>>)
      %dma_wait3A_565 = arith.constant 0 : i32
      %dma_wait3A_566 = arith.constant 0 : i32
      %dma_wait3A_567 = arith.constant 15 : i32
      %dma_wait3A_568 = arith.constant 0 : i32
      %dma_wait3A_569 = arith.constant 0 : i32
      %dma_wait3A_570 = tpu.memref_slice %arg8[%dma_wait3A_566, %dma_wait3A_567, %dma_wait3A_568, %dma_wait3A_569] : memref<2x25x32x64xf32, #tpu.memory_space<vmem>> -> memref<1x1x32x64xf32, #tpu.memory_space<vmem>>
      %dma_wait3A_571 = tpu.memref_squeeze %dma_wait3A_570 : memref<1x1x32x64xf32, #tpu.memory_space<vmem>> -> memref<32x64xf32, #tpu.memory_space<vmem>>
      %dma_wait3A_572 = arith.constant 512 : i32
      %dma_wait3A_573 = tpu.memref_slice %arg6[%dma_wait3A_565, %dma_wait3A_572] : memref<2x1024xi32, #tpu.memory_space<vmem>> -> memref<1x32xi32, #tpu.memory_space<vmem>>
      %dma_wait3A_574 = tpu.memref_squeeze %dma_wait3A_573 : memref<1x32xi32, #tpu.memory_space<vmem>> -> memref<32xi32, #tpu.memory_space<vmem>>
      %dma_wait3A_575 = arith.constant 0 : i32
      %dma_wait3A_576 = arith.constant 0 : i32
      %dma_wait3A_577 = tpu.memref_slice %arg3[%dma_wait3A_575, %dma_wait3A_576] : memref<1000000x64xf32, #tpu.memory_space<hbm>> -> memref<1000000x64xf32, #tpu.memory_space<hbm>>
      tpu.wait_indirect_dma semaphore(%arg10 : memref<!tpu.dma_semaphore, #tpu.memory_space<semaphore_mem>>) src(%dma_wait3A_577 : memref<1000000x64xf32, #tpu.memory_space<hbm>>) dst(%dma_wait3A_571 : memref<32x64xf32, #tpu.memory_space<vmem>>)
      %dma_wait3A_578 = arith.constant 0 : i32
      %dma_wait3A_579 = arith.constant 0 : i32
      %dma_wait3A_580 = arith.constant 16 : i32
      %dma_wait3A_581 = arith.constant 0 : i32
      %dma_wait3A_582 = arith.constant 0 : i32
      %dma_wait3A_583 = tpu.memref_slice %arg8[%dma_wait3A_579, %dma_wait3A_580, %dma_wait3A_581, %dma_wait3A_582] : memref<2x25x32x64xf32, #tpu.memory_space<vmem>> -> memref<1x1x32x64xf32, #tpu.memory_space<vmem>>
      %dma_wait3A_584 = tpu.memref_squeeze %dma_wait3A_583 : memref<1x1x32x64xf32, #tpu.memory_space<vmem>> -> memref<32x64xf32, #tpu.memory_space<vmem>>
      %dma_wait3A_585 = arith.constant 544 : i32
      %dma_wait3A_586 = tpu.memref_slice %arg6[%dma_wait3A_578, %dma_wait3A_585] : memref<2x1024xi32, #tpu.memory_space<vmem>> -> memref<1x32xi32, #tpu.memory_space<vmem>>
      %dma_wait3A_587 = tpu.memref_squeeze %dma_wait3A_586 : memref<1x32xi32, #tpu.memory_space<vmem>> -> memref<32xi32, #tpu.memory_space<vmem>>
      %dma_wait3A_588 = arith.constant 0 : i32
      %dma_wait3A_589 = arith.constant 0 : i32
      %dma_wait3A_590 = tpu.memref_slice %arg3[%dma_wait3A_588, %dma_wait3A_589] : memref<1000000x64xf32, #tpu.memory_space<hbm>> -> memref<1000000x64xf32, #tpu.memory_space<hbm>>
      tpu.wait_indirect_dma semaphore(%arg10 : memref<!tpu.dma_semaphore, #tpu.memory_space<semaphore_mem>>) src(%dma_wait3A_590 : memref<1000000x64xf32, #tpu.memory_space<hbm>>) dst(%dma_wait3A_584 : memref<32x64xf32, #tpu.memory_space<vmem>>)
      %dma_wait3A_591 = arith.constant 0 : i32
      %dma_wait3A_592 = arith.constant 0 : i32
      %dma_wait3A_593 = arith.constant 17 : i32
      %dma_wait3A_594 = arith.constant 0 : i32
      %dma_wait3A_595 = arith.constant 0 : i32
      %dma_wait3A_596 = tpu.memref_slice %arg8[%dma_wait3A_592, %dma_wait3A_593, %dma_wait3A_594, %dma_wait3A_595] : memref<2x25x32x64xf32, #tpu.memory_space<vmem>> -> memref<1x1x32x64xf32, #tpu.memory_space<vmem>>
      %dma_wait3A_597 = tpu.memref_squeeze %dma_wait3A_596 : memref<1x1x32x64xf32, #tpu.memory_space<vmem>> -> memref<32x64xf32, #tpu.memory_space<vmem>>
      %dma_wait3A_598 = arith.constant 576 : i32
      %dma_wait3A_599 = tpu.memref_slice %arg6[%dma_wait3A_591, %dma_wait3A_598] : memref<2x1024xi32, #tpu.memory_space<vmem>> -> memref<1x32xi32, #tpu.memory_space<vmem>>
      %dma_wait3A_600 = tpu.memref_squeeze %dma_wait3A_599 : memref<1x32xi32, #tpu.memory_space<vmem>> -> memref<32xi32, #tpu.memory_space<vmem>>
      %dma_wait3A_601 = arith.constant 0 : i32
      %dma_wait3A_602 = arith.constant 0 : i32
      %dma_wait3A_603 = tpu.memref_slice %arg3[%dma_wait3A_601, %dma_wait3A_602] : memref<1000000x64xf32, #tpu.memory_space<hbm>> -> memref<1000000x64xf32, #tpu.memory_space<hbm>>
      tpu.wait_indirect_dma semaphore(%arg10 : memref<!tpu.dma_semaphore, #tpu.memory_space<semaphore_mem>>) src(%dma_wait3A_603 : memref<1000000x64xf32, #tpu.memory_space<hbm>>) dst(%dma_wait3A_597 : memref<32x64xf32, #tpu.memory_space<vmem>>)
      %dma_wait3A_604 = arith.constant 0 : i32
      %dma_wait3A_605 = arith.constant 0 : i32
      %dma_wait3A_606 = arith.constant 18 : i32
      %dma_wait3A_607 = arith.constant 0 : i32
      %dma_wait3A_608 = arith.constant 0 : i32
      %dma_wait3A_609 = tpu.memref_slice %arg8[%dma_wait3A_605, %dma_wait3A_606, %dma_wait3A_607, %dma_wait3A_608] : memref<2x25x32x64xf32, #tpu.memory_space<vmem>> -> memref<1x1x32x64xf32, #tpu.memory_space<vmem>>
      %dma_wait3A_610 = tpu.memref_squeeze %dma_wait3A_609 : memref<1x1x32x64xf32, #tpu.memory_space<vmem>> -> memref<32x64xf32, #tpu.memory_space<vmem>>
      %dma_wait3A_611 = arith.constant 608 : i32
      %dma_wait3A_612 = tpu.memref_slice %arg6[%dma_wait3A_604, %dma_wait3A_611] : memref<2x1024xi32, #tpu.memory_space<vmem>> -> memref<1x32xi32, #tpu.memory_space<vmem>>
      %dma_wait3A_613 = tpu.memref_squeeze %dma_wait3A_612 : memref<1x32xi32, #tpu.memory_space<vmem>> -> memref<32xi32, #tpu.memory_space<vmem>>
      %dma_wait3A_614 = arith.constant 0 : i32
      %dma_wait3A_615 = arith.constant 0 : i32
      %dma_wait3A_616 = tpu.memref_slice %arg3[%dma_wait3A_614, %dma_wait3A_615] : memref<1000000x64xf32, #tpu.memory_space<hbm>> -> memref<1000000x64xf32, #tpu.memory_space<hbm>>
      tpu.wait_indirect_dma semaphore(%arg10 : memref<!tpu.dma_semaphore, #tpu.memory_space<semaphore_mem>>) src(%dma_wait3A_616 : memref<1000000x64xf32, #tpu.memory_space<hbm>>) dst(%dma_wait3A_610 : memref<32x64xf32, #tpu.memory_space<vmem>>)
      %dma_wait3A_617 = arith.constant 0 : i32
      %dma_wait3A_618 = arith.constant 0 : i32
      %dma_wait3A_619 = arith.constant 19 : i32
      %dma_wait3A_620 = arith.constant 0 : i32
      %dma_wait3A_621 = arith.constant 0 : i32
      %dma_wait3A_622 = tpu.memref_slice %arg8[%dma_wait3A_618, %dma_wait3A_619, %dma_wait3A_620, %dma_wait3A_621] : memref<2x25x32x64xf32, #tpu.memory_space<vmem>> -> memref<1x1x32x64xf32, #tpu.memory_space<vmem>>
      %dma_wait3A_623 = tpu.memref_squeeze %dma_wait3A_622 : memref<1x1x32x64xf32, #tpu.memory_space<vmem>> -> memref<32x64xf32, #tpu.memory_space<vmem>>
      %dma_wait3A_624 = arith.constant 640 : i32
      %dma_wait3A_625 = tpu.memref_slice %arg6[%dma_wait3A_617, %dma_wait3A_624] : memref<2x1024xi32, #tpu.memory_space<vmem>> -> memref<1x32xi32, #tpu.memory_space<vmem>>
      %dma_wait3A_626 = tpu.memref_squeeze %dma_wait3A_625 : memref<1x32xi32, #tpu.memory_space<vmem>> -> memref<32xi32, #tpu.memory_space<vmem>>
      %dma_wait3A_627 = arith.constant 0 : i32
      %dma_wait3A_628 = arith.constant 0 : i32
      %dma_wait3A_629 = tpu.memref_slice %arg3[%dma_wait3A_627, %dma_wait3A_628] : memref<1000000x64xf32, #tpu.memory_space<hbm>> -> memref<1000000x64xf32, #tpu.memory_space<hbm>>
      tpu.wait_indirect_dma semaphore(%arg10 : memref<!tpu.dma_semaphore, #tpu.memory_space<semaphore_mem>>) src(%dma_wait3A_629 : memref<1000000x64xf32, #tpu.memory_space<hbm>>) dst(%dma_wait3A_623 : memref<32x64xf32, #tpu.memory_space<vmem>>)
      %dma_wait3A_630 = arith.constant 0 : i32
      %dma_wait3A_631 = arith.constant 0 : i32
      %dma_wait3A_632 = arith.constant 20 : i32
      %dma_wait3A_633 = arith.constant 0 : i32
      %dma_wait3A_634 = arith.constant 0 : i32
      %dma_wait3A_635 = tpu.memref_slice %arg8[%dma_wait3A_631, %dma_wait3A_632, %dma_wait3A_633, %dma_wait3A_634] : memref<2x25x32x64xf32, #tpu.memory_space<vmem>> -> memref<1x1x32x64xf32, #tpu.memory_space<vmem>>
      %dma_wait3A_636 = tpu.memref_squeeze %dma_wait3A_635 : memref<1x1x32x64xf32, #tpu.memory_space<vmem>> -> memref<32x64xf32, #tpu.memory_space<vmem>>
      %dma_wait3A_637 = arith.constant 672 : i32
      %dma_wait3A_638 = tpu.memref_slice %arg6[%dma_wait3A_630, %dma_wait3A_637] : memref<2x1024xi32, #tpu.memory_space<vmem>> -> memref<1x32xi32, #tpu.memory_space<vmem>>
      %dma_wait3A_639 = tpu.memref_squeeze %dma_wait3A_638 : memref<1x32xi32, #tpu.memory_space<vmem>> -> memref<32xi32, #tpu.memory_space<vmem>>
      %dma_wait3A_640 = arith.constant 0 : i32
      %dma_wait3A_641 = arith.constant 0 : i32
      %dma_wait3A_642 = tpu.memref_slice %arg3[%dma_wait3A_640, %dma_wait3A_641] : memref<1000000x64xf32, #tpu.memory_space<hbm>> -> memref<1000000x64xf32, #tpu.memory_space<hbm>>
      tpu.wait_indirect_dma semaphore(%arg10 : memref<!tpu.dma_semaphore, #tpu.memory_space<semaphore_mem>>) src(%dma_wait3A_642 : memref<1000000x64xf32, #tpu.memory_space<hbm>>) dst(%dma_wait3A_636 : memref<32x64xf32, #tpu.memory_space<vmem>>)
      %dma_wait3A_643 = arith.constant 0 : i32
      %dma_wait3A_644 = arith.constant 0 : i32
      %dma_wait3A_645 = arith.constant 21 : i32
      %dma_wait3A_646 = arith.constant 0 : i32
      %dma_wait3A_647 = arith.constant 0 : i32
      %dma_wait3A_648 = tpu.memref_slice %arg8[%dma_wait3A_644, %dma_wait3A_645, %dma_wait3A_646, %dma_wait3A_647] : memref<2x25x32x64xf32, #tpu.memory_space<vmem>> -> memref<1x1x32x64xf32, #tpu.memory_space<vmem>>
      %dma_wait3A_649 = tpu.memref_squeeze %dma_wait3A_648 : memref<1x1x32x64xf32, #tpu.memory_space<vmem>> -> memref<32x64xf32, #tpu.memory_space<vmem>>
      %dma_wait3A_650 = arith.constant 704 : i32
      %dma_wait3A_651 = tpu.memref_slice %arg6[%dma_wait3A_643, %dma_wait3A_650] : memref<2x1024xi32, #tpu.memory_space<vmem>> -> memref<1x32xi32, #tpu.memory_space<vmem>>
      %dma_wait3A_652 = tpu.memref_squeeze %dma_wait3A_651 : memref<1x32xi32, #tpu.memory_space<vmem>> -> memref<32xi32, #tpu.memory_space<vmem>>
      %dma_wait3A_653 = arith.constant 0 : i32
      %dma_wait3A_654 = arith.constant 0 : i32
      %dma_wait3A_655 = tpu.memref_slice %arg3[%dma_wait3A_653, %dma_wait3A_654] : memref<1000000x64xf32, #tpu.memory_space<hbm>> -> memref<1000000x64xf32, #tpu.memory_space<hbm>>
      tpu.wait_indirect_dma semaphore(%arg10 : memref<!tpu.dma_semaphore, #tpu.memory_space<semaphore_mem>>) src(%dma_wait3A_655 : memref<1000000x64xf32, #tpu.memory_space<hbm>>) dst(%dma_wait3A_649 : memref<32x64xf32, #tpu.memory_space<vmem>>)
      %dma_wait3A_656 = arith.constant 0 : i32
      %dma_wait3A_657 = arith.constant 0 : i32
      %dma_wait3A_658 = arith.constant 22 : i32
      %dma_wait3A_659 = arith.constant 0 : i32
      %dma_wait3A_660 = arith.constant 0 : i32
      %dma_wait3A_661 = tpu.memref_slice %arg8[%dma_wait3A_657, %dma_wait3A_658, %dma_wait3A_659, %dma_wait3A_660] : memref<2x25x32x64xf32, #tpu.memory_space<vmem>> -> memref<1x1x32x64xf32, #tpu.memory_space<vmem>>
      %dma_wait3A_662 = tpu.memref_squeeze %dma_wait3A_661 : memref<1x1x32x64xf32, #tpu.memory_space<vmem>> -> memref<32x64xf32, #tpu.memory_space<vmem>>
      %dma_wait3A_663 = arith.constant 736 : i32
      %dma_wait3A_664 = tpu.memref_slice %arg6[%dma_wait3A_656, %dma_wait3A_663] : memref<2x1024xi32, #tpu.memory_space<vmem>> -> memref<1x32xi32, #tpu.memory_space<vmem>>
      %dma_wait3A_665 = tpu.memref_squeeze %dma_wait3A_664 : memref<1x32xi32, #tpu.memory_space<vmem>> -> memref<32xi32, #tpu.memory_space<vmem>>
      %dma_wait3A_666 = arith.constant 0 : i32
      %dma_wait3A_667 = arith.constant 0 : i32
      %dma_wait3A_668 = tpu.memref_slice %arg3[%dma_wait3A_666, %dma_wait3A_667] : memref<1000000x64xf32, #tpu.memory_space<hbm>> -> memref<1000000x64xf32, #tpu.memory_space<hbm>>
      tpu.wait_indirect_dma semaphore(%arg10 : memref<!tpu.dma_semaphore, #tpu.memory_space<semaphore_mem>>) src(%dma_wait3A_668 : memref<1000000x64xf32, #tpu.memory_space<hbm>>) dst(%dma_wait3A_662 : memref<32x64xf32, #tpu.memory_space<vmem>>)
      %dma_wait3A_669 = arith.constant 0 : i32
      %dma_wait3A_670 = arith.constant 0 : i32
      %dma_wait3A_671 = arith.constant 23 : i32
      %dma_wait3A_672 = arith.constant 0 : i32
      %dma_wait3A_673 = arith.constant 0 : i32
      %dma_wait3A_674 = tpu.memref_slice %arg8[%dma_wait3A_670, %dma_wait3A_671, %dma_wait3A_672, %dma_wait3A_673] : memref<2x25x32x64xf32, #tpu.memory_space<vmem>> -> memref<1x1x32x64xf32, #tpu.memory_space<vmem>>
      %dma_wait3A_675 = tpu.memref_squeeze %dma_wait3A_674 : memref<1x1x32x64xf32, #tpu.memory_space<vmem>> -> memref<32x64xf32, #tpu.memory_space<vmem>>
      %dma_wait3A_676 = arith.constant 768 : i32
      %dma_wait3A_677 = tpu.memref_slice %arg6[%dma_wait3A_669, %dma_wait3A_676] : memref<2x1024xi32, #tpu.memory_space<vmem>> -> memref<1x32xi32, #tpu.memory_space<vmem>>
      %dma_wait3A_678 = tpu.memref_squeeze %dma_wait3A_677 : memref<1x32xi32, #tpu.memory_space<vmem>> -> memref<32xi32, #tpu.memory_space<vmem>>
      %dma_wait3A_679 = arith.constant 0 : i32
      %dma_wait3A_680 = arith.constant 0 : i32
      %dma_wait3A_681 = tpu.memref_slice %arg3[%dma_wait3A_679, %dma_wait3A_680] : memref<1000000x64xf32, #tpu.memory_space<hbm>> -> memref<1000000x64xf32, #tpu.memory_space<hbm>>
      tpu.wait_indirect_dma semaphore(%arg10 : memref<!tpu.dma_semaphore, #tpu.memory_space<semaphore_mem>>) src(%dma_wait3A_681 : memref<1000000x64xf32, #tpu.memory_space<hbm>>) dst(%dma_wait3A_675 : memref<32x64xf32, #tpu.memory_space<vmem>>)
      %dma_wait3A_682 = arith.constant 0 : i32
      %dma_wait3A_683 = arith.constant 0 : i32
      %dma_wait3A_684 = arith.constant 24 : i32
      %dma_wait3A_685 = arith.constant 0 : i32
      %dma_wait3A_686 = arith.constant 0 : i32
      %dma_wait3A_687 = tpu.memref_slice %arg8[%dma_wait3A_683, %dma_wait3A_684, %dma_wait3A_685, %dma_wait3A_686] : memref<2x25x32x64xf32, #tpu.memory_space<vmem>> -> memref<1x1x32x64xf32, #tpu.memory_space<vmem>>
      %dma_wait3A_688 = tpu.memref_squeeze %dma_wait3A_687 : memref<1x1x32x64xf32, #tpu.memory_space<vmem>> -> memref<32x64xf32, #tpu.memory_space<vmem>>
      %dma_wait3A_689 = arith.constant 800 : i32
      %dma_wait3A_690 = tpu.memref_slice %arg6[%dma_wait3A_682, %dma_wait3A_689] : memref<2x1024xi32, #tpu.memory_space<vmem>> -> memref<1x32xi32, #tpu.memory_space<vmem>>
      %dma_wait3A_691 = tpu.memref_squeeze %dma_wait3A_690 : memref<1x32xi32, #tpu.memory_space<vmem>> -> memref<32xi32, #tpu.memory_space<vmem>>
      %dma_wait3A_692 = arith.constant 0 : i32
      %dma_wait3A_693 = arith.constant 0 : i32
      %dma_wait3A_694 = tpu.memref_slice %arg3[%dma_wait3A_692, %dma_wait3A_693] : memref<1000000x64xf32, #tpu.memory_space<hbm>> -> memref<1000000x64xf32, #tpu.memory_space<hbm>>
      tpu.wait_indirect_dma semaphore(%arg10 : memref<!tpu.dma_semaphore, #tpu.memory_space<semaphore_mem>>) src(%dma_wait3A_694 : memref<1000000x64xf32, #tpu.memory_space<hbm>>) dst(%dma_wait3A_688 : memref<32x64xf32, #tpu.memory_space<vmem>>)
      %scan3A_695 = arith.constant 0 : i32
      %scan3A_696 = arith.constant 0 : i32
      %scan3A_697 = arith.constant 32 : i32
      %scan3A_698 = arith.addi %scan3A_696, %scan3A_697 : i32
      %scan3A_699 = arith.constant 1 : i32
      scf.for %scan3A_1055 = %scan3A_696 to %scan3A_698 step %scan3A_699  : i32 {
        %get3A = arith.constant 0 : i32
        %get3A_1056 = arith.index_cast %get3A : i32 to index
        %get3A_1057 = arith.index_cast %scan3A_1055 : i32 to index
        %get3A_1058 = arith.constant 0 : index
        %get3A_1059 = tpu.vector_load %arg7[%get3A_1056, %get3A_1057, %get3A_1058] {strides = array<i32>} : memref<2x32x64xf32, #tpu.memory_space<vmem>>, vector<16xf32>,
        %get3A_1060 = arith.constant 0 : i32
        %get3A_1061 = arith.index_cast %get3A_1060 : i32 to index
        %get3A_1062 = arith.index_cast %scan3A_1055 : i32 to index
        %get3A_1063 = arith.constant 16 : index
        %get3A_1064 = tpu.vector_load %arg7[%get3A_1061, %get3A_1062, %get3A_1063] {strides = array<i32>} : memref<2x32x64xf32, #tpu.memory_space<vmem>>, vector<16xf32>,
        %get3A_1065 = arith.constant 0 : i32
        %get3A_1066 = arith.index_cast %get3A_1065 : i32 to index
        %get3A_1067 = arith.index_cast %scan3A_1055 : i32 to index
        %get3A_1068 = arith.constant 32 : index
        %get3A_1069 = tpu.vector_load %arg7[%get3A_1066, %get3A_1067, %get3A_1068] {strides = array<i32>} : memref<2x32x64xf32, #tpu.memory_space<vmem>>, vector<16xf32>,
        %get3A_1070 = arith.constant 0 : i32
        %get3A_1071 = arith.index_cast %get3A_1070 : i32 to index
        %get3A_1072 = arith.index_cast %scan3A_1055 : i32 to index
        %get3A_1073 = arith.constant 48 : index
        %get3A_1074 = tpu.vector_load %arg7[%get3A_1071, %get3A_1072, %get3A_1073] {strides = array<i32>} : memref<2x32x64xf32, #tpu.memory_space<vmem>>, vector<16xf32>,
        %iota3A = tpu.iota {dimensions = array<i32: 0>} : vector<16xi32>
        %broadcast_in_dim3A = arith.constant 0.000000e+00 : f32
        %broadcast_in_dim3A_1075 = vector.broadcast %broadcast_in_dim3A : f32 to vector<16xf32>
        %broadcast_in_dim3A_1076 = arith.constant 3.000000e+01 : f32
        %broadcast_in_dim3A_1077 = vector.broadcast %broadcast_in_dim3A_1076 : f32 to vector<16xf32>
        %get3A_1078 = arith.constant 0 : i32
        %get3A_1079 = arith.constant 0 : i32
        %get3A_1080 = arith.index_cast %get3A_1078 : i32 to index
        %get3A_1081 = arith.index_cast %get3A_1079 : i32 to index
        %get3A_1082 = arith.index_cast %scan3A_1055 : i32 to index
        %get3A_1083 = arith.constant 0 : index
        %get3A_1084 = tpu.vector_load %arg8[%get3A_1080, %get3A_1081, %get3A_1082, %get3A_1083] {strides = array<i32>} : memref<2x25x32x64xf32, #tpu.memory_space<vmem>>, vector<16xf32>,
        %mul3A_1085 = arith.mulf %get3A_1084, %get3A_1059 : vector<16xf32>
        %get3A_1086 = arith.constant 0 : i32
        %get3A_1087 = arith.constant 0 : i32
        %get3A_1088 = arith.index_cast %get3A_1086 : i32 to index
        %get3A_1089 = arith.index_cast %get3A_1087 : i32 to index
        %get3A_1090 = arith.index_cast %scan3A_1055 : i32 to index
        %get3A_1091 = arith.constant 16 : index
        %get3A_1092 = tpu.vector_load %arg8[%get3A_1088, %get3A_1089, %get3A_1090, %get3A_1091] {strides = array<i32>} : memref<2x25x32x64xf32, #tpu.memory_space<vmem>>, vector<16xf32>,
        %mul3A_1093 = arith.mulf %get3A_1092, %get3A_1064 : vector<16xf32>
        %add3A_1094 = arith.addf %mul3A_1085, %mul3A_1093 : vector<16xf32>
        %get3A_1095 = arith.constant 0 : i32
        %get3A_1096 = arith.constant 0 : i32
        %get3A_1097 = arith.index_cast %get3A_1095 : i32 to index
        %get3A_1098 = arith.index_cast %get3A_1096 : i32 to index
        %get3A_1099 = arith.index_cast %scan3A_1055 : i32 to index
        %get3A_1100 = arith.constant 32 : index
        %get3A_1101 = tpu.vector_load %arg8[%get3A_1097, %get3A_1098, %get3A_1099, %get3A_1100] {strides = array<i32>} : memref<2x25x32x64xf32, #tpu.memory_space<vmem>>, vector<16xf32>,
        %mul3A_1102 = arith.mulf %get3A_1101, %get3A_1069 : vector<16xf32>
        %add3A_1103 = arith.addf %add3A_1094, %mul3A_1102 : vector<16xf32>
        %get3A_1104 = arith.constant 0 : i32
        %get3A_1105 = arith.constant 0 : i32
        %get3A_1106 = arith.index_cast %get3A_1104 : i32 to index
        %get3A_1107 = arith.index_cast %get3A_1105 : i32 to index
        %get3A_1108 = arith.index_cast %scan3A_1055 : i32 to index
        %get3A_1109 = arith.constant 48 : index
        %get3A_1110 = tpu.vector_load %arg8[%get3A_1106, %get3A_1107, %get3A_1108, %get3A_1109] {strides = array<i32>} : memref<2x25x32x64xf32, #tpu.memory_space<vmem>>, vector<16xf32>,
        %mul3A_1111 = arith.mulf %get3A_1110, %get3A_1074 : vector<16xf32>
        %add3A_1112 = arith.addf %add3A_1103, %mul3A_1111 : vector<16xf32>
        %reduce_sum3A = arith.constant true
        %reduce_sum3A_1113 = vector.broadcast %reduce_sum3A : i1 to vector<16xi1>
        %reduce_sum3A_1114 = tpu.scan <sum>, %add3A_1112 masked %reduce_sum3A_1113 : vector<16xf32>, vector<16xi1> -> vector<16xf32>
        %reduce_sum3A_1115 = vector.extract %reduce_sum3A_1114[15] : f32 from vector<16xf32>
        %eq3A = arith.constant 0 : i32
        %eq3A_1116 = vector.broadcast %eq3A : i32 to vector<16xi32>
        %eq3A_1117 = arith.cmpi eq, %iota3A, %eq3A_1116 : vector<16xi32>
        %broadcast_in_dim3A_1118 = vector.broadcast %reduce_sum3A_1115 : f32 to vector<16xf32>
        %select_n3A = arith.select %eq3A_1117, %broadcast_in_dim3A_1118, %broadcast_in_dim3A_1075 : vector<16xi1>, vector<16xf32>
        %get3A_1119 = arith.constant 0 : i32
        %get3A_1120 = arith.constant 1 : i32
        %get3A_1121 = arith.index_cast %get3A_1119 : i32 to index
        %get3A_1122 = arith.index_cast %get3A_1120 : i32 to index
        %get3A_1123 = arith.index_cast %scan3A_1055 : i32 to index
        %get3A_1124 = arith.constant 0 : index
        %get3A_1125 = tpu.vector_load %arg8[%get3A_1121, %get3A_1122, %get3A_1123, %get3A_1124] {strides = array<i32>} : memref<2x25x32x64xf32, #tpu.memory_space<vmem>>, vector<16xf32>,
        %mul3A_1126 = arith.mulf %get3A_1125, %get3A_1059 : vector<16xf32>
        %get3A_1127 = arith.constant 0 : i32
        %get3A_1128 = arith.constant 1 : i32
        %get3A_1129 = arith.index_cast %get3A_1127 : i32 to index
        %get3A_1130 = arith.index_cast %get3A_1128 : i32 to index
        %get3A_1131 = arith.index_cast %scan3A_1055 : i32 to index
        %get3A_1132 = arith.constant 16 : index
        %get3A_1133 = tpu.vector_load %arg8[%get3A_1129, %get3A_1130, %get3A_1131, %get3A_1132] {strides = array<i32>} : memref<2x25x32x64xf32, #tpu.memory_space<vmem>>, vector<16xf32>,
        %mul3A_1134 = arith.mulf %get3A_1133, %get3A_1064 : vector<16xf32>
        %add3A_1135 = arith.addf %mul3A_1126, %mul3A_1134 : vector<16xf32>
        %get3A_1136 = arith.constant 0 : i32
        %get3A_1137 = arith.constant 1 : i32
        %get3A_1138 = arith.index_cast %get3A_1136 : i32 to index
        %get3A_1139 = arith.index_cast %get3A_1137 : i32 to index
        %get3A_1140 = arith.index_cast %scan3A_1055 : i32 to index
        %get3A_1141 = arith.constant 32 : index
        %get3A_1142 = tpu.vector_load %arg8[%get3A_1138, %get3A_1139, %get3A_1140, %get3A_1141] {strides = array<i32>} : memref<2x25x32x64xf32, #tpu.memory_space<vmem>>, vector<16xf32>,
        %mul3A_1143 = arith.mulf %get3A_1142, %get3A_1069 : vector<16xf32>
        %add3A_1144 = arith.addf %add3A_1135, %mul3A_1143 : vector<16xf32>
        %get3A_1145 = arith.constant 0 : i32
        %get3A_1146 = arith.constant 1 : i32
        %get3A_1147 = arith.index_cast %get3A_1145 : i32 to index
        %get3A_1148 = arith.index_cast %get3A_1146 : i32 to index
        %get3A_1149 = arith.index_cast %scan3A_1055 : i32 to index
        %get3A_1150 = arith.constant 48 : index
        %get3A_1151 = tpu.vector_load %arg8[%get3A_1147, %get3A_1148, %get3A_1149, %get3A_1150] {strides = array<i32>} : memref<2x25x32x64xf32, #tpu.memory_space<vmem>>, vector<16xf32>,
        %mul3A_1152 = arith.mulf %get3A_1151, %get3A_1074 : vector<16xf32>
        %add3A_1153 = arith.addf %add3A_1144, %mul3A_1152 : vector<16xf32>
        %reduce_sum3A_1154 = arith.constant true
        %reduce_sum3A_1155 = vector.broadcast %reduce_sum3A_1154 : i1 to vector<16xi1>
        %reduce_sum3A_1156 = tpu.scan <sum>, %add3A_1153 masked %reduce_sum3A_1155 : vector<16xf32>, vector<16xi1> -> vector<16xf32>
        %reduce_sum3A_1157 = vector.extract %reduce_sum3A_1156[15] : f32 from vector<16xf32>
        %eq3A_1158 = arith.constant 1 : i32
        %eq3A_1159 = vector.broadcast %eq3A_1158 : i32 to vector<16xi32>
        %eq3A_1160 = arith.cmpi eq, %iota3A, %eq3A_1159 : vector<16xi32>
        %broadcast_in_dim3A_1161 = vector.broadcast %reduce_sum3A_1157 : f32 to vector<16xf32>
        %select_n3A_1162 = arith.select %eq3A_1160, %broadcast_in_dim3A_1161, %select_n3A : vector<16xi1>, vector<16xf32>
        %get3A_1163 = arith.constant 0 : i32
        %get3A_1164 = arith.constant 2 : i32
        %get3A_1165 = arith.index_cast %get3A_1163 : i32 to index
        %get3A_1166 = arith.index_cast %get3A_1164 : i32 to index
        %get3A_1167 = arith.index_cast %scan3A_1055 : i32 to index
        %get3A_1168 = arith.constant 0 : index
        %get3A_1169 = tpu.vector_load %arg8[%get3A_1165, %get3A_1166, %get3A_1167, %get3A_1168] {strides = array<i32>} : memref<2x25x32x64xf32, #tpu.memory_space<vmem>>, vector<16xf32>,
        %mul3A_1170 = arith.mulf %get3A_1169, %get3A_1059 : vector<16xf32>
        %get3A_1171 = arith.constant 0 : i32
        %get3A_1172 = arith.constant 2 : i32
        %get3A_1173 = arith.index_cast %get3A_1171 : i32 to index
        %get3A_1174 = arith.index_cast %get3A_1172 : i32 to index
        %get3A_1175 = arith.index_cast %scan3A_1055 : i32 to index
        %get3A_1176 = arith.constant 16 : index
        %get3A_1177 = tpu.vector_load %arg8[%get3A_1173, %get3A_1174, %get3A_1175, %get3A_1176] {strides = array<i32>} : memref<2x25x32x64xf32, #tpu.memory_space<vmem>>, vector<16xf32>,
        %mul3A_1178 = arith.mulf %get3A_1177, %get3A_1064 : vector<16xf32>
        %add3A_1179 = arith.addf %mul3A_1170, %mul3A_1178 : vector<16xf32>
        %get3A_1180 = arith.constant 0 : i32
        %get3A_1181 = arith.constant 2 : i32
        %get3A_1182 = arith.index_cast %get3A_1180 : i32 to index
        %get3A_1183 = arith.index_cast %get3A_1181 : i32 to index
        %get3A_1184 = arith.index_cast %scan3A_1055 : i32 to index
        %get3A_1185 = arith.constant 32 : index
        %get3A_1186 = tpu.vector_load %arg8[%get3A_1182, %get3A_1183, %get3A_1184, %get3A_1185] {strides = array<i32>} : memref<2x25x32x64xf32, #tpu.memory_space<vmem>>, vector<16xf32>,
        %mul3A_1187 = arith.mulf %get3A_1186, %get3A_1069 : vector<16xf32>
        %add3A_1188 = arith.addf %add3A_1179, %mul3A_1187 : vector<16xf32>
        %get3A_1189 = arith.constant 0 : i32
        %get3A_1190 = arith.constant 2 : i32
        %get3A_1191 = arith.index_cast %get3A_1189 : i32 to index
        %get3A_1192 = arith.index_cast %get3A_1190 : i32 to index
        %get3A_1193 = arith.index_cast %scan3A_1055 : i32 to index
        %get3A_1194 = arith.constant 48 : index
        %get3A_1195 = tpu.vector_load %arg8[%get3A_1191, %get3A_1192, %get3A_1193, %get3A_1194] {strides = array<i32>} : memref<2x25x32x64xf32, #tpu.memory_space<vmem>>, vector<16xf32>,
        %mul3A_1196 = arith.mulf %get3A_1195, %get3A_1074 : vector<16xf32>
        %add3A_1197 = arith.addf %add3A_1188, %mul3A_1196 : vector<16xf32>
        %reduce_sum3A_1198 = arith.constant true
        %reduce_sum3A_1199 = vector.broadcast %reduce_sum3A_1198 : i1 to vector<16xi1>
        %reduce_sum3A_1200 = tpu.scan <sum>, %add3A_1197 masked %reduce_sum3A_1199 : vector<16xf32>, vector<16xi1> -> vector<16xf32>
        %reduce_sum3A_1201 = vector.extract %reduce_sum3A_1200[15] : f32 from vector<16xf32>
        %eq3A_1202 = arith.constant 2 : i32
        %eq3A_1203 = vector.broadcast %eq3A_1202 : i32 to vector<16xi32>
        %eq3A_1204 = arith.cmpi eq, %iota3A, %eq3A_1203 : vector<16xi32>
        %broadcast_in_dim3A_1205 = vector.broadcast %reduce_sum3A_1201 : f32 to vector<16xf32>
        %select_n3A_1206 = arith.select %eq3A_1204, %broadcast_in_dim3A_1205, %select_n3A_1162 : vector<16xi1>, vector<16xf32>
        %get3A_1207 = arith.constant 0 : i32
        %get3A_1208 = arith.constant 3 : i32
        %get3A_1209 = arith.index_cast %get3A_1207 : i32 to index
        %get3A_1210 = arith.index_cast %get3A_1208 : i32 to index
        %get3A_1211 = arith.index_cast %scan3A_1055 : i32 to index
        %get3A_1212 = arith.constant 0 : index
        %get3A_1213 = tpu.vector_load %arg8[%get3A_1209, %get3A_1210, %get3A_1211, %get3A_1212] {strides = array<i32>} : memref<2x25x32x64xf32, #tpu.memory_space<vmem>>, vector<16xf32>,
        %mul3A_1214 = arith.mulf %get3A_1213, %get3A_1059 : vector<16xf32>
        %get3A_1215 = arith.constant 0 : i32
        %get3A_1216 = arith.constant 3 : i32
        %get3A_1217 = arith.index_cast %get3A_1215 : i32 to index
        %get3A_1218 = arith.index_cast %get3A_1216 : i32 to index
        %get3A_1219 = arith.index_cast %scan3A_1055 : i32 to index
        %get3A_1220 = arith.constant 16 : index
        %get3A_1221 = tpu.vector_load %arg8[%get3A_1217, %get3A_1218, %get3A_1219, %get3A_1220] {strides = array<i32>} : memref<2x25x32x64xf32, #tpu.memory_space<vmem>>, vector<16xf32>,
        %mul3A_1222 = arith.mulf %get3A_1221, %get3A_1064 : vector<16xf32>
        %add3A_1223 = arith.addf %mul3A_1214, %mul3A_1222 : vector<16xf32>
        %get3A_1224 = arith.constant 0 : i32
        %get3A_1225 = arith.constant 3 : i32
        %get3A_1226 = arith.index_cast %get3A_1224 : i32 to index
        %get3A_1227 = arith.index_cast %get3A_1225 : i32 to index
        %get3A_1228 = arith.index_cast %scan3A_1055 : i32 to index
        %get3A_1229 = arith.constant 32 : index
        %get3A_1230 = tpu.vector_load %arg8[%get3A_1226, %get3A_1227, %get3A_1228, %get3A_1229] {strides = array<i32>} : memref<2x25x32x64xf32, #tpu.memory_space<vmem>>, vector<16xf32>,
        %mul3A_1231 = arith.mulf %get3A_1230, %get3A_1069 : vector<16xf32>
        %add3A_1232 = arith.addf %add3A_1223, %mul3A_1231 : vector<16xf32>
        %get3A_1233 = arith.constant 0 : i32
        %get3A_1234 = arith.constant 3 : i32
        %get3A_1235 = arith.index_cast %get3A_1233 : i32 to index
        %get3A_1236 = arith.index_cast %get3A_1234 : i32 to index
        %get3A_1237 = arith.index_cast %scan3A_1055 : i32 to index
        %get3A_1238 = arith.constant 48 : index
        %get3A_1239 = tpu.vector_load %arg8[%get3A_1235, %get3A_1236, %get3A_1237, %get3A_1238] {strides = array<i32>} : memref<2x25x32x64xf32, #tpu.memory_space<vmem>>, vector<16xf32>,
        %mul3A_1240 = arith.mulf %get3A_1239, %get3A_1074 : vector<16xf32>
        %add3A_1241 = arith.addf %add3A_1232, %mul3A_1240 : vector<16xf32>
        %reduce_sum3A_1242 = arith.constant true
        %reduce_sum3A_1243 = vector.broadcast %reduce_sum3A_1242 : i1 to vector<16xi1>
        %reduce_sum3A_1244 = tpu.scan <sum>, %add3A_1241 masked %reduce_sum3A_1243 : vector<16xf32>, vector<16xi1> -> vector<16xf32>
        %reduce_sum3A_1245 = vector.extract %reduce_sum3A_1244[15] : f32 from vector<16xf32>
        %eq3A_1246 = arith.constant 3 : i32
        %eq3A_1247 = vector.broadcast %eq3A_1246 : i32 to vector<16xi32>
        %eq3A_1248 = arith.cmpi eq, %iota3A, %eq3A_1247 : vector<16xi32>
        %broadcast_in_dim3A_1249 = vector.broadcast %reduce_sum3A_1245 : f32 to vector<16xf32>
        %select_n3A_1250 = arith.select %eq3A_1248, %broadcast_in_dim3A_1249, %select_n3A_1206 : vector<16xi1>, vector<16xf32>
        %get3A_1251 = arith.constant 0 : i32
        %get3A_1252 = arith.constant 4 : i32
        %get3A_1253 = arith.index_cast %get3A_1251 : i32 to index
        %get3A_1254 = arith.index_cast %get3A_1252 : i32 to index
        %get3A_1255 = arith.index_cast %scan3A_1055 : i32 to index
        %get3A_1256 = arith.constant 0 : index
        %get3A_1257 = tpu.vector_load %arg8[%get3A_1253, %get3A_1254, %get3A_1255, %get3A_1256] {strides = array<i32>} : memref<2x25x32x64xf32, #tpu.memory_space<vmem>>, vector<16xf32>,
        %mul3A_1258 = arith.mulf %get3A_1257, %get3A_1059 : vector<16xf32>
        %get3A_1259 = arith.constant 0 : i32
        %get3A_1260 = arith.constant 4 : i32
        %get3A_1261 = arith.index_cast %get3A_1259 : i32 to index
        %get3A_1262 = arith.index_cast %get3A_1260 : i32 to index
        %get3A_1263 = arith.index_cast %scan3A_1055 : i32 to index
        %get3A_1264 = arith.constant 16 : index
        %get3A_1265 = tpu.vector_load %arg8[%get3A_1261, %get3A_1262, %get3A_1263, %get3A_1264] {strides = array<i32>} : memref<2x25x32x64xf32, #tpu.memory_space<vmem>>, vector<16xf32>,
        %mul3A_1266 = arith.mulf %get3A_1265, %get3A_1064 : vector<16xf32>
        %add3A_1267 = arith.addf %mul3A_1258, %mul3A_1266 : vector<16xf32>
        %get3A_1268 = arith.constant 0 : i32
        %get3A_1269 = arith.constant 4 : i32
        %get3A_1270 = arith.index_cast %get3A_1268 : i32 to index
        %get3A_1271 = arith.index_cast %get3A_1269 : i32 to index
        %get3A_1272 = arith.index_cast %scan3A_1055 : i32 to index
        %get3A_1273 = arith.constant 32 : index
        %get3A_1274 = tpu.vector_load %arg8[%get3A_1270, %get3A_1271, %get3A_1272, %get3A_1273] {strides = array<i32>} : memref<2x25x32x64xf32, #tpu.memory_space<vmem>>, vector<16xf32>,
        %mul3A_1275 = arith.mulf %get3A_1274, %get3A_1069 : vector<16xf32>
        %add3A_1276 = arith.addf %add3A_1267, %mul3A_1275 : vector<16xf32>
        %get3A_1277 = arith.constant 0 : i32
        %get3A_1278 = arith.constant 4 : i32
        %get3A_1279 = arith.index_cast %get3A_1277 : i32 to index
        %get3A_1280 = arith.index_cast %get3A_1278 : i32 to index
        %get3A_1281 = arith.index_cast %scan3A_1055 : i32 to index
        %get3A_1282 = arith.constant 48 : index
        %get3A_1283 = tpu.vector_load %arg8[%get3A_1279, %get3A_1280, %get3A_1281, %get3A_1282] {strides = array<i32>} : memref<2x25x32x64xf32, #tpu.memory_space<vmem>>, vector<16xf32>,
        %mul3A_1284 = arith.mulf %get3A_1283, %get3A_1074 : vector<16xf32>
        %add3A_1285 = arith.addf %add3A_1276, %mul3A_1284 : vector<16xf32>
        %reduce_sum3A_1286 = arith.constant true
        %reduce_sum3A_1287 = vector.broadcast %reduce_sum3A_1286 : i1 to vector<16xi1>
        %reduce_sum3A_1288 = tpu.scan <sum>, %add3A_1285 masked %reduce_sum3A_1287 : vector<16xf32>, vector<16xi1> -> vector<16xf32>
        %reduce_sum3A_1289 = vector.extract %reduce_sum3A_1288[15] : f32 from vector<16xf32>
        %eq3A_1290 = arith.constant 4 : i32
        %eq3A_1291 = vector.broadcast %eq3A_1290 : i32 to vector<16xi32>
        %eq3A_1292 = arith.cmpi eq, %iota3A, %eq3A_1291 : vector<16xi32>
        %broadcast_in_dim3A_1293 = vector.broadcast %reduce_sum3A_1289 : f32 to vector<16xf32>
        %select_n3A_1294 = arith.select %eq3A_1292, %broadcast_in_dim3A_1293, %select_n3A_1250 : vector<16xi1>, vector<16xf32>
        %get3A_1295 = arith.constant 0 : i32
        %get3A_1296 = arith.constant 5 : i32
        %get3A_1297 = arith.index_cast %get3A_1295 : i32 to index
        %get3A_1298 = arith.index_cast %get3A_1296 : i32 to index
        %get3A_1299 = arith.index_cast %scan3A_1055 : i32 to index
        %get3A_1300 = arith.constant 0 : index
        %get3A_1301 = tpu.vector_load %arg8[%get3A_1297, %get3A_1298, %get3A_1299, %get3A_1300] {strides = array<i32>} : memref<2x25x32x64xf32, #tpu.memory_space<vmem>>, vector<16xf32>,
        %mul3A_1302 = arith.mulf %get3A_1301, %get3A_1059 : vector<16xf32>
        %get3A_1303 = arith.constant 0 : i32
        %get3A_1304 = arith.constant 5 : i32
        %get3A_1305 = arith.index_cast %get3A_1303 : i32 to index
        %get3A_1306 = arith.index_cast %get3A_1304 : i32 to index
        %get3A_1307 = arith.index_cast %scan3A_1055 : i32 to index
        %get3A_1308 = arith.constant 16 : index
        %get3A_1309 = tpu.vector_load %arg8[%get3A_1305, %get3A_1306, %get3A_1307, %get3A_1308] {strides = array<i32>} : memref<2x25x32x64xf32, #tpu.memory_space<vmem>>, vector<16xf32>,
        %mul3A_1310 = arith.mulf %get3A_1309, %get3A_1064 : vector<16xf32>
        %add3A_1311 = arith.addf %mul3A_1302, %mul3A_1310 : vector<16xf32>
        %get3A_1312 = arith.constant 0 : i32
        %get3A_1313 = arith.constant 5 : i32
        %get3A_1314 = arith.index_cast %get3A_1312 : i32 to index
        %get3A_1315 = arith.index_cast %get3A_1313 : i32 to index
        %get3A_1316 = arith.index_cast %scan3A_1055 : i32 to index
        %get3A_1317 = arith.constant 32 : index
        %get3A_1318 = tpu.vector_load %arg8[%get3A_1314, %get3A_1315, %get3A_1316, %get3A_1317] {strides = array<i32>} : memref<2x25x32x64xf32, #tpu.memory_space<vmem>>, vector<16xf32>,
        %mul3A_1319 = arith.mulf %get3A_1318, %get3A_1069 : vector<16xf32>
        %add3A_1320 = arith.addf %add3A_1311, %mul3A_1319 : vector<16xf32>
        %get3A_1321 = arith.constant 0 : i32
        %get3A_1322 = arith.constant 5 : i32
        %get3A_1323 = arith.index_cast %get3A_1321 : i32 to index
        %get3A_1324 = arith.index_cast %get3A_1322 : i32 to index
        %get3A_1325 = arith.index_cast %scan3A_1055 : i32 to index
        %get3A_1326 = arith.constant 48 : index
        %get3A_1327 = tpu.vector_load %arg8[%get3A_1323, %get3A_1324, %get3A_1325, %get3A_1326] {strides = array<i32>} : memref<2x25x32x64xf32, #tpu.memory_space<vmem>>, vector<16xf32>,
        %mul3A_1328 = arith.mulf %get3A_1327, %get3A_1074 : vector<16xf32>
        %add3A_1329 = arith.addf %add3A_1320, %mul3A_1328 : vector<16xf32>
        %reduce_sum3A_1330 = arith.constant true
        %reduce_sum3A_1331 = vector.broadcast %reduce_sum3A_1330 : i1 to vector<16xi1>
        %reduce_sum3A_1332 = tpu.scan <sum>, %add3A_1329 masked %reduce_sum3A_1331 : vector<16xf32>, vector<16xi1> -> vector<16xf32>
        %reduce_sum3A_1333 = vector.extract %reduce_sum3A_1332[15] : f32 from vector<16xf32>
        %neg3A = arith.constant 0.000000e+00 : f32
        %neg3A_1334 = arith.subf %neg3A, %reduce_sum3A_1333 : f32
        %eq3A_1335 = arith.constant 5 : i32
        %eq3A_1336 = vector.broadcast %eq3A_1335 : i32 to vector<16xi32>
        %eq3A_1337 = arith.cmpi eq, %iota3A, %eq3A_1336 : vector<16xi32>
        %broadcast_in_dim3A_1338 = vector.broadcast %neg3A_1334 : f32 to vector<16xf32>
        %select_n3A_1339 = arith.select %eq3A_1337, %broadcast_in_dim3A_1338, %select_n3A_1294 : vector<16xi1>, vector<16xf32>
        %get3A_1340 = arith.constant 0 : i32
        %get3A_1341 = arith.constant 6 : i32
        %get3A_1342 = arith.index_cast %get3A_1340 : i32 to index
        %get3A_1343 = arith.index_cast %get3A_1341 : i32 to index
        %get3A_1344 = arith.index_cast %scan3A_1055 : i32 to index
        %get3A_1345 = arith.constant 0 : index
        %get3A_1346 = tpu.vector_load %arg8[%get3A_1342, %get3A_1343, %get3A_1344, %get3A_1345] {strides = array<i32>} : memref<2x25x32x64xf32, #tpu.memory_space<vmem>>, vector<16xf32>,
        %mul3A_1347 = arith.mulf %get3A_1346, %get3A_1059 : vector<16xf32>
        %get3A_1348 = arith.constant 0 : i32
        %get3A_1349 = arith.constant 6 : i32
        %get3A_1350 = arith.index_cast %get3A_1348 : i32 to index
        %get3A_1351 = arith.index_cast %get3A_1349 : i32 to index
        %get3A_1352 = arith.index_cast %scan3A_1055 : i32 to index
        %get3A_1353 = arith.constant 16 : index
        %get3A_1354 = tpu.vector_load %arg8[%get3A_1350, %get3A_1351, %get3A_1352, %get3A_1353] {strides = array<i32>} : memref<2x25x32x64xf32, #tpu.memory_space<vmem>>, vector<16xf32>,
        %mul3A_1355 = arith.mulf %get3A_1354, %get3A_1064 : vector<16xf32>
        %add3A_1356 = arith.addf %mul3A_1347, %mul3A_1355 : vector<16xf32>
        %get3A_1357 = arith.constant 0 : i32
        %get3A_1358 = arith.constant 6 : i32
        %get3A_1359 = arith.index_cast %get3A_1357 : i32 to index
        %get3A_1360 = arith.index_cast %get3A_1358 : i32 to index
        %get3A_1361 = arith.index_cast %scan3A_1055 : i32 to index
        %get3A_1362 = arith.constant 32 : index
        %get3A_1363 = tpu.vector_load %arg8[%get3A_1359, %get3A_1360, %get3A_1361, %get3A_1362] {strides = array<i32>} : memref<2x25x32x64xf32, #tpu.memory_space<vmem>>, vector<16xf32>,
        %mul3A_1364 = arith.mulf %get3A_1363, %get3A_1069 : vector<16xf32>
        %add3A_1365 = arith.addf %add3A_1356, %mul3A_1364 : vector<16xf32>
        %get3A_1366 = arith.constant 0 : i32
        %get3A_1367 = arith.constant 6 : i32
        %get3A_1368 = arith.index_cast %get3A_1366 : i32 to index
        %get3A_1369 = arith.index_cast %get3A_1367 : i32 to index
        %get3A_1370 = arith.index_cast %scan3A_1055 : i32 to index
        %get3A_1371 = arith.constant 48 : index
        %get3A_1372 = tpu.vector_load %arg8[%get3A_1368, %get3A_1369, %get3A_1370, %get3A_1371] {strides = array<i32>} : memref<2x25x32x64xf32, #tpu.memory_space<vmem>>, vector<16xf32>,
        %mul3A_1373 = arith.mulf %get3A_1372, %get3A_1074 : vector<16xf32>
        %add3A_1374 = arith.addf %add3A_1365, %mul3A_1373 : vector<16xf32>
        %reduce_sum3A_1375 = arith.constant true
        %reduce_sum3A_1376 = vector.broadcast %reduce_sum3A_1375 : i1 to vector<16xi1>
        %reduce_sum3A_1377 = tpu.scan <sum>, %add3A_1374 masked %reduce_sum3A_1376 : vector<16xf32>, vector<16xi1> -> vector<16xf32>
        %reduce_sum3A_1378 = vector.extract %reduce_sum3A_1377[15] : f32 from vector<16xf32>
        %neg3A_1379 = arith.constant 0.000000e+00 : f32
        %neg3A_1380 = arith.subf %neg3A_1379, %reduce_sum3A_1378 : f32
        %eq3A_1381 = arith.constant 6 : i32
        %eq3A_1382 = vector.broadcast %eq3A_1381 : i32 to vector<16xi32>
        %eq3A_1383 = arith.cmpi eq, %iota3A, %eq3A_1382 : vector<16xi32>
        %broadcast_in_dim3A_1384 = vector.broadcast %neg3A_1380 : f32 to vector<16xf32>
        %select_n3A_1385 = arith.select %eq3A_1383, %broadcast_in_dim3A_1384, %select_n3A_1339 : vector<16xi1>, vector<16xf32>
        %get3A_1386 = arith.constant 0 : i32
        %get3A_1387 = arith.constant 7 : i32
        %get3A_1388 = arith.index_cast %get3A_1386 : i32 to index
        %get3A_1389 = arith.index_cast %get3A_1387 : i32 to index
        %get3A_1390 = arith.index_cast %scan3A_1055 : i32 to index
        %get3A_1391 = arith.constant 0 : index
        %get3A_1392 = tpu.vector_load %arg8[%get3A_1388, %get3A_1389, %get3A_1390, %get3A_1391] {strides = array<i32>} : memref<2x25x32x64xf32, #tpu.memory_space<vmem>>, vector<16xf32>,
        %mul3A_1393 = arith.mulf %get3A_1392, %get3A_1059 : vector<16xf32>
        %get3A_1394 = arith.constant 0 : i32
        %get3A_1395 = arith.constant 7 : i32
        %get3A_1396 = arith.index_cast %get3A_1394 : i32 to index
        %get3A_1397 = arith.index_cast %get3A_1395 : i32 to index
        %get3A_1398 = arith.index_cast %scan3A_1055 : i32 to index
        %get3A_1399 = arith.constant 16 : index
        %get3A_1400 = tpu.vector_load %arg8[%get3A_1396, %get3A_1397, %get3A_1398, %get3A_1399] {strides = array<i32>} : memref<2x25x32x64xf32, #tpu.memory_space<vmem>>, vector<16xf32>,
        %mul3A_1401 = arith.mulf %get3A_1400, %get3A_1064 : vector<16xf32>
        %add3A_1402 = arith.addf %mul3A_1393, %mul3A_1401 : vector<16xf32>
        %get3A_1403 = arith.constant 0 : i32
        %get3A_1404 = arith.constant 7 : i32
        %get3A_1405 = arith.index_cast %get3A_1403 : i32 to index
        %get3A_1406 = arith.index_cast %get3A_1404 : i32 to index
        %get3A_1407 = arith.index_cast %scan3A_1055 : i32 to index
        %get3A_1408 = arith.constant 32 : index
        %get3A_1409 = tpu.vector_load %arg8[%get3A_1405, %get3A_1406, %get3A_1407, %get3A_1408] {strides = array<i32>} : memref<2x25x32x64xf32, #tpu.memory_space<vmem>>, vector<16xf32>,
        %mul3A_1410 = arith.mulf %get3A_1409, %get3A_1069 : vector<16xf32>
        %add3A_1411 = arith.addf %add3A_1402, %mul3A_1410 : vector<16xf32>
        %get3A_1412 = arith.constant 0 : i32
        %get3A_1413 = arith.constant 7 : i32
        %get3A_1414 = arith.index_cast %get3A_1412 : i32 to index
        %get3A_1415 = arith.index_cast %get3A_1413 : i32 to index
        %get3A_1416 = arith.index_cast %scan3A_1055 : i32 to index
        %get3A_1417 = arith.constant 48 : index
        %get3A_1418 = tpu.vector_load %arg8[%get3A_1414, %get3A_1415, %get3A_1416, %get3A_1417] {strides = array<i32>} : memref<2x25x32x64xf32, #tpu.memory_space<vmem>>, vector<16xf32>,
        %mul3A_1419 = arith.mulf %get3A_1418, %get3A_1074 : vector<16xf32>
        %add3A_1420 = arith.addf %add3A_1411, %mul3A_1419 : vector<16xf32>
        %reduce_sum3A_1421 = arith.constant true
        %reduce_sum3A_1422 = vector.broadcast %reduce_sum3A_1421 : i1 to vector<16xi1>
        %reduce_sum3A_1423 = tpu.scan <sum>, %add3A_1420 masked %reduce_sum3A_1422 : vector<16xf32>, vector<16xi1> -> vector<16xf32>
        %reduce_sum3A_1424 = vector.extract %reduce_sum3A_1423[15] : f32 from vector<16xf32>
        %neg3A_1425 = arith.constant 0.000000e+00 : f32
        %neg3A_1426 = arith.subf %neg3A_1425, %reduce_sum3A_1424 : f32
        %eq3A_1427 = arith.constant 7 : i32
        %eq3A_1428 = vector.broadcast %eq3A_1427 : i32 to vector<16xi32>
        %eq3A_1429 = arith.cmpi eq, %iota3A, %eq3A_1428 : vector<16xi32>
        %broadcast_in_dim3A_1430 = vector.broadcast %neg3A_1426 : f32 to vector<16xf32>
        %select_n3A_1431 = arith.select %eq3A_1429, %broadcast_in_dim3A_1430, %select_n3A_1385 : vector<16xi1>, vector<16xf32>
        %get3A_1432 = arith.constant 0 : i32
        %get3A_1433 = arith.constant 8 : i32
        %get3A_1434 = arith.index_cast %get3A_1432 : i32 to index
        %get3A_1435 = arith.index_cast %get3A_1433 : i32 to index
        %get3A_1436 = arith.index_cast %scan3A_1055 : i32 to index
        %get3A_1437 = arith.constant 0 : index
        %get3A_1438 = tpu.vector_load %arg8[%get3A_1434, %get3A_1435, %get3A_1436, %get3A_1437] {strides = array<i32>} : memref<2x25x32x64xf32, #tpu.memory_space<vmem>>, vector<16xf32>,
        %mul3A_1439 = arith.mulf %get3A_1438, %get3A_1059 : vector<16xf32>
        %get3A_1440 = arith.constant 0 : i32
        %get3A_1441 = arith.constant 8 : i32
        %get3A_1442 = arith.index_cast %get3A_1440 : i32 to index
        %get3A_1443 = arith.index_cast %get3A_1441 : i32 to index
        %get3A_1444 = arith.index_cast %scan3A_1055 : i32 to index
        %get3A_1445 = arith.constant 16 : index
        %get3A_1446 = tpu.vector_load %arg8[%get3A_1442, %get3A_1443, %get3A_1444, %get3A_1445] {strides = array<i32>} : memref<2x25x32x64xf32, #tpu.memory_space<vmem>>, vector<16xf32>,
        %mul3A_1447 = arith.mulf %get3A_1446, %get3A_1064 : vector<16xf32>
        %add3A_1448 = arith.addf %mul3A_1439, %mul3A_1447 : vector<16xf32>
        %get3A_1449 = arith.constant 0 : i32
        %get3A_1450 = arith.constant 8 : i32
        %get3A_1451 = arith.index_cast %get3A_1449 : i32 to index
        %get3A_1452 = arith.index_cast %get3A_1450 : i32 to index
        %get3A_1453 = arith.index_cast %scan3A_1055 : i32 to index
        %get3A_1454 = arith.constant 32 : index
        %get3A_1455 = tpu.vector_load %arg8[%get3A_1451, %get3A_1452, %get3A_1453, %get3A_1454] {strides = array<i32>} : memref<2x25x32x64xf32, #tpu.memory_space<vmem>>, vector<16xf32>,
        %mul3A_1456 = arith.mulf %get3A_1455, %get3A_1069 : vector<16xf32>
        %add3A_1457 = arith.addf %add3A_1448, %mul3A_1456 : vector<16xf32>
        %get3A_1458 = arith.constant 0 : i32
        %get3A_1459 = arith.constant 8 : i32
        %get3A_1460 = arith.index_cast %get3A_1458 : i32 to index
        %get3A_1461 = arith.index_cast %get3A_1459 : i32 to index
        %get3A_1462 = arith.index_cast %scan3A_1055 : i32 to index
        %get3A_1463 = arith.constant 48 : index
        %get3A_1464 = tpu.vector_load %arg8[%get3A_1460, %get3A_1461, %get3A_1462, %get3A_1463] {strides = array<i32>} : memref<2x25x32x64xf32, #tpu.memory_space<vmem>>, vector<16xf32>,
        %mul3A_1465 = arith.mulf %get3A_1464, %get3A_1074 : vector<16xf32>
        %add3A_1466 = arith.addf %add3A_1457, %mul3A_1465 : vector<16xf32>
        %reduce_sum3A_1467 = arith.constant true
        %reduce_sum3A_1468 = vector.broadcast %reduce_sum3A_1467 : i1 to vector<16xi1>
        %reduce_sum3A_1469 = tpu.scan <sum>, %add3A_1466 masked %reduce_sum3A_1468 : vector<16xf32>, vector<16xi1> -> vector<16xf32>
        %reduce_sum3A_1470 = vector.extract %reduce_sum3A_1469[15] : f32 from vector<16xf32>
        %neg3A_1471 = arith.constant 0.000000e+00 : f32
        %neg3A_1472 = arith.subf %neg3A_1471, %reduce_sum3A_1470 : f32
        %eq3A_1473 = arith.constant 8 : i32
        %eq3A_1474 = vector.broadcast %eq3A_1473 : i32 to vector<16xi32>
        %eq3A_1475 = arith.cmpi eq, %iota3A, %eq3A_1474 : vector<16xi32>
        %broadcast_in_dim3A_1476 = vector.broadcast %neg3A_1472 : f32 to vector<16xf32>
        %select_n3A_1477 = arith.select %eq3A_1475, %broadcast_in_dim3A_1476, %select_n3A_1431 : vector<16xi1>, vector<16xf32>
        %get3A_1478 = arith.constant 0 : i32
        %get3A_1479 = arith.constant 9 : i32
        %get3A_1480 = arith.index_cast %get3A_1478 : i32 to index
        %get3A_1481 = arith.index_cast %get3A_1479 : i32 to index
        %get3A_1482 = arith.index_cast %scan3A_1055 : i32 to index
        %get3A_1483 = arith.constant 0 : index
        %get3A_1484 = tpu.vector_load %arg8[%get3A_1480, %get3A_1481, %get3A_1482, %get3A_1483] {strides = array<i32>} : memref<2x25x32x64xf32, #tpu.memory_space<vmem>>, vector<16xf32>,
        %mul3A_1485 = arith.mulf %get3A_1484, %get3A_1059 : vector<16xf32>
        %get3A_1486 = arith.constant 0 : i32
        %get3A_1487 = arith.constant 9 : i32
        %get3A_1488 = arith.index_cast %get3A_1486 : i32 to index
        %get3A_1489 = arith.index_cast %get3A_1487 : i32 to index
        %get3A_1490 = arith.index_cast %scan3A_1055 : i32 to index
        %get3A_1491 = arith.constant 16 : index
        %get3A_1492 = tpu.vector_load %arg8[%get3A_1488, %get3A_1489, %get3A_1490, %get3A_1491] {strides = array<i32>} : memref<2x25x32x64xf32, #tpu.memory_space<vmem>>, vector<16xf32>,
        %mul3A_1493 = arith.mulf %get3A_1492, %get3A_1064 : vector<16xf32>
        %add3A_1494 = arith.addf %mul3A_1485, %mul3A_1493 : vector<16xf32>
        %get3A_1495 = arith.constant 0 : i32
        %get3A_1496 = arith.constant 9 : i32
        %get3A_1497 = arith.index_cast %get3A_1495 : i32 to index
        %get3A_1498 = arith.index_cast %get3A_1496 : i32 to index
        %get3A_1499 = arith.index_cast %scan3A_1055 : i32 to index
        %get3A_1500 = arith.constant 32 : index
        %get3A_1501 = tpu.vector_load %arg8[%get3A_1497, %get3A_1498, %get3A_1499, %get3A_1500] {strides = array<i32>} : memref<2x25x32x64xf32, #tpu.memory_space<vmem>>, vector<16xf32>,
        %mul3A_1502 = arith.mulf %get3A_1501, %get3A_1069 : vector<16xf32>
        %add3A_1503 = arith.addf %add3A_1494, %mul3A_1502 : vector<16xf32>
        %get3A_1504 = arith.constant 0 : i32
        %get3A_1505 = arith.constant 9 : i32
        %get3A_1506 = arith.index_cast %get3A_1504 : i32 to index
        %get3A_1507 = arith.index_cast %get3A_1505 : i32 to index
        %get3A_1508 = arith.index_cast %scan3A_1055 : i32 to index
        %get3A_1509 = arith.constant 48 : index
        %get3A_1510 = tpu.vector_load %arg8[%get3A_1506, %get3A_1507, %get3A_1508, %get3A_1509] {strides = array<i32>} : memref<2x25x32x64xf32, #tpu.memory_space<vmem>>, vector<16xf32>,
        %mul3A_1511 = arith.mulf %get3A_1510, %get3A_1074 : vector<16xf32>
        %add3A_1512 = arith.addf %add3A_1503, %mul3A_1511 : vector<16xf32>
        %reduce_sum3A_1513 = arith.constant true
        %reduce_sum3A_1514 = vector.broadcast %reduce_sum3A_1513 : i1 to vector<16xi1>
        %reduce_sum3A_1515 = tpu.scan <sum>, %add3A_1512 masked %reduce_sum3A_1514 : vector<16xf32>, vector<16xi1> -> vector<16xf32>
        %reduce_sum3A_1516 = vector.extract %reduce_sum3A_1515[15] : f32 from vector<16xf32>
        %neg3A_1517 = arith.constant 0.000000e+00 : f32
        %neg3A_1518 = arith.subf %neg3A_1517, %reduce_sum3A_1516 : f32
        %eq3A_1519 = arith.constant 9 : i32
        %eq3A_1520 = vector.broadcast %eq3A_1519 : i32 to vector<16xi32>
        %eq3A_1521 = arith.cmpi eq, %iota3A, %eq3A_1520 : vector<16xi32>
        %broadcast_in_dim3A_1522 = vector.broadcast %neg3A_1518 : f32 to vector<16xf32>
        %select_n3A_1523 = arith.select %eq3A_1521, %broadcast_in_dim3A_1522, %select_n3A_1477 : vector<16xi1>, vector<16xf32>
        %get3A_1524 = arith.constant 0 : i32
        %get3A_1525 = arith.constant 10 : i32
        %get3A_1526 = arith.index_cast %get3A_1524 : i32 to index
        %get3A_1527 = arith.index_cast %get3A_1525 : i32 to index
        %get3A_1528 = arith.index_cast %scan3A_1055 : i32 to index
        %get3A_1529 = arith.constant 0 : index
        %get3A_1530 = tpu.vector_load %arg8[%get3A_1526, %get3A_1527, %get3A_1528, %get3A_1529] {strides = array<i32>} : memref<2x25x32x64xf32, #tpu.memory_space<vmem>>, vector<16xf32>,
        %mul3A_1531 = arith.mulf %get3A_1530, %get3A_1059 : vector<16xf32>
        %get3A_1532 = arith.constant 0 : i32
        %get3A_1533 = arith.constant 10 : i32
        %get3A_1534 = arith.index_cast %get3A_1532 : i32 to index
        %get3A_1535 = arith.index_cast %get3A_1533 : i32 to index
        %get3A_1536 = arith.index_cast %scan3A_1055 : i32 to index
        %get3A_1537 = arith.constant 16 : index
        %get3A_1538 = tpu.vector_load %arg8[%get3A_1534, %get3A_1535, %get3A_1536, %get3A_1537] {strides = array<i32>} : memref<2x25x32x64xf32, #tpu.memory_space<vmem>>, vector<16xf32>,
        %mul3A_1539 = arith.mulf %get3A_1538, %get3A_1064 : vector<16xf32>
        %add3A_1540 = arith.addf %mul3A_1531, %mul3A_1539 : vector<16xf32>
        %get3A_1541 = arith.constant 0 : i32
        %get3A_1542 = arith.constant 10 : i32
        %get3A_1543 = arith.index_cast %get3A_1541 : i32 to index
        %get3A_1544 = arith.index_cast %get3A_1542 : i32 to index
        %get3A_1545 = arith.index_cast %scan3A_1055 : i32 to index
        %get3A_1546 = arith.constant 32 : index
        %get3A_1547 = tpu.vector_load %arg8[%get3A_1543, %get3A_1544, %get3A_1545, %get3A_1546] {strides = array<i32>} : memref<2x25x32x64xf32, #tpu.memory_space<vmem>>, vector<16xf32>,
        %mul3A_1548 = arith.mulf %get3A_1547, %get3A_1069 : vector<16xf32>
        %add3A_1549 = arith.addf %add3A_1540, %mul3A_1548 : vector<16xf32>
        %get3A_1550 = arith.constant 0 : i32
        %get3A_1551 = arith.constant 10 : i32
        %get3A_1552 = arith.index_cast %get3A_1550 : i32 to index
        %get3A_1553 = arith.index_cast %get3A_1551 : i32 to index
        %get3A_1554 = arith.index_cast %scan3A_1055 : i32 to index
        %get3A_1555 = arith.constant 48 : index
        %get3A_1556 = tpu.vector_load %arg8[%get3A_1552, %get3A_1553, %get3A_1554, %get3A_1555] {strides = array<i32>} : memref<2x25x32x64xf32, #tpu.memory_space<vmem>>, vector<16xf32>,
        %mul3A_1557 = arith.mulf %get3A_1556, %get3A_1074 : vector<16xf32>
        %add3A_1558 = arith.addf %add3A_1549, %mul3A_1557 : vector<16xf32>
        %reduce_sum3A_1559 = arith.constant true
        %reduce_sum3A_1560 = vector.broadcast %reduce_sum3A_1559 : i1 to vector<16xi1>
        %reduce_sum3A_1561 = tpu.scan <sum>, %add3A_1558 masked %reduce_sum3A_1560 : vector<16xf32>, vector<16xi1> -> vector<16xf32>
        %reduce_sum3A_1562 = vector.extract %reduce_sum3A_1561[15] : f32 from vector<16xf32>
        %neg3A_1563 = arith.constant 0.000000e+00 : f32
        %neg3A_1564 = arith.subf %neg3A_1563, %reduce_sum3A_1562 : f32
        %eq3A_1565 = arith.constant 10 : i32
        %eq3A_1566 = vector.broadcast %eq3A_1565 : i32 to vector<16xi32>
        %eq3A_1567 = arith.cmpi eq, %iota3A, %eq3A_1566 : vector<16xi32>
        %broadcast_in_dim3A_1568 = vector.broadcast %neg3A_1564 : f32 to vector<16xf32>
        %select_n3A_1569 = arith.select %eq3A_1567, %broadcast_in_dim3A_1568, %select_n3A_1523 : vector<16xi1>, vector<16xf32>
        %get3A_1570 = arith.constant 0 : i32
        %get3A_1571 = arith.constant 11 : i32
        %get3A_1572 = arith.index_cast %get3A_1570 : i32 to index
        %get3A_1573 = arith.index_cast %get3A_1571 : i32 to index
        %get3A_1574 = arith.index_cast %scan3A_1055 : i32 to index
        %get3A_1575 = arith.constant 0 : index
        %get3A_1576 = tpu.vector_load %arg8[%get3A_1572, %get3A_1573, %get3A_1574, %get3A_1575] {strides = array<i32>} : memref<2x25x32x64xf32, #tpu.memory_space<vmem>>, vector<16xf32>,
        %mul3A_1577 = arith.mulf %get3A_1576, %get3A_1059 : vector<16xf32>
        %get3A_1578 = arith.constant 0 : i32
        %get3A_1579 = arith.constant 11 : i32
        %get3A_1580 = arith.index_cast %get3A_1578 : i32 to index
        %get3A_1581 = arith.index_cast %get3A_1579 : i32 to index
        %get3A_1582 = arith.index_cast %scan3A_1055 : i32 to index
        %get3A_1583 = arith.constant 16 : index
        %get3A_1584 = tpu.vector_load %arg8[%get3A_1580, %get3A_1581, %get3A_1582, %get3A_1583] {strides = array<i32>} : memref<2x25x32x64xf32, #tpu.memory_space<vmem>>, vector<16xf32>,
        %mul3A_1585 = arith.mulf %get3A_1584, %get3A_1064 : vector<16xf32>
        %add3A_1586 = arith.addf %mul3A_1577, %mul3A_1585 : vector<16xf32>
        %get3A_1587 = arith.constant 0 : i32
        %get3A_1588 = arith.constant 11 : i32
        %get3A_1589 = arith.index_cast %get3A_1587 : i32 to index
        %get3A_1590 = arith.index_cast %get3A_1588 : i32 to index
        %get3A_1591 = arith.index_cast %scan3A_1055 : i32 to index
        %get3A_1592 = arith.constant 32 : index
        %get3A_1593 = tpu.vector_load %arg8[%get3A_1589, %get3A_1590, %get3A_1591, %get3A_1592] {strides = array<i32>} : memref<2x25x32x64xf32, #tpu.memory_space<vmem>>, vector<16xf32>,
        %mul3A_1594 = arith.mulf %get3A_1593, %get3A_1069 : vector<16xf32>
        %add3A_1595 = arith.addf %add3A_1586, %mul3A_1594 : vector<16xf32>
        %get3A_1596 = arith.constant 0 : i32
        %get3A_1597 = arith.constant 11 : i32
        %get3A_1598 = arith.index_cast %get3A_1596 : i32 to index
        %get3A_1599 = arith.index_cast %get3A_1597 : i32 to index
        %get3A_1600 = arith.index_cast %scan3A_1055 : i32 to index
        %get3A_1601 = arith.constant 48 : index
        %get3A_1602 = tpu.vector_load %arg8[%get3A_1598, %get3A_1599, %get3A_1600, %get3A_1601] {strides = array<i32>} : memref<2x25x32x64xf32, #tpu.memory_space<vmem>>, vector<16xf32>,
        %mul3A_1603 = arith.mulf %get3A_1602, %get3A_1074 : vector<16xf32>
        %add3A_1604 = arith.addf %add3A_1595, %mul3A_1603 : vector<16xf32>
        %reduce_sum3A_1605 = arith.constant true
        %reduce_sum3A_1606 = vector.broadcast %reduce_sum3A_1605 : i1 to vector<16xi1>
        %reduce_sum3A_1607 = tpu.scan <sum>, %add3A_1604 masked %reduce_sum3A_1606 : vector<16xf32>, vector<16xi1> -> vector<16xf32>
        %reduce_sum3A_1608 = vector.extract %reduce_sum3A_1607[15] : f32 from vector<16xf32>
        %neg3A_1609 = arith.constant 0.000000e+00 : f32
        %neg3A_1610 = arith.subf %neg3A_1609, %reduce_sum3A_1608 : f32
        %eq3A_1611 = arith.constant 11 : i32
        %eq3A_1612 = vector.broadcast %eq3A_1611 : i32 to vector<16xi32>
        %eq3A_1613 = arith.cmpi eq, %iota3A, %eq3A_1612 : vector<16xi32>
        %broadcast_in_dim3A_1614 = vector.broadcast %neg3A_1610 : f32 to vector<16xf32>
        %select_n3A_1615 = arith.select %eq3A_1613, %broadcast_in_dim3A_1614, %select_n3A_1569 : vector<16xi1>, vector<16xf32>
        %get3A_1616 = arith.constant 0 : i32
        %get3A_1617 = arith.constant 12 : i32
        %get3A_1618 = arith.index_cast %get3A_1616 : i32 to index
        %get3A_1619 = arith.index_cast %get3A_1617 : i32 to index
        %get3A_1620 = arith.index_cast %scan3A_1055 : i32 to index
        %get3A_1621 = arith.constant 0 : index
        %get3A_1622 = tpu.vector_load %arg8[%get3A_1618, %get3A_1619, %get3A_1620, %get3A_1621] {strides = array<i32>} : memref<2x25x32x64xf32, #tpu.memory_space<vmem>>, vector<16xf32>,
        %mul3A_1623 = arith.mulf %get3A_1622, %get3A_1059 : vector<16xf32>
        %get3A_1624 = arith.constant 0 : i32
        %get3A_1625 = arith.constant 12 : i32
        %get3A_1626 = arith.index_cast %get3A_1624 : i32 to index
        %get3A_1627 = arith.index_cast %get3A_1625 : i32 to index
        %get3A_1628 = arith.index_cast %scan3A_1055 : i32 to index
        %get3A_1629 = arith.constant 16 : index
        %get3A_1630 = tpu.vector_load %arg8[%get3A_1626, %get3A_1627, %get3A_1628, %get3A_1629] {strides = array<i32>} : memref<2x25x32x64xf32, #tpu.memory_space<vmem>>, vector<16xf32>,
        %mul3A_1631 = arith.mulf %get3A_1630, %get3A_1064 : vector<16xf32>
        %add3A_1632 = arith.addf %mul3A_1623, %mul3A_1631 : vector<16xf32>
        %get3A_1633 = arith.constant 0 : i32
        %get3A_1634 = arith.constant 12 : i32
        %get3A_1635 = arith.index_cast %get3A_1633 : i32 to index
        %get3A_1636 = arith.index_cast %get3A_1634 : i32 to index
        %get3A_1637 = arith.index_cast %scan3A_1055 : i32 to index
        %get3A_1638 = arith.constant 32 : index
        %get3A_1639 = tpu.vector_load %arg8[%get3A_1635, %get3A_1636, %get3A_1637, %get3A_1638] {strides = array<i32>} : memref<2x25x32x64xf32, #tpu.memory_space<vmem>>, vector<16xf32>,
        %mul3A_1640 = arith.mulf %get3A_1639, %get3A_1069 : vector<16xf32>
        %add3A_1641 = arith.addf %add3A_1632, %mul3A_1640 : vector<16xf32>
        %get3A_1642 = arith.constant 0 : i32
        %get3A_1643 = arith.constant 12 : i32
        %get3A_1644 = arith.index_cast %get3A_1642 : i32 to index
        %get3A_1645 = arith.index_cast %get3A_1643 : i32 to index
        %get3A_1646 = arith.index_cast %scan3A_1055 : i32 to index
        %get3A_1647 = arith.constant 48 : index
        %get3A_1648 = tpu.vector_load %arg8[%get3A_1644, %get3A_1645, %get3A_1646, %get3A_1647] {strides = array<i32>} : memref<2x25x32x64xf32, #tpu.memory_space<vmem>>, vector<16xf32>,
        %mul3A_1649 = arith.mulf %get3A_1648, %get3A_1074 : vector<16xf32>
        %add3A_1650 = arith.addf %add3A_1641, %mul3A_1649 : vector<16xf32>
        %reduce_sum3A_1651 = arith.constant true
        %reduce_sum3A_1652 = vector.broadcast %reduce_sum3A_1651 : i1 to vector<16xi1>
        %reduce_sum3A_1653 = tpu.scan <sum>, %add3A_1650 masked %reduce_sum3A_1652 : vector<16xf32>, vector<16xi1> -> vector<16xf32>
        %reduce_sum3A_1654 = vector.extract %reduce_sum3A_1653[15] : f32 from vector<16xf32>
        %neg3A_1655 = arith.constant 0.000000e+00 : f32
        %neg3A_1656 = arith.subf %neg3A_1655, %reduce_sum3A_1654 : f32
        %eq3A_1657 = arith.constant 12 : i32
        %eq3A_1658 = vector.broadcast %eq3A_1657 : i32 to vector<16xi32>
        %eq3A_1659 = arith.cmpi eq, %iota3A, %eq3A_1658 : vector<16xi32>
        %broadcast_in_dim3A_1660 = vector.broadcast %neg3A_1656 : f32 to vector<16xf32>
        %select_n3A_1661 = arith.select %eq3A_1659, %broadcast_in_dim3A_1660, %select_n3A_1615 : vector<16xi1>, vector<16xf32>
        %get3A_1662 = arith.constant 0 : i32
        %get3A_1663 = arith.constant 13 : i32
        %get3A_1664 = arith.index_cast %get3A_1662 : i32 to index
        %get3A_1665 = arith.index_cast %get3A_1663 : i32 to index
        %get3A_1666 = arith.index_cast %scan3A_1055 : i32 to index
        %get3A_1667 = arith.constant 0 : index
        %get3A_1668 = tpu.vector_load %arg8[%get3A_1664, %get3A_1665, %get3A_1666, %get3A_1667] {strides = array<i32>} : memref<2x25x32x64xf32, #tpu.memory_space<vmem>>, vector<16xf32>,
        %mul3A_1669 = arith.mulf %get3A_1668, %get3A_1059 : vector<16xf32>
        %get3A_1670 = arith.constant 0 : i32
        %get3A_1671 = arith.constant 13 : i32
        %get3A_1672 = arith.index_cast %get3A_1670 : i32 to index
        %get3A_1673 = arith.index_cast %get3A_1671 : i32 to index
        %get3A_1674 = arith.index_cast %scan3A_1055 : i32 to index
        %get3A_1675 = arith.constant 16 : index
        %get3A_1676 = tpu.vector_load %arg8[%get3A_1672, %get3A_1673, %get3A_1674, %get3A_1675] {strides = array<i32>} : memref<2x25x32x64xf32, #tpu.memory_space<vmem>>, vector<16xf32>,
        %mul3A_1677 = arith.mulf %get3A_1676, %get3A_1064 : vector<16xf32>
        %add3A_1678 = arith.addf %mul3A_1669, %mul3A_1677 : vector<16xf32>
        %get3A_1679 = arith.constant 0 : i32
        %get3A_1680 = arith.constant 13 : i32
        %get3A_1681 = arith.index_cast %get3A_1679 : i32 to index
        %get3A_1682 = arith.index_cast %get3A_1680 : i32 to index
        %get3A_1683 = arith.index_cast %scan3A_1055 : i32 to index
        %get3A_1684 = arith.constant 32 : index
        %get3A_1685 = tpu.vector_load %arg8[%get3A_1681, %get3A_1682, %get3A_1683, %get3A_1684] {strides = array<i32>} : memref<2x25x32x64xf32, #tpu.memory_space<vmem>>, vector<16xf32>,
        %mul3A_1686 = arith.mulf %get3A_1685, %get3A_1069 : vector<16xf32>
        %add3A_1687 = arith.addf %add3A_1678, %mul3A_1686 : vector<16xf32>
        %get3A_1688 = arith.constant 0 : i32
        %get3A_1689 = arith.constant 13 : i32
        %get3A_1690 = arith.index_cast %get3A_1688 : i32 to index
        %get3A_1691 = arith.index_cast %get3A_1689 : i32 to index
        %get3A_1692 = arith.index_cast %scan3A_1055 : i32 to index
        %get3A_1693 = arith.constant 48 : index
        %get3A_1694 = tpu.vector_load %arg8[%get3A_1690, %get3A_1691, %get3A_1692, %get3A_1693] {strides = array<i32>} : memref<2x25x32x64xf32, #tpu.memory_space<vmem>>, vector<16xf32>,
        %mul3A_1695 = arith.mulf %get3A_1694, %get3A_1074 : vector<16xf32>
        %add3A_1696 = arith.addf %add3A_1687, %mul3A_1695 : vector<16xf32>
        %reduce_sum3A_1697 = arith.constant true
        %reduce_sum3A_1698 = vector.broadcast %reduce_sum3A_1697 : i1 to vector<16xi1>
        %reduce_sum3A_1699 = tpu.scan <sum>, %add3A_1696 masked %reduce_sum3A_1698 : vector<16xf32>, vector<16xi1> -> vector<16xf32>
        %reduce_sum3A_1700 = vector.extract %reduce_sum3A_1699[15] : f32 from vector<16xf32>
        %neg3A_1701 = arith.constant 0.000000e+00 : f32
        %neg3A_1702 = arith.subf %neg3A_1701, %reduce_sum3A_1700 : f32
        %eq3A_1703 = arith.constant 13 : i32
        %eq3A_1704 = vector.broadcast %eq3A_1703 : i32 to vector<16xi32>
        %eq3A_1705 = arith.cmpi eq, %iota3A, %eq3A_1704 : vector<16xi32>
        %broadcast_in_dim3A_1706 = vector.broadcast %neg3A_1702 : f32 to vector<16xf32>
        %select_n3A_1707 = arith.select %eq3A_1705, %broadcast_in_dim3A_1706, %select_n3A_1661 : vector<16xi1>, vector<16xf32>
        %get3A_1708 = arith.constant 0 : i32
        %get3A_1709 = arith.constant 14 : i32
        %get3A_1710 = arith.index_cast %get3A_1708 : i32 to index
        %get3A_1711 = arith.index_cast %get3A_1709 : i32 to index
        %get3A_1712 = arith.index_cast %scan3A_1055 : i32 to index
        %get3A_1713 = arith.constant 0 : index
        %get3A_1714 = tpu.vector_load %arg8[%get3A_1710, %get3A_1711, %get3A_1712, %get3A_1713] {strides = array<i32>} : memref<2x25x32x64xf32, #tpu.memory_space<vmem>>, vector<16xf32>,
        %mul3A_1715 = arith.mulf %get3A_1714, %get3A_1059 : vector<16xf32>
        %get3A_1716 = arith.constant 0 : i32
        %get3A_1717 = arith.constant 14 : i32
        %get3A_1718 = arith.index_cast %get3A_1716 : i32 to index
        %get3A_1719 = arith.index_cast %get3A_1717 : i32 to index
        %get3A_1720 = arith.index_cast %scan3A_1055 : i32 to index
        %get3A_1721 = arith.constant 16 : index
        %get3A_1722 = tpu.vector_load %arg8[%get3A_1718, %get3A_1719, %get3A_1720, %get3A_1721] {strides = array<i32>} : memref<2x25x32x64xf32, #tpu.memory_space<vmem>>, vector<16xf32>,
        %mul3A_1723 = arith.mulf %get3A_1722, %get3A_1064 : vector<16xf32>
        %add3A_1724 = arith.addf %mul3A_1715, %mul3A_1723 : vector<16xf32>
        %get3A_1725 = arith.constant 0 : i32
        %get3A_1726 = arith.constant 14 : i32
        %get3A_1727 = arith.index_cast %get3A_1725 : i32 to index
        %get3A_1728 = arith.index_cast %get3A_1726 : i32 to index
        %get3A_1729 = arith.index_cast %scan3A_1055 : i32 to index
        %get3A_1730 = arith.constant 32 : index
        %get3A_1731 = tpu.vector_load %arg8[%get3A_1727, %get3A_1728, %get3A_1729, %get3A_1730] {strides = array<i32>} : memref<2x25x32x64xf32, #tpu.memory_space<vmem>>, vector<16xf32>,
        %mul3A_1732 = arith.mulf %get3A_1731, %get3A_1069 : vector<16xf32>
        %add3A_1733 = arith.addf %add3A_1724, %mul3A_1732 : vector<16xf32>
        %get3A_1734 = arith.constant 0 : i32
        %get3A_1735 = arith.constant 14 : i32
        %get3A_1736 = arith.index_cast %get3A_1734 : i32 to index
        %get3A_1737 = arith.index_cast %get3A_1735 : i32 to index
        %get3A_1738 = arith.index_cast %scan3A_1055 : i32 to index
        %get3A_1739 = arith.constant 48 : index
        %get3A_1740 = tpu.vector_load %arg8[%get3A_1736, %get3A_1737, %get3A_1738, %get3A_1739] {strides = array<i32>} : memref<2x25x32x64xf32, #tpu.memory_space<vmem>>, vector<16xf32>,
        %mul3A_1741 = arith.mulf %get3A_1740, %get3A_1074 : vector<16xf32>
        %add3A_1742 = arith.addf %add3A_1733, %mul3A_1741 : vector<16xf32>
        %reduce_sum3A_1743 = arith.constant true
        %reduce_sum3A_1744 = vector.broadcast %reduce_sum3A_1743 : i1 to vector<16xi1>
        %reduce_sum3A_1745 = tpu.scan <sum>, %add3A_1742 masked %reduce_sum3A_1744 : vector<16xf32>, vector<16xi1> -> vector<16xf32>
        %reduce_sum3A_1746 = vector.extract %reduce_sum3A_1745[15] : f32 from vector<16xf32>
        %neg3A_1747 = arith.constant 0.000000e+00 : f32
        %neg3A_1748 = arith.subf %neg3A_1747, %reduce_sum3A_1746 : f32
        %eq3A_1749 = arith.constant 14 : i32
        %eq3A_1750 = vector.broadcast %eq3A_1749 : i32 to vector<16xi32>
        %eq3A_1751 = arith.cmpi eq, %iota3A, %eq3A_1750 : vector<16xi32>
        %broadcast_in_dim3A_1752 = vector.broadcast %neg3A_1748 : f32 to vector<16xf32>
        %select_n3A_1753 = arith.select %eq3A_1751, %broadcast_in_dim3A_1752, %select_n3A_1707 : vector<16xi1>, vector<16xf32>
        %get3A_1754 = arith.constant 0 : i32
        %get3A_1755 = arith.constant 15 : i32
        %get3A_1756 = arith.index_cast %get3A_1754 : i32 to index
        %get3A_1757 = arith.index_cast %get3A_1755 : i32 to index
        %get3A_1758 = arith.index_cast %scan3A_1055 : i32 to index
        %get3A_1759 = arith.constant 0 : index
        %get3A_1760 = tpu.vector_load %arg8[%get3A_1756, %get3A_1757, %get3A_1758, %get3A_1759] {strides = array<i32>} : memref<2x25x32x64xf32, #tpu.memory_space<vmem>>, vector<16xf32>,
        %mul3A_1761 = arith.mulf %get3A_1760, %get3A_1059 : vector<16xf32>
        %get3A_1762 = arith.constant 0 : i32
        %get3A_1763 = arith.constant 15 : i32
        %get3A_1764 = arith.index_cast %get3A_1762 : i32 to index
        %get3A_1765 = arith.index_cast %get3A_1763 : i32 to index
        %get3A_1766 = arith.index_cast %scan3A_1055 : i32 to index
        %get3A_1767 = arith.constant 16 : index
        %get3A_1768 = tpu.vector_load %arg8[%get3A_1764, %get3A_1765, %get3A_1766, %get3A_1767] {strides = array<i32>} : memref<2x25x32x64xf32, #tpu.memory_space<vmem>>, vector<16xf32>,
        %mul3A_1769 = arith.mulf %get3A_1768, %get3A_1064 : vector<16xf32>
        %add3A_1770 = arith.addf %mul3A_1761, %mul3A_1769 : vector<16xf32>
        %get3A_1771 = arith.constant 0 : i32
        %get3A_1772 = arith.constant 15 : i32
        %get3A_1773 = arith.index_cast %get3A_1771 : i32 to index
        %get3A_1774 = arith.index_cast %get3A_1772 : i32 to index
        %get3A_1775 = arith.index_cast %scan3A_1055 : i32 to index
        %get3A_1776 = arith.constant 32 : index
        %get3A_1777 = tpu.vector_load %arg8[%get3A_1773, %get3A_1774, %get3A_1775, %get3A_1776] {strides = array<i32>} : memref<2x25x32x64xf32, #tpu.memory_space<vmem>>, vector<16xf32>,
        %mul3A_1778 = arith.mulf %get3A_1777, %get3A_1069 : vector<16xf32>
        %add3A_1779 = arith.addf %add3A_1770, %mul3A_1778 : vector<16xf32>
        %get3A_1780 = arith.constant 0 : i32
        %get3A_1781 = arith.constant 15 : i32
        %get3A_1782 = arith.index_cast %get3A_1780 : i32 to index
        %get3A_1783 = arith.index_cast %get3A_1781 : i32 to index
        %get3A_1784 = arith.index_cast %scan3A_1055 : i32 to index
        %get3A_1785 = arith.constant 48 : index
        %get3A_1786 = tpu.vector_load %arg8[%get3A_1782, %get3A_1783, %get3A_1784, %get3A_1785] {strides = array<i32>} : memref<2x25x32x64xf32, #tpu.memory_space<vmem>>, vector<16xf32>,
        %mul3A_1787 = arith.mulf %get3A_1786, %get3A_1074 : vector<16xf32>
        %add3A_1788 = arith.addf %add3A_1779, %mul3A_1787 : vector<16xf32>
        %reduce_sum3A_1789 = arith.constant true
        %reduce_sum3A_1790 = vector.broadcast %reduce_sum3A_1789 : i1 to vector<16xi1>
        %reduce_sum3A_1791 = tpu.scan <sum>, %add3A_1788 masked %reduce_sum3A_1790 : vector<16xf32>, vector<16xi1> -> vector<16xf32>
        %reduce_sum3A_1792 = vector.extract %reduce_sum3A_1791[15] : f32 from vector<16xf32>
        %neg3A_1793 = arith.constant 0.000000e+00 : f32
        %neg3A_1794 = arith.subf %neg3A_1793, %reduce_sum3A_1792 : f32
        %eq3A_1795 = arith.constant 15 : i32
        %eq3A_1796 = vector.broadcast %eq3A_1795 : i32 to vector<16xi32>
        %eq3A_1797 = arith.cmpi eq, %iota3A, %eq3A_1796 : vector<16xi32>
        %broadcast_in_dim3A_1798 = vector.broadcast %neg3A_1794 : f32 to vector<16xf32>
        %select_n3A_1799 = arith.select %eq3A_1797, %broadcast_in_dim3A_1798, %select_n3A_1753 : vector<16xi1>, vector<16xf32>
        %get3A_1800 = arith.constant 0 : i32
        %get3A_1801 = arith.constant 16 : i32
        %get3A_1802 = arith.index_cast %get3A_1800 : i32 to index
        %get3A_1803 = arith.index_cast %get3A_1801 : i32 to index
        %get3A_1804 = arith.index_cast %scan3A_1055 : i32 to index
        %get3A_1805 = arith.constant 0 : index
        %get3A_1806 = tpu.vector_load %arg8[%get3A_1802, %get3A_1803, %get3A_1804, %get3A_1805] {strides = array<i32>} : memref<2x25x32x64xf32, #tpu.memory_space<vmem>>, vector<16xf32>,
        %mul3A_1807 = arith.mulf %get3A_1806, %get3A_1059 : vector<16xf32>
        %get3A_1808 = arith.constant 0 : i32
        %get3A_1809 = arith.constant 16 : i32
        %get3A_1810 = arith.index_cast %get3A_1808 : i32 to index
        %get3A_1811 = arith.index_cast %get3A_1809 : i32 to index
        %get3A_1812 = arith.index_cast %scan3A_1055 : i32 to index
        %get3A_1813 = arith.constant 16 : index
        %get3A_1814 = tpu.vector_load %arg8[%get3A_1810, %get3A_1811, %get3A_1812, %get3A_1813] {strides = array<i32>} : memref<2x25x32x64xf32, #tpu.memory_space<vmem>>, vector<16xf32>,
        %mul3A_1815 = arith.mulf %get3A_1814, %get3A_1064 : vector<16xf32>
        %add3A_1816 = arith.addf %mul3A_1807, %mul3A_1815 : vector<16xf32>
        %get3A_1817 = arith.constant 0 : i32
        %get3A_1818 = arith.constant 16 : i32
        %get3A_1819 = arith.index_cast %get3A_1817 : i32 to index
        %get3A_1820 = arith.index_cast %get3A_1818 : i32 to index
        %get3A_1821 = arith.index_cast %scan3A_1055 : i32 to index
        %get3A_1822 = arith.constant 32 : index
        %get3A_1823 = tpu.vector_load %arg8[%get3A_1819, %get3A_1820, %get3A_1821, %get3A_1822] {strides = array<i32>} : memref<2x25x32x64xf32, #tpu.memory_space<vmem>>, vector<16xf32>,
        %mul3A_1824 = arith.mulf %get3A_1823, %get3A_1069 : vector<16xf32>
        %add3A_1825 = arith.addf %add3A_1816, %mul3A_1824 : vector<16xf32>
        %get3A_1826 = arith.constant 0 : i32
        %get3A_1827 = arith.constant 16 : i32
        %get3A_1828 = arith.index_cast %get3A_1826 : i32 to index
        %get3A_1829 = arith.index_cast %get3A_1827 : i32 to index
        %get3A_1830 = arith.index_cast %scan3A_1055 : i32 to index
        %get3A_1831 = arith.constant 48 : index
        %get3A_1832 = tpu.vector_load %arg8[%get3A_1828, %get3A_1829, %get3A_1830, %get3A_1831] {strides = array<i32>} : memref<2x25x32x64xf32, #tpu.memory_space<vmem>>, vector<16xf32>,
        %mul3A_1833 = arith.mulf %get3A_1832, %get3A_1074 : vector<16xf32>
        %add3A_1834 = arith.addf %add3A_1825, %mul3A_1833 : vector<16xf32>
        %reduce_sum3A_1835 = arith.constant true
        %reduce_sum3A_1836 = vector.broadcast %reduce_sum3A_1835 : i1 to vector<16xi1>
        %reduce_sum3A_1837 = tpu.scan <sum>, %add3A_1834 masked %reduce_sum3A_1836 : vector<16xf32>, vector<16xi1> -> vector<16xf32>
        %reduce_sum3A_1838 = vector.extract %reduce_sum3A_1837[15] : f32 from vector<16xf32>
        %neg3A_1839 = arith.constant 0.000000e+00 : f32
        %neg3A_1840 = arith.subf %neg3A_1839, %reduce_sum3A_1838 : f32
        %eq3A_1841 = arith.constant 0 : i32
        %eq3A_1842 = vector.broadcast %eq3A_1841 : i32 to vector<16xi32>
        %eq3A_1843 = arith.cmpi eq, %iota3A, %eq3A_1842 : vector<16xi32>
        %broadcast_in_dim3A_1844 = vector.broadcast %neg3A_1840 : f32 to vector<16xf32>
        %select_n3A_1845 = arith.select %eq3A_1843, %broadcast_in_dim3A_1844, %broadcast_in_dim3A_1077 : vector<16xi1>, vector<16xf32>
        %get3A_1846 = arith.constant 0 : i32
        %get3A_1847 = arith.constant 17 : i32
        %get3A_1848 = arith.index_cast %get3A_1846 : i32 to index
        %get3A_1849 = arith.index_cast %get3A_1847 : i32 to index
        %get3A_1850 = arith.index_cast %scan3A_1055 : i32 to index
        %get3A_1851 = arith.constant 0 : index
        %get3A_1852 = tpu.vector_load %arg8[%get3A_1848, %get3A_1849, %get3A_1850, %get3A_1851] {strides = array<i32>} : memref<2x25x32x64xf32, #tpu.memory_space<vmem>>, vector<16xf32>,
        %mul3A_1853 = arith.mulf %get3A_1852, %get3A_1059 : vector<16xf32>
        %get3A_1854 = arith.constant 0 : i32
        %get3A_1855 = arith.constant 17 : i32
        %get3A_1856 = arith.index_cast %get3A_1854 : i32 to index
        %get3A_1857 = arith.index_cast %get3A_1855 : i32 to index
        %get3A_1858 = arith.index_cast %scan3A_1055 : i32 to index
        %get3A_1859 = arith.constant 16 : index
        %get3A_1860 = tpu.vector_load %arg8[%get3A_1856, %get3A_1857, %get3A_1858, %get3A_1859] {strides = array<i32>} : memref<2x25x32x64xf32, #tpu.memory_space<vmem>>, vector<16xf32>,
        %mul3A_1861 = arith.mulf %get3A_1860, %get3A_1064 : vector<16xf32>
        %add3A_1862 = arith.addf %mul3A_1853, %mul3A_1861 : vector<16xf32>
        %get3A_1863 = arith.constant 0 : i32
        %get3A_1864 = arith.constant 17 : i32
        %get3A_1865 = arith.index_cast %get3A_1863 : i32 to index
        %get3A_1866 = arith.index_cast %get3A_1864 : i32 to index
        %get3A_1867 = arith.index_cast %scan3A_1055 : i32 to index
        %get3A_1868 = arith.constant 32 : index
        %get3A_1869 = tpu.vector_load %arg8[%get3A_1865, %get3A_1866, %get3A_1867, %get3A_1868] {strides = array<i32>} : memref<2x25x32x64xf32, #tpu.memory_space<vmem>>, vector<16xf32>,
        %mul3A_1870 = arith.mulf %get3A_1869, %get3A_1069 : vector<16xf32>
        %add3A_1871 = arith.addf %add3A_1862, %mul3A_1870 : vector<16xf32>
        %get3A_1872 = arith.constant 0 : i32
        %get3A_1873 = arith.constant 17 : i32
        %get3A_1874 = arith.index_cast %get3A_1872 : i32 to index
        %get3A_1875 = arith.index_cast %get3A_1873 : i32 to index
        %get3A_1876 = arith.index_cast %scan3A_1055 : i32 to index
        %get3A_1877 = arith.constant 48 : index
        %get3A_1878 = tpu.vector_load %arg8[%get3A_1874, %get3A_1875, %get3A_1876, %get3A_1877] {strides = array<i32>} : memref<2x25x32x64xf32, #tpu.memory_space<vmem>>, vector<16xf32>,
        %mul3A_1879 = arith.mulf %get3A_1878, %get3A_1074 : vector<16xf32>
        %add3A_1880 = arith.addf %add3A_1871, %mul3A_1879 : vector<16xf32>
        %reduce_sum3A_1881 = arith.constant true
        %reduce_sum3A_1882 = vector.broadcast %reduce_sum3A_1881 : i1 to vector<16xi1>
        %reduce_sum3A_1883 = tpu.scan <sum>, %add3A_1880 masked %reduce_sum3A_1882 : vector<16xf32>, vector<16xi1> -> vector<16xf32>
        %reduce_sum3A_1884 = vector.extract %reduce_sum3A_1883[15] : f32 from vector<16xf32>
        %neg3A_1885 = arith.constant 0.000000e+00 : f32
        %neg3A_1886 = arith.subf %neg3A_1885, %reduce_sum3A_1884 : f32
        %eq3A_1887 = arith.constant 1 : i32
        %eq3A_1888 = vector.broadcast %eq3A_1887 : i32 to vector<16xi32>
        %eq3A_1889 = arith.cmpi eq, %iota3A, %eq3A_1888 : vector<16xi32>
        %broadcast_in_dim3A_1890 = vector.broadcast %neg3A_1886 : f32 to vector<16xf32>
        %select_n3A_1891 = arith.select %eq3A_1889, %broadcast_in_dim3A_1890, %select_n3A_1845 : vector<16xi1>, vector<16xf32>
        %get3A_1892 = arith.constant 0 : i32
        %get3A_1893 = arith.constant 18 : i32
        %get3A_1894 = arith.index_cast %get3A_1892 : i32 to index
        %get3A_1895 = arith.index_cast %get3A_1893 : i32 to index
        %get3A_1896 = arith.index_cast %scan3A_1055 : i32 to index
        %get3A_1897 = arith.constant 0 : index
        %get3A_1898 = tpu.vector_load %arg8[%get3A_1894, %get3A_1895, %get3A_1896, %get3A_1897] {strides = array<i32>} : memref<2x25x32x64xf32, #tpu.memory_space<vmem>>, vector<16xf32>,
        %mul3A_1899 = arith.mulf %get3A_1898, %get3A_1059 : vector<16xf32>
        %get3A_1900 = arith.constant 0 : i32
        %get3A_1901 = arith.constant 18 : i32
        %get3A_1902 = arith.index_cast %get3A_1900 : i32 to index
        %get3A_1903 = arith.index_cast %get3A_1901 : i32 to index
        %get3A_1904 = arith.index_cast %scan3A_1055 : i32 to index
        %get3A_1905 = arith.constant 16 : index
        %get3A_1906 = tpu.vector_load %arg8[%get3A_1902, %get3A_1903, %get3A_1904, %get3A_1905] {strides = array<i32>} : memref<2x25x32x64xf32, #tpu.memory_space<vmem>>, vector<16xf32>,
        %mul3A_1907 = arith.mulf %get3A_1906, %get3A_1064 : vector<16xf32>
        %add3A_1908 = arith.addf %mul3A_1899, %mul3A_1907 : vector<16xf32>
        %get3A_1909 = arith.constant 0 : i32
        %get3A_1910 = arith.constant 18 : i32
        %get3A_1911 = arith.index_cast %get3A_1909 : i32 to index
        %get3A_1912 = arith.index_cast %get3A_1910 : i32 to index
        %get3A_1913 = arith.index_cast %scan3A_1055 : i32 to index
        %get3A_1914 = arith.constant 32 : index
        %get3A_1915 = tpu.vector_load %arg8[%get3A_1911, %get3A_1912, %get3A_1913, %get3A_1914] {strides = array<i32>} : memref<2x25x32x64xf32, #tpu.memory_space<vmem>>, vector<16xf32>,
        %mul3A_1916 = arith.mulf %get3A_1915, %get3A_1069 : vector<16xf32>
        %add3A_1917 = arith.addf %add3A_1908, %mul3A_1916 : vector<16xf32>
        %get3A_1918 = arith.constant 0 : i32
        %get3A_1919 = arith.constant 18 : i32
        %get3A_1920 = arith.index_cast %get3A_1918 : i32 to index
        %get3A_1921 = arith.index_cast %get3A_1919 : i32 to index
        %get3A_1922 = arith.index_cast %scan3A_1055 : i32 to index
        %get3A_1923 = arith.constant 48 : index
        %get3A_1924 = tpu.vector_load %arg8[%get3A_1920, %get3A_1921, %get3A_1922, %get3A_1923] {strides = array<i32>} : memref<2x25x32x64xf32, #tpu.memory_space<vmem>>, vector<16xf32>,
        %mul3A_1925 = arith.mulf %get3A_1924, %get3A_1074 : vector<16xf32>
        %add3A_1926 = arith.addf %add3A_1917, %mul3A_1925 : vector<16xf32>
        %reduce_sum3A_1927 = arith.constant true
        %reduce_sum3A_1928 = vector.broadcast %reduce_sum3A_1927 : i1 to vector<16xi1>
        %reduce_sum3A_1929 = tpu.scan <sum>, %add3A_1926 masked %reduce_sum3A_1928 : vector<16xf32>, vector<16xi1> -> vector<16xf32>
        %reduce_sum3A_1930 = vector.extract %reduce_sum3A_1929[15] : f32 from vector<16xf32>
        %neg3A_1931 = arith.constant 0.000000e+00 : f32
        %neg3A_1932 = arith.subf %neg3A_1931, %reduce_sum3A_1930 : f32
        %eq3A_1933 = arith.constant 2 : i32
        %eq3A_1934 = vector.broadcast %eq3A_1933 : i32 to vector<16xi32>
        %eq3A_1935 = arith.cmpi eq, %iota3A, %eq3A_1934 : vector<16xi32>
        %broadcast_in_dim3A_1936 = vector.broadcast %neg3A_1932 : f32 to vector<16xf32>
        %select_n3A_1937 = arith.select %eq3A_1935, %broadcast_in_dim3A_1936, %select_n3A_1891 : vector<16xi1>, vector<16xf32>
        %get3A_1938 = arith.constant 0 : i32
        %get3A_1939 = arith.constant 19 : i32
        %get3A_1940 = arith.index_cast %get3A_1938 : i32 to index
        %get3A_1941 = arith.index_cast %get3A_1939 : i32 to index
        %get3A_1942 = arith.index_cast %scan3A_1055 : i32 to index
        %get3A_1943 = arith.constant 0 : index
        %get3A_1944 = tpu.vector_load %arg8[%get3A_1940, %get3A_1941, %get3A_1942, %get3A_1943] {strides = array<i32>} : memref<2x25x32x64xf32, #tpu.memory_space<vmem>>, vector<16xf32>,
        %mul3A_1945 = arith.mulf %get3A_1944, %get3A_1059 : vector<16xf32>
        %get3A_1946 = arith.constant 0 : i32
        %get3A_1947 = arith.constant 19 : i32
        %get3A_1948 = arith.index_cast %get3A_1946 : i32 to index
        %get3A_1949 = arith.index_cast %get3A_1947 : i32 to index
        %get3A_1950 = arith.index_cast %scan3A_1055 : i32 to index
        %get3A_1951 = arith.constant 16 : index
        %get3A_1952 = tpu.vector_load %arg8[%get3A_1948, %get3A_1949, %get3A_1950, %get3A_1951] {strides = array<i32>} : memref<2x25x32x64xf32, #tpu.memory_space<vmem>>, vector<16xf32>,
        %mul3A_1953 = arith.mulf %get3A_1952, %get3A_1064 : vector<16xf32>
        %add3A_1954 = arith.addf %mul3A_1945, %mul3A_1953 : vector<16xf32>
        %get3A_1955 = arith.constant 0 : i32
        %get3A_1956 = arith.constant 19 : i32
        %get3A_1957 = arith.index_cast %get3A_1955 : i32 to index
        %get3A_1958 = arith.index_cast %get3A_1956 : i32 to index
        %get3A_1959 = arith.index_cast %scan3A_1055 : i32 to index
        %get3A_1960 = arith.constant 32 : index
        %get3A_1961 = tpu.vector_load %arg8[%get3A_1957, %get3A_1958, %get3A_1959, %get3A_1960] {strides = array<i32>} : memref<2x25x32x64xf32, #tpu.memory_space<vmem>>, vector<16xf32>,
        %mul3A_1962 = arith.mulf %get3A_1961, %get3A_1069 : vector<16xf32>
        %add3A_1963 = arith.addf %add3A_1954, %mul3A_1962 : vector<16xf32>
        %get3A_1964 = arith.constant 0 : i32
        %get3A_1965 = arith.constant 19 : i32
        %get3A_1966 = arith.index_cast %get3A_1964 : i32 to index
        %get3A_1967 = arith.index_cast %get3A_1965 : i32 to index
        %get3A_1968 = arith.index_cast %scan3A_1055 : i32 to index
        %get3A_1969 = arith.constant 48 : index
        %get3A_1970 = tpu.vector_load %arg8[%get3A_1966, %get3A_1967, %get3A_1968, %get3A_1969] {strides = array<i32>} : memref<2x25x32x64xf32, #tpu.memory_space<vmem>>, vector<16xf32>,
        %mul3A_1971 = arith.mulf %get3A_1970, %get3A_1074 : vector<16xf32>
        %add3A_1972 = arith.addf %add3A_1963, %mul3A_1971 : vector<16xf32>
        %reduce_sum3A_1973 = arith.constant true
        %reduce_sum3A_1974 = vector.broadcast %reduce_sum3A_1973 : i1 to vector<16xi1>
        %reduce_sum3A_1975 = tpu.scan <sum>, %add3A_1972 masked %reduce_sum3A_1974 : vector<16xf32>, vector<16xi1> -> vector<16xf32>
        %reduce_sum3A_1976 = vector.extract %reduce_sum3A_1975[15] : f32 from vector<16xf32>
        %neg3A_1977 = arith.constant 0.000000e+00 : f32
        %neg3A_1978 = arith.subf %neg3A_1977, %reduce_sum3A_1976 : f32
        %eq3A_1979 = arith.constant 3 : i32
        %eq3A_1980 = vector.broadcast %eq3A_1979 : i32 to vector<16xi32>
        %eq3A_1981 = arith.cmpi eq, %iota3A, %eq3A_1980 : vector<16xi32>
        %broadcast_in_dim3A_1982 = vector.broadcast %neg3A_1978 : f32 to vector<16xf32>
        %select_n3A_1983 = arith.select %eq3A_1981, %broadcast_in_dim3A_1982, %select_n3A_1937 : vector<16xi1>, vector<16xf32>
        %get3A_1984 = arith.constant 0 : i32
        %get3A_1985 = arith.constant 20 : i32
        %get3A_1986 = arith.index_cast %get3A_1984 : i32 to index
        %get3A_1987 = arith.index_cast %get3A_1985 : i32 to index
        %get3A_1988 = arith.index_cast %scan3A_1055 : i32 to index
        %get3A_1989 = arith.constant 0 : index
        %get3A_1990 = tpu.vector_load %arg8[%get3A_1986, %get3A_1987, %get3A_1988, %get3A_1989] {strides = array<i32>} : memref<2x25x32x64xf32, #tpu.memory_space<vmem>>, vector<16xf32>,
        %mul3A_1991 = arith.mulf %get3A_1990, %get3A_1059 : vector<16xf32>
        %get3A_1992 = arith.constant 0 : i32
        %get3A_1993 = arith.constant 20 : i32
        %get3A_1994 = arith.index_cast %get3A_1992 : i32 to index
        %get3A_1995 = arith.index_cast %get3A_1993 : i32 to index
        %get3A_1996 = arith.index_cast %scan3A_1055 : i32 to index
        %get3A_1997 = arith.constant 16 : index
        %get3A_1998 = tpu.vector_load %arg8[%get3A_1994, %get3A_1995, %get3A_1996, %get3A_1997] {strides = array<i32>} : memref<2x25x32x64xf32, #tpu.memory_space<vmem>>, vector<16xf32>,
        %mul3A_1999 = arith.mulf %get3A_1998, %get3A_1064 : vector<16xf32>
        %add3A_2000 = arith.addf %mul3A_1991, %mul3A_1999 : vector<16xf32>
        %get3A_2001 = arith.constant 0 : i32
        %get3A_2002 = arith.constant 20 : i32
        %get3A_2003 = arith.index_cast %get3A_2001 : i32 to index
        %get3A_2004 = arith.index_cast %get3A_2002 : i32 to index
        %get3A_2005 = arith.index_cast %scan3A_1055 : i32 to index
        %get3A_2006 = arith.constant 32 : index
        %get3A_2007 = tpu.vector_load %arg8[%get3A_2003, %get3A_2004, %get3A_2005, %get3A_2006] {strides = array<i32>} : memref<2x25x32x64xf32, #tpu.memory_space<vmem>>, vector<16xf32>,
        %mul3A_2008 = arith.mulf %get3A_2007, %get3A_1069 : vector<16xf32>
        %add3A_2009 = arith.addf %add3A_2000, %mul3A_2008 : vector<16xf32>
        %get3A_2010 = arith.constant 0 : i32
        %get3A_2011 = arith.constant 20 : i32
        %get3A_2012 = arith.index_cast %get3A_2010 : i32 to index
        %get3A_2013 = arith.index_cast %get3A_2011 : i32 to index
        %get3A_2014 = arith.index_cast %scan3A_1055 : i32 to index
        %get3A_2015 = arith.constant 48 : index
        %get3A_2016 = tpu.vector_load %arg8[%get3A_2012, %get3A_2013, %get3A_2014, %get3A_2015] {strides = array<i32>} : memref<2x25x32x64xf32, #tpu.memory_space<vmem>>, vector<16xf32>,
        %mul3A_2017 = arith.mulf %get3A_2016, %get3A_1074 : vector<16xf32>
        %add3A_2018 = arith.addf %add3A_2009, %mul3A_2017 : vector<16xf32>
        %reduce_sum3A_2019 = arith.constant true
        %reduce_sum3A_2020 = vector.broadcast %reduce_sum3A_2019 : i1 to vector<16xi1>
        %reduce_sum3A_2021 = tpu.scan <sum>, %add3A_2018 masked %reduce_sum3A_2020 : vector<16xf32>, vector<16xi1> -> vector<16xf32>
        %reduce_sum3A_2022 = vector.extract %reduce_sum3A_2021[15] : f32 from vector<16xf32>
        %neg3A_2023 = arith.constant 0.000000e+00 : f32
        %neg3A_2024 = arith.subf %neg3A_2023, %reduce_sum3A_2022 : f32
        %eq3A_2025 = arith.constant 4 : i32
        %eq3A_2026 = vector.broadcast %eq3A_2025 : i32 to vector<16xi32>
        %eq3A_2027 = arith.cmpi eq, %iota3A, %eq3A_2026 : vector<16xi32>
        %broadcast_in_dim3A_2028 = vector.broadcast %neg3A_2024 : f32 to vector<16xf32>
        %select_n3A_2029 = arith.select %eq3A_2027, %broadcast_in_dim3A_2028, %select_n3A_1983 : vector<16xi1>, vector<16xf32>
        %get3A_2030 = arith.constant 0 : i32
        %get3A_2031 = arith.constant 21 : i32
        %get3A_2032 = arith.index_cast %get3A_2030 : i32 to index
        %get3A_2033 = arith.index_cast %get3A_2031 : i32 to index
        %get3A_2034 = arith.index_cast %scan3A_1055 : i32 to index
        %get3A_2035 = arith.constant 0 : index
        %get3A_2036 = tpu.vector_load %arg8[%get3A_2032, %get3A_2033, %get3A_2034, %get3A_2035] {strides = array<i32>} : memref<2x25x32x64xf32, #tpu.memory_space<vmem>>, vector<16xf32>,
        %mul3A_2037 = arith.mulf %get3A_2036, %get3A_1059 : vector<16xf32>
        %get3A_2038 = arith.constant 0 : i32
        %get3A_2039 = arith.constant 21 : i32
        %get3A_2040 = arith.index_cast %get3A_2038 : i32 to index
        %get3A_2041 = arith.index_cast %get3A_2039 : i32 to index
        %get3A_2042 = arith.index_cast %scan3A_1055 : i32 to index
        %get3A_2043 = arith.constant 16 : index
        %get3A_2044 = tpu.vector_load %arg8[%get3A_2040, %get3A_2041, %get3A_2042, %get3A_2043] {strides = array<i32>} : memref<2x25x32x64xf32, #tpu.memory_space<vmem>>, vector<16xf32>,
        %mul3A_2045 = arith.mulf %get3A_2044, %get3A_1064 : vector<16xf32>
        %add3A_2046 = arith.addf %mul3A_2037, %mul3A_2045 : vector<16xf32>
        %get3A_2047 = arith.constant 0 : i32
        %get3A_2048 = arith.constant 21 : i32
        %get3A_2049 = arith.index_cast %get3A_2047 : i32 to index
        %get3A_2050 = arith.index_cast %get3A_2048 : i32 to index
        %get3A_2051 = arith.index_cast %scan3A_1055 : i32 to index
        %get3A_2052 = arith.constant 32 : index
        %get3A_2053 = tpu.vector_load %arg8[%get3A_2049, %get3A_2050, %get3A_2051, %get3A_2052] {strides = array<i32>} : memref<2x25x32x64xf32, #tpu.memory_space<vmem>>, vector<16xf32>,
        %mul3A_2054 = arith.mulf %get3A_2053, %get3A_1069 : vector<16xf32>
        %add3A_2055 = arith.addf %add3A_2046, %mul3A_2054 : vector<16xf32>
        %get3A_2056 = arith.constant 0 : i32
        %get3A_2057 = arith.constant 21 : i32
        %get3A_2058 = arith.index_cast %get3A_2056 : i32 to index
        %get3A_2059 = arith.index_cast %get3A_2057 : i32 to index
        %get3A_2060 = arith.index_cast %scan3A_1055 : i32 to index
        %get3A_2061 = arith.constant 48 : index
        %get3A_2062 = tpu.vector_load %arg8[%get3A_2058, %get3A_2059, %get3A_2060, %get3A_2061] {strides = array<i32>} : memref<2x25x32x64xf32, #tpu.memory_space<vmem>>, vector<16xf32>,
        %mul3A_2063 = arith.mulf %get3A_2062, %get3A_1074 : vector<16xf32>
        %add3A_2064 = arith.addf %add3A_2055, %mul3A_2063 : vector<16xf32>
        %reduce_sum3A_2065 = arith.constant true
        %reduce_sum3A_2066 = vector.broadcast %reduce_sum3A_2065 : i1 to vector<16xi1>
        %reduce_sum3A_2067 = tpu.scan <sum>, %add3A_2064 masked %reduce_sum3A_2066 : vector<16xf32>, vector<16xi1> -> vector<16xf32>
        %reduce_sum3A_2068 = vector.extract %reduce_sum3A_2067[15] : f32 from vector<16xf32>
        %neg3A_2069 = arith.constant 0.000000e+00 : f32
        %neg3A_2070 = arith.subf %neg3A_2069, %reduce_sum3A_2068 : f32
        %eq3A_2071 = arith.constant 5 : i32
        %eq3A_2072 = vector.broadcast %eq3A_2071 : i32 to vector<16xi32>
        %eq3A_2073 = arith.cmpi eq, %iota3A, %eq3A_2072 : vector<16xi32>
        %broadcast_in_dim3A_2074 = vector.broadcast %neg3A_2070 : f32 to vector<16xf32>
        %select_n3A_2075 = arith.select %eq3A_2073, %broadcast_in_dim3A_2074, %select_n3A_2029 : vector<16xi1>, vector<16xf32>
        %get3A_2076 = arith.constant 0 : i32
        %get3A_2077 = arith.constant 22 : i32
        %get3A_2078 = arith.index_cast %get3A_2076 : i32 to index
        %get3A_2079 = arith.index_cast %get3A_2077 : i32 to index
        %get3A_2080 = arith.index_cast %scan3A_1055 : i32 to index
        %get3A_2081 = arith.constant 0 : index
        %get3A_2082 = tpu.vector_load %arg8[%get3A_2078, %get3A_2079, %get3A_2080, %get3A_2081] {strides = array<i32>} : memref<2x25x32x64xf32, #tpu.memory_space<vmem>>, vector<16xf32>,
        %mul3A_2083 = arith.mulf %get3A_2082, %get3A_1059 : vector<16xf32>
        %get3A_2084 = arith.constant 0 : i32
        %get3A_2085 = arith.constant 22 : i32
        %get3A_2086 = arith.index_cast %get3A_2084 : i32 to index
        %get3A_2087 = arith.index_cast %get3A_2085 : i32 to index
        %get3A_2088 = arith.index_cast %scan3A_1055 : i32 to index
        %get3A_2089 = arith.constant 16 : index
        %get3A_2090 = tpu.vector_load %arg8[%get3A_2086, %get3A_2087, %get3A_2088, %get3A_2089] {strides = array<i32>} : memref<2x25x32x64xf32, #tpu.memory_space<vmem>>, vector<16xf32>,
        %mul3A_2091 = arith.mulf %get3A_2090, %get3A_1064 : vector<16xf32>
        %add3A_2092 = arith.addf %mul3A_2083, %mul3A_2091 : vector<16xf32>
        %get3A_2093 = arith.constant 0 : i32
        %get3A_2094 = arith.constant 22 : i32
        %get3A_2095 = arith.index_cast %get3A_2093 : i32 to index
        %get3A_2096 = arith.index_cast %get3A_2094 : i32 to index
        %get3A_2097 = arith.index_cast %scan3A_1055 : i32 to index
        %get3A_2098 = arith.constant 32 : index
        %get3A_2099 = tpu.vector_load %arg8[%get3A_2095, %get3A_2096, %get3A_2097, %get3A_2098] {strides = array<i32>} : memref<2x25x32x64xf32, #tpu.memory_space<vmem>>, vector<16xf32>,
        %mul3A_2100 = arith.mulf %get3A_2099, %get3A_1069 : vector<16xf32>
        %add3A_2101 = arith.addf %add3A_2092, %mul3A_2100 : vector<16xf32>
        %get3A_2102 = arith.constant 0 : i32
        %get3A_2103 = arith.constant 22 : i32
        %get3A_2104 = arith.index_cast %get3A_2102 : i32 to index
        %get3A_2105 = arith.index_cast %get3A_2103 : i32 to index
        %get3A_2106 = arith.index_cast %scan3A_1055 : i32 to index
        %get3A_2107 = arith.constant 48 : index
        %get3A_2108 = tpu.vector_load %arg8[%get3A_2104, %get3A_2105, %get3A_2106, %get3A_2107] {strides = array<i32>} : memref<2x25x32x64xf32, #tpu.memory_space<vmem>>, vector<16xf32>,
        %mul3A_2109 = arith.mulf %get3A_2108, %get3A_1074 : vector<16xf32>
        %add3A_2110 = arith.addf %add3A_2101, %mul3A_2109 : vector<16xf32>
        %reduce_sum3A_2111 = arith.constant true
        %reduce_sum3A_2112 = vector.broadcast %reduce_sum3A_2111 : i1 to vector<16xi1>
        %reduce_sum3A_2113 = tpu.scan <sum>, %add3A_2110 masked %reduce_sum3A_2112 : vector<16xf32>, vector<16xi1> -> vector<16xf32>
        %reduce_sum3A_2114 = vector.extract %reduce_sum3A_2113[15] : f32 from vector<16xf32>
        %neg3A_2115 = arith.constant 0.000000e+00 : f32
        %neg3A_2116 = arith.subf %neg3A_2115, %reduce_sum3A_2114 : f32
        %eq3A_2117 = arith.constant 6 : i32
        %eq3A_2118 = vector.broadcast %eq3A_2117 : i32 to vector<16xi32>
        %eq3A_2119 = arith.cmpi eq, %iota3A, %eq3A_2118 : vector<16xi32>
        %broadcast_in_dim3A_2120 = vector.broadcast %neg3A_2116 : f32 to vector<16xf32>
        %select_n3A_2121 = arith.select %eq3A_2119, %broadcast_in_dim3A_2120, %select_n3A_2075 : vector<16xi1>, vector<16xf32>
        %get3A_2122 = arith.constant 0 : i32
        %get3A_2123 = arith.constant 23 : i32
        %get3A_2124 = arith.index_cast %get3A_2122 : i32 to index
        %get3A_2125 = arith.index_cast %get3A_2123 : i32 to index
        %get3A_2126 = arith.index_cast %scan3A_1055 : i32 to index
        %get3A_2127 = arith.constant 0 : index
        %get3A_2128 = tpu.vector_load %arg8[%get3A_2124, %get3A_2125, %get3A_2126, %get3A_2127] {strides = array<i32>} : memref<2x25x32x64xf32, #tpu.memory_space<vmem>>, vector<16xf32>,
        %mul3A_2129 = arith.mulf %get3A_2128, %get3A_1059 : vector<16xf32>
        %get3A_2130 = arith.constant 0 : i32
        %get3A_2131 = arith.constant 23 : i32
        %get3A_2132 = arith.index_cast %get3A_2130 : i32 to index
        %get3A_2133 = arith.index_cast %get3A_2131 : i32 to index
        %get3A_2134 = arith.index_cast %scan3A_1055 : i32 to index
        %get3A_2135 = arith.constant 16 : index
        %get3A_2136 = tpu.vector_load %arg8[%get3A_2132, %get3A_2133, %get3A_2134, %get3A_2135] {strides = array<i32>} : memref<2x25x32x64xf32, #tpu.memory_space<vmem>>, vector<16xf32>,
        %mul3A_2137 = arith.mulf %get3A_2136, %get3A_1064 : vector<16xf32>
        %add3A_2138 = arith.addf %mul3A_2129, %mul3A_2137 : vector<16xf32>
        %get3A_2139 = arith.constant 0 : i32
        %get3A_2140 = arith.constant 23 : i32
        %get3A_2141 = arith.index_cast %get3A_2139 : i32 to index
        %get3A_2142 = arith.index_cast %get3A_2140 : i32 to index
        %get3A_2143 = arith.index_cast %scan3A_1055 : i32 to index
        %get3A_2144 = arith.constant 32 : index
        %get3A_2145 = tpu.vector_load %arg8[%get3A_2141, %get3A_2142, %get3A_2143, %get3A_2144] {strides = array<i32>} : memref<2x25x32x64xf32, #tpu.memory_space<vmem>>, vector<16xf32>,
        %mul3A_2146 = arith.mulf %get3A_2145, %get3A_1069 : vector<16xf32>
        %add3A_2147 = arith.addf %add3A_2138, %mul3A_2146 : vector<16xf32>
        %get3A_2148 = arith.constant 0 : i32
        %get3A_2149 = arith.constant 23 : i32
        %get3A_2150 = arith.index_cast %get3A_2148 : i32 to index
        %get3A_2151 = arith.index_cast %get3A_2149 : i32 to index
        %get3A_2152 = arith.index_cast %scan3A_1055 : i32 to index
        %get3A_2153 = arith.constant 48 : index
        %get3A_2154 = tpu.vector_load %arg8[%get3A_2150, %get3A_2151, %get3A_2152, %get3A_2153] {strides = array<i32>} : memref<2x25x32x64xf32, #tpu.memory_space<vmem>>, vector<16xf32>,
        %mul3A_2155 = arith.mulf %get3A_2154, %get3A_1074 : vector<16xf32>
        %add3A_2156 = arith.addf %add3A_2147, %mul3A_2155 : vector<16xf32>
        %reduce_sum3A_2157 = arith.constant true
        %reduce_sum3A_2158 = vector.broadcast %reduce_sum3A_2157 : i1 to vector<16xi1>
        %reduce_sum3A_2159 = tpu.scan <sum>, %add3A_2156 masked %reduce_sum3A_2158 : vector<16xf32>, vector<16xi1> -> vector<16xf32>
        %reduce_sum3A_2160 = vector.extract %reduce_sum3A_2159[15] : f32 from vector<16xf32>
        %neg3A_2161 = arith.constant 0.000000e+00 : f32
        %neg3A_2162 = arith.subf %neg3A_2161, %reduce_sum3A_2160 : f32
        %eq3A_2163 = arith.constant 7 : i32
        %eq3A_2164 = vector.broadcast %eq3A_2163 : i32 to vector<16xi32>
        %eq3A_2165 = arith.cmpi eq, %iota3A, %eq3A_2164 : vector<16xi32>
        %broadcast_in_dim3A_2166 = vector.broadcast %neg3A_2162 : f32 to vector<16xf32>
        %select_n3A_2167 = arith.select %eq3A_2165, %broadcast_in_dim3A_2166, %select_n3A_2121 : vector<16xi1>, vector<16xf32>
        %get3A_2168 = arith.constant 0 : i32
        %get3A_2169 = arith.constant 24 : i32
        %get3A_2170 = arith.index_cast %get3A_2168 : i32 to index
        %get3A_2171 = arith.index_cast %get3A_2169 : i32 to index
        %get3A_2172 = arith.index_cast %scan3A_1055 : i32 to index
        %get3A_2173 = arith.constant 0 : index
        %get3A_2174 = tpu.vector_load %arg8[%get3A_2170, %get3A_2171, %get3A_2172, %get3A_2173] {strides = array<i32>} : memref<2x25x32x64xf32, #tpu.memory_space<vmem>>, vector<16xf32>,
        %mul3A_2175 = arith.mulf %get3A_2174, %get3A_1059 : vector<16xf32>
        %get3A_2176 = arith.constant 0 : i32
        %get3A_2177 = arith.constant 24 : i32
        %get3A_2178 = arith.index_cast %get3A_2176 : i32 to index
        %get3A_2179 = arith.index_cast %get3A_2177 : i32 to index
        %get3A_2180 = arith.index_cast %scan3A_1055 : i32 to index
        %get3A_2181 = arith.constant 16 : index
        %get3A_2182 = tpu.vector_load %arg8[%get3A_2178, %get3A_2179, %get3A_2180, %get3A_2181] {strides = array<i32>} : memref<2x25x32x64xf32, #tpu.memory_space<vmem>>, vector<16xf32>,
        %mul3A_2183 = arith.mulf %get3A_2182, %get3A_1064 : vector<16xf32>
        %add3A_2184 = arith.addf %mul3A_2175, %mul3A_2183 : vector<16xf32>
        %get3A_2185 = arith.constant 0 : i32
        %get3A_2186 = arith.constant 24 : i32
        %get3A_2187 = arith.index_cast %get3A_2185 : i32 to index
        %get3A_2188 = arith.index_cast %get3A_2186 : i32 to index
        %get3A_2189 = arith.index_cast %scan3A_1055 : i32 to index
        %get3A_2190 = arith.constant 32 : index
        %get3A_2191 = tpu.vector_load %arg8[%get3A_2187, %get3A_2188, %get3A_2189, %get3A_2190] {strides = array<i32>} : memref<2x25x32x64xf32, #tpu.memory_space<vmem>>, vector<16xf32>,
        %mul3A_2192 = arith.mulf %get3A_2191, %get3A_1069 : vector<16xf32>
        %add3A_2193 = arith.addf %add3A_2184, %mul3A_2192 : vector<16xf32>
        %get3A_2194 = arith.constant 0 : i32
        %get3A_2195 = arith.constant 24 : i32
        %get3A_2196 = arith.index_cast %get3A_2194 : i32 to index
        %get3A_2197 = arith.index_cast %get3A_2195 : i32 to index
        %get3A_2198 = arith.index_cast %scan3A_1055 : i32 to index
        %get3A_2199 = arith.constant 48 : index
        %get3A_2200 = tpu.vector_load %arg8[%get3A_2196, %get3A_2197, %get3A_2198, %get3A_2199] {strides = array<i32>} : memref<2x25x32x64xf32, #tpu.memory_space<vmem>>, vector<16xf32>,
        %mul3A_2201 = arith.mulf %get3A_2200, %get3A_1074 : vector<16xf32>
        %add3A_2202 = arith.addf %add3A_2193, %mul3A_2201 : vector<16xf32>
        %reduce_sum3A_2203 = arith.constant true
        %reduce_sum3A_2204 = vector.broadcast %reduce_sum3A_2203 : i1 to vector<16xi1>
        %reduce_sum3A_2205 = tpu.scan <sum>, %add3A_2202 masked %reduce_sum3A_2204 : vector<16xf32>, vector<16xi1> -> vector<16xf32>
        %reduce_sum3A_2206 = vector.extract %reduce_sum3A_2205[15] : f32 from vector<16xf32>
        %neg3A_2207 = arith.constant 0.000000e+00 : f32
        %neg3A_2208 = arith.subf %neg3A_2207, %reduce_sum3A_2206 : f32
        %eq3A_2209 = arith.constant 8 : i32
        %eq3A_2210 = vector.broadcast %eq3A_2209 : i32 to vector<16xi32>
        %eq3A_2211 = arith.cmpi eq, %iota3A, %eq3A_2210 : vector<16xi32>
        %broadcast_in_dim3A_2212 = vector.broadcast %neg3A_2208 : f32 to vector<16xf32>
        %select_n3A_2213 = arith.select %eq3A_2211, %broadcast_in_dim3A_2212, %select_n3A_2167 : vector<16xi1>, vector<16xf32>
        %mul3A_2214 = arith.constant 32 : i32
        %mul3A_2215 = arith.muli %add3A_354, %mul3A_2214 : i32
        %add3A_2216 = arith.addi %mul3A_2215, %scan3A_1055 : i32
        %shift_right_arithmetic3A = arith.constant 2 : i32
        %shift_right_arithmetic3A_2217 = arith.shrsi %add3A_2216, %shift_right_arithmetic3A : i32
        %and3A = arith.constant 3 : i32
        %and3A_2218 = arith.andi %add3A_2216, %and3A : i32
        %mul3A_2219 = arith.constant 2 : i32
        %mul3A_2220 = arith.muli %and3A_2218, %mul3A_2219 : i32
        %mul3A_2221 = arith.constant 16 : i32
        %mul3A_2222 = arith.muli %mul3A_2220, %mul3A_2221 : i32
        %swap3A = arith.index_cast %shift_right_arithmetic3A_2217 : i32 to index
        %swap3A_2223 = arith.index_cast %mul3A_2222 : i32 to index
        %swap3A_2224 = tpu.vector_load %arg9[%swap3A, %swap3A_2223] {strides = array<i32>} : memref<128x128xf32, #tpu.memory_space<vmem>>, vector<16xf32>,
        tpu.vector_store %arg9[%swap3A, %swap3A_2223], %select_n3A_1799 {strides = array<i32>} : memref<128x128xf32, #tpu.memory_space<vmem>>, vector<16xf32>,
        %add3A_2225 = arith.constant 16 : i32
        %add3A_2226 = arith.addi %mul3A_2222, %add3A_2225 : i32
        %swap3A_2227 = arith.index_cast %shift_right_arithmetic3A_2217 : i32 to index
        %swap3A_2228 = arith.index_cast %add3A_2226 : i32 to index
        %swap3A_2229 = tpu.vector_load %arg9[%swap3A_2227, %swap3A_2228] {strides = array<i32>} : memref<128x128xf32, #tpu.memory_space<vmem>>, vector<16xf32>,
        tpu.vector_store %arg9[%swap3A_2227, %swap3A_2228], %select_n3A_2213 {strides = array<i32>} : memref<128x128xf32, #tpu.memory_space<vmem>>, vector<16xf32>,
      }
      %scan3A_700 = arith.constant 32 : i32
      %mul3A_701 = arith.constant 2 : i32
      %mul3A_702 = arith.muli %mul3A_701, %scan3A_350 : i32
      %add3A_703 = arith.constant 1 : i32
      %add3A_704 = arith.addi %mul3A_702, %add3A_703 : i32
      %add3A_705 = arith.constant 1 : i32
      %add3A_706 = arith.addi %add3A_704, %add3A_705 : i32
      %lt3A_707 = arith.constant 16 : i32
      %lt3A_708 = arith.cmpi slt, %add3A_706, %lt3A_707 : i32
      %convert_element_type3A_709 = arith.extui %lt3A_708 : i1 to i32
      %cond3A_710 = arith.constant 0 : i32
      %cond3A_711 = arith.cmpi ne, %convert_element_type3A_709, %cond3A_710 : i32
      scf.if %cond3A_711 {
        %add3A_1055 = arith.constant 1 : i32
        %add3A_1056 = arith.addi %add3A_704, %add3A_1055 : i32
        %mul3A_1057 = arith.constant 16 : i32
        %mul3A_1058 = arith.muli %add3A, %mul3A_1057 : i32
        %add3A_1059 = arith.addi %mul3A_1058, %add3A_1056 : i32
        %mul3A_1060 = arith.constant 1024 : i32
        %mul3A_1061 = arith.muli %add3A_1059, %mul3A_1060 : i32
        %run_scoped3A_1062 = arith.constant 0 : i32
        "tpu.region"() ({
          %run_scoped3A_1400 = tpu.sem_alloc : memref<!tpu.dma_semaphore, #tpu.memory_space<semaphore_mem>>
          %dma_start3A_1401 = arith.constant 0 : i32
          %dma_start3A_1402 = tpu.memref_slice %arg6[%run_scoped3A_1062, %dma_start3A_1401] : memref<2x1024xi32, #tpu.memory_space<vmem>> -> memref<1x1024xi32, #tpu.memory_space<vmem>>
          %dma_start3A_1403 = tpu.memref_squeeze %dma_start3A_1402 : memref<1x1024xi32, #tpu.memory_space<vmem>> -> memref<1024xi32, #tpu.memory_space<vmem>>
          %dma_start3A_1404 = tpu.memref_slice %arg4[%mul3A_1061] : memref<524288xi32, #tpu.memory_space<hbm>> -> memref<1024xi32, #tpu.memory_space<hbm>>
          %dma_start3A_1405 = arith.constant 0 : i32
          %dma_start3A_1406 = tpu.memref_slice %arg6[%run_scoped3A_1062, %dma_start3A_1405] : memref<2x1024xi32, #tpu.memory_space<vmem>> -> memref<1x1024xi32, #tpu.memory_space<vmem>>
          %dma_start3A_1407 = tpu.memref_squeeze %dma_start3A_1406 : memref<1x1024xi32, #tpu.memory_space<vmem>> -> memref<1024xi32, #tpu.memory_space<vmem>>
          %dma_start3A_1408 = tpu.memref_slice %arg4[%mul3A_1061] : memref<524288xi32, #tpu.memory_space<hbm>> -> memref<1024xi32, #tpu.memory_space<hbm>>
          tpu.enqueue_dma source(%dma_start3A_1408 : memref<1024xi32, #tpu.memory_space<hbm>>) target(%dma_start3A_1407 : memref<1024xi32, #tpu.memory_space<vmem>>) target_semaphore(%run_scoped3A_1400 : memref<!tpu.dma_semaphore, #tpu.memory_space<semaphore_mem>>)
          %dma_wait3A_1409 = arith.constant 0 : i32
          %dma_wait3A_1410 = tpu.memref_slice %arg6[%run_scoped3A_1062, %dma_wait3A_1409] : memref<2x1024xi32, #tpu.memory_space<vmem>> -> memref<1x1024xi32, #tpu.memory_space<vmem>>
          %dma_wait3A_1411 = tpu.memref_squeeze %dma_wait3A_1410 : memref<1x1024xi32, #tpu.memory_space<vmem>> -> memref<1024xi32, #tpu.memory_space<vmem>>
          %dma_wait3A_1412 = tpu.memref_slice %arg4[%mul3A_1061] : memref<524288xi32, #tpu.memory_space<hbm>> -> memref<1024xi32, #tpu.memory_space<hbm>>
          %dma_wait3A_1413 = arith.constant 0 : i32
          %dma_wait3A_1414 = tpu.memref_slice %arg6[%run_scoped3A_1062, %dma_wait3A_1413] : memref<2x1024xi32, #tpu.memory_space<vmem>> -> memref<1x1024xi32, #tpu.memory_space<vmem>>
          %dma_wait3A_1415 = tpu.memref_squeeze %dma_wait3A_1414 : memref<1x1024xi32, #tpu.memory_space<vmem>> -> memref<1024xi32, #tpu.memory_space<vmem>>
          %dma_wait3A_1416 = tpu.memref_slice %arg4[%mul3A_1061] : memref<524288xi32, #tpu.memory_space<hbm>> -> memref<1024xi32, #tpu.memory_space<hbm>>
          tpu.wait_dma2 semaphore(%run_scoped3A_1400 : memref<!tpu.dma_semaphore, #tpu.memory_space<semaphore_mem>>) src(%dma_wait3A_1416 : memref<1024xi32, #tpu.memory_space<hbm>>) dst(%dma_wait3A_1415 : memref<1024xi32, #tpu.memory_space<vmem>>)
          tpu.yield
        }) : () -> ()
        %dma_start3A_1063 = arith.constant 0 : i32
        %dma_start3A_1064 = arith.constant 0 : i32
        %dma_start3A_1065 = arith.constant 0 : i32
        %dma_start3A_1066 = arith.constant 0 : i32
        %dma_start3A_1067 = tpu.memref_slice %arg7[%dma_start3A_1064, %dma_start3A_1065, %dma_start3A_1066] : memref<2x32x64xf32, #tpu.memory_space<vmem>> -> memref<1x32x64xf32, #tpu.memory_space<vmem>>
        %dma_start3A_1068 = tpu.memref_squeeze %dma_start3A_1067 : memref<1x32x64xf32, #tpu.memory_space<vmem>> -> memref<32x64xf32, #tpu.memory_space<vmem>>
        %dma_start3A_1069 = arith.constant 0 : i32
        %dma_start3A_1070 = tpu.memref_slice %arg6[%dma_start3A_1063, %dma_start3A_1069] : memref<2x1024xi32, #tpu.memory_space<vmem>> -> memref<1x32xi32, #tpu.memory_space<vmem>>
        %dma_start3A_1071 = tpu.memref_squeeze %dma_start3A_1070 : memref<1x32xi32, #tpu.memory_space<vmem>> -> memref<32xi32, #tpu.memory_space<vmem>>
        %dma_start3A_1072 = arith.constant 0 : i32
        %dma_start3A_1073 = arith.constant 0 : i32
        %dma_start3A_1074 = tpu.memref_slice %arg2[%dma_start3A_1072, %dma_start3A_1073] : memref<1000000x64xf32, #tpu.memory_space<hbm>> -> memref<1000000x64xf32, #tpu.memory_space<hbm>>
        tpu.enqueue_indirect_dma source(%dma_start3A_1074 : memref<1000000x64xf32, #tpu.memory_space<hbm>>) target(%dma_start3A_1068 : memref<32x64xf32, #tpu.memory_space<vmem>>) offsets(%dma_start3A_1071 : memref<32xi32, #tpu.memory_space<vmem>>) semaphore(%arg10 : memref<!tpu.dma_semaphore, #tpu.memory_space<semaphore_mem>>)
        %dma_start3A_1075 = arith.constant 0 : i32
        %dma_start3A_1076 = arith.constant 0 : i32
        %dma_start3A_1077 = arith.constant 0 : i32
        %dma_start3A_1078 = arith.constant 0 : i32
        %dma_start3A_1079 = arith.constant 0 : i32
        %dma_start3A_1080 = tpu.memref_slice %arg8[%dma_start3A_1076, %dma_start3A_1077, %dma_start3A_1078, %dma_start3A_1079] : memref<2x25x32x64xf32, #tpu.memory_space<vmem>> -> memref<1x1x32x64xf32, #tpu.memory_space<vmem>>
        %dma_start3A_1081 = tpu.memref_squeeze %dma_start3A_1080 : memref<1x1x32x64xf32, #tpu.memory_space<vmem>> -> memref<32x64xf32, #tpu.memory_space<vmem>>
        %dma_start3A_1082 = arith.constant 32 : i32
        %dma_start3A_1083 = tpu.memref_slice %arg6[%dma_start3A_1075, %dma_start3A_1082] : memref<2x1024xi32, #tpu.memory_space<vmem>> -> memref<1x32xi32, #tpu.memory_space<vmem>>
        %dma_start3A_1084 = tpu.memref_squeeze %dma_start3A_1083 : memref<1x32xi32, #tpu.memory_space<vmem>> -> memref<32xi32, #tpu.memory_space<vmem>>
        %dma_start3A_1085 = arith.constant 0 : i32
        %dma_start3A_1086 = arith.constant 0 : i32
        %dma_start3A_1087 = tpu.memref_slice %arg3[%dma_start3A_1085, %dma_start3A_1086] : memref<1000000x64xf32, #tpu.memory_space<hbm>> -> memref<1000000x64xf32, #tpu.memory_space<hbm>>
        tpu.enqueue_indirect_dma source(%dma_start3A_1087 : memref<1000000x64xf32, #tpu.memory_space<hbm>>) target(%dma_start3A_1081 : memref<32x64xf32, #tpu.memory_space<vmem>>) offsets(%dma_start3A_1084 : memref<32xi32, #tpu.memory_space<vmem>>) semaphore(%arg10 : memref<!tpu.dma_semaphore, #tpu.memory_space<semaphore_mem>>)
        %dma_start3A_1088 = arith.constant 0 : i32
        %dma_start3A_1089 = arith.constant 0 : i32
        %dma_start3A_1090 = arith.constant 1 : i32
        %dma_start3A_1091 = arith.constant 0 : i32
        %dma_start3A_1092 = arith.constant 0 : i32
        %dma_start3A_1093 = tpu.memref_slice %arg8[%dma_start3A_1089, %dma_start3A_1090, %dma_start3A_1091, %dma_start3A_1092] : memref<2x25x32x64xf32, #tpu.memory_space<vmem>> -> memref<1x1x32x64xf32, #tpu.memory_space<vmem>>
        %dma_start3A_1094 = tpu.memref_squeeze %dma_start3A_1093 : memref<1x1x32x64xf32, #tpu.memory_space<vmem>> -> memref<32x64xf32, #tpu.memory_space<vmem>>
        %dma_start3A_1095 = arith.constant 64 : i32
        %dma_start3A_1096 = tpu.memref_slice %arg6[%dma_start3A_1088, %dma_start3A_1095] : memref<2x1024xi32, #tpu.memory_space<vmem>> -> memref<1x32xi32, #tpu.memory_space<vmem>>
        %dma_start3A_1097 = tpu.memref_squeeze %dma_start3A_1096 : memref<1x32xi32, #tpu.memory_space<vmem>> -> memref<32xi32, #tpu.memory_space<vmem>>
        %dma_start3A_1098 = arith.constant 0 : i32
        %dma_start3A_1099 = arith.constant 0 : i32
        %dma_start3A_1100 = tpu.memref_slice %arg3[%dma_start3A_1098, %dma_start3A_1099] : memref<1000000x64xf32, #tpu.memory_space<hbm>> -> memref<1000000x64xf32, #tpu.memory_space<hbm>>
        tpu.enqueue_indirect_dma source(%dma_start3A_1100 : memref<1000000x64xf32, #tpu.memory_space<hbm>>) target(%dma_start3A_1094 : memref<32x64xf32, #tpu.memory_space<vmem>>) offsets(%dma_start3A_1097 : memref<32xi32, #tpu.memory_space<vmem>>) semaphore(%arg10 : memref<!tpu.dma_semaphore, #tpu.memory_space<semaphore_mem>>)
        %dma_start3A_1101 = arith.constant 0 : i32
        %dma_start3A_1102 = arith.constant 0 : i32
        %dma_start3A_1103 = arith.constant 2 : i32
        %dma_start3A_1104 = arith.constant 0 : i32
        %dma_start3A_1105 = arith.constant 0 : i32
        %dma_start3A_1106 = tpu.memref_slice %arg8[%dma_start3A_1102, %dma_start3A_1103, %dma_start3A_1104, %dma_start3A_1105] : memref<2x25x32x64xf32, #tpu.memory_space<vmem>> -> memref<1x1x32x64xf32, #tpu.memory_space<vmem>>
        %dma_start3A_1107 = tpu.memref_squeeze %dma_start3A_1106 : memref<1x1x32x64xf32, #tpu.memory_space<vmem>> -> memref<32x64xf32, #tpu.memory_space<vmem>>
        %dma_start3A_1108 = arith.constant 96 : i32
        %dma_start3A_1109 = tpu.memref_slice %arg6[%dma_start3A_1101, %dma_start3A_1108] : memref<2x1024xi32, #tpu.memory_space<vmem>> -> memref<1x32xi32, #tpu.memory_space<vmem>>
        %dma_start3A_1110 = tpu.memref_squeeze %dma_start3A_1109 : memref<1x32xi32, #tpu.memory_space<vmem>> -> memref<32xi32, #tpu.memory_space<vmem>>
        %dma_start3A_1111 = arith.constant 0 : i32
        %dma_start3A_1112 = arith.constant 0 : i32
        %dma_start3A_1113 = tpu.memref_slice %arg3[%dma_start3A_1111, %dma_start3A_1112] : memref<1000000x64xf32, #tpu.memory_space<hbm>> -> memref<1000000x64xf32, #tpu.memory_space<hbm>>
        tpu.enqueue_indirect_dma source(%dma_start3A_1113 : memref<1000000x64xf32, #tpu.memory_space<hbm>>) target(%dma_start3A_1107 : memref<32x64xf32, #tpu.memory_space<vmem>>) offsets(%dma_start3A_1110 : memref<32xi32, #tpu.memory_space<vmem>>) semaphore(%arg10 : memref<!tpu.dma_semaphore, #tpu.memory_space<semaphore_mem>>)
        %dma_start3A_1114 = arith.constant 0 : i32
        %dma_start3A_1115 = arith.constant 0 : i32
        %dma_start3A_1116 = arith.constant 3 : i32
        %dma_start3A_1117 = arith.constant 0 : i32
        %dma_start3A_1118 = arith.constant 0 : i32
        %dma_start3A_1119 = tpu.memref_slice %arg8[%dma_start3A_1115, %dma_start3A_1116, %dma_start3A_1117, %dma_start3A_1118] : memref<2x25x32x64xf32, #tpu.memory_space<vmem>> -> memref<1x1x32x64xf32, #tpu.memory_space<vmem>>
        %dma_start3A_1120 = tpu.memref_squeeze %dma_start3A_1119 : memref<1x1x32x64xf32, #tpu.memory_space<vmem>> -> memref<32x64xf32, #tpu.memory_space<vmem>>
        %dma_start3A_1121 = arith.constant 128 : i32
        %dma_start3A_1122 = tpu.memref_slice %arg6[%dma_start3A_1114, %dma_start3A_1121] : memref<2x1024xi32, #tpu.memory_space<vmem>> -> memref<1x32xi32, #tpu.memory_space<vmem>>
        %dma_start3A_1123 = tpu.memref_squeeze %dma_start3A_1122 : memref<1x32xi32, #tpu.memory_space<vmem>> -> memref<32xi32, #tpu.memory_space<vmem>>
        %dma_start3A_1124 = arith.constant 0 : i32
        %dma_start3A_1125 = arith.constant 0 : i32
        %dma_start3A_1126 = tpu.memref_slice %arg3[%dma_start3A_1124, %dma_start3A_1125] : memref<1000000x64xf32, #tpu.memory_space<hbm>> -> memref<1000000x64xf32, #tpu.memory_space<hbm>>
        tpu.enqueue_indirect_dma source(%dma_start3A_1126 : memref<1000000x64xf32, #tpu.memory_space<hbm>>) target(%dma_start3A_1120 : memref<32x64xf32, #tpu.memory_space<vmem>>) offsets(%dma_start3A_1123 : memref<32xi32, #tpu.memory_space<vmem>>) semaphore(%arg10 : memref<!tpu.dma_semaphore, #tpu.memory_space<semaphore_mem>>)
        %dma_start3A_1127 = arith.constant 0 : i32
        %dma_start3A_1128 = arith.constant 0 : i32
        %dma_start3A_1129 = arith.constant 4 : i32
        %dma_start3A_1130 = arith.constant 0 : i32
        %dma_start3A_1131 = arith.constant 0 : i32
        %dma_start3A_1132 = tpu.memref_slice %arg8[%dma_start3A_1128, %dma_start3A_1129, %dma_start3A_1130, %dma_start3A_1131] : memref<2x25x32x64xf32, #tpu.memory_space<vmem>> -> memref<1x1x32x64xf32, #tpu.memory_space<vmem>>
        %dma_start3A_1133 = tpu.memref_squeeze %dma_start3A_1132 : memref<1x1x32x64xf32, #tpu.memory_space<vmem>> -> memref<32x64xf32, #tpu.memory_space<vmem>>
        %dma_start3A_1134 = arith.constant 160 : i32
        %dma_start3A_1135 = tpu.memref_slice %arg6[%dma_start3A_1127, %dma_start3A_1134] : memref<2x1024xi32, #tpu.memory_space<vmem>> -> memref<1x32xi32, #tpu.memory_space<vmem>>
        %dma_start3A_1136 = tpu.memref_squeeze %dma_start3A_1135 : memref<1x32xi32, #tpu.memory_space<vmem>> -> memref<32xi32, #tpu.memory_space<vmem>>
        %dma_start3A_1137 = arith.constant 0 : i32
        %dma_start3A_1138 = arith.constant 0 : i32
        %dma_start3A_1139 = tpu.memref_slice %arg3[%dma_start3A_1137, %dma_start3A_1138] : memref<1000000x64xf32, #tpu.memory_space<hbm>> -> memref<1000000x64xf32, #tpu.memory_space<hbm>>
        tpu.enqueue_indirect_dma source(%dma_start3A_1139 : memref<1000000x64xf32, #tpu.memory_space<hbm>>) target(%dma_start3A_1133 : memref<32x64xf32, #tpu.memory_space<vmem>>) offsets(%dma_start3A_1136 : memref<32xi32, #tpu.memory_space<vmem>>) semaphore(%arg10 : memref<!tpu.dma_semaphore, #tpu.memory_space<semaphore_mem>>)
        %dma_start3A_1140 = arith.constant 0 : i32
        %dma_start3A_1141 = arith.constant 0 : i32
        %dma_start3A_1142 = arith.constant 5 : i32
        %dma_start3A_1143 = arith.constant 0 : i32
        %dma_start3A_1144 = arith.constant 0 : i32
        %dma_start3A_1145 = tpu.memref_slice %arg8[%dma_start3A_1141, %dma_start3A_1142, %dma_start3A_1143, %dma_start3A_1144] : memref<2x25x32x64xf32, #tpu.memory_space<vmem>> -> memref<1x1x32x64xf32, #tpu.memory_space<vmem>>
        %dma_start3A_1146 = tpu.memref_squeeze %dma_start3A_1145 : memref<1x1x32x64xf32, #tpu.memory_space<vmem>> -> memref<32x64xf32, #tpu.memory_space<vmem>>
        %dma_start3A_1147 = arith.constant 192 : i32
        %dma_start3A_1148 = tpu.memref_slice %arg6[%dma_start3A_1140, %dma_start3A_1147] : memref<2x1024xi32, #tpu.memory_space<vmem>> -> memref<1x32xi32, #tpu.memory_space<vmem>>
        %dma_start3A_1149 = tpu.memref_squeeze %dma_start3A_1148 : memref<1x32xi32, #tpu.memory_space<vmem>> -> memref<32xi32, #tpu.memory_space<vmem>>
        %dma_start3A_1150 = arith.constant 0 : i32
        %dma_start3A_1151 = arith.constant 0 : i32
        %dma_start3A_1152 = tpu.memref_slice %arg3[%dma_start3A_1150, %dma_start3A_1151] : memref<1000000x64xf32, #tpu.memory_space<hbm>> -> memref<1000000x64xf32, #tpu.memory_space<hbm>>
        tpu.enqueue_indirect_dma source(%dma_start3A_1152 : memref<1000000x64xf32, #tpu.memory_space<hbm>>) target(%dma_start3A_1146 : memref<32x64xf32, #tpu.memory_space<vmem>>) offsets(%dma_start3A_1149 : memref<32xi32, #tpu.memory_space<vmem>>) semaphore(%arg10 : memref<!tpu.dma_semaphore, #tpu.memory_space<semaphore_mem>>)
        %dma_start3A_1153 = arith.constant 0 : i32
        %dma_start3A_1154 = arith.constant 0 : i32
        %dma_start3A_1155 = arith.constant 6 : i32
        %dma_start3A_1156 = arith.constant 0 : i32
        %dma_start3A_1157 = arith.constant 0 : i32
        %dma_start3A_1158 = tpu.memref_slice %arg8[%dma_start3A_1154, %dma_start3A_1155, %dma_start3A_1156, %dma_start3A_1157] : memref<2x25x32x64xf32, #tpu.memory_space<vmem>> -> memref<1x1x32x64xf32, #tpu.memory_space<vmem>>
        %dma_start3A_1159 = tpu.memref_squeeze %dma_start3A_1158 : memref<1x1x32x64xf32, #tpu.memory_space<vmem>> -> memref<32x64xf32, #tpu.memory_space<vmem>>
        %dma_start3A_1160 = arith.constant 224 : i32
        %dma_start3A_1161 = tpu.memref_slice %arg6[%dma_start3A_1153, %dma_start3A_1160] : memref<2x1024xi32, #tpu.memory_space<vmem>> -> memref<1x32xi32, #tpu.memory_space<vmem>>
        %dma_start3A_1162 = tpu.memref_squeeze %dma_start3A_1161 : memref<1x32xi32, #tpu.memory_space<vmem>> -> memref<32xi32, #tpu.memory_space<vmem>>
        %dma_start3A_1163 = arith.constant 0 : i32
        %dma_start3A_1164 = arith.constant 0 : i32
        %dma_start3A_1165 = tpu.memref_slice %arg3[%dma_start3A_1163, %dma_start3A_1164] : memref<1000000x64xf32, #tpu.memory_space<hbm>> -> memref<1000000x64xf32, #tpu.memory_space<hbm>>
        tpu.enqueue_indirect_dma source(%dma_start3A_1165 : memref<1000000x64xf32, #tpu.memory_space<hbm>>) target(%dma_start3A_1159 : memref<32x64xf32, #tpu.memory_space<vmem>>) offsets(%dma_start3A_1162 : memref<32xi32, #tpu.memory_space<vmem>>) semaphore(%arg10 : memref<!tpu.dma_semaphore, #tpu.memory_space<semaphore_mem>>)
        %dma_start3A_1166 = arith.constant 0 : i32
        %dma_start3A_1167 = arith.constant 0 : i32
        %dma_start3A_1168 = arith.constant 7 : i32
        %dma_start3A_1169 = arith.constant 0 : i32
        %dma_start3A_1170 = arith.constant 0 : i32
        %dma_start3A_1171 = tpu.memref_slice %arg8[%dma_start3A_1167, %dma_start3A_1168, %dma_start3A_1169, %dma_start3A_1170] : memref<2x25x32x64xf32, #tpu.memory_space<vmem>> -> memref<1x1x32x64xf32, #tpu.memory_space<vmem>>
        %dma_start3A_1172 = tpu.memref_squeeze %dma_start3A_1171 : memref<1x1x32x64xf32, #tpu.memory_space<vmem>> -> memref<32x64xf32, #tpu.memory_space<vmem>>
        %dma_start3A_1173 = arith.constant 256 : i32
        %dma_start3A_1174 = tpu.memref_slice %arg6[%dma_start3A_1166, %dma_start3A_1173] : memref<2x1024xi32, #tpu.memory_space<vmem>> -> memref<1x32xi32, #tpu.memory_space<vmem>>
        %dma_start3A_1175 = tpu.memref_squeeze %dma_start3A_1174 : memref<1x32xi32, #tpu.memory_space<vmem>> -> memref<32xi32, #tpu.memory_space<vmem>>
        %dma_start3A_1176 = arith.constant 0 : i32
        %dma_start3A_1177 = arith.constant 0 : i32
        %dma_start3A_1178 = tpu.memref_slice %arg3[%dma_start3A_1176, %dma_start3A_1177] : memref<1000000x64xf32, #tpu.memory_space<hbm>> -> memref<1000000x64xf32, #tpu.memory_space<hbm>>
        tpu.enqueue_indirect_dma source(%dma_start3A_1178 : memref<1000000x64xf32, #tpu.memory_space<hbm>>) target(%dma_start3A_1172 : memref<32x64xf32, #tpu.memory_space<vmem>>) offsets(%dma_start3A_1175 : memref<32xi32, #tpu.memory_space<vmem>>) semaphore(%arg10 : memref<!tpu.dma_semaphore, #tpu.memory_space<semaphore_mem>>)
        %dma_start3A_1179 = arith.constant 0 : i32
        %dma_start3A_1180 = arith.constant 0 : i32
        %dma_start3A_1181 = arith.constant 8 : i32
        %dma_start3A_1182 = arith.constant 0 : i32
        %dma_start3A_1183 = arith.constant 0 : i32
        %dma_start3A_1184 = tpu.memref_slice %arg8[%dma_start3A_1180, %dma_start3A_1181, %dma_start3A_1182, %dma_start3A_1183] : memref<2x25x32x64xf32, #tpu.memory_space<vmem>> -> memref<1x1x32x64xf32, #tpu.memory_space<vmem>>
        %dma_start3A_1185 = tpu.memref_squeeze %dma_start3A_1184 : memref<1x1x32x64xf32, #tpu.memory_space<vmem>> -> memref<32x64xf32, #tpu.memory_space<vmem>>
        %dma_start3A_1186 = arith.constant 288 : i32
        %dma_start3A_1187 = tpu.memref_slice %arg6[%dma_start3A_1179, %dma_start3A_1186] : memref<2x1024xi32, #tpu.memory_space<vmem>> -> memref<1x32xi32, #tpu.memory_space<vmem>>
        %dma_start3A_1188 = tpu.memref_squeeze %dma_start3A_1187 : memref<1x32xi32, #tpu.memory_space<vmem>> -> memref<32xi32, #tpu.memory_space<vmem>>
        %dma_start3A_1189 = arith.constant 0 : i32
        %dma_start3A_1190 = arith.constant 0 : i32
        %dma_start3A_1191 = tpu.memref_slice %arg3[%dma_start3A_1189, %dma_start3A_1190] : memref<1000000x64xf32, #tpu.memory_space<hbm>> -> memref<1000000x64xf32, #tpu.memory_space<hbm>>
        tpu.enqueue_indirect_dma source(%dma_start3A_1191 : memref<1000000x64xf32, #tpu.memory_space<hbm>>) target(%dma_start3A_1185 : memref<32x64xf32, #tpu.memory_space<vmem>>) offsets(%dma_start3A_1188 : memref<32xi32, #tpu.memory_space<vmem>>) semaphore(%arg10 : memref<!tpu.dma_semaphore, #tpu.memory_space<semaphore_mem>>)
        %dma_start3A_1192 = arith.constant 0 : i32
        %dma_start3A_1193 = arith.constant 0 : i32
        %dma_start3A_1194 = arith.constant 9 : i32
        %dma_start3A_1195 = arith.constant 0 : i32
        %dma_start3A_1196 = arith.constant 0 : i32
        %dma_start3A_1197 = tpu.memref_slice %arg8[%dma_start3A_1193, %dma_start3A_1194, %dma_start3A_1195, %dma_start3A_1196] : memref<2x25x32x64xf32, #tpu.memory_space<vmem>> -> memref<1x1x32x64xf32, #tpu.memory_space<vmem>>
        %dma_start3A_1198 = tpu.memref_squeeze %dma_start3A_1197 : memref<1x1x32x64xf32, #tpu.memory_space<vmem>> -> memref<32x64xf32, #tpu.memory_space<vmem>>
        %dma_start3A_1199 = arith.constant 320 : i32
        %dma_start3A_1200 = tpu.memref_slice %arg6[%dma_start3A_1192, %dma_start3A_1199] : memref<2x1024xi32, #tpu.memory_space<vmem>> -> memref<1x32xi32, #tpu.memory_space<vmem>>
        %dma_start3A_1201 = tpu.memref_squeeze %dma_start3A_1200 : memref<1x32xi32, #tpu.memory_space<vmem>> -> memref<32xi32, #tpu.memory_space<vmem>>
        %dma_start3A_1202 = arith.constant 0 : i32
        %dma_start3A_1203 = arith.constant 0 : i32
        %dma_start3A_1204 = tpu.memref_slice %arg3[%dma_start3A_1202, %dma_start3A_1203] : memref<1000000x64xf32, #tpu.memory_space<hbm>> -> memref<1000000x64xf32, #tpu.memory_space<hbm>>
        tpu.enqueue_indirect_dma source(%dma_start3A_1204 : memref<1000000x64xf32, #tpu.memory_space<hbm>>) target(%dma_start3A_1198 : memref<32x64xf32, #tpu.memory_space<vmem>>) offsets(%dma_start3A_1201 : memref<32xi32, #tpu.memory_space<vmem>>) semaphore(%arg10 : memref<!tpu.dma_semaphore, #tpu.memory_space<semaphore_mem>>)
        %dma_start3A_1205 = arith.constant 0 : i32
        %dma_start3A_1206 = arith.constant 0 : i32
        %dma_start3A_1207 = arith.constant 10 : i32
        %dma_start3A_1208 = arith.constant 0 : i32
        %dma_start3A_1209 = arith.constant 0 : i32
        %dma_start3A_1210 = tpu.memref_slice %arg8[%dma_start3A_1206, %dma_start3A_1207, %dma_start3A_1208, %dma_start3A_1209] : memref<2x25x32x64xf32, #tpu.memory_space<vmem>> -> memref<1x1x32x64xf32, #tpu.memory_space<vmem>>
        %dma_start3A_1211 = tpu.memref_squeeze %dma_start3A_1210 : memref<1x1x32x64xf32, #tpu.memory_space<vmem>> -> memref<32x64xf32, #tpu.memory_space<vmem>>
        %dma_start3A_1212 = arith.constant 352 : i32
        %dma_start3A_1213 = tpu.memref_slice %arg6[%dma_start3A_1205, %dma_start3A_1212] : memref<2x1024xi32, #tpu.memory_space<vmem>> -> memref<1x32xi32, #tpu.memory_space<vmem>>
        %dma_start3A_1214 = tpu.memref_squeeze %dma_start3A_1213 : memref<1x32xi32, #tpu.memory_space<vmem>> -> memref<32xi32, #tpu.memory_space<vmem>>
        %dma_start3A_1215 = arith.constant 0 : i32
        %dma_start3A_1216 = arith.constant 0 : i32
        %dma_start3A_1217 = tpu.memref_slice %arg3[%dma_start3A_1215, %dma_start3A_1216] : memref<1000000x64xf32, #tpu.memory_space<hbm>> -> memref<1000000x64xf32, #tpu.memory_space<hbm>>
        tpu.enqueue_indirect_dma source(%dma_start3A_1217 : memref<1000000x64xf32, #tpu.memory_space<hbm>>) target(%dma_start3A_1211 : memref<32x64xf32, #tpu.memory_space<vmem>>) offsets(%dma_start3A_1214 : memref<32xi32, #tpu.memory_space<vmem>>) semaphore(%arg10 : memref<!tpu.dma_semaphore, #tpu.memory_space<semaphore_mem>>)
        %dma_start3A_1218 = arith.constant 0 : i32
        %dma_start3A_1219 = arith.constant 0 : i32
        %dma_start3A_1220 = arith.constant 11 : i32
        %dma_start3A_1221 = arith.constant 0 : i32
        %dma_start3A_1222 = arith.constant 0 : i32
        %dma_start3A_1223 = tpu.memref_slice %arg8[%dma_start3A_1219, %dma_start3A_1220, %dma_start3A_1221, %dma_start3A_1222] : memref<2x25x32x64xf32, #tpu.memory_space<vmem>> -> memref<1x1x32x64xf32, #tpu.memory_space<vmem>>
        %dma_start3A_1224 = tpu.memref_squeeze %dma_start3A_1223 : memref<1x1x32x64xf32, #tpu.memory_space<vmem>> -> memref<32x64xf32, #tpu.memory_space<vmem>>
        %dma_start3A_1225 = arith.constant 384 : i32
        %dma_start3A_1226 = tpu.memref_slice %arg6[%dma_start3A_1218, %dma_start3A_1225] : memref<2x1024xi32, #tpu.memory_space<vmem>> -> memref<1x32xi32, #tpu.memory_space<vmem>>
        %dma_start3A_1227 = tpu.memref_squeeze %dma_start3A_1226 : memref<1x32xi32, #tpu.memory_space<vmem>> -> memref<32xi32, #tpu.memory_space<vmem>>
        %dma_start3A_1228 = arith.constant 0 : i32
        %dma_start3A_1229 = arith.constant 0 : i32
        %dma_start3A_1230 = tpu.memref_slice %arg3[%dma_start3A_1228, %dma_start3A_1229] : memref<1000000x64xf32, #tpu.memory_space<hbm>> -> memref<1000000x64xf32, #tpu.memory_space<hbm>>
        tpu.enqueue_indirect_dma source(%dma_start3A_1230 : memref<1000000x64xf32, #tpu.memory_space<hbm>>) target(%dma_start3A_1224 : memref<32x64xf32, #tpu.memory_space<vmem>>) offsets(%dma_start3A_1227 : memref<32xi32, #tpu.memory_space<vmem>>) semaphore(%arg10 : memref<!tpu.dma_semaphore, #tpu.memory_space<semaphore_mem>>)
        %dma_start3A_1231 = arith.constant 0 : i32
        %dma_start3A_1232 = arith.constant 0 : i32
        %dma_start3A_1233 = arith.constant 12 : i32
        %dma_start3A_1234 = arith.constant 0 : i32
        %dma_start3A_1235 = arith.constant 0 : i32
        %dma_start3A_1236 = tpu.memref_slice %arg8[%dma_start3A_1232, %dma_start3A_1233, %dma_start3A_1234, %dma_start3A_1235] : memref<2x25x32x64xf32, #tpu.memory_space<vmem>> -> memref<1x1x32x64xf32, #tpu.memory_space<vmem>>
        %dma_start3A_1237 = tpu.memref_squeeze %dma_start3A_1236 : memref<1x1x32x64xf32, #tpu.memory_space<vmem>> -> memref<32x64xf32, #tpu.memory_space<vmem>>
        %dma_start3A_1238 = arith.constant 416 : i32
        %dma_start3A_1239 = tpu.memref_slice %arg6[%dma_start3A_1231, %dma_start3A_1238] : memref<2x1024xi32, #tpu.memory_space<vmem>> -> memref<1x32xi32, #tpu.memory_space<vmem>>
        %dma_start3A_1240 = tpu.memref_squeeze %dma_start3A_1239 : memref<1x32xi32, #tpu.memory_space<vmem>> -> memref<32xi32, #tpu.memory_space<vmem>>
        %dma_start3A_1241 = arith.constant 0 : i32
        %dma_start3A_1242 = arith.constant 0 : i32
        %dma_start3A_1243 = tpu.memref_slice %arg3[%dma_start3A_1241, %dma_start3A_1242] : memref<1000000x64xf32, #tpu.memory_space<hbm>> -> memref<1000000x64xf32, #tpu.memory_space<hbm>>
        tpu.enqueue_indirect_dma source(%dma_start3A_1243 : memref<1000000x64xf32, #tpu.memory_space<hbm>>) target(%dma_start3A_1237 : memref<32x64xf32, #tpu.memory_space<vmem>>) offsets(%dma_start3A_1240 : memref<32xi32, #tpu.memory_space<vmem>>) semaphore(%arg10 : memref<!tpu.dma_semaphore, #tpu.memory_space<semaphore_mem>>)
        %dma_start3A_1244 = arith.constant 0 : i32
        %dma_start3A_1245 = arith.constant 0 : i32
        %dma_start3A_1246 = arith.constant 13 : i32
        %dma_start3A_1247 = arith.constant 0 : i32
        %dma_start3A_1248 = arith.constant 0 : i32
        %dma_start3A_1249 = tpu.memref_slice %arg8[%dma_start3A_1245, %dma_start3A_1246, %dma_start3A_1247, %dma_start3A_1248] : memref<2x25x32x64xf32, #tpu.memory_space<vmem>> -> memref<1x1x32x64xf32, #tpu.memory_space<vmem>>
        %dma_start3A_1250 = tpu.memref_squeeze %dma_start3A_1249 : memref<1x1x32x64xf32, #tpu.memory_space<vmem>> -> memref<32x64xf32, #tpu.memory_space<vmem>>
        %dma_start3A_1251 = arith.constant 448 : i32
        %dma_start3A_1252 = tpu.memref_slice %arg6[%dma_start3A_1244, %dma_start3A_1251] : memref<2x1024xi32, #tpu.memory_space<vmem>> -> memref<1x32xi32, #tpu.memory_space<vmem>>
        %dma_start3A_1253 = tpu.memref_squeeze %dma_start3A_1252 : memref<1x32xi32, #tpu.memory_space<vmem>> -> memref<32xi32, #tpu.memory_space<vmem>>
        %dma_start3A_1254 = arith.constant 0 : i32
        %dma_start3A_1255 = arith.constant 0 : i32
        %dma_start3A_1256 = tpu.memref_slice %arg3[%dma_start3A_1254, %dma_start3A_1255] : memref<1000000x64xf32, #tpu.memory_space<hbm>> -> memref<1000000x64xf32, #tpu.memory_space<hbm>>
        tpu.enqueue_indirect_dma source(%dma_start3A_1256 : memref<1000000x64xf32, #tpu.memory_space<hbm>>) target(%dma_start3A_1250 : memref<32x64xf32, #tpu.memory_space<vmem>>) offsets(%dma_start3A_1253 : memref<32xi32, #tpu.memory_space<vmem>>) semaphore(%arg10 : memref<!tpu.dma_semaphore, #tpu.memory_space<semaphore_mem>>)
        %dma_start3A_1257 = arith.constant 0 : i32
        %dma_start3A_1258 = arith.constant 0 : i32
        %dma_start3A_1259 = arith.constant 14 : i32
        %dma_start3A_1260 = arith.constant 0 : i32
        %dma_start3A_1261 = arith.constant 0 : i32
        %dma_start3A_1262 = tpu.memref_slice %arg8[%dma_start3A_1258, %dma_start3A_1259, %dma_start3A_1260, %dma_start3A_1261] : memref<2x25x32x64xf32, #tpu.memory_space<vmem>> -> memref<1x1x32x64xf32, #tpu.memory_space<vmem>>
        %dma_start3A_1263 = tpu.memref_squeeze %dma_start3A_1262 : memref<1x1x32x64xf32, #tpu.memory_space<vmem>> -> memref<32x64xf32, #tpu.memory_space<vmem>>
        %dma_start3A_1264 = arith.constant 480 : i32
        %dma_start3A_1265 = tpu.memref_slice %arg6[%dma_start3A_1257, %dma_start3A_1264] : memref<2x1024xi32, #tpu.memory_space<vmem>> -> memref<1x32xi32, #tpu.memory_space<vmem>>
        %dma_start3A_1266 = tpu.memref_squeeze %dma_start3A_1265 : memref<1x32xi32, #tpu.memory_space<vmem>> -> memref<32xi32, #tpu.memory_space<vmem>>
        %dma_start3A_1267 = arith.constant 0 : i32
        %dma_start3A_1268 = arith.constant 0 : i32
        %dma_start3A_1269 = tpu.memref_slice %arg3[%dma_start3A_1267, %dma_start3A_1268] : memref<1000000x64xf32, #tpu.memory_space<hbm>> -> memref<1000000x64xf32, #tpu.memory_space<hbm>>
        tpu.enqueue_indirect_dma source(%dma_start3A_1269 : memref<1000000x64xf32, #tpu.memory_space<hbm>>) target(%dma_start3A_1263 : memref<32x64xf32, #tpu.memory_space<vmem>>) offsets(%dma_start3A_1266 : memref<32xi32, #tpu.memory_space<vmem>>) semaphore(%arg10 : memref<!tpu.dma_semaphore, #tpu.memory_space<semaphore_mem>>)
        %dma_start3A_1270 = arith.constant 0 : i32
        %dma_start3A_1271 = arith.constant 0 : i32
        %dma_start3A_1272 = arith.constant 15 : i32
        %dma_start3A_1273 = arith.constant 0 : i32
        %dma_start3A_1274 = arith.constant 0 : i32
        %dma_start3A_1275 = tpu.memref_slice %arg8[%dma_start3A_1271, %dma_start3A_1272, %dma_start3A_1273, %dma_start3A_1274] : memref<2x25x32x64xf32, #tpu.memory_space<vmem>> -> memref<1x1x32x64xf32, #tpu.memory_space<vmem>>
        %dma_start3A_1276 = tpu.memref_squeeze %dma_start3A_1275 : memref<1x1x32x64xf32, #tpu.memory_space<vmem>> -> memref<32x64xf32, #tpu.memory_space<vmem>>
        %dma_start3A_1277 = arith.constant 512 : i32
        %dma_start3A_1278 = tpu.memref_slice %arg6[%dma_start3A_1270, %dma_start3A_1277] : memref<2x1024xi32, #tpu.memory_space<vmem>> -> memref<1x32xi32, #tpu.memory_space<vmem>>
        %dma_start3A_1279 = tpu.memref_squeeze %dma_start3A_1278 : memref<1x32xi32, #tpu.memory_space<vmem>> -> memref<32xi32, #tpu.memory_space<vmem>>
        %dma_start3A_1280 = arith.constant 0 : i32
        %dma_start3A_1281 = arith.constant 0 : i32
        %dma_start3A_1282 = tpu.memref_slice %arg3[%dma_start3A_1280, %dma_start3A_1281] : memref<1000000x64xf32, #tpu.memory_space<hbm>> -> memref<1000000x64xf32, #tpu.memory_space<hbm>>
        tpu.enqueue_indirect_dma source(%dma_start3A_1282 : memref<1000000x64xf32, #tpu.memory_space<hbm>>) target(%dma_start3A_1276 : memref<32x64xf32, #tpu.memory_space<vmem>>) offsets(%dma_start3A_1279 : memref<32xi32, #tpu.memory_space<vmem>>) semaphore(%arg10 : memref<!tpu.dma_semaphore, #tpu.memory_space<semaphore_mem>>)
        %dma_start3A_1283 = arith.constant 0 : i32
        %dma_start3A_1284 = arith.constant 0 : i32
        %dma_start3A_1285 = arith.constant 16 : i32
        %dma_start3A_1286 = arith.constant 0 : i32
        %dma_start3A_1287 = arith.constant 0 : i32
        %dma_start3A_1288 = tpu.memref_slice %arg8[%dma_start3A_1284, %dma_start3A_1285, %dma_start3A_1286, %dma_start3A_1287] : memref<2x25x32x64xf32, #tpu.memory_space<vmem>> -> memref<1x1x32x64xf32, #tpu.memory_space<vmem>>
        %dma_start3A_1289 = tpu.memref_squeeze %dma_start3A_1288 : memref<1x1x32x64xf32, #tpu.memory_space<vmem>> -> memref<32x64xf32, #tpu.memory_space<vmem>>
        %dma_start3A_1290 = arith.constant 544 : i32
        %dma_start3A_1291 = tpu.memref_slice %arg6[%dma_start3A_1283, %dma_start3A_1290] : memref<2x1024xi32, #tpu.memory_space<vmem>> -> memref<1x32xi32, #tpu.memory_space<vmem>>
        %dma_start3A_1292 = tpu.memref_squeeze %dma_start3A_1291 : memref<1x32xi32, #tpu.memory_space<vmem>> -> memref<32xi32, #tpu.memory_space<vmem>>
        %dma_start3A_1293 = arith.constant 0 : i32
        %dma_start3A_1294 = arith.constant 0 : i32
        %dma_start3A_1295 = tpu.memref_slice %arg3[%dma_start3A_1293, %dma_start3A_1294] : memref<1000000x64xf32, #tpu.memory_space<hbm>> -> memref<1000000x64xf32, #tpu.memory_space<hbm>>
        tpu.enqueue_indirect_dma source(%dma_start3A_1295 : memref<1000000x64xf32, #tpu.memory_space<hbm>>) target(%dma_start3A_1289 : memref<32x64xf32, #tpu.memory_space<vmem>>) offsets(%dma_start3A_1292 : memref<32xi32, #tpu.memory_space<vmem>>) semaphore(%arg10 : memref<!tpu.dma_semaphore, #tpu.memory_space<semaphore_mem>>)
        %dma_start3A_1296 = arith.constant 0 : i32
        %dma_start3A_1297 = arith.constant 0 : i32
        %dma_start3A_1298 = arith.constant 17 : i32
        %dma_start3A_1299 = arith.constant 0 : i32
        %dma_start3A_1300 = arith.constant 0 : i32
        %dma_start3A_1301 = tpu.memref_slice %arg8[%dma_start3A_1297, %dma_start3A_1298, %dma_start3A_1299, %dma_start3A_1300] : memref<2x25x32x64xf32, #tpu.memory_space<vmem>> -> memref<1x1x32x64xf32, #tpu.memory_space<vmem>>
        %dma_start3A_1302 = tpu.memref_squeeze %dma_start3A_1301 : memref<1x1x32x64xf32, #tpu.memory_space<vmem>> -> memref<32x64xf32, #tpu.memory_space<vmem>>
        %dma_start3A_1303 = arith.constant 576 : i32
        %dma_start3A_1304 = tpu.memref_slice %arg6[%dma_start3A_1296, %dma_start3A_1303] : memref<2x1024xi32, #tpu.memory_space<vmem>> -> memref<1x32xi32, #tpu.memory_space<vmem>>
        %dma_start3A_1305 = tpu.memref_squeeze %dma_start3A_1304 : memref<1x32xi32, #tpu.memory_space<vmem>> -> memref<32xi32, #tpu.memory_space<vmem>>
        %dma_start3A_1306 = arith.constant 0 : i32
        %dma_start3A_1307 = arith.constant 0 : i32
        %dma_start3A_1308 = tpu.memref_slice %arg3[%dma_start3A_1306, %dma_start3A_1307] : memref<1000000x64xf32, #tpu.memory_space<hbm>> -> memref<1000000x64xf32, #tpu.memory_space<hbm>>
        tpu.enqueue_indirect_dma source(%dma_start3A_1308 : memref<1000000x64xf32, #tpu.memory_space<hbm>>) target(%dma_start3A_1302 : memref<32x64xf32, #tpu.memory_space<vmem>>) offsets(%dma_start3A_1305 : memref<32xi32, #tpu.memory_space<vmem>>) semaphore(%arg10 : memref<!tpu.dma_semaphore, #tpu.memory_space<semaphore_mem>>)
        %dma_start3A_1309 = arith.constant 0 : i32
        %dma_start3A_1310 = arith.constant 0 : i32
        %dma_start3A_1311 = arith.constant 18 : i32
        %dma_start3A_1312 = arith.constant 0 : i32
        %dma_start3A_1313 = arith.constant 0 : i32
        %dma_start3A_1314 = tpu.memref_slice %arg8[%dma_start3A_1310, %dma_start3A_1311, %dma_start3A_1312, %dma_start3A_1313] : memref<2x25x32x64xf32, #tpu.memory_space<vmem>> -> memref<1x1x32x64xf32, #tpu.memory_space<vmem>>
        %dma_start3A_1315 = tpu.memref_squeeze %dma_start3A_1314 : memref<1x1x32x64xf32, #tpu.memory_space<vmem>> -> memref<32x64xf32, #tpu.memory_space<vmem>>
        %dma_start3A_1316 = arith.constant 608 : i32
        %dma_start3A_1317 = tpu.memref_slice %arg6[%dma_start3A_1309, %dma_start3A_1316] : memref<2x1024xi32, #tpu.memory_space<vmem>> -> memref<1x32xi32, #tpu.memory_space<vmem>>
        %dma_start3A_1318 = tpu.memref_squeeze %dma_start3A_1317 : memref<1x32xi32, #tpu.memory_space<vmem>> -> memref<32xi32, #tpu.memory_space<vmem>>
        %dma_start3A_1319 = arith.constant 0 : i32
        %dma_start3A_1320 = arith.constant 0 : i32
        %dma_start3A_1321 = tpu.memref_slice %arg3[%dma_start3A_1319, %dma_start3A_1320] : memref<1000000x64xf32, #tpu.memory_space<hbm>> -> memref<1000000x64xf32, #tpu.memory_space<hbm>>
        tpu.enqueue_indirect_dma source(%dma_start3A_1321 : memref<1000000x64xf32, #tpu.memory_space<hbm>>) target(%dma_start3A_1315 : memref<32x64xf32, #tpu.memory_space<vmem>>) offsets(%dma_start3A_1318 : memref<32xi32, #tpu.memory_space<vmem>>) semaphore(%arg10 : memref<!tpu.dma_semaphore, #tpu.memory_space<semaphore_mem>>)
        %dma_start3A_1322 = arith.constant 0 : i32
        %dma_start3A_1323 = arith.constant 0 : i32
        %dma_start3A_1324 = arith.constant 19 : i32
        %dma_start3A_1325 = arith.constant 0 : i32
        %dma_start3A_1326 = arith.constant 0 : i32
        %dma_start3A_1327 = tpu.memref_slice %arg8[%dma_start3A_1323, %dma_start3A_1324, %dma_start3A_1325, %dma_start3A_1326] : memref<2x25x32x64xf32, #tpu.memory_space<vmem>> -> memref<1x1x32x64xf32, #tpu.memory_space<vmem>>
        %dma_start3A_1328 = tpu.memref_squeeze %dma_start3A_1327 : memref<1x1x32x64xf32, #tpu.memory_space<vmem>> -> memref<32x64xf32, #tpu.memory_space<vmem>>
        %dma_start3A_1329 = arith.constant 640 : i32
        %dma_start3A_1330 = tpu.memref_slice %arg6[%dma_start3A_1322, %dma_start3A_1329] : memref<2x1024xi32, #tpu.memory_space<vmem>> -> memref<1x32xi32, #tpu.memory_space<vmem>>
        %dma_start3A_1331 = tpu.memref_squeeze %dma_start3A_1330 : memref<1x32xi32, #tpu.memory_space<vmem>> -> memref<32xi32, #tpu.memory_space<vmem>>
        %dma_start3A_1332 = arith.constant 0 : i32
        %dma_start3A_1333 = arith.constant 0 : i32
        %dma_start3A_1334 = tpu.memref_slice %arg3[%dma_start3A_1332, %dma_start3A_1333] : memref<1000000x64xf32, #tpu.memory_space<hbm>> -> memref<1000000x64xf32, #tpu.memory_space<hbm>>
        tpu.enqueue_indirect_dma source(%dma_start3A_1334 : memref<1000000x64xf32, #tpu.memory_space<hbm>>) target(%dma_start3A_1328 : memref<32x64xf32, #tpu.memory_space<vmem>>) offsets(%dma_start3A_1331 : memref<32xi32, #tpu.memory_space<vmem>>) semaphore(%arg10 : memref<!tpu.dma_semaphore, #tpu.memory_space<semaphore_mem>>)
        %dma_start3A_1335 = arith.constant 0 : i32
        %dma_start3A_1336 = arith.constant 0 : i32
        %dma_start3A_1337 = arith.constant 20 : i32
        %dma_start3A_1338 = arith.constant 0 : i32
        %dma_start3A_1339 = arith.constant 0 : i32
        %dma_start3A_1340 = tpu.memref_slice %arg8[%dma_start3A_1336, %dma_start3A_1337, %dma_start3A_1338, %dma_start3A_1339] : memref<2x25x32x64xf32, #tpu.memory_space<vmem>> -> memref<1x1x32x64xf32, #tpu.memory_space<vmem>>
        %dma_start3A_1341 = tpu.memref_squeeze %dma_start3A_1340 : memref<1x1x32x64xf32, #tpu.memory_space<vmem>> -> memref<32x64xf32, #tpu.memory_space<vmem>>
        %dma_start3A_1342 = arith.constant 672 : i32
        %dma_start3A_1343 = tpu.memref_slice %arg6[%dma_start3A_1335, %dma_start3A_1342] : memref<2x1024xi32, #tpu.memory_space<vmem>> -> memref<1x32xi32, #tpu.memory_space<vmem>>
        %dma_start3A_1344 = tpu.memref_squeeze %dma_start3A_1343 : memref<1x32xi32, #tpu.memory_space<vmem>> -> memref<32xi32, #tpu.memory_space<vmem>>
        %dma_start3A_1345 = arith.constant 0 : i32
        %dma_start3A_1346 = arith.constant 0 : i32
        %dma_start3A_1347 = tpu.memref_slice %arg3[%dma_start3A_1345, %dma_start3A_1346] : memref<1000000x64xf32, #tpu.memory_space<hbm>> -> memref<1000000x64xf32, #tpu.memory_space<hbm>>
        tpu.enqueue_indirect_dma source(%dma_start3A_1347 : memref<1000000x64xf32, #tpu.memory_space<hbm>>) target(%dma_start3A_1341 : memref<32x64xf32, #tpu.memory_space<vmem>>) offsets(%dma_start3A_1344 : memref<32xi32, #tpu.memory_space<vmem>>) semaphore(%arg10 : memref<!tpu.dma_semaphore, #tpu.memory_space<semaphore_mem>>)
        %dma_start3A_1348 = arith.constant 0 : i32
        %dma_start3A_1349 = arith.constant 0 : i32
        %dma_start3A_1350 = arith.constant 21 : i32
        %dma_start3A_1351 = arith.constant 0 : i32
        %dma_start3A_1352 = arith.constant 0 : i32
        %dma_start3A_1353 = tpu.memref_slice %arg8[%dma_start3A_1349, %dma_start3A_1350, %dma_start3A_1351, %dma_start3A_1352] : memref<2x25x32x64xf32, #tpu.memory_space<vmem>> -> memref<1x1x32x64xf32, #tpu.memory_space<vmem>>
        %dma_start3A_1354 = tpu.memref_squeeze %dma_start3A_1353 : memref<1x1x32x64xf32, #tpu.memory_space<vmem>> -> memref<32x64xf32, #tpu.memory_space<vmem>>
        %dma_start3A_1355 = arith.constant 704 : i32
        %dma_start3A_1356 = tpu.memref_slice %arg6[%dma_start3A_1348, %dma_start3A_1355] : memref<2x1024xi32, #tpu.memory_space<vmem>> -> memref<1x32xi32, #tpu.memory_space<vmem>>
        %dma_start3A_1357 = tpu.memref_squeeze %dma_start3A_1356 : memref<1x32xi32, #tpu.memory_space<vmem>> -> memref<32xi32, #tpu.memory_space<vmem>>
        %dma_start3A_1358 = arith.constant 0 : i32
        %dma_start3A_1359 = arith.constant 0 : i32
        %dma_start3A_1360 = tpu.memref_slice %arg3[%dma_start3A_1358, %dma_start3A_1359] : memref<1000000x64xf32, #tpu.memory_space<hbm>> -> memref<1000000x64xf32, #tpu.memory_space<hbm>>
        tpu.enqueue_indirect_dma source(%dma_start3A_1360 : memref<1000000x64xf32, #tpu.memory_space<hbm>>) target(%dma_start3A_1354 : memref<32x64xf32, #tpu.memory_space<vmem>>) offsets(%dma_start3A_1357 : memref<32xi32, #tpu.memory_space<vmem>>) semaphore(%arg10 : memref<!tpu.dma_semaphore, #tpu.memory_space<semaphore_mem>>)
        %dma_start3A_1361 = arith.constant 0 : i32
        %dma_start3A_1362 = arith.constant 0 : i32
        %dma_start3A_1363 = arith.constant 22 : i32
        %dma_start3A_1364 = arith.constant 0 : i32
        %dma_start3A_1365 = arith.constant 0 : i32
        %dma_start3A_1366 = tpu.memref_slice %arg8[%dma_start3A_1362, %dma_start3A_1363, %dma_start3A_1364, %dma_start3A_1365] : memref<2x25x32x64xf32, #tpu.memory_space<vmem>> -> memref<1x1x32x64xf32, #tpu.memory_space<vmem>>
        %dma_start3A_1367 = tpu.memref_squeeze %dma_start3A_1366 : memref<1x1x32x64xf32, #tpu.memory_space<vmem>> -> memref<32x64xf32, #tpu.memory_space<vmem>>
        %dma_start3A_1368 = arith.constant 736 : i32
        %dma_start3A_1369 = tpu.memref_slice %arg6[%dma_start3A_1361, %dma_start3A_1368] : memref<2x1024xi32, #tpu.memory_space<vmem>> -> memref<1x32xi32, #tpu.memory_space<vmem>>
        %dma_start3A_1370 = tpu.memref_squeeze %dma_start3A_1369 : memref<1x32xi32, #tpu.memory_space<vmem>> -> memref<32xi32, #tpu.memory_space<vmem>>
        %dma_start3A_1371 = arith.constant 0 : i32
        %dma_start3A_1372 = arith.constant 0 : i32
        %dma_start3A_1373 = tpu.memref_slice %arg3[%dma_start3A_1371, %dma_start3A_1372] : memref<1000000x64xf32, #tpu.memory_space<hbm>> -> memref<1000000x64xf32, #tpu.memory_space<hbm>>
        tpu.enqueue_indirect_dma source(%dma_start3A_1373 : memref<1000000x64xf32, #tpu.memory_space<hbm>>) target(%dma_start3A_1367 : memref<32x64xf32, #tpu.memory_space<vmem>>) offsets(%dma_start3A_1370 : memref<32xi32, #tpu.memory_space<vmem>>) semaphore(%arg10 : memref<!tpu.dma_semaphore, #tpu.memory_space<semaphore_mem>>)
        %dma_start3A_1374 = arith.constant 0 : i32
        %dma_start3A_1375 = arith.constant 0 : i32
        %dma_start3A_1376 = arith.constant 23 : i32
        %dma_start3A_1377 = arith.constant 0 : i32
        %dma_start3A_1378 = arith.constant 0 : i32
        %dma_start3A_1379 = tpu.memref_slice %arg8[%dma_start3A_1375, %dma_start3A_1376, %dma_start3A_1377, %dma_start3A_1378] : memref<2x25x32x64xf32, #tpu.memory_space<vmem>> -> memref<1x1x32x64xf32, #tpu.memory_space<vmem>>
        %dma_start3A_1380 = tpu.memref_squeeze %dma_start3A_1379 : memref<1x1x32x64xf32, #tpu.memory_space<vmem>> -> memref<32x64xf32, #tpu.memory_space<vmem>>
        %dma_start3A_1381 = arith.constant 768 : i32
        %dma_start3A_1382 = tpu.memref_slice %arg6[%dma_start3A_1374, %dma_start3A_1381] : memref<2x1024xi32, #tpu.memory_space<vmem>> -> memref<1x32xi32, #tpu.memory_space<vmem>>
        %dma_start3A_1383 = tpu.memref_squeeze %dma_start3A_1382 : memref<1x32xi32, #tpu.memory_space<vmem>> -> memref<32xi32, #tpu.memory_space<vmem>>
        %dma_start3A_1384 = arith.constant 0 : i32
        %dma_start3A_1385 = arith.constant 0 : i32
        %dma_start3A_1386 = tpu.memref_slice %arg3[%dma_start3A_1384, %dma_start3A_1385] : memref<1000000x64xf32, #tpu.memory_space<hbm>> -> memref<1000000x64xf32, #tpu.memory_space<hbm>>
        tpu.enqueue_indirect_dma source(%dma_start3A_1386 : memref<1000000x64xf32, #tpu.memory_space<hbm>>) target(%dma_start3A_1380 : memref<32x64xf32, #tpu.memory_space<vmem>>) offsets(%dma_start3A_1383 : memref<32xi32, #tpu.memory_space<vmem>>) semaphore(%arg10 : memref<!tpu.dma_semaphore, #tpu.memory_space<semaphore_mem>>)
        %dma_start3A_1387 = arith.constant 0 : i32
        %dma_start3A_1388 = arith.constant 0 : i32
        %dma_start3A_1389 = arith.constant 24 : i32
        %dma_start3A_1390 = arith.constant 0 : i32
        %dma_start3A_1391 = arith.constant 0 : i32
        %dma_start3A_1392 = tpu.memref_slice %arg8[%dma_start3A_1388, %dma_start3A_1389, %dma_start3A_1390, %dma_start3A_1391] : memref<2x25x32x64xf32, #tpu.memory_space<vmem>> -> memref<1x1x32x64xf32, #tpu.memory_space<vmem>>
        %dma_start3A_1393 = tpu.memref_squeeze %dma_start3A_1392 : memref<1x1x32x64xf32, #tpu.memory_space<vmem>> -> memref<32x64xf32, #tpu.memory_space<vmem>>
        %dma_start3A_1394 = arith.constant 800 : i32
        %dma_start3A_1395 = tpu.memref_slice %arg6[%dma_start3A_1387, %dma_start3A_1394] : memref<2x1024xi32, #tpu.memory_space<vmem>> -> memref<1x32xi32, #tpu.memory_space<vmem>>
        %dma_start3A_1396 = tpu.memref_squeeze %dma_start3A_1395 : memref<1x32xi32, #tpu.memory_space<vmem>> -> memref<32xi32, #tpu.memory_space<vmem>>
        %dma_start3A_1397 = arith.constant 0 : i32
        %dma_start3A_1398 = arith.constant 0 : i32
        %dma_start3A_1399 = tpu.memref_slice %arg3[%dma_start3A_1397, %dma_start3A_1398] : memref<1000000x64xf32, #tpu.memory_space<hbm>> -> memref<1000000x64xf32, #tpu.memory_space<hbm>>
        tpu.enqueue_indirect_dma source(%dma_start3A_1399 : memref<1000000x64xf32, #tpu.memory_space<hbm>>) target(%dma_start3A_1393 : memref<32x64xf32, #tpu.memory_space<vmem>>) offsets(%dma_start3A_1396 : memref<32xi32, #tpu.memory_space<vmem>>) semaphore(%arg10 : memref<!tpu.dma_semaphore, #tpu.memory_space<semaphore_mem>>)
      } else {
      }
      %dma_wait3A_712 = arith.constant 1 : i32
      %dma_wait3A_713 = arith.constant 1 : i32
      %dma_wait3A_714 = arith.constant 0 : i32
      %dma_wait3A_715 = arith.constant 0 : i32
      %dma_wait3A_716 = tpu.memref_slice %arg7[%dma_wait3A_713, %dma_wait3A_714, %dma_wait3A_715] : memref<2x32x64xf32, #tpu.memory_space<vmem>> -> memref<1x32x64xf32, #tpu.memory_space<vmem>>
      %dma_wait3A_717 = tpu.memref_squeeze %dma_wait3A_716 : memref<1x32x64xf32, #tpu.memory_space<vmem>> -> memref<32x64xf32, #tpu.memory_space<vmem>>
      %dma_wait3A_718 = arith.constant 0 : i32
      %dma_wait3A_719 = tpu.memref_slice %arg6[%dma_wait3A_712, %dma_wait3A_718] : memref<2x1024xi32, #tpu.memory_space<vmem>> -> memref<1x32xi32, #tpu.memory_space<vmem>>
      %dma_wait3A_720 = tpu.memref_squeeze %dma_wait3A_719 : memref<1x32xi32, #tpu.memory_space<vmem>> -> memref<32xi32, #tpu.memory_space<vmem>>
      %dma_wait3A_721 = arith.constant 0 : i32
      %dma_wait3A_722 = arith.constant 0 : i32
      %dma_wait3A_723 = tpu.memref_slice %arg2[%dma_wait3A_721, %dma_wait3A_722] : memref<1000000x64xf32, #tpu.memory_space<hbm>> -> memref<1000000x64xf32, #tpu.memory_space<hbm>>
      tpu.wait_indirect_dma semaphore(%arg11 : memref<!tpu.dma_semaphore, #tpu.memory_space<semaphore_mem>>) src(%dma_wait3A_723 : memref<1000000x64xf32, #tpu.memory_space<hbm>>) dst(%dma_wait3A_717 : memref<32x64xf32, #tpu.memory_space<vmem>>)
      %dma_wait3A_724 = arith.constant 1 : i32
      %dma_wait3A_725 = arith.constant 1 : i32
      %dma_wait3A_726 = arith.constant 0 : i32
      %dma_wait3A_727 = arith.constant 0 : i32
      %dma_wait3A_728 = arith.constant 0 : i32
      %dma_wait3A_729 = tpu.memref_slice %arg8[%dma_wait3A_725, %dma_wait3A_726, %dma_wait3A_727, %dma_wait3A_728] : memref<2x25x32x64xf32, #tpu.memory_space<vmem>> -> memref<1x1x32x64xf32, #tpu.memory_space<vmem>>
      %dma_wait3A_730 = tpu.memref_squeeze %dma_wait3A_729 : memref<1x1x32x64xf32, #tpu.memory_space<vmem>> -> memref<32x64xf32, #tpu.memory_space<vmem>>
      %dma_wait3A_731 = arith.constant 32 : i32
      %dma_wait3A_732 = tpu.memref_slice %arg6[%dma_wait3A_724, %dma_wait3A_731] : memref<2x1024xi32, #tpu.memory_space<vmem>> -> memref<1x32xi32, #tpu.memory_space<vmem>>
      %dma_wait3A_733 = tpu.memref_squeeze %dma_wait3A_732 : memref<1x32xi32, #tpu.memory_space<vmem>> -> memref<32xi32, #tpu.memory_space<vmem>>
      %dma_wait3A_734 = arith.constant 0 : i32
      %dma_wait3A_735 = arith.constant 0 : i32
      %dma_wait3A_736 = tpu.memref_slice %arg3[%dma_wait3A_734, %dma_wait3A_735] : memref<1000000x64xf32, #tpu.memory_space<hbm>> -> memref<1000000x64xf32, #tpu.memory_space<hbm>>
      tpu.wait_indirect_dma semaphore(%arg11 : memref<!tpu.dma_semaphore, #tpu.memory_space<semaphore_mem>>) src(%dma_wait3A_736 : memref<1000000x64xf32, #tpu.memory_space<hbm>>) dst(%dma_wait3A_730 : memref<32x64xf32, #tpu.memory_space<vmem>>)
      %dma_wait3A_737 = arith.constant 1 : i32
      %dma_wait3A_738 = arith.constant 1 : i32
      %dma_wait3A_739 = arith.constant 1 : i32
      %dma_wait3A_740 = arith.constant 0 : i32
      %dma_wait3A_741 = arith.constant 0 : i32
      %dma_wait3A_742 = tpu.memref_slice %arg8[%dma_wait3A_738, %dma_wait3A_739, %dma_wait3A_740, %dma_wait3A_741] : memref<2x25x32x64xf32, #tpu.memory_space<vmem>> -> memref<1x1x32x64xf32, #tpu.memory_space<vmem>>
      %dma_wait3A_743 = tpu.memref_squeeze %dma_wait3A_742 : memref<1x1x32x64xf32, #tpu.memory_space<vmem>> -> memref<32x64xf32, #tpu.memory_space<vmem>>
      %dma_wait3A_744 = arith.constant 64 : i32
      %dma_wait3A_745 = tpu.memref_slice %arg6[%dma_wait3A_737, %dma_wait3A_744] : memref<2x1024xi32, #tpu.memory_space<vmem>> -> memref<1x32xi32, #tpu.memory_space<vmem>>
      %dma_wait3A_746 = tpu.memref_squeeze %dma_wait3A_745 : memref<1x32xi32, #tpu.memory_space<vmem>> -> memref<32xi32, #tpu.memory_space<vmem>>
      %dma_wait3A_747 = arith.constant 0 : i32
      %dma_wait3A_748 = arith.constant 0 : i32
      %dma_wait3A_749 = tpu.memref_slice %arg3[%dma_wait3A_747, %dma_wait3A_748] : memref<1000000x64xf32, #tpu.memory_space<hbm>> -> memref<1000000x64xf32, #tpu.memory_space<hbm>>
      tpu.wait_indirect_dma semaphore(%arg11 : memref<!tpu.dma_semaphore, #tpu.memory_space<semaphore_mem>>) src(%dma_wait3A_749 : memref<1000000x64xf32, #tpu.memory_space<hbm>>) dst(%dma_wait3A_743 : memref<32x64xf32, #tpu.memory_space<vmem>>)
      %dma_wait3A_750 = arith.constant 1 : i32
      %dma_wait3A_751 = arith.constant 1 : i32
      %dma_wait3A_752 = arith.constant 2 : i32
      %dma_wait3A_753 = arith.constant 0 : i32
      %dma_wait3A_754 = arith.constant 0 : i32
      %dma_wait3A_755 = tpu.memref_slice %arg8[%dma_wait3A_751, %dma_wait3A_752, %dma_wait3A_753, %dma_wait3A_754] : memref<2x25x32x64xf32, #tpu.memory_space<vmem>> -> memref<1x1x32x64xf32, #tpu.memory_space<vmem>>
      %dma_wait3A_756 = tpu.memref_squeeze %dma_wait3A_755 : memref<1x1x32x64xf32, #tpu.memory_space<vmem>> -> memref<32x64xf32, #tpu.memory_space<vmem>>
      %dma_wait3A_757 = arith.constant 96 : i32
      %dma_wait3A_758 = tpu.memref_slice %arg6[%dma_wait3A_750, %dma_wait3A_757] : memref<2x1024xi32, #tpu.memory_space<vmem>> -> memref<1x32xi32, #tpu.memory_space<vmem>>
      %dma_wait3A_759 = tpu.memref_squeeze %dma_wait3A_758 : memref<1x32xi32, #tpu.memory_space<vmem>> -> memref<32xi32, #tpu.memory_space<vmem>>
      %dma_wait3A_760 = arith.constant 0 : i32
      %dma_wait3A_761 = arith.constant 0 : i32
      %dma_wait3A_762 = tpu.memref_slice %arg3[%dma_wait3A_760, %dma_wait3A_761] : memref<1000000x64xf32, #tpu.memory_space<hbm>> -> memref<1000000x64xf32, #tpu.memory_space<hbm>>
      tpu.wait_indirect_dma semaphore(%arg11 : memref<!tpu.dma_semaphore, #tpu.memory_space<semaphore_mem>>) src(%dma_wait3A_762 : memref<1000000x64xf32, #tpu.memory_space<hbm>>) dst(%dma_wait3A_756 : memref<32x64xf32, #tpu.memory_space<vmem>>)
      %dma_wait3A_763 = arith.constant 1 : i32
      %dma_wait3A_764 = arith.constant 1 : i32
      %dma_wait3A_765 = arith.constant 3 : i32
      %dma_wait3A_766 = arith.constant 0 : i32
      %dma_wait3A_767 = arith.constant 0 : i32
      %dma_wait3A_768 = tpu.memref_slice %arg8[%dma_wait3A_764, %dma_wait3A_765, %dma_wait3A_766, %dma_wait3A_767] : memref<2x25x32x64xf32, #tpu.memory_space<vmem>> -> memref<1x1x32x64xf32, #tpu.memory_space<vmem>>
      %dma_wait3A_769 = tpu.memref_squeeze %dma_wait3A_768 : memref<1x1x32x64xf32, #tpu.memory_space<vmem>> -> memref<32x64xf32, #tpu.memory_space<vmem>>
      %dma_wait3A_770 = arith.constant 128 : i32
      %dma_wait3A_771 = tpu.memref_slice %arg6[%dma_wait3A_763, %dma_wait3A_770] : memref<2x1024xi32, #tpu.memory_space<vmem>> -> memref<1x32xi32, #tpu.memory_space<vmem>>
      %dma_wait3A_772 = tpu.memref_squeeze %dma_wait3A_771 : memref<1x32xi32, #tpu.memory_space<vmem>> -> memref<32xi32, #tpu.memory_space<vmem>>
      %dma_wait3A_773 = arith.constant 0 : i32
      %dma_wait3A_774 = arith.constant 0 : i32
      %dma_wait3A_775 = tpu.memref_slice %arg3[%dma_wait3A_773, %dma_wait3A_774] : memref<1000000x64xf32, #tpu.memory_space<hbm>> -> memref<1000000x64xf32, #tpu.memory_space<hbm>>
      tpu.wait_indirect_dma semaphore(%arg11 : memref<!tpu.dma_semaphore, #tpu.memory_space<semaphore_mem>>) src(%dma_wait3A_775 : memref<1000000x64xf32, #tpu.memory_space<hbm>>) dst(%dma_wait3A_769 : memref<32x64xf32, #tpu.memory_space<vmem>>)
      %dma_wait3A_776 = arith.constant 1 : i32
      %dma_wait3A_777 = arith.constant 1 : i32
      %dma_wait3A_778 = arith.constant 4 : i32
      %dma_wait3A_779 = arith.constant 0 : i32
      %dma_wait3A_780 = arith.constant 0 : i32
      %dma_wait3A_781 = tpu.memref_slice %arg8[%dma_wait3A_777, %dma_wait3A_778, %dma_wait3A_779, %dma_wait3A_780] : memref<2x25x32x64xf32, #tpu.memory_space<vmem>> -> memref<1x1x32x64xf32, #tpu.memory_space<vmem>>
      %dma_wait3A_782 = tpu.memref_squeeze %dma_wait3A_781 : memref<1x1x32x64xf32, #tpu.memory_space<vmem>> -> memref<32x64xf32, #tpu.memory_space<vmem>>
      %dma_wait3A_783 = arith.constant 160 : i32
      %dma_wait3A_784 = tpu.memref_slice %arg6[%dma_wait3A_776, %dma_wait3A_783] : memref<2x1024xi32, #tpu.memory_space<vmem>> -> memref<1x32xi32, #tpu.memory_space<vmem>>
      %dma_wait3A_785 = tpu.memref_squeeze %dma_wait3A_784 : memref<1x32xi32, #tpu.memory_space<vmem>> -> memref<32xi32, #tpu.memory_space<vmem>>
      %dma_wait3A_786 = arith.constant 0 : i32
      %dma_wait3A_787 = arith.constant 0 : i32
      %dma_wait3A_788 = tpu.memref_slice %arg3[%dma_wait3A_786, %dma_wait3A_787] : memref<1000000x64xf32, #tpu.memory_space<hbm>> -> memref<1000000x64xf32, #tpu.memory_space<hbm>>
      tpu.wait_indirect_dma semaphore(%arg11 : memref<!tpu.dma_semaphore, #tpu.memory_space<semaphore_mem>>) src(%dma_wait3A_788 : memref<1000000x64xf32, #tpu.memory_space<hbm>>) dst(%dma_wait3A_782 : memref<32x64xf32, #tpu.memory_space<vmem>>)
      %dma_wait3A_789 = arith.constant 1 : i32
      %dma_wait3A_790 = arith.constant 1 : i32
      %dma_wait3A_791 = arith.constant 5 : i32
      %dma_wait3A_792 = arith.constant 0 : i32
      %dma_wait3A_793 = arith.constant 0 : i32
      %dma_wait3A_794 = tpu.memref_slice %arg8[%dma_wait3A_790, %dma_wait3A_791, %dma_wait3A_792, %dma_wait3A_793] : memref<2x25x32x64xf32, #tpu.memory_space<vmem>> -> memref<1x1x32x64xf32, #tpu.memory_space<vmem>>
      %dma_wait3A_795 = tpu.memref_squeeze %dma_wait3A_794 : memref<1x1x32x64xf32, #tpu.memory_space<vmem>> -> memref<32x64xf32, #tpu.memory_space<vmem>>
      %dma_wait3A_796 = arith.constant 192 : i32
      %dma_wait3A_797 = tpu.memref_slice %arg6[%dma_wait3A_789, %dma_wait3A_796] : memref<2x1024xi32, #tpu.memory_space<vmem>> -> memref<1x32xi32, #tpu.memory_space<vmem>>
      %dma_wait3A_798 = tpu.memref_squeeze %dma_wait3A_797 : memref<1x32xi32, #tpu.memory_space<vmem>> -> memref<32xi32, #tpu.memory_space<vmem>>
      %dma_wait3A_799 = arith.constant 0 : i32
      %dma_wait3A_800 = arith.constant 0 : i32
      %dma_wait3A_801 = tpu.memref_slice %arg3[%dma_wait3A_799, %dma_wait3A_800] : memref<1000000x64xf32, #tpu.memory_space<hbm>> -> memref<1000000x64xf32, #tpu.memory_space<hbm>>
      tpu.wait_indirect_dma semaphore(%arg11 : memref<!tpu.dma_semaphore, #tpu.memory_space<semaphore_mem>>) src(%dma_wait3A_801 : memref<1000000x64xf32, #tpu.memory_space<hbm>>) dst(%dma_wait3A_795 : memref<32x64xf32, #tpu.memory_space<vmem>>)
      %dma_wait3A_802 = arith.constant 1 : i32
      %dma_wait3A_803 = arith.constant 1 : i32
      %dma_wait3A_804 = arith.constant 6 : i32
      %dma_wait3A_805 = arith.constant 0 : i32
      %dma_wait3A_806 = arith.constant 0 : i32
      %dma_wait3A_807 = tpu.memref_slice %arg8[%dma_wait3A_803, %dma_wait3A_804, %dma_wait3A_805, %dma_wait3A_806] : memref<2x25x32x64xf32, #tpu.memory_space<vmem>> -> memref<1x1x32x64xf32, #tpu.memory_space<vmem>>
      %dma_wait3A_808 = tpu.memref_squeeze %dma_wait3A_807 : memref<1x1x32x64xf32, #tpu.memory_space<vmem>> -> memref<32x64xf32, #tpu.memory_space<vmem>>
      %dma_wait3A_809 = arith.constant 224 : i32
      %dma_wait3A_810 = tpu.memref_slice %arg6[%dma_wait3A_802, %dma_wait3A_809] : memref<2x1024xi32, #tpu.memory_space<vmem>> -> memref<1x32xi32, #tpu.memory_space<vmem>>
      %dma_wait3A_811 = tpu.memref_squeeze %dma_wait3A_810 : memref<1x32xi32, #tpu.memory_space<vmem>> -> memref<32xi32, #tpu.memory_space<vmem>>
      %dma_wait3A_812 = arith.constant 0 : i32
      %dma_wait3A_813 = arith.constant 0 : i32
      %dma_wait3A_814 = tpu.memref_slice %arg3[%dma_wait3A_812, %dma_wait3A_813] : memref<1000000x64xf32, #tpu.memory_space<hbm>> -> memref<1000000x64xf32, #tpu.memory_space<hbm>>
      tpu.wait_indirect_dma semaphore(%arg11 : memref<!tpu.dma_semaphore, #tpu.memory_space<semaphore_mem>>) src(%dma_wait3A_814 : memref<1000000x64xf32, #tpu.memory_space<hbm>>) dst(%dma_wait3A_808 : memref<32x64xf32, #tpu.memory_space<vmem>>)
      %dma_wait3A_815 = arith.constant 1 : i32
      %dma_wait3A_816 = arith.constant 1 : i32
      %dma_wait3A_817 = arith.constant 7 : i32
      %dma_wait3A_818 = arith.constant 0 : i32
      %dma_wait3A_819 = arith.constant 0 : i32
      %dma_wait3A_820 = tpu.memref_slice %arg8[%dma_wait3A_816, %dma_wait3A_817, %dma_wait3A_818, %dma_wait3A_819] : memref<2x25x32x64xf32, #tpu.memory_space<vmem>> -> memref<1x1x32x64xf32, #tpu.memory_space<vmem>>
      %dma_wait3A_821 = tpu.memref_squeeze %dma_wait3A_820 : memref<1x1x32x64xf32, #tpu.memory_space<vmem>> -> memref<32x64xf32, #tpu.memory_space<vmem>>
      %dma_wait3A_822 = arith.constant 256 : i32
      %dma_wait3A_823 = tpu.memref_slice %arg6[%dma_wait3A_815, %dma_wait3A_822] : memref<2x1024xi32, #tpu.memory_space<vmem>> -> memref<1x32xi32, #tpu.memory_space<vmem>>
      %dma_wait3A_824 = tpu.memref_squeeze %dma_wait3A_823 : memref<1x32xi32, #tpu.memory_space<vmem>> -> memref<32xi32, #tpu.memory_space<vmem>>
      %dma_wait3A_825 = arith.constant 0 : i32
      %dma_wait3A_826 = arith.constant 0 : i32
      %dma_wait3A_827 = tpu.memref_slice %arg3[%dma_wait3A_825, %dma_wait3A_826] : memref<1000000x64xf32, #tpu.memory_space<hbm>> -> memref<1000000x64xf32, #tpu.memory_space<hbm>>
      tpu.wait_indirect_dma semaphore(%arg11 : memref<!tpu.dma_semaphore, #tpu.memory_space<semaphore_mem>>) src(%dma_wait3A_827 : memref<1000000x64xf32, #tpu.memory_space<hbm>>) dst(%dma_wait3A_821 : memref<32x64xf32, #tpu.memory_space<vmem>>)
      %dma_wait3A_828 = arith.constant 1 : i32
      %dma_wait3A_829 = arith.constant 1 : i32
      %dma_wait3A_830 = arith.constant 8 : i32
      %dma_wait3A_831 = arith.constant 0 : i32
      %dma_wait3A_832 = arith.constant 0 : i32
      %dma_wait3A_833 = tpu.memref_slice %arg8[%dma_wait3A_829, %dma_wait3A_830, %dma_wait3A_831, %dma_wait3A_832] : memref<2x25x32x64xf32, #tpu.memory_space<vmem>> -> memref<1x1x32x64xf32, #tpu.memory_space<vmem>>
      %dma_wait3A_834 = tpu.memref_squeeze %dma_wait3A_833 : memref<1x1x32x64xf32, #tpu.memory_space<vmem>> -> memref<32x64xf32, #tpu.memory_space<vmem>>
      %dma_wait3A_835 = arith.constant 288 : i32
      %dma_wait3A_836 = tpu.memref_slice %arg6[%dma_wait3A_828, %dma_wait3A_835] : memref<2x1024xi32, #tpu.memory_space<vmem>> -> memref<1x32xi32, #tpu.memory_space<vmem>>
      %dma_wait3A_837 = tpu.memref_squeeze %dma_wait3A_836 : memref<1x32xi32, #tpu.memory_space<vmem>> -> memref<32xi32, #tpu.memory_space<vmem>>
      %dma_wait3A_838 = arith.constant 0 : i32
      %dma_wait3A_839 = arith.constant 0 : i32
      %dma_wait3A_840 = tpu.memref_slice %arg3[%dma_wait3A_838, %dma_wait3A_839] : memref<1000000x64xf32, #tpu.memory_space<hbm>> -> memref<1000000x64xf32, #tpu.memory_space<hbm>>
      tpu.wait_indirect_dma semaphore(%arg11 : memref<!tpu.dma_semaphore, #tpu.memory_space<semaphore_mem>>) src(%dma_wait3A_840 : memref<1000000x64xf32, #tpu.memory_space<hbm>>) dst(%dma_wait3A_834 : memref<32x64xf32, #tpu.memory_space<vmem>>)
      %dma_wait3A_841 = arith.constant 1 : i32
      %dma_wait3A_842 = arith.constant 1 : i32
      %dma_wait3A_843 = arith.constant 9 : i32
      %dma_wait3A_844 = arith.constant 0 : i32
      %dma_wait3A_845 = arith.constant 0 : i32
      %dma_wait3A_846 = tpu.memref_slice %arg8[%dma_wait3A_842, %dma_wait3A_843, %dma_wait3A_844, %dma_wait3A_845] : memref<2x25x32x64xf32, #tpu.memory_space<vmem>> -> memref<1x1x32x64xf32, #tpu.memory_space<vmem>>
      %dma_wait3A_847 = tpu.memref_squeeze %dma_wait3A_846 : memref<1x1x32x64xf32, #tpu.memory_space<vmem>> -> memref<32x64xf32, #tpu.memory_space<vmem>>
      %dma_wait3A_848 = arith.constant 320 : i32
      %dma_wait3A_849 = tpu.memref_slice %arg6[%dma_wait3A_841, %dma_wait3A_848] : memref<2x1024xi32, #tpu.memory_space<vmem>> -> memref<1x32xi32, #tpu.memory_space<vmem>>
      %dma_wait3A_850 = tpu.memref_squeeze %dma_wait3A_849 : memref<1x32xi32, #tpu.memory_space<vmem>> -> memref<32xi32, #tpu.memory_space<vmem>>
      %dma_wait3A_851 = arith.constant 0 : i32
      %dma_wait3A_852 = arith.constant 0 : i32
      %dma_wait3A_853 = tpu.memref_slice %arg3[%dma_wait3A_851, %dma_wait3A_852] : memref<1000000x64xf32, #tpu.memory_space<hbm>> -> memref<1000000x64xf32, #tpu.memory_space<hbm>>
      tpu.wait_indirect_dma semaphore(%arg11 : memref<!tpu.dma_semaphore, #tpu.memory_space<semaphore_mem>>) src(%dma_wait3A_853 : memref<1000000x64xf32, #tpu.memory_space<hbm>>) dst(%dma_wait3A_847 : memref<32x64xf32, #tpu.memory_space<vmem>>)
      %dma_wait3A_854 = arith.constant 1 : i32
      %dma_wait3A_855 = arith.constant 1 : i32
      %dma_wait3A_856 = arith.constant 10 : i32
      %dma_wait3A_857 = arith.constant 0 : i32
      %dma_wait3A_858 = arith.constant 0 : i32
      %dma_wait3A_859 = tpu.memref_slice %arg8[%dma_wait3A_855, %dma_wait3A_856, %dma_wait3A_857, %dma_wait3A_858] : memref<2x25x32x64xf32, #tpu.memory_space<vmem>> -> memref<1x1x32x64xf32, #tpu.memory_space<vmem>>
      %dma_wait3A_860 = tpu.memref_squeeze %dma_wait3A_859 : memref<1x1x32x64xf32, #tpu.memory_space<vmem>> -> memref<32x64xf32, #tpu.memory_space<vmem>>
      %dma_wait3A_861 = arith.constant 352 : i32
      %dma_wait3A_862 = tpu.memref_slice %arg6[%dma_wait3A_854, %dma_wait3A_861] : memref<2x1024xi32, #tpu.memory_space<vmem>> -> memref<1x32xi32, #tpu.memory_space<vmem>>
      %dma_wait3A_863 = tpu.memref_squeeze %dma_wait3A_862 : memref<1x32xi32, #tpu.memory_space<vmem>> -> memref<32xi32, #tpu.memory_space<vmem>>
      %dma_wait3A_864 = arith.constant 0 : i32
      %dma_wait3A_865 = arith.constant 0 : i32
      %dma_wait3A_866 = tpu.memref_slice %arg3[%dma_wait3A_864, %dma_wait3A_865] : memref<1000000x64xf32, #tpu.memory_space<hbm>> -> memref<1000000x64xf32, #tpu.memory_space<hbm>>
      tpu.wait_indirect_dma semaphore(%arg11 : memref<!tpu.dma_semaphore, #tpu.memory_space<semaphore_mem>>) src(%dma_wait3A_866 : memref<1000000x64xf32, #tpu.memory_space<hbm>>) dst(%dma_wait3A_860 : memref<32x64xf32, #tpu.memory_space<vmem>>)
      %dma_wait3A_867 = arith.constant 1 : i32
      %dma_wait3A_868 = arith.constant 1 : i32
      %dma_wait3A_869 = arith.constant 11 : i32
      %dma_wait3A_870 = arith.constant 0 : i32
      %dma_wait3A_871 = arith.constant 0 : i32
      %dma_wait3A_872 = tpu.memref_slice %arg8[%dma_wait3A_868, %dma_wait3A_869, %dma_wait3A_870, %dma_wait3A_871] : memref<2x25x32x64xf32, #tpu.memory_space<vmem>> -> memref<1x1x32x64xf32, #tpu.memory_space<vmem>>
      %dma_wait3A_873 = tpu.memref_squeeze %dma_wait3A_872 : memref<1x1x32x64xf32, #tpu.memory_space<vmem>> -> memref<32x64xf32, #tpu.memory_space<vmem>>
      %dma_wait3A_874 = arith.constant 384 : i32
      %dma_wait3A_875 = tpu.memref_slice %arg6[%dma_wait3A_867, %dma_wait3A_874] : memref<2x1024xi32, #tpu.memory_space<vmem>> -> memref<1x32xi32, #tpu.memory_space<vmem>>
      %dma_wait3A_876 = tpu.memref_squeeze %dma_wait3A_875 : memref<1x32xi32, #tpu.memory_space<vmem>> -> memref<32xi32, #tpu.memory_space<vmem>>
      %dma_wait3A_877 = arith.constant 0 : i32
      %dma_wait3A_878 = arith.constant 0 : i32
      %dma_wait3A_879 = tpu.memref_slice %arg3[%dma_wait3A_877, %dma_wait3A_878] : memref<1000000x64xf32, #tpu.memory_space<hbm>> -> memref<1000000x64xf32, #tpu.memory_space<hbm>>
      tpu.wait_indirect_dma semaphore(%arg11 : memref<!tpu.dma_semaphore, #tpu.memory_space<semaphore_mem>>) src(%dma_wait3A_879 : memref<1000000x64xf32, #tpu.memory_space<hbm>>) dst(%dma_wait3A_873 : memref<32x64xf32, #tpu.memory_space<vmem>>)
      %dma_wait3A_880 = arith.constant 1 : i32
      %dma_wait3A_881 = arith.constant 1 : i32
      %dma_wait3A_882 = arith.constant 12 : i32
      %dma_wait3A_883 = arith.constant 0 : i32
      %dma_wait3A_884 = arith.constant 0 : i32
      %dma_wait3A_885 = tpu.memref_slice %arg8[%dma_wait3A_881, %dma_wait3A_882, %dma_wait3A_883, %dma_wait3A_884] : memref<2x25x32x64xf32, #tpu.memory_space<vmem>> -> memref<1x1x32x64xf32, #tpu.memory_space<vmem>>
      %dma_wait3A_886 = tpu.memref_squeeze %dma_wait3A_885 : memref<1x1x32x64xf32, #tpu.memory_space<vmem>> -> memref<32x64xf32, #tpu.memory_space<vmem>>
      %dma_wait3A_887 = arith.constant 416 : i32
      %dma_wait3A_888 = tpu.memref_slice %arg6[%dma_wait3A_880, %dma_wait3A_887] : memref<2x1024xi32, #tpu.memory_space<vmem>> -> memref<1x32xi32, #tpu.memory_space<vmem>>
      %dma_wait3A_889 = tpu.memref_squeeze %dma_wait3A_888 : memref<1x32xi32, #tpu.memory_space<vmem>> -> memref<32xi32, #tpu.memory_space<vmem>>
      %dma_wait3A_890 = arith.constant 0 : i32
      %dma_wait3A_891 = arith.constant 0 : i32
      %dma_wait3A_892 = tpu.memref_slice %arg3[%dma_wait3A_890, %dma_wait3A_891] : memref<1000000x64xf32, #tpu.memory_space<hbm>> -> memref<1000000x64xf32, #tpu.memory_space<hbm>>
      tpu.wait_indirect_dma semaphore(%arg11 : memref<!tpu.dma_semaphore, #tpu.memory_space<semaphore_mem>>) src(%dma_wait3A_892 : memref<1000000x64xf32, #tpu.memory_space<hbm>>) dst(%dma_wait3A_886 : memref<32x64xf32, #tpu.memory_space<vmem>>)
      %dma_wait3A_893 = arith.constant 1 : i32
      %dma_wait3A_894 = arith.constant 1 : i32
      %dma_wait3A_895 = arith.constant 13 : i32
      %dma_wait3A_896 = arith.constant 0 : i32
      %dma_wait3A_897 = arith.constant 0 : i32
      %dma_wait3A_898 = tpu.memref_slice %arg8[%dma_wait3A_894, %dma_wait3A_895, %dma_wait3A_896, %dma_wait3A_897] : memref<2x25x32x64xf32, #tpu.memory_space<vmem>> -> memref<1x1x32x64xf32, #tpu.memory_space<vmem>>
      %dma_wait3A_899 = tpu.memref_squeeze %dma_wait3A_898 : memref<1x1x32x64xf32, #tpu.memory_space<vmem>> -> memref<32x64xf32, #tpu.memory_space<vmem>>
      %dma_wait3A_900 = arith.constant 448 : i32
      %dma_wait3A_901 = tpu.memref_slice %arg6[%dma_wait3A_893, %dma_wait3A_900] : memref<2x1024xi32, #tpu.memory_space<vmem>> -> memref<1x32xi32, #tpu.memory_space<vmem>>
      %dma_wait3A_902 = tpu.memref_squeeze %dma_wait3A_901 : memref<1x32xi32, #tpu.memory_space<vmem>> -> memref<32xi32, #tpu.memory_space<vmem>>
      %dma_wait3A_903 = arith.constant 0 : i32
      %dma_wait3A_904 = arith.constant 0 : i32
      %dma_wait3A_905 = tpu.memref_slice %arg3[%dma_wait3A_903, %dma_wait3A_904] : memref<1000000x64xf32, #tpu.memory_space<hbm>> -> memref<1000000x64xf32, #tpu.memory_space<hbm>>
      tpu.wait_indirect_dma semaphore(%arg11 : memref<!tpu.dma_semaphore, #tpu.memory_space<semaphore_mem>>) src(%dma_wait3A_905 : memref<1000000x64xf32, #tpu.memory_space<hbm>>) dst(%dma_wait3A_899 : memref<32x64xf32, #tpu.memory_space<vmem>>)
      %dma_wait3A_906 = arith.constant 1 : i32
      %dma_wait3A_907 = arith.constant 1 : i32
      %dma_wait3A_908 = arith.constant 14 : i32
      %dma_wait3A_909 = arith.constant 0 : i32
      %dma_wait3A_910 = arith.constant 0 : i32
      %dma_wait3A_911 = tpu.memref_slice %arg8[%dma_wait3A_907, %dma_wait3A_908, %dma_wait3A_909, %dma_wait3A_910] : memref<2x25x32x64xf32, #tpu.memory_space<vmem>> -> memref<1x1x32x64xf32, #tpu.memory_space<vmem>>
      %dma_wait3A_912 = tpu.memref_squeeze %dma_wait3A_911 : memref<1x1x32x64xf32, #tpu.memory_space<vmem>> -> memref<32x64xf32, #tpu.memory_space<vmem>>
      %dma_wait3A_913 = arith.constant 480 : i32
      %dma_wait3A_914 = tpu.memref_slice %arg6[%dma_wait3A_906, %dma_wait3A_913] : memref<2x1024xi32, #tpu.memory_space<vmem>> -> memref<1x32xi32, #tpu.memory_space<vmem>>
      %dma_wait3A_915 = tpu.memref_squeeze %dma_wait3A_914 : memref<1x32xi32, #tpu.memory_space<vmem>> -> memref<32xi32, #tpu.memory_space<vmem>>
      %dma_wait3A_916 = arith.constant 0 : i32
      %dma_wait3A_917 = arith.constant 0 : i32
      %dma_wait3A_918 = tpu.memref_slice %arg3[%dma_wait3A_916, %dma_wait3A_917] : memref<1000000x64xf32, #tpu.memory_space<hbm>> -> memref<1000000x64xf32, #tpu.memory_space<hbm>>
      tpu.wait_indirect_dma semaphore(%arg11 : memref<!tpu.dma_semaphore, #tpu.memory_space<semaphore_mem>>) src(%dma_wait3A_918 : memref<1000000x64xf32, #tpu.memory_space<hbm>>) dst(%dma_wait3A_912 : memref<32x64xf32, #tpu.memory_space<vmem>>)
      %dma_wait3A_919 = arith.constant 1 : i32
      %dma_wait3A_920 = arith.constant 1 : i32
      %dma_wait3A_921 = arith.constant 15 : i32
      %dma_wait3A_922 = arith.constant 0 : i32
      %dma_wait3A_923 = arith.constant 0 : i32
      %dma_wait3A_924 = tpu.memref_slice %arg8[%dma_wait3A_920, %dma_wait3A_921, %dma_wait3A_922, %dma_wait3A_923] : memref<2x25x32x64xf32, #tpu.memory_space<vmem>> -> memref<1x1x32x64xf32, #tpu.memory_space<vmem>>
      %dma_wait3A_925 = tpu.memref_squeeze %dma_wait3A_924 : memref<1x1x32x64xf32, #tpu.memory_space<vmem>> -> memref<32x64xf32, #tpu.memory_space<vmem>>
      %dma_wait3A_926 = arith.constant 512 : i32
      %dma_wait3A_927 = tpu.memref_slice %arg6[%dma_wait3A_919, %dma_wait3A_926] : memref<2x1024xi32, #tpu.memory_space<vmem>> -> memref<1x32xi32, #tpu.memory_space<vmem>>
      %dma_wait3A_928 = tpu.memref_squeeze %dma_wait3A_927 : memref<1x32xi32, #tpu.memory_space<vmem>> -> memref<32xi32, #tpu.memory_space<vmem>>
      %dma_wait3A_929 = arith.constant 0 : i32
      %dma_wait3A_930 = arith.constant 0 : i32
      %dma_wait3A_931 = tpu.memref_slice %arg3[%dma_wait3A_929, %dma_wait3A_930] : memref<1000000x64xf32, #tpu.memory_space<hbm>> -> memref<1000000x64xf32, #tpu.memory_space<hbm>>
      tpu.wait_indirect_dma semaphore(%arg11 : memref<!tpu.dma_semaphore, #tpu.memory_space<semaphore_mem>>) src(%dma_wait3A_931 : memref<1000000x64xf32, #tpu.memory_space<hbm>>) dst(%dma_wait3A_925 : memref<32x64xf32, #tpu.memory_space<vmem>>)
      %dma_wait3A_932 = arith.constant 1 : i32
      %dma_wait3A_933 = arith.constant 1 : i32
      %dma_wait3A_934 = arith.constant 16 : i32
      %dma_wait3A_935 = arith.constant 0 : i32
      %dma_wait3A_936 = arith.constant 0 : i32
      %dma_wait3A_937 = tpu.memref_slice %arg8[%dma_wait3A_933, %dma_wait3A_934, %dma_wait3A_935, %dma_wait3A_936] : memref<2x25x32x64xf32, #tpu.memory_space<vmem>> -> memref<1x1x32x64xf32, #tpu.memory_space<vmem>>
      %dma_wait3A_938 = tpu.memref_squeeze %dma_wait3A_937 : memref<1x1x32x64xf32, #tpu.memory_space<vmem>> -> memref<32x64xf32, #tpu.memory_space<vmem>>
      %dma_wait3A_939 = arith.constant 544 : i32
      %dma_wait3A_940 = tpu.memref_slice %arg6[%dma_wait3A_932, %dma_wait3A_939] : memref<2x1024xi32, #tpu.memory_space<vmem>> -> memref<1x32xi32, #tpu.memory_space<vmem>>
      %dma_wait3A_941 = tpu.memref_squeeze %dma_wait3A_940 : memref<1x32xi32, #tpu.memory_space<vmem>> -> memref<32xi32, #tpu.memory_space<vmem>>
      %dma_wait3A_942 = arith.constant 0 : i32
      %dma_wait3A_943 = arith.constant 0 : i32
      %dma_wait3A_944 = tpu.memref_slice %arg3[%dma_wait3A_942, %dma_wait3A_943] : memref<1000000x64xf32, #tpu.memory_space<hbm>> -> memref<1000000x64xf32, #tpu.memory_space<hbm>>
      tpu.wait_indirect_dma semaphore(%arg11 : memref<!tpu.dma_semaphore, #tpu.memory_space<semaphore_mem>>) src(%dma_wait3A_944 : memref<1000000x64xf32, #tpu.memory_space<hbm>>) dst(%dma_wait3A_938 : memref<32x64xf32, #tpu.memory_space<vmem>>)
      %dma_wait3A_945 = arith.constant 1 : i32
      %dma_wait3A_946 = arith.constant 1 : i32
      %dma_wait3A_947 = arith.constant 17 : i32
      %dma_wait3A_948 = arith.constant 0 : i32
      %dma_wait3A_949 = arith.constant 0 : i32
      %dma_wait3A_950 = tpu.memref_slice %arg8[%dma_wait3A_946, %dma_wait3A_947, %dma_wait3A_948, %dma_wait3A_949] : memref<2x25x32x64xf32, #tpu.memory_space<vmem>> -> memref<1x1x32x64xf32, #tpu.memory_space<vmem>>
      %dma_wait3A_951 = tpu.memref_squeeze %dma_wait3A_950 : memref<1x1x32x64xf32, #tpu.memory_space<vmem>> -> memref<32x64xf32, #tpu.memory_space<vmem>>
      %dma_wait3A_952 = arith.constant 576 : i32
      %dma_wait3A_953 = tpu.memref_slice %arg6[%dma_wait3A_945, %dma_wait3A_952] : memref<2x1024xi32, #tpu.memory_space<vmem>> -> memref<1x32xi32, #tpu.memory_space<vmem>>
      %dma_wait3A_954 = tpu.memref_squeeze %dma_wait3A_953 : memref<1x32xi32, #tpu.memory_space<vmem>> -> memref<32xi32, #tpu.memory_space<vmem>>
      %dma_wait3A_955 = arith.constant 0 : i32
      %dma_wait3A_956 = arith.constant 0 : i32
      %dma_wait3A_957 = tpu.memref_slice %arg3[%dma_wait3A_955, %dma_wait3A_956] : memref<1000000x64xf32, #tpu.memory_space<hbm>> -> memref<1000000x64xf32, #tpu.memory_space<hbm>>
      tpu.wait_indirect_dma semaphore(%arg11 : memref<!tpu.dma_semaphore, #tpu.memory_space<semaphore_mem>>) src(%dma_wait3A_957 : memref<1000000x64xf32, #tpu.memory_space<hbm>>) dst(%dma_wait3A_951 : memref<32x64xf32, #tpu.memory_space<vmem>>)
      %dma_wait3A_958 = arith.constant 1 : i32
      %dma_wait3A_959 = arith.constant 1 : i32
      %dma_wait3A_960 = arith.constant 18 : i32
      %dma_wait3A_961 = arith.constant 0 : i32
      %dma_wait3A_962 = arith.constant 0 : i32
      %dma_wait3A_963 = tpu.memref_slice %arg8[%dma_wait3A_959, %dma_wait3A_960, %dma_wait3A_961, %dma_wait3A_962] : memref<2x25x32x64xf32, #tpu.memory_space<vmem>> -> memref<1x1x32x64xf32, #tpu.memory_space<vmem>>
      %dma_wait3A_964 = tpu.memref_squeeze %dma_wait3A_963 : memref<1x1x32x64xf32, #tpu.memory_space<vmem>> -> memref<32x64xf32, #tpu.memory_space<vmem>>
      %dma_wait3A_965 = arith.constant 608 : i32
      %dma_wait3A_966 = tpu.memref_slice %arg6[%dma_wait3A_958, %dma_wait3A_965] : memref<2x1024xi32, #tpu.memory_space<vmem>> -> memref<1x32xi32, #tpu.memory_space<vmem>>
      %dma_wait3A_967 = tpu.memref_squeeze %dma_wait3A_966 : memref<1x32xi32, #tpu.memory_space<vmem>> -> memref<32xi32, #tpu.memory_space<vmem>>
      %dma_wait3A_968 = arith.constant 0 : i32
      %dma_wait3A_969 = arith.constant 0 : i32
      %dma_wait3A_970 = tpu.memref_slice %arg3[%dma_wait3A_968, %dma_wait3A_969] : memref<1000000x64xf32, #tpu.memory_space<hbm>> -> memref<1000000x64xf32, #tpu.memory_space<hbm>>
      tpu.wait_indirect_dma semaphore(%arg11 : memref<!tpu.dma_semaphore, #tpu.memory_space<semaphore_mem>>) src(%dma_wait3A_970 : memref<1000000x64xf32, #tpu.memory_space<hbm>>) dst(%dma_wait3A_964 : memref<32x64xf32, #tpu.memory_space<vmem>>)
      %dma_wait3A_971 = arith.constant 1 : i32
      %dma_wait3A_972 = arith.constant 1 : i32
      %dma_wait3A_973 = arith.constant 19 : i32
      %dma_wait3A_974 = arith.constant 0 : i32
      %dma_wait3A_975 = arith.constant 0 : i32
      %dma_wait3A_976 = tpu.memref_slice %arg8[%dma_wait3A_972, %dma_wait3A_973, %dma_wait3A_974, %dma_wait3A_975] : memref<2x25x32x64xf32, #tpu.memory_space<vmem>> -> memref<1x1x32x64xf32, #tpu.memory_space<vmem>>
      %dma_wait3A_977 = tpu.memref_squeeze %dma_wait3A_976 : memref<1x1x32x64xf32, #tpu.memory_space<vmem>> -> memref<32x64xf32, #tpu.memory_space<vmem>>
      %dma_wait3A_978 = arith.constant 640 : i32
      %dma_wait3A_979 = tpu.memref_slice %arg6[%dma_wait3A_971, %dma_wait3A_978] : memref<2x1024xi32, #tpu.memory_space<vmem>> -> memref<1x32xi32, #tpu.memory_space<vmem>>
      %dma_wait3A_980 = tpu.memref_squeeze %dma_wait3A_979 : memref<1x32xi32, #tpu.memory_space<vmem>> -> memref<32xi32, #tpu.memory_space<vmem>>
      %dma_wait3A_981 = arith.constant 0 : i32
      %dma_wait3A_982 = arith.constant 0 : i32
      %dma_wait3A_983 = tpu.memref_slice %arg3[%dma_wait3A_981, %dma_wait3A_982] : memref<1000000x64xf32, #tpu.memory_space<hbm>> -> memref<1000000x64xf32, #tpu.memory_space<hbm>>
      tpu.wait_indirect_dma semaphore(%arg11 : memref<!tpu.dma_semaphore, #tpu.memory_space<semaphore_mem>>) src(%dma_wait3A_983 : memref<1000000x64xf32, #tpu.memory_space<hbm>>) dst(%dma_wait3A_977 : memref<32x64xf32, #tpu.memory_space<vmem>>)
      %dma_wait3A_984 = arith.constant 1 : i32
      %dma_wait3A_985 = arith.constant 1 : i32
      %dma_wait3A_986 = arith.constant 20 : i32
      %dma_wait3A_987 = arith.constant 0 : i32
      %dma_wait3A_988 = arith.constant 0 : i32
      %dma_wait3A_989 = tpu.memref_slice %arg8[%dma_wait3A_985, %dma_wait3A_986, %dma_wait3A_987, %dma_wait3A_988] : memref<2x25x32x64xf32, #tpu.memory_space<vmem>> -> memref<1x1x32x64xf32, #tpu.memory_space<vmem>>
      %dma_wait3A_990 = tpu.memref_squeeze %dma_wait3A_989 : memref<1x1x32x64xf32, #tpu.memory_space<vmem>> -> memref<32x64xf32, #tpu.memory_space<vmem>>
      %dma_wait3A_991 = arith.constant 672 : i32
      %dma_wait3A_992 = tpu.memref_slice %arg6[%dma_wait3A_984, %dma_wait3A_991] : memref<2x1024xi32, #tpu.memory_space<vmem>> -> memref<1x32xi32, #tpu.memory_space<vmem>>
      %dma_wait3A_993 = tpu.memref_squeeze %dma_wait3A_992 : memref<1x32xi32, #tpu.memory_space<vmem>> -> memref<32xi32, #tpu.memory_space<vmem>>
      %dma_wait3A_994 = arith.constant 0 : i32
      %dma_wait3A_995 = arith.constant 0 : i32
      %dma_wait3A_996 = tpu.memref_slice %arg3[%dma_wait3A_994, %dma_wait3A_995] : memref<1000000x64xf32, #tpu.memory_space<hbm>> -> memref<1000000x64xf32, #tpu.memory_space<hbm>>
      tpu.wait_indirect_dma semaphore(%arg11 : memref<!tpu.dma_semaphore, #tpu.memory_space<semaphore_mem>>) src(%dma_wait3A_996 : memref<1000000x64xf32, #tpu.memory_space<hbm>>) dst(%dma_wait3A_990 : memref<32x64xf32, #tpu.memory_space<vmem>>)
      %dma_wait3A_997 = arith.constant 1 : i32
      %dma_wait3A_998 = arith.constant 1 : i32
      %dma_wait3A_999 = arith.constant 21 : i32
      %dma_wait3A_1000 = arith.constant 0 : i32
      %dma_wait3A_1001 = arith.constant 0 : i32
      %dma_wait3A_1002 = tpu.memref_slice %arg8[%dma_wait3A_998, %dma_wait3A_999, %dma_wait3A_1000, %dma_wait3A_1001] : memref<2x25x32x64xf32, #tpu.memory_space<vmem>> -> memref<1x1x32x64xf32, #tpu.memory_space<vmem>>
      %dma_wait3A_1003 = tpu.memref_squeeze %dma_wait3A_1002 : memref<1x1x32x64xf32, #tpu.memory_space<vmem>> -> memref<32x64xf32, #tpu.memory_space<vmem>>
      %dma_wait3A_1004 = arith.constant 704 : i32
      %dma_wait3A_1005 = tpu.memref_slice %arg6[%dma_wait3A_997, %dma_wait3A_1004] : memref<2x1024xi32, #tpu.memory_space<vmem>> -> memref<1x32xi32, #tpu.memory_space<vmem>>
      %dma_wait3A_1006 = tpu.memref_squeeze %dma_wait3A_1005 : memref<1x32xi32, #tpu.memory_space<vmem>> -> memref<32xi32, #tpu.memory_space<vmem>>
      %dma_wait3A_1007 = arith.constant 0 : i32
      %dma_wait3A_1008 = arith.constant 0 : i32
      %dma_wait3A_1009 = tpu.memref_slice %arg3[%dma_wait3A_1007, %dma_wait3A_1008] : memref<1000000x64xf32, #tpu.memory_space<hbm>> -> memref<1000000x64xf32, #tpu.memory_space<hbm>>
      tpu.wait_indirect_dma semaphore(%arg11 : memref<!tpu.dma_semaphore, #tpu.memory_space<semaphore_mem>>) src(%dma_wait3A_1009 : memref<1000000x64xf32, #tpu.memory_space<hbm>>) dst(%dma_wait3A_1003 : memref<32x64xf32, #tpu.memory_space<vmem>>)
      %dma_wait3A_1010 = arith.constant 1 : i32
      %dma_wait3A_1011 = arith.constant 1 : i32
      %dma_wait3A_1012 = arith.constant 22 : i32
      %dma_wait3A_1013 = arith.constant 0 : i32
      %dma_wait3A_1014 = arith.constant 0 : i32
      %dma_wait3A_1015 = tpu.memref_slice %arg8[%dma_wait3A_1011, %dma_wait3A_1012, %dma_wait3A_1013, %dma_wait3A_1014] : memref<2x25x32x64xf32, #tpu.memory_space<vmem>> -> memref<1x1x32x64xf32, #tpu.memory_space<vmem>>
      %dma_wait3A_1016 = tpu.memref_squeeze %dma_wait3A_1015 : memref<1x1x32x64xf32, #tpu.memory_space<vmem>> -> memref<32x64xf32, #tpu.memory_space<vmem>>
      %dma_wait3A_1017 = arith.constant 736 : i32
      %dma_wait3A_1018 = tpu.memref_slice %arg6[%dma_wait3A_1010, %dma_wait3A_1017] : memref<2x1024xi32, #tpu.memory_space<vmem>> -> memref<1x32xi32, #tpu.memory_space<vmem>>
      %dma_wait3A_1019 = tpu.memref_squeeze %dma_wait3A_1018 : memref<1x32xi32, #tpu.memory_space<vmem>> -> memref<32xi32, #tpu.memory_space<vmem>>
      %dma_wait3A_1020 = arith.constant 0 : i32
      %dma_wait3A_1021 = arith.constant 0 : i32
      %dma_wait3A_1022 = tpu.memref_slice %arg3[%dma_wait3A_1020, %dma_wait3A_1021] : memref<1000000x64xf32, #tpu.memory_space<hbm>> -> memref<1000000x64xf32, #tpu.memory_space<hbm>>
      tpu.wait_indirect_dma semaphore(%arg11 : memref<!tpu.dma_semaphore, #tpu.memory_space<semaphore_mem>>) src(%dma_wait3A_1022 : memref<1000000x64xf32, #tpu.memory_space<hbm>>) dst(%dma_wait3A_1016 : memref<32x64xf32, #tpu.memory_space<vmem>>)
      %dma_wait3A_1023 = arith.constant 1 : i32
      %dma_wait3A_1024 = arith.constant 1 : i32
      %dma_wait3A_1025 = arith.constant 23 : i32
      %dma_wait3A_1026 = arith.constant 0 : i32
      %dma_wait3A_1027 = arith.constant 0 : i32
      %dma_wait3A_1028 = tpu.memref_slice %arg8[%dma_wait3A_1024, %dma_wait3A_1025, %dma_wait3A_1026, %dma_wait3A_1027] : memref<2x25x32x64xf32, #tpu.memory_space<vmem>> -> memref<1x1x32x64xf32, #tpu.memory_space<vmem>>
      %dma_wait3A_1029 = tpu.memref_squeeze %dma_wait3A_1028 : memref<1x1x32x64xf32, #tpu.memory_space<vmem>> -> memref<32x64xf32, #tpu.memory_space<vmem>>
      %dma_wait3A_1030 = arith.constant 768 : i32
      %dma_wait3A_1031 = tpu.memref_slice %arg6[%dma_wait3A_1023, %dma_wait3A_1030] : memref<2x1024xi32, #tpu.memory_space<vmem>> -> memref<1x32xi32, #tpu.memory_space<vmem>>
      %dma_wait3A_1032 = tpu.memref_squeeze %dma_wait3A_1031 : memref<1x32xi32, #tpu.memory_space<vmem>> -> memref<32xi32, #tpu.memory_space<vmem>>
      %dma_wait3A_1033 = arith.constant 0 : i32
      %dma_wait3A_1034 = arith.constant 0 : i32
      %dma_wait3A_1035 = tpu.memref_slice %arg3[%dma_wait3A_1033, %dma_wait3A_1034] : memref<1000000x64xf32, #tpu.memory_space<hbm>> -> memref<1000000x64xf32, #tpu.memory_space<hbm>>
      tpu.wait_indirect_dma semaphore(%arg11 : memref<!tpu.dma_semaphore, #tpu.memory_space<semaphore_mem>>) src(%dma_wait3A_1035 : memref<1000000x64xf32, #tpu.memory_space<hbm>>) dst(%dma_wait3A_1029 : memref<32x64xf32, #tpu.memory_space<vmem>>)
      %dma_wait3A_1036 = arith.constant 1 : i32
      %dma_wait3A_1037 = arith.constant 1 : i32
      %dma_wait3A_1038 = arith.constant 24 : i32
      %dma_wait3A_1039 = arith.constant 0 : i32
      %dma_wait3A_1040 = arith.constant 0 : i32
      %dma_wait3A_1041 = tpu.memref_slice %arg8[%dma_wait3A_1037, %dma_wait3A_1038, %dma_wait3A_1039, %dma_wait3A_1040] : memref<2x25x32x64xf32, #tpu.memory_space<vmem>> -> memref<1x1x32x64xf32, #tpu.memory_space<vmem>>
      %dma_wait3A_1042 = tpu.memref_squeeze %dma_wait3A_1041 : memref<1x1x32x64xf32, #tpu.memory_space<vmem>> -> memref<32x64xf32, #tpu.memory_space<vmem>>
      %dma_wait3A_1043 = arith.constant 800 : i32
      %dma_wait3A_1044 = tpu.memref_slice %arg6[%dma_wait3A_1036, %dma_wait3A_1043] : memref<2x1024xi32, #tpu.memory_space<vmem>> -> memref<1x32xi32, #tpu.memory_space<vmem>>
      %dma_wait3A_1045 = tpu.memref_squeeze %dma_wait3A_1044 : memref<1x32xi32, #tpu.memory_space<vmem>> -> memref<32xi32, #tpu.memory_space<vmem>>
      %dma_wait3A_1046 = arith.constant 0 : i32
      %dma_wait3A_1047 = arith.constant 0 : i32
      %dma_wait3A_1048 = tpu.memref_slice %arg3[%dma_wait3A_1046, %dma_wait3A_1047] : memref<1000000x64xf32, #tpu.memory_space<hbm>> -> memref<1000000x64xf32, #tpu.memory_space<hbm>>
      tpu.wait_indirect_dma semaphore(%arg11 : memref<!tpu.dma_semaphore, #tpu.memory_space<semaphore_mem>>) src(%dma_wait3A_1048 : memref<1000000x64xf32, #tpu.memory_space<hbm>>) dst(%dma_wait3A_1042 : memref<32x64xf32, #tpu.memory_space<vmem>>)
      %scan3A_1049 = arith.constant 0 : i32
      %scan3A_1050 = arith.constant 0 : i32
      %scan3A_1051 = arith.constant 32 : i32
      %scan3A_1052 = arith.addi %scan3A_1050, %scan3A_1051 : i32
      %scan3A_1053 = arith.constant 1 : i32
      scf.for %scan3A_1055 = %scan3A_1050 to %scan3A_1052 step %scan3A_1053  : i32 {
        %get3A = arith.constant 1 : i32
        %get3A_1056 = arith.index_cast %get3A : i32 to index
        %get3A_1057 = arith.index_cast %scan3A_1055 : i32 to index
        %get3A_1058 = arith.constant 0 : index
        %get3A_1059 = tpu.vector_load %arg7[%get3A_1056, %get3A_1057, %get3A_1058] {strides = array<i32>} : memref<2x32x64xf32, #tpu.memory_space<vmem>>, vector<16xf32>,
        %get3A_1060 = arith.constant 1 : i32
        %get3A_1061 = arith.index_cast %get3A_1060 : i32 to index
        %get3A_1062 = arith.index_cast %scan3A_1055 : i32 to index
        %get3A_1063 = arith.constant 16 : index
        %get3A_1064 = tpu.vector_load %arg7[%get3A_1061, %get3A_1062, %get3A_1063] {strides = array<i32>} : memref<2x32x64xf32, #tpu.memory_space<vmem>>, vector<16xf32>,
        %get3A_1065 = arith.constant 1 : i32
        %get3A_1066 = arith.index_cast %get3A_1065 : i32 to index
        %get3A_1067 = arith.index_cast %scan3A_1055 : i32 to index
        %get3A_1068 = arith.constant 32 : index
        %get3A_1069 = tpu.vector_load %arg7[%get3A_1066, %get3A_1067, %get3A_1068] {strides = array<i32>} : memref<2x32x64xf32, #tpu.memory_space<vmem>>, vector<16xf32>,
        %get3A_1070 = arith.constant 1 : i32
        %get3A_1071 = arith.index_cast %get3A_1070 : i32 to index
        %get3A_1072 = arith.index_cast %scan3A_1055 : i32 to index
        %get3A_1073 = arith.constant 48 : index
        %get3A_1074 = tpu.vector_load %arg7[%get3A_1071, %get3A_1072, %get3A_1073] {strides = array<i32>} : memref<2x32x64xf32, #tpu.memory_space<vmem>>, vector<16xf32>,
        %iota3A = tpu.iota {dimensions = array<i32: 0>} : vector<16xi32>
        %broadcast_in_dim3A = arith.constant 0.000000e+00 : f32
        %broadcast_in_dim3A_1075 = vector.broadcast %broadcast_in_dim3A : f32 to vector<16xf32>
        %broadcast_in_dim3A_1076 = arith.constant 3.000000e+01 : f32
        %broadcast_in_dim3A_1077 = vector.broadcast %broadcast_in_dim3A_1076 : f32 to vector<16xf32>
        %get3A_1078 = arith.constant 1 : i32
        %get3A_1079 = arith.constant 0 : i32
        %get3A_1080 = arith.index_cast %get3A_1078 : i32 to index
        %get3A_1081 = arith.index_cast %get3A_1079 : i32 to index
        %get3A_1082 = arith.index_cast %scan3A_1055 : i32 to index
        %get3A_1083 = arith.constant 0 : index
        %get3A_1084 = tpu.vector_load %arg8[%get3A_1080, %get3A_1081, %get3A_1082, %get3A_1083] {strides = array<i32>} : memref<2x25x32x64xf32, #tpu.memory_space<vmem>>, vector<16xf32>,
        %mul3A_1085 = arith.mulf %get3A_1084, %get3A_1059 : vector<16xf32>
        %get3A_1086 = arith.constant 1 : i32
        %get3A_1087 = arith.constant 0 : i32
        %get3A_1088 = arith.index_cast %get3A_1086 : i32 to index
        %get3A_1089 = arith.index_cast %get3A_1087 : i32 to index
        %get3A_1090 = arith.index_cast %scan3A_1055 : i32 to index
        %get3A_1091 = arith.constant 16 : index
        %get3A_1092 = tpu.vector_load %arg8[%get3A_1088, %get3A_1089, %get3A_1090, %get3A_1091] {strides = array<i32>} : memref<2x25x32x64xf32, #tpu.memory_space<vmem>>, vector<16xf32>,
        %mul3A_1093 = arith.mulf %get3A_1092, %get3A_1064 : vector<16xf32>
        %add3A_1094 = arith.addf %mul3A_1085, %mul3A_1093 : vector<16xf32>
        %get3A_1095 = arith.constant 1 : i32
        %get3A_1096 = arith.constant 0 : i32
        %get3A_1097 = arith.index_cast %get3A_1095 : i32 to index
        %get3A_1098 = arith.index_cast %get3A_1096 : i32 to index
        %get3A_1099 = arith.index_cast %scan3A_1055 : i32 to index
        %get3A_1100 = arith.constant 32 : index
        %get3A_1101 = tpu.vector_load %arg8[%get3A_1097, %get3A_1098, %get3A_1099, %get3A_1100] {strides = array<i32>} : memref<2x25x32x64xf32, #tpu.memory_space<vmem>>, vector<16xf32>,
        %mul3A_1102 = arith.mulf %get3A_1101, %get3A_1069 : vector<16xf32>
        %add3A_1103 = arith.addf %add3A_1094, %mul3A_1102 : vector<16xf32>
        %get3A_1104 = arith.constant 1 : i32
        %get3A_1105 = arith.constant 0 : i32
        %get3A_1106 = arith.index_cast %get3A_1104 : i32 to index
        %get3A_1107 = arith.index_cast %get3A_1105 : i32 to index
        %get3A_1108 = arith.index_cast %scan3A_1055 : i32 to index
        %get3A_1109 = arith.constant 48 : index
        %get3A_1110 = tpu.vector_load %arg8[%get3A_1106, %get3A_1107, %get3A_1108, %get3A_1109] {strides = array<i32>} : memref<2x25x32x64xf32, #tpu.memory_space<vmem>>, vector<16xf32>,
        %mul3A_1111 = arith.mulf %get3A_1110, %get3A_1074 : vector<16xf32>
        %add3A_1112 = arith.addf %add3A_1103, %mul3A_1111 : vector<16xf32>
        %reduce_sum3A = arith.constant true
        %reduce_sum3A_1113 = vector.broadcast %reduce_sum3A : i1 to vector<16xi1>
        %reduce_sum3A_1114 = tpu.scan <sum>, %add3A_1112 masked %reduce_sum3A_1113 : vector<16xf32>, vector<16xi1> -> vector<16xf32>
        %reduce_sum3A_1115 = vector.extract %reduce_sum3A_1114[15] : f32 from vector<16xf32>
        %eq3A = arith.constant 0 : i32
        %eq3A_1116 = vector.broadcast %eq3A : i32 to vector<16xi32>
        %eq3A_1117 = arith.cmpi eq, %iota3A, %eq3A_1116 : vector<16xi32>
        %broadcast_in_dim3A_1118 = vector.broadcast %reduce_sum3A_1115 : f32 to vector<16xf32>
        %select_n3A = arith.select %eq3A_1117, %broadcast_in_dim3A_1118, %broadcast_in_dim3A_1075 : vector<16xi1>, vector<16xf32>
        %get3A_1119 = arith.constant 1 : i32
        %get3A_1120 = arith.constant 1 : i32
        %get3A_1121 = arith.index_cast %get3A_1119 : i32 to index
        %get3A_1122 = arith.index_cast %get3A_1120 : i32 to index
        %get3A_1123 = arith.index_cast %scan3A_1055 : i32 to index
        %get3A_1124 = arith.constant 0 : index
        %get3A_1125 = tpu.vector_load %arg8[%get3A_1121, %get3A_1122, %get3A_1123, %get3A_1124] {strides = array<i32>} : memref<2x25x32x64xf32, #tpu.memory_space<vmem>>, vector<16xf32>,
        %mul3A_1126 = arith.mulf %get3A_1125, %get3A_1059 : vector<16xf32>
        %get3A_1127 = arith.constant 1 : i32
        %get3A_1128 = arith.constant 1 : i32
        %get3A_1129 = arith.index_cast %get3A_1127 : i32 to index
        %get3A_1130 = arith.index_cast %get3A_1128 : i32 to index
        %get3A_1131 = arith.index_cast %scan3A_1055 : i32 to index
        %get3A_1132 = arith.constant 16 : index
        %get3A_1133 = tpu.vector_load %arg8[%get3A_1129, %get3A_1130, %get3A_1131, %get3A_1132] {strides = array<i32>} : memref<2x25x32x64xf32, #tpu.memory_space<vmem>>, vector<16xf32>,
        %mul3A_1134 = arith.mulf %get3A_1133, %get3A_1064 : vector<16xf32>
        %add3A_1135 = arith.addf %mul3A_1126, %mul3A_1134 : vector<16xf32>
        %get3A_1136 = arith.constant 1 : i32
        %get3A_1137 = arith.constant 1 : i32
        %get3A_1138 = arith.index_cast %get3A_1136 : i32 to index
        %get3A_1139 = arith.index_cast %get3A_1137 : i32 to index
        %get3A_1140 = arith.index_cast %scan3A_1055 : i32 to index
        %get3A_1141 = arith.constant 32 : index
        %get3A_1142 = tpu.vector_load %arg8[%get3A_1138, %get3A_1139, %get3A_1140, %get3A_1141] {strides = array<i32>} : memref<2x25x32x64xf32, #tpu.memory_space<vmem>>, vector<16xf32>,
        %mul3A_1143 = arith.mulf %get3A_1142, %get3A_1069 : vector<16xf32>
        %add3A_1144 = arith.addf %add3A_1135, %mul3A_1143 : vector<16xf32>
        %get3A_1145 = arith.constant 1 : i32
        %get3A_1146 = arith.constant 1 : i32
        %get3A_1147 = arith.index_cast %get3A_1145 : i32 to index
        %get3A_1148 = arith.index_cast %get3A_1146 : i32 to index
        %get3A_1149 = arith.index_cast %scan3A_1055 : i32 to index
        %get3A_1150 = arith.constant 48 : index
        %get3A_1151 = tpu.vector_load %arg8[%get3A_1147, %get3A_1148, %get3A_1149, %get3A_1150] {strides = array<i32>} : memref<2x25x32x64xf32, #tpu.memory_space<vmem>>, vector<16xf32>,
        %mul3A_1152 = arith.mulf %get3A_1151, %get3A_1074 : vector<16xf32>
        %add3A_1153 = arith.addf %add3A_1144, %mul3A_1152 : vector<16xf32>
        %reduce_sum3A_1154 = arith.constant true
        %reduce_sum3A_1155 = vector.broadcast %reduce_sum3A_1154 : i1 to vector<16xi1>
        %reduce_sum3A_1156 = tpu.scan <sum>, %add3A_1153 masked %reduce_sum3A_1155 : vector<16xf32>, vector<16xi1> -> vector<16xf32>
        %reduce_sum3A_1157 = vector.extract %reduce_sum3A_1156[15] : f32 from vector<16xf32>
        %eq3A_1158 = arith.constant 1 : i32
        %eq3A_1159 = vector.broadcast %eq3A_1158 : i32 to vector<16xi32>
        %eq3A_1160 = arith.cmpi eq, %iota3A, %eq3A_1159 : vector<16xi32>
        %broadcast_in_dim3A_1161 = vector.broadcast %reduce_sum3A_1157 : f32 to vector<16xf32>
        %select_n3A_1162 = arith.select %eq3A_1160, %broadcast_in_dim3A_1161, %select_n3A : vector<16xi1>, vector<16xf32>
        %get3A_1163 = arith.constant 1 : i32
        %get3A_1164 = arith.constant 2 : i32
        %get3A_1165 = arith.index_cast %get3A_1163 : i32 to index
        %get3A_1166 = arith.index_cast %get3A_1164 : i32 to index
        %get3A_1167 = arith.index_cast %scan3A_1055 : i32 to index
        %get3A_1168 = arith.constant 0 : index
        %get3A_1169 = tpu.vector_load %arg8[%get3A_1165, %get3A_1166, %get3A_1167, %get3A_1168] {strides = array<i32>} : memref<2x25x32x64xf32, #tpu.memory_space<vmem>>, vector<16xf32>,
        %mul3A_1170 = arith.mulf %get3A_1169, %get3A_1059 : vector<16xf32>
        %get3A_1171 = arith.constant 1 : i32
        %get3A_1172 = arith.constant 2 : i32
        %get3A_1173 = arith.index_cast %get3A_1171 : i32 to index
        %get3A_1174 = arith.index_cast %get3A_1172 : i32 to index
        %get3A_1175 = arith.index_cast %scan3A_1055 : i32 to index
        %get3A_1176 = arith.constant 16 : index
        %get3A_1177 = tpu.vector_load %arg8[%get3A_1173, %get3A_1174, %get3A_1175, %get3A_1176] {strides = array<i32>} : memref<2x25x32x64xf32, #tpu.memory_space<vmem>>, vector<16xf32>,
        %mul3A_1178 = arith.mulf %get3A_1177, %get3A_1064 : vector<16xf32>
        %add3A_1179 = arith.addf %mul3A_1170, %mul3A_1178 : vector<16xf32>
        %get3A_1180 = arith.constant 1 : i32
        %get3A_1181 = arith.constant 2 : i32
        %get3A_1182 = arith.index_cast %get3A_1180 : i32 to index
        %get3A_1183 = arith.index_cast %get3A_1181 : i32 to index
        %get3A_1184 = arith.index_cast %scan3A_1055 : i32 to index
        %get3A_1185 = arith.constant 32 : index
        %get3A_1186 = tpu.vector_load %arg8[%get3A_1182, %get3A_1183, %get3A_1184, %get3A_1185] {strides = array<i32>} : memref<2x25x32x64xf32, #tpu.memory_space<vmem>>, vector<16xf32>,
        %mul3A_1187 = arith.mulf %get3A_1186, %get3A_1069 : vector<16xf32>
        %add3A_1188 = arith.addf %add3A_1179, %mul3A_1187 : vector<16xf32>
        %get3A_1189 = arith.constant 1 : i32
        %get3A_1190 = arith.constant 2 : i32
        %get3A_1191 = arith.index_cast %get3A_1189 : i32 to index
        %get3A_1192 = arith.index_cast %get3A_1190 : i32 to index
        %get3A_1193 = arith.index_cast %scan3A_1055 : i32 to index
        %get3A_1194 = arith.constant 48 : index
        %get3A_1195 = tpu.vector_load %arg8[%get3A_1191, %get3A_1192, %get3A_1193, %get3A_1194] {strides = array<i32>} : memref<2x25x32x64xf32, #tpu.memory_space<vmem>>, vector<16xf32>,
        %mul3A_1196 = arith.mulf %get3A_1195, %get3A_1074 : vector<16xf32>
        %add3A_1197 = arith.addf %add3A_1188, %mul3A_1196 : vector<16xf32>
        %reduce_sum3A_1198 = arith.constant true
        %reduce_sum3A_1199 = vector.broadcast %reduce_sum3A_1198 : i1 to vector<16xi1>
        %reduce_sum3A_1200 = tpu.scan <sum>, %add3A_1197 masked %reduce_sum3A_1199 : vector<16xf32>, vector<16xi1> -> vector<16xf32>
        %reduce_sum3A_1201 = vector.extract %reduce_sum3A_1200[15] : f32 from vector<16xf32>
        %eq3A_1202 = arith.constant 2 : i32
        %eq3A_1203 = vector.broadcast %eq3A_1202 : i32 to vector<16xi32>
        %eq3A_1204 = arith.cmpi eq, %iota3A, %eq3A_1203 : vector<16xi32>
        %broadcast_in_dim3A_1205 = vector.broadcast %reduce_sum3A_1201 : f32 to vector<16xf32>
        %select_n3A_1206 = arith.select %eq3A_1204, %broadcast_in_dim3A_1205, %select_n3A_1162 : vector<16xi1>, vector<16xf32>
        %get3A_1207 = arith.constant 1 : i32
        %get3A_1208 = arith.constant 3 : i32
        %get3A_1209 = arith.index_cast %get3A_1207 : i32 to index
        %get3A_1210 = arith.index_cast %get3A_1208 : i32 to index
        %get3A_1211 = arith.index_cast %scan3A_1055 : i32 to index
        %get3A_1212 = arith.constant 0 : index
        %get3A_1213 = tpu.vector_load %arg8[%get3A_1209, %get3A_1210, %get3A_1211, %get3A_1212] {strides = array<i32>} : memref<2x25x32x64xf32, #tpu.memory_space<vmem>>, vector<16xf32>,
        %mul3A_1214 = arith.mulf %get3A_1213, %get3A_1059 : vector<16xf32>
        %get3A_1215 = arith.constant 1 : i32
        %get3A_1216 = arith.constant 3 : i32
        %get3A_1217 = arith.index_cast %get3A_1215 : i32 to index
        %get3A_1218 = arith.index_cast %get3A_1216 : i32 to index
        %get3A_1219 = arith.index_cast %scan3A_1055 : i32 to index
        %get3A_1220 = arith.constant 16 : index
        %get3A_1221 = tpu.vector_load %arg8[%get3A_1217, %get3A_1218, %get3A_1219, %get3A_1220] {strides = array<i32>} : memref<2x25x32x64xf32, #tpu.memory_space<vmem>>, vector<16xf32>,
        %mul3A_1222 = arith.mulf %get3A_1221, %get3A_1064 : vector<16xf32>
        %add3A_1223 = arith.addf %mul3A_1214, %mul3A_1222 : vector<16xf32>
        %get3A_1224 = arith.constant 1 : i32
        %get3A_1225 = arith.constant 3 : i32
        %get3A_1226 = arith.index_cast %get3A_1224 : i32 to index
        %get3A_1227 = arith.index_cast %get3A_1225 : i32 to index
        %get3A_1228 = arith.index_cast %scan3A_1055 : i32 to index
        %get3A_1229 = arith.constant 32 : index
        %get3A_1230 = tpu.vector_load %arg8[%get3A_1226, %get3A_1227, %get3A_1228, %get3A_1229] {strides = array<i32>} : memref<2x25x32x64xf32, #tpu.memory_space<vmem>>, vector<16xf32>,
        %mul3A_1231 = arith.mulf %get3A_1230, %get3A_1069 : vector<16xf32>
        %add3A_1232 = arith.addf %add3A_1223, %mul3A_1231 : vector<16xf32>
        %get3A_1233 = arith.constant 1 : i32
        %get3A_1234 = arith.constant 3 : i32
        %get3A_1235 = arith.index_cast %get3A_1233 : i32 to index
        %get3A_1236 = arith.index_cast %get3A_1234 : i32 to index
        %get3A_1237 = arith.index_cast %scan3A_1055 : i32 to index
        %get3A_1238 = arith.constant 48 : index
        %get3A_1239 = tpu.vector_load %arg8[%get3A_1235, %get3A_1236, %get3A_1237, %get3A_1238] {strides = array<i32>} : memref<2x25x32x64xf32, #tpu.memory_space<vmem>>, vector<16xf32>,
        %mul3A_1240 = arith.mulf %get3A_1239, %get3A_1074 : vector<16xf32>
        %add3A_1241 = arith.addf %add3A_1232, %mul3A_1240 : vector<16xf32>
        %reduce_sum3A_1242 = arith.constant true
        %reduce_sum3A_1243 = vector.broadcast %reduce_sum3A_1242 : i1 to vector<16xi1>
        %reduce_sum3A_1244 = tpu.scan <sum>, %add3A_1241 masked %reduce_sum3A_1243 : vector<16xf32>, vector<16xi1> -> vector<16xf32>
        %reduce_sum3A_1245 = vector.extract %reduce_sum3A_1244[15] : f32 from vector<16xf32>
        %eq3A_1246 = arith.constant 3 : i32
        %eq3A_1247 = vector.broadcast %eq3A_1246 : i32 to vector<16xi32>
        %eq3A_1248 = arith.cmpi eq, %iota3A, %eq3A_1247 : vector<16xi32>
        %broadcast_in_dim3A_1249 = vector.broadcast %reduce_sum3A_1245 : f32 to vector<16xf32>
        %select_n3A_1250 = arith.select %eq3A_1248, %broadcast_in_dim3A_1249, %select_n3A_1206 : vector<16xi1>, vector<16xf32>
        %get3A_1251 = arith.constant 1 : i32
        %get3A_1252 = arith.constant 4 : i32
        %get3A_1253 = arith.index_cast %get3A_1251 : i32 to index
        %get3A_1254 = arith.index_cast %get3A_1252 : i32 to index
        %get3A_1255 = arith.index_cast %scan3A_1055 : i32 to index
        %get3A_1256 = arith.constant 0 : index
        %get3A_1257 = tpu.vector_load %arg8[%get3A_1253, %get3A_1254, %get3A_1255, %get3A_1256] {strides = array<i32>} : memref<2x25x32x64xf32, #tpu.memory_space<vmem>>, vector<16xf32>,
        %mul3A_1258 = arith.mulf %get3A_1257, %get3A_1059 : vector<16xf32>
        %get3A_1259 = arith.constant 1 : i32
        %get3A_1260 = arith.constant 4 : i32
        %get3A_1261 = arith.index_cast %get3A_1259 : i32 to index
        %get3A_1262 = arith.index_cast %get3A_1260 : i32 to index
        %get3A_1263 = arith.index_cast %scan3A_1055 : i32 to index
        %get3A_1264 = arith.constant 16 : index
        %get3A_1265 = tpu.vector_load %arg8[%get3A_1261, %get3A_1262, %get3A_1263, %get3A_1264] {strides = array<i32>} : memref<2x25x32x64xf32, #tpu.memory_space<vmem>>, vector<16xf32>,
        %mul3A_1266 = arith.mulf %get3A_1265, %get3A_1064 : vector<16xf32>
        %add3A_1267 = arith.addf %mul3A_1258, %mul3A_1266 : vector<16xf32>
        %get3A_1268 = arith.constant 1 : i32
        %get3A_1269 = arith.constant 4 : i32
        %get3A_1270 = arith.index_cast %get3A_1268 : i32 to index
        %get3A_1271 = arith.index_cast %get3A_1269 : i32 to index
        %get3A_1272 = arith.index_cast %scan3A_1055 : i32 to index
        %get3A_1273 = arith.constant 32 : index
        %get3A_1274 = tpu.vector_load %arg8[%get3A_1270, %get3A_1271, %get3A_1272, %get3A_1273] {strides = array<i32>} : memref<2x25x32x64xf32, #tpu.memory_space<vmem>>, vector<16xf32>,
        %mul3A_1275 = arith.mulf %get3A_1274, %get3A_1069 : vector<16xf32>
        %add3A_1276 = arith.addf %add3A_1267, %mul3A_1275 : vector<16xf32>
        %get3A_1277 = arith.constant 1 : i32
        %get3A_1278 = arith.constant 4 : i32
        %get3A_1279 = arith.index_cast %get3A_1277 : i32 to index
        %get3A_1280 = arith.index_cast %get3A_1278 : i32 to index
        %get3A_1281 = arith.index_cast %scan3A_1055 : i32 to index
        %get3A_1282 = arith.constant 48 : index
        %get3A_1283 = tpu.vector_load %arg8[%get3A_1279, %get3A_1280, %get3A_1281, %get3A_1282] {strides = array<i32>} : memref<2x25x32x64xf32, #tpu.memory_space<vmem>>, vector<16xf32>,
        %mul3A_1284 = arith.mulf %get3A_1283, %get3A_1074 : vector<16xf32>
        %add3A_1285 = arith.addf %add3A_1276, %mul3A_1284 : vector<16xf32>
        %reduce_sum3A_1286 = arith.constant true
        %reduce_sum3A_1287 = vector.broadcast %reduce_sum3A_1286 : i1 to vector<16xi1>
        %reduce_sum3A_1288 = tpu.scan <sum>, %add3A_1285 masked %reduce_sum3A_1287 : vector<16xf32>, vector<16xi1> -> vector<16xf32>
        %reduce_sum3A_1289 = vector.extract %reduce_sum3A_1288[15] : f32 from vector<16xf32>
        %eq3A_1290 = arith.constant 4 : i32
        %eq3A_1291 = vector.broadcast %eq3A_1290 : i32 to vector<16xi32>
        %eq3A_1292 = arith.cmpi eq, %iota3A, %eq3A_1291 : vector<16xi32>
        %broadcast_in_dim3A_1293 = vector.broadcast %reduce_sum3A_1289 : f32 to vector<16xf32>
        %select_n3A_1294 = arith.select %eq3A_1292, %broadcast_in_dim3A_1293, %select_n3A_1250 : vector<16xi1>, vector<16xf32>
        %get3A_1295 = arith.constant 1 : i32
        %get3A_1296 = arith.constant 5 : i32
        %get3A_1297 = arith.index_cast %get3A_1295 : i32 to index
        %get3A_1298 = arith.index_cast %get3A_1296 : i32 to index
        %get3A_1299 = arith.index_cast %scan3A_1055 : i32 to index
        %get3A_1300 = arith.constant 0 : index
        %get3A_1301 = tpu.vector_load %arg8[%get3A_1297, %get3A_1298, %get3A_1299, %get3A_1300] {strides = array<i32>} : memref<2x25x32x64xf32, #tpu.memory_space<vmem>>, vector<16xf32>,
        %mul3A_1302 = arith.mulf %get3A_1301, %get3A_1059 : vector<16xf32>
        %get3A_1303 = arith.constant 1 : i32
        %get3A_1304 = arith.constant 5 : i32
        %get3A_1305 = arith.index_cast %get3A_1303 : i32 to index
        %get3A_1306 = arith.index_cast %get3A_1304 : i32 to index
        %get3A_1307 = arith.index_cast %scan3A_1055 : i32 to index
        %get3A_1308 = arith.constant 16 : index
        %get3A_1309 = tpu.vector_load %arg8[%get3A_1305, %get3A_1306, %get3A_1307, %get3A_1308] {strides = array<i32>} : memref<2x25x32x64xf32, #tpu.memory_space<vmem>>, vector<16xf32>,
        %mul3A_1310 = arith.mulf %get3A_1309, %get3A_1064 : vector<16xf32>
        %add3A_1311 = arith.addf %mul3A_1302, %mul3A_1310 : vector<16xf32>
        %get3A_1312 = arith.constant 1 : i32
        %get3A_1313 = arith.constant 5 : i32
        %get3A_1314 = arith.index_cast %get3A_1312 : i32 to index
        %get3A_1315 = arith.index_cast %get3A_1313 : i32 to index
        %get3A_1316 = arith.index_cast %scan3A_1055 : i32 to index
        %get3A_1317 = arith.constant 32 : index
        %get3A_1318 = tpu.vector_load %arg8[%get3A_1314, %get3A_1315, %get3A_1316, %get3A_1317] {strides = array<i32>} : memref<2x25x32x64xf32, #tpu.memory_space<vmem>>, vector<16xf32>,
        %mul3A_1319 = arith.mulf %get3A_1318, %get3A_1069 : vector<16xf32>
        %add3A_1320 = arith.addf %add3A_1311, %mul3A_1319 : vector<16xf32>
        %get3A_1321 = arith.constant 1 : i32
        %get3A_1322 = arith.constant 5 : i32
        %get3A_1323 = arith.index_cast %get3A_1321 : i32 to index
        %get3A_1324 = arith.index_cast %get3A_1322 : i32 to index
        %get3A_1325 = arith.index_cast %scan3A_1055 : i32 to index
        %get3A_1326 = arith.constant 48 : index
        %get3A_1327 = tpu.vector_load %arg8[%get3A_1323, %get3A_1324, %get3A_1325, %get3A_1326] {strides = array<i32>} : memref<2x25x32x64xf32, #tpu.memory_space<vmem>>, vector<16xf32>,
        %mul3A_1328 = arith.mulf %get3A_1327, %get3A_1074 : vector<16xf32>
        %add3A_1329 = arith.addf %add3A_1320, %mul3A_1328 : vector<16xf32>
        %reduce_sum3A_1330 = arith.constant true
        %reduce_sum3A_1331 = vector.broadcast %reduce_sum3A_1330 : i1 to vector<16xi1>
        %reduce_sum3A_1332 = tpu.scan <sum>, %add3A_1329 masked %reduce_sum3A_1331 : vector<16xf32>, vector<16xi1> -> vector<16xf32>
        %reduce_sum3A_1333 = vector.extract %reduce_sum3A_1332[15] : f32 from vector<16xf32>
        %neg3A = arith.constant 0.000000e+00 : f32
        %neg3A_1334 = arith.subf %neg3A, %reduce_sum3A_1333 : f32
        %eq3A_1335 = arith.constant 5 : i32
        %eq3A_1336 = vector.broadcast %eq3A_1335 : i32 to vector<16xi32>
        %eq3A_1337 = arith.cmpi eq, %iota3A, %eq3A_1336 : vector<16xi32>
        %broadcast_in_dim3A_1338 = vector.broadcast %neg3A_1334 : f32 to vector<16xf32>
        %select_n3A_1339 = arith.select %eq3A_1337, %broadcast_in_dim3A_1338, %select_n3A_1294 : vector<16xi1>, vector<16xf32>
        %get3A_1340 = arith.constant 1 : i32
        %get3A_1341 = arith.constant 6 : i32
        %get3A_1342 = arith.index_cast %get3A_1340 : i32 to index
        %get3A_1343 = arith.index_cast %get3A_1341 : i32 to index
        %get3A_1344 = arith.index_cast %scan3A_1055 : i32 to index
        %get3A_1345 = arith.constant 0 : index
        %get3A_1346 = tpu.vector_load %arg8[%get3A_1342, %get3A_1343, %get3A_1344, %get3A_1345] {strides = array<i32>} : memref<2x25x32x64xf32, #tpu.memory_space<vmem>>, vector<16xf32>,
        %mul3A_1347 = arith.mulf %get3A_1346, %get3A_1059 : vector<16xf32>
        %get3A_1348 = arith.constant 1 : i32
        %get3A_1349 = arith.constant 6 : i32
        %get3A_1350 = arith.index_cast %get3A_1348 : i32 to index
        %get3A_1351 = arith.index_cast %get3A_1349 : i32 to index
        %get3A_1352 = arith.index_cast %scan3A_1055 : i32 to index
        %get3A_1353 = arith.constant 16 : index
        %get3A_1354 = tpu.vector_load %arg8[%get3A_1350, %get3A_1351, %get3A_1352, %get3A_1353] {strides = array<i32>} : memref<2x25x32x64xf32, #tpu.memory_space<vmem>>, vector<16xf32>,
        %mul3A_1355 = arith.mulf %get3A_1354, %get3A_1064 : vector<16xf32>
        %add3A_1356 = arith.addf %mul3A_1347, %mul3A_1355 : vector<16xf32>
        %get3A_1357 = arith.constant 1 : i32
        %get3A_1358 = arith.constant 6 : i32
        %get3A_1359 = arith.index_cast %get3A_1357 : i32 to index
        %get3A_1360 = arith.index_cast %get3A_1358 : i32 to index
        %get3A_1361 = arith.index_cast %scan3A_1055 : i32 to index
        %get3A_1362 = arith.constant 32 : index
        %get3A_1363 = tpu.vector_load %arg8[%get3A_1359, %get3A_1360, %get3A_1361, %get3A_1362] {strides = array<i32>} : memref<2x25x32x64xf32, #tpu.memory_space<vmem>>, vector<16xf32>,
        %mul3A_1364 = arith.mulf %get3A_1363, %get3A_1069 : vector<16xf32>
        %add3A_1365 = arith.addf %add3A_1356, %mul3A_1364 : vector<16xf32>
        %get3A_1366 = arith.constant 1 : i32
        %get3A_1367 = arith.constant 6 : i32
        %get3A_1368 = arith.index_cast %get3A_1366 : i32 to index
        %get3A_1369 = arith.index_cast %get3A_1367 : i32 to index
        %get3A_1370 = arith.index_cast %scan3A_1055 : i32 to index
        %get3A_1371 = arith.constant 48 : index
        %get3A_1372 = tpu.vector_load %arg8[%get3A_1368, %get3A_1369, %get3A_1370, %get3A_1371] {strides = array<i32>} : memref<2x25x32x64xf32, #tpu.memory_space<vmem>>, vector<16xf32>,
        %mul3A_1373 = arith.mulf %get3A_1372, %get3A_1074 : vector<16xf32>
        %add3A_1374 = arith.addf %add3A_1365, %mul3A_1373 : vector<16xf32>
        %reduce_sum3A_1375 = arith.constant true
        %reduce_sum3A_1376 = vector.broadcast %reduce_sum3A_1375 : i1 to vector<16xi1>
        %reduce_sum3A_1377 = tpu.scan <sum>, %add3A_1374 masked %reduce_sum3A_1376 : vector<16xf32>, vector<16xi1> -> vector<16xf32>
        %reduce_sum3A_1378 = vector.extract %reduce_sum3A_1377[15] : f32 from vector<16xf32>
        %neg3A_1379 = arith.constant 0.000000e+00 : f32
        %neg3A_1380 = arith.subf %neg3A_1379, %reduce_sum3A_1378 : f32
        %eq3A_1381 = arith.constant 6 : i32
        %eq3A_1382 = vector.broadcast %eq3A_1381 : i32 to vector<16xi32>
        %eq3A_1383 = arith.cmpi eq, %iota3A, %eq3A_1382 : vector<16xi32>
        %broadcast_in_dim3A_1384 = vector.broadcast %neg3A_1380 : f32 to vector<16xf32>
        %select_n3A_1385 = arith.select %eq3A_1383, %broadcast_in_dim3A_1384, %select_n3A_1339 : vector<16xi1>, vector<16xf32>
        %get3A_1386 = arith.constant 1 : i32
        %get3A_1387 = arith.constant 7 : i32
        %get3A_1388 = arith.index_cast %get3A_1386 : i32 to index
        %get3A_1389 = arith.index_cast %get3A_1387 : i32 to index
        %get3A_1390 = arith.index_cast %scan3A_1055 : i32 to index
        %get3A_1391 = arith.constant 0 : index
        %get3A_1392 = tpu.vector_load %arg8[%get3A_1388, %get3A_1389, %get3A_1390, %get3A_1391] {strides = array<i32>} : memref<2x25x32x64xf32, #tpu.memory_space<vmem>>, vector<16xf32>,
        %mul3A_1393 = arith.mulf %get3A_1392, %get3A_1059 : vector<16xf32>
        %get3A_1394 = arith.constant 1 : i32
        %get3A_1395 = arith.constant 7 : i32
        %get3A_1396 = arith.index_cast %get3A_1394 : i32 to index
        %get3A_1397 = arith.index_cast %get3A_1395 : i32 to index
        %get3A_1398 = arith.index_cast %scan3A_1055 : i32 to index
        %get3A_1399 = arith.constant 16 : index
        %get3A_1400 = tpu.vector_load %arg8[%get3A_1396, %get3A_1397, %get3A_1398, %get3A_1399] {strides = array<i32>} : memref<2x25x32x64xf32, #tpu.memory_space<vmem>>, vector<16xf32>,
        %mul3A_1401 = arith.mulf %get3A_1400, %get3A_1064 : vector<16xf32>
        %add3A_1402 = arith.addf %mul3A_1393, %mul3A_1401 : vector<16xf32>
        %get3A_1403 = arith.constant 1 : i32
        %get3A_1404 = arith.constant 7 : i32
        %get3A_1405 = arith.index_cast %get3A_1403 : i32 to index
        %get3A_1406 = arith.index_cast %get3A_1404 : i32 to index
        %get3A_1407 = arith.index_cast %scan3A_1055 : i32 to index
        %get3A_1408 = arith.constant 32 : index
        %get3A_1409 = tpu.vector_load %arg8[%get3A_1405, %get3A_1406, %get3A_1407, %get3A_1408] {strides = array<i32>} : memref<2x25x32x64xf32, #tpu.memory_space<vmem>>, vector<16xf32>,
        %mul3A_1410 = arith.mulf %get3A_1409, %get3A_1069 : vector<16xf32>
        %add3A_1411 = arith.addf %add3A_1402, %mul3A_1410 : vector<16xf32>
        %get3A_1412 = arith.constant 1 : i32
        %get3A_1413 = arith.constant 7 : i32
        %get3A_1414 = arith.index_cast %get3A_1412 : i32 to index
        %get3A_1415 = arith.index_cast %get3A_1413 : i32 to index
        %get3A_1416 = arith.index_cast %scan3A_1055 : i32 to index
        %get3A_1417 = arith.constant 48 : index
        %get3A_1418 = tpu.vector_load %arg8[%get3A_1414, %get3A_1415, %get3A_1416, %get3A_1417] {strides = array<i32>} : memref<2x25x32x64xf32, #tpu.memory_space<vmem>>, vector<16xf32>,
        %mul3A_1419 = arith.mulf %get3A_1418, %get3A_1074 : vector<16xf32>
        %add3A_1420 = arith.addf %add3A_1411, %mul3A_1419 : vector<16xf32>
        %reduce_sum3A_1421 = arith.constant true
        %reduce_sum3A_1422 = vector.broadcast %reduce_sum3A_1421 : i1 to vector<16xi1>
        %reduce_sum3A_1423 = tpu.scan <sum>, %add3A_1420 masked %reduce_sum3A_1422 : vector<16xf32>, vector<16xi1> -> vector<16xf32>
        %reduce_sum3A_1424 = vector.extract %reduce_sum3A_1423[15] : f32 from vector<16xf32>
        %neg3A_1425 = arith.constant 0.000000e+00 : f32
        %neg3A_1426 = arith.subf %neg3A_1425, %reduce_sum3A_1424 : f32
        %eq3A_1427 = arith.constant 7 : i32
        %eq3A_1428 = vector.broadcast %eq3A_1427 : i32 to vector<16xi32>
        %eq3A_1429 = arith.cmpi eq, %iota3A, %eq3A_1428 : vector<16xi32>
        %broadcast_in_dim3A_1430 = vector.broadcast %neg3A_1426 : f32 to vector<16xf32>
        %select_n3A_1431 = arith.select %eq3A_1429, %broadcast_in_dim3A_1430, %select_n3A_1385 : vector<16xi1>, vector<16xf32>
        %get3A_1432 = arith.constant 1 : i32
        %get3A_1433 = arith.constant 8 : i32
        %get3A_1434 = arith.index_cast %get3A_1432 : i32 to index
        %get3A_1435 = arith.index_cast %get3A_1433 : i32 to index
        %get3A_1436 = arith.index_cast %scan3A_1055 : i32 to index
        %get3A_1437 = arith.constant 0 : index
        %get3A_1438 = tpu.vector_load %arg8[%get3A_1434, %get3A_1435, %get3A_1436, %get3A_1437] {strides = array<i32>} : memref<2x25x32x64xf32, #tpu.memory_space<vmem>>, vector<16xf32>,
        %mul3A_1439 = arith.mulf %get3A_1438, %get3A_1059 : vector<16xf32>
        %get3A_1440 = arith.constant 1 : i32
        %get3A_1441 = arith.constant 8 : i32
        %get3A_1442 = arith.index_cast %get3A_1440 : i32 to index
        %get3A_1443 = arith.index_cast %get3A_1441 : i32 to index
        %get3A_1444 = arith.index_cast %scan3A_1055 : i32 to index
        %get3A_1445 = arith.constant 16 : index
        %get3A_1446 = tpu.vector_load %arg8[%get3A_1442, %get3A_1443, %get3A_1444, %get3A_1445] {strides = array<i32>} : memref<2x25x32x64xf32, #tpu.memory_space<vmem>>, vector<16xf32>,
        %mul3A_1447 = arith.mulf %get3A_1446, %get3A_1064 : vector<16xf32>
        %add3A_1448 = arith.addf %mul3A_1439, %mul3A_1447 : vector<16xf32>
        %get3A_1449 = arith.constant 1 : i32
        %get3A_1450 = arith.constant 8 : i32
        %get3A_1451 = arith.index_cast %get3A_1449 : i32 to index
        %get3A_1452 = arith.index_cast %get3A_1450 : i32 to index
        %get3A_1453 = arith.index_cast %scan3A_1055 : i32 to index
        %get3A_1454 = arith.constant 32 : index
        %get3A_1455 = tpu.vector_load %arg8[%get3A_1451, %get3A_1452, %get3A_1453, %get3A_1454] {strides = array<i32>} : memref<2x25x32x64xf32, #tpu.memory_space<vmem>>, vector<16xf32>,
        %mul3A_1456 = arith.mulf %get3A_1455, %get3A_1069 : vector<16xf32>
        %add3A_1457 = arith.addf %add3A_1448, %mul3A_1456 : vector<16xf32>
        %get3A_1458 = arith.constant 1 : i32
        %get3A_1459 = arith.constant 8 : i32
        %get3A_1460 = arith.index_cast %get3A_1458 : i32 to index
        %get3A_1461 = arith.index_cast %get3A_1459 : i32 to index
        %get3A_1462 = arith.index_cast %scan3A_1055 : i32 to index
        %get3A_1463 = arith.constant 48 : index
        %get3A_1464 = tpu.vector_load %arg8[%get3A_1460, %get3A_1461, %get3A_1462, %get3A_1463] {strides = array<i32>} : memref<2x25x32x64xf32, #tpu.memory_space<vmem>>, vector<16xf32>,
        %mul3A_1465 = arith.mulf %get3A_1464, %get3A_1074 : vector<16xf32>
        %add3A_1466 = arith.addf %add3A_1457, %mul3A_1465 : vector<16xf32>
        %reduce_sum3A_1467 = arith.constant true
        %reduce_sum3A_1468 = vector.broadcast %reduce_sum3A_1467 : i1 to vector<16xi1>
        %reduce_sum3A_1469 = tpu.scan <sum>, %add3A_1466 masked %reduce_sum3A_1468 : vector<16xf32>, vector<16xi1> -> vector<16xf32>
        %reduce_sum3A_1470 = vector.extract %reduce_sum3A_1469[15] : f32 from vector<16xf32>
        %neg3A_1471 = arith.constant 0.000000e+00 : f32
        %neg3A_1472 = arith.subf %neg3A_1471, %reduce_sum3A_1470 : f32
        %eq3A_1473 = arith.constant 8 : i32
        %eq3A_1474 = vector.broadcast %eq3A_1473 : i32 to vector<16xi32>
        %eq3A_1475 = arith.cmpi eq, %iota3A, %eq3A_1474 : vector<16xi32>
        %broadcast_in_dim3A_1476 = vector.broadcast %neg3A_1472 : f32 to vector<16xf32>
        %select_n3A_1477 = arith.select %eq3A_1475, %broadcast_in_dim3A_1476, %select_n3A_1431 : vector<16xi1>, vector<16xf32>
        %get3A_1478 = arith.constant 1 : i32
        %get3A_1479 = arith.constant 9 : i32
        %get3A_1480 = arith.index_cast %get3A_1478 : i32 to index
        %get3A_1481 = arith.index_cast %get3A_1479 : i32 to index
        %get3A_1482 = arith.index_cast %scan3A_1055 : i32 to index
        %get3A_1483 = arith.constant 0 : index
        %get3A_1484 = tpu.vector_load %arg8[%get3A_1480, %get3A_1481, %get3A_1482, %get3A_1483] {strides = array<i32>} : memref<2x25x32x64xf32, #tpu.memory_space<vmem>>, vector<16xf32>,
        %mul3A_1485 = arith.mulf %get3A_1484, %get3A_1059 : vector<16xf32>
        %get3A_1486 = arith.constant 1 : i32
        %get3A_1487 = arith.constant 9 : i32
        %get3A_1488 = arith.index_cast %get3A_1486 : i32 to index
        %get3A_1489 = arith.index_cast %get3A_1487 : i32 to index
        %get3A_1490 = arith.index_cast %scan3A_1055 : i32 to index
        %get3A_1491 = arith.constant 16 : index
        %get3A_1492 = tpu.vector_load %arg8[%get3A_1488, %get3A_1489, %get3A_1490, %get3A_1491] {strides = array<i32>} : memref<2x25x32x64xf32, #tpu.memory_space<vmem>>, vector<16xf32>,
        %mul3A_1493 = arith.mulf %get3A_1492, %get3A_1064 : vector<16xf32>
        %add3A_1494 = arith.addf %mul3A_1485, %mul3A_1493 : vector<16xf32>
        %get3A_1495 = arith.constant 1 : i32
        %get3A_1496 = arith.constant 9 : i32
        %get3A_1497 = arith.index_cast %get3A_1495 : i32 to index
        %get3A_1498 = arith.index_cast %get3A_1496 : i32 to index
        %get3A_1499 = arith.index_cast %scan3A_1055 : i32 to index
        %get3A_1500 = arith.constant 32 : index
        %get3A_1501 = tpu.vector_load %arg8[%get3A_1497, %get3A_1498, %get3A_1499, %get3A_1500] {strides = array<i32>} : memref<2x25x32x64xf32, #tpu.memory_space<vmem>>, vector<16xf32>,
        %mul3A_1502 = arith.mulf %get3A_1501, %get3A_1069 : vector<16xf32>
        %add3A_1503 = arith.addf %add3A_1494, %mul3A_1502 : vector<16xf32>
        %get3A_1504 = arith.constant 1 : i32
        %get3A_1505 = arith.constant 9 : i32
        %get3A_1506 = arith.index_cast %get3A_1504 : i32 to index
        %get3A_1507 = arith.index_cast %get3A_1505 : i32 to index
        %get3A_1508 = arith.index_cast %scan3A_1055 : i32 to index
        %get3A_1509 = arith.constant 48 : index
        %get3A_1510 = tpu.vector_load %arg8[%get3A_1506, %get3A_1507, %get3A_1508, %get3A_1509] {strides = array<i32>} : memref<2x25x32x64xf32, #tpu.memory_space<vmem>>, vector<16xf32>,
        %mul3A_1511 = arith.mulf %get3A_1510, %get3A_1074 : vector<16xf32>
        %add3A_1512 = arith.addf %add3A_1503, %mul3A_1511 : vector<16xf32>
        %reduce_sum3A_1513 = arith.constant true
        %reduce_sum3A_1514 = vector.broadcast %reduce_sum3A_1513 : i1 to vector<16xi1>
        %reduce_sum3A_1515 = tpu.scan <sum>, %add3A_1512 masked %reduce_sum3A_1514 : vector<16xf32>, vector<16xi1> -> vector<16xf32>
        %reduce_sum3A_1516 = vector.extract %reduce_sum3A_1515[15] : f32 from vector<16xf32>
        %neg3A_1517 = arith.constant 0.000000e+00 : f32
        %neg3A_1518 = arith.subf %neg3A_1517, %reduce_sum3A_1516 : f32
        %eq3A_1519 = arith.constant 9 : i32
        %eq3A_1520 = vector.broadcast %eq3A_1519 : i32 to vector<16xi32>
        %eq3A_1521 = arith.cmpi eq, %iota3A, %eq3A_1520 : vector<16xi32>
        %broadcast_in_dim3A_1522 = vector.broadcast %neg3A_1518 : f32 to vector<16xf32>
        %select_n3A_1523 = arith.select %eq3A_1521, %broadcast_in_dim3A_1522, %select_n3A_1477 : vector<16xi1>, vector<16xf32>
        %get3A_1524 = arith.constant 1 : i32
        %get3A_1525 = arith.constant 10 : i32
        %get3A_1526 = arith.index_cast %get3A_1524 : i32 to index
        %get3A_1527 = arith.index_cast %get3A_1525 : i32 to index
        %get3A_1528 = arith.index_cast %scan3A_1055 : i32 to index
        %get3A_1529 = arith.constant 0 : index
        %get3A_1530 = tpu.vector_load %arg8[%get3A_1526, %get3A_1527, %get3A_1528, %get3A_1529] {strides = array<i32>} : memref<2x25x32x64xf32, #tpu.memory_space<vmem>>, vector<16xf32>,
        %mul3A_1531 = arith.mulf %get3A_1530, %get3A_1059 : vector<16xf32>
        %get3A_1532 = arith.constant 1 : i32
        %get3A_1533 = arith.constant 10 : i32
        %get3A_1534 = arith.index_cast %get3A_1532 : i32 to index
        %get3A_1535 = arith.index_cast %get3A_1533 : i32 to index
        %get3A_1536 = arith.index_cast %scan3A_1055 : i32 to index
        %get3A_1537 = arith.constant 16 : index
        %get3A_1538 = tpu.vector_load %arg8[%get3A_1534, %get3A_1535, %get3A_1536, %get3A_1537] {strides = array<i32>} : memref<2x25x32x64xf32, #tpu.memory_space<vmem>>, vector<16xf32>,
        %mul3A_1539 = arith.mulf %get3A_1538, %get3A_1064 : vector<16xf32>
        %add3A_1540 = arith.addf %mul3A_1531, %mul3A_1539 : vector<16xf32>
        %get3A_1541 = arith.constant 1 : i32
        %get3A_1542 = arith.constant 10 : i32
        %get3A_1543 = arith.index_cast %get3A_1541 : i32 to index
        %get3A_1544 = arith.index_cast %get3A_1542 : i32 to index
        %get3A_1545 = arith.index_cast %scan3A_1055 : i32 to index
        %get3A_1546 = arith.constant 32 : index
        %get3A_1547 = tpu.vector_load %arg8[%get3A_1543, %get3A_1544, %get3A_1545, %get3A_1546] {strides = array<i32>} : memref<2x25x32x64xf32, #tpu.memory_space<vmem>>, vector<16xf32>,
        %mul3A_1548 = arith.mulf %get3A_1547, %get3A_1069 : vector<16xf32>
        %add3A_1549 = arith.addf %add3A_1540, %mul3A_1548 : vector<16xf32>
        %get3A_1550 = arith.constant 1 : i32
        %get3A_1551 = arith.constant 10 : i32
        %get3A_1552 = arith.index_cast %get3A_1550 : i32 to index
        %get3A_1553 = arith.index_cast %get3A_1551 : i32 to index
        %get3A_1554 = arith.index_cast %scan3A_1055 : i32 to index
        %get3A_1555 = arith.constant 48 : index
        %get3A_1556 = tpu.vector_load %arg8[%get3A_1552, %get3A_1553, %get3A_1554, %get3A_1555] {strides = array<i32>} : memref<2x25x32x64xf32, #tpu.memory_space<vmem>>, vector<16xf32>,
        %mul3A_1557 = arith.mulf %get3A_1556, %get3A_1074 : vector<16xf32>
        %add3A_1558 = arith.addf %add3A_1549, %mul3A_1557 : vector<16xf32>
        %reduce_sum3A_1559 = arith.constant true
        %reduce_sum3A_1560 = vector.broadcast %reduce_sum3A_1559 : i1 to vector<16xi1>
        %reduce_sum3A_1561 = tpu.scan <sum>, %add3A_1558 masked %reduce_sum3A_1560 : vector<16xf32>, vector<16xi1> -> vector<16xf32>
        %reduce_sum3A_1562 = vector.extract %reduce_sum3A_1561[15] : f32 from vector<16xf32>
        %neg3A_1563 = arith.constant 0.000000e+00 : f32
        %neg3A_1564 = arith.subf %neg3A_1563, %reduce_sum3A_1562 : f32
        %eq3A_1565 = arith.constant 10 : i32
        %eq3A_1566 = vector.broadcast %eq3A_1565 : i32 to vector<16xi32>
        %eq3A_1567 = arith.cmpi eq, %iota3A, %eq3A_1566 : vector<16xi32>
        %broadcast_in_dim3A_1568 = vector.broadcast %neg3A_1564 : f32 to vector<16xf32>
        %select_n3A_1569 = arith.select %eq3A_1567, %broadcast_in_dim3A_1568, %select_n3A_1523 : vector<16xi1>, vector<16xf32>
        %get3A_1570 = arith.constant 1 : i32
        %get3A_1571 = arith.constant 11 : i32
        %get3A_1572 = arith.index_cast %get3A_1570 : i32 to index
        %get3A_1573 = arith.index_cast %get3A_1571 : i32 to index
        %get3A_1574 = arith.index_cast %scan3A_1055 : i32 to index
        %get3A_1575 = arith.constant 0 : index
        %get3A_1576 = tpu.vector_load %arg8[%get3A_1572, %get3A_1573, %get3A_1574, %get3A_1575] {strides = array<i32>} : memref<2x25x32x64xf32, #tpu.memory_space<vmem>>, vector<16xf32>,
        %mul3A_1577 = arith.mulf %get3A_1576, %get3A_1059 : vector<16xf32>
        %get3A_1578 = arith.constant 1 : i32
        %get3A_1579 = arith.constant 11 : i32
        %get3A_1580 = arith.index_cast %get3A_1578 : i32 to index
        %get3A_1581 = arith.index_cast %get3A_1579 : i32 to index
        %get3A_1582 = arith.index_cast %scan3A_1055 : i32 to index
        %get3A_1583 = arith.constant 16 : index
        %get3A_1584 = tpu.vector_load %arg8[%get3A_1580, %get3A_1581, %get3A_1582, %get3A_1583] {strides = array<i32>} : memref<2x25x32x64xf32, #tpu.memory_space<vmem>>, vector<16xf32>,
        %mul3A_1585 = arith.mulf %get3A_1584, %get3A_1064 : vector<16xf32>
        %add3A_1586 = arith.addf %mul3A_1577, %mul3A_1585 : vector<16xf32>
        %get3A_1587 = arith.constant 1 : i32
        %get3A_1588 = arith.constant 11 : i32
        %get3A_1589 = arith.index_cast %get3A_1587 : i32 to index
        %get3A_1590 = arith.index_cast %get3A_1588 : i32 to index
        %get3A_1591 = arith.index_cast %scan3A_1055 : i32 to index
        %get3A_1592 = arith.constant 32 : index
        %get3A_1593 = tpu.vector_load %arg8[%get3A_1589, %get3A_1590, %get3A_1591, %get3A_1592] {strides = array<i32>} : memref<2x25x32x64xf32, #tpu.memory_space<vmem>>, vector<16xf32>,
        %mul3A_1594 = arith.mulf %get3A_1593, %get3A_1069 : vector<16xf32>
        %add3A_1595 = arith.addf %add3A_1586, %mul3A_1594 : vector<16xf32>
        %get3A_1596 = arith.constant 1 : i32
        %get3A_1597 = arith.constant 11 : i32
        %get3A_1598 = arith.index_cast %get3A_1596 : i32 to index
        %get3A_1599 = arith.index_cast %get3A_1597 : i32 to index
        %get3A_1600 = arith.index_cast %scan3A_1055 : i32 to index
        %get3A_1601 = arith.constant 48 : index
        %get3A_1602 = tpu.vector_load %arg8[%get3A_1598, %get3A_1599, %get3A_1600, %get3A_1601] {strides = array<i32>} : memref<2x25x32x64xf32, #tpu.memory_space<vmem>>, vector<16xf32>,
        %mul3A_1603 = arith.mulf %get3A_1602, %get3A_1074 : vector<16xf32>
        %add3A_1604 = arith.addf %add3A_1595, %mul3A_1603 : vector<16xf32>
        %reduce_sum3A_1605 = arith.constant true
        %reduce_sum3A_1606 = vector.broadcast %reduce_sum3A_1605 : i1 to vector<16xi1>
        %reduce_sum3A_1607 = tpu.scan <sum>, %add3A_1604 masked %reduce_sum3A_1606 : vector<16xf32>, vector<16xi1> -> vector<16xf32>
        %reduce_sum3A_1608 = vector.extract %reduce_sum3A_1607[15] : f32 from vector<16xf32>
        %neg3A_1609 = arith.constant 0.000000e+00 : f32
        %neg3A_1610 = arith.subf %neg3A_1609, %reduce_sum3A_1608 : f32
        %eq3A_1611 = arith.constant 11 : i32
        %eq3A_1612 = vector.broadcast %eq3A_1611 : i32 to vector<16xi32>
        %eq3A_1613 = arith.cmpi eq, %iota3A, %eq3A_1612 : vector<16xi32>
        %broadcast_in_dim3A_1614 = vector.broadcast %neg3A_1610 : f32 to vector<16xf32>
        %select_n3A_1615 = arith.select %eq3A_1613, %broadcast_in_dim3A_1614, %select_n3A_1569 : vector<16xi1>, vector<16xf32>
        %get3A_1616 = arith.constant 1 : i32
        %get3A_1617 = arith.constant 12 : i32
        %get3A_1618 = arith.index_cast %get3A_1616 : i32 to index
        %get3A_1619 = arith.index_cast %get3A_1617 : i32 to index
        %get3A_1620 = arith.index_cast %scan3A_1055 : i32 to index
        %get3A_1621 = arith.constant 0 : index
        %get3A_1622 = tpu.vector_load %arg8[%get3A_1618, %get3A_1619, %get3A_1620, %get3A_1621] {strides = array<i32>} : memref<2x25x32x64xf32, #tpu.memory_space<vmem>>, vector<16xf32>,
        %mul3A_1623 = arith.mulf %get3A_1622, %get3A_1059 : vector<16xf32>
        %get3A_1624 = arith.constant 1 : i32
        %get3A_1625 = arith.constant 12 : i32
        %get3A_1626 = arith.index_cast %get3A_1624 : i32 to index
        %get3A_1627 = arith.index_cast %get3A_1625 : i32 to index
        %get3A_1628 = arith.index_cast %scan3A_1055 : i32 to index
        %get3A_1629 = arith.constant 16 : index
        %get3A_1630 = tpu.vector_load %arg8[%get3A_1626, %get3A_1627, %get3A_1628, %get3A_1629] {strides = array<i32>} : memref<2x25x32x64xf32, #tpu.memory_space<vmem>>, vector<16xf32>,
        %mul3A_1631 = arith.mulf %get3A_1630, %get3A_1064 : vector<16xf32>
        %add3A_1632 = arith.addf %mul3A_1623, %mul3A_1631 : vector<16xf32>
        %get3A_1633 = arith.constant 1 : i32
        %get3A_1634 = arith.constant 12 : i32
        %get3A_1635 = arith.index_cast %get3A_1633 : i32 to index
        %get3A_1636 = arith.index_cast %get3A_1634 : i32 to index
        %get3A_1637 = arith.index_cast %scan3A_1055 : i32 to index
        %get3A_1638 = arith.constant 32 : index
        %get3A_1639 = tpu.vector_load %arg8[%get3A_1635, %get3A_1636, %get3A_1637, %get3A_1638] {strides = array<i32>} : memref<2x25x32x64xf32, #tpu.memory_space<vmem>>, vector<16xf32>,
        %mul3A_1640 = arith.mulf %get3A_1639, %get3A_1069 : vector<16xf32>
        %add3A_1641 = arith.addf %add3A_1632, %mul3A_1640 : vector<16xf32>
        %get3A_1642 = arith.constant 1 : i32
        %get3A_1643 = arith.constant 12 : i32
        %get3A_1644 = arith.index_cast %get3A_1642 : i32 to index
        %get3A_1645 = arith.index_cast %get3A_1643 : i32 to index
        %get3A_1646 = arith.index_cast %scan3A_1055 : i32 to index
        %get3A_1647 = arith.constant 48 : index
        %get3A_1648 = tpu.vector_load %arg8[%get3A_1644, %get3A_1645, %get3A_1646, %get3A_1647] {strides = array<i32>} : memref<2x25x32x64xf32, #tpu.memory_space<vmem>>, vector<16xf32>,
        %mul3A_1649 = arith.mulf %get3A_1648, %get3A_1074 : vector<16xf32>
        %add3A_1650 = arith.addf %add3A_1641, %mul3A_1649 : vector<16xf32>
        %reduce_sum3A_1651 = arith.constant true
        %reduce_sum3A_1652 = vector.broadcast %reduce_sum3A_1651 : i1 to vector<16xi1>
        %reduce_sum3A_1653 = tpu.scan <sum>, %add3A_1650 masked %reduce_sum3A_1652 : vector<16xf32>, vector<16xi1> -> vector<16xf32>
        %reduce_sum3A_1654 = vector.extract %reduce_sum3A_1653[15] : f32 from vector<16xf32>
        %neg3A_1655 = arith.constant 0.000000e+00 : f32
        %neg3A_1656 = arith.subf %neg3A_1655, %reduce_sum3A_1654 : f32
        %eq3A_1657 = arith.constant 12 : i32
        %eq3A_1658 = vector.broadcast %eq3A_1657 : i32 to vector<16xi32>
        %eq3A_1659 = arith.cmpi eq, %iota3A, %eq3A_1658 : vector<16xi32>
        %broadcast_in_dim3A_1660 = vector.broadcast %neg3A_1656 : f32 to vector<16xf32>
        %select_n3A_1661 = arith.select %eq3A_1659, %broadcast_in_dim3A_1660, %select_n3A_1615 : vector<16xi1>, vector<16xf32>
        %get3A_1662 = arith.constant 1 : i32
        %get3A_1663 = arith.constant 13 : i32
        %get3A_1664 = arith.index_cast %get3A_1662 : i32 to index
        %get3A_1665 = arith.index_cast %get3A_1663 : i32 to index
        %get3A_1666 = arith.index_cast %scan3A_1055 : i32 to index
        %get3A_1667 = arith.constant 0 : index
        %get3A_1668 = tpu.vector_load %arg8[%get3A_1664, %get3A_1665, %get3A_1666, %get3A_1667] {strides = array<i32>} : memref<2x25x32x64xf32, #tpu.memory_space<vmem>>, vector<16xf32>,
        %mul3A_1669 = arith.mulf %get3A_1668, %get3A_1059 : vector<16xf32>
        %get3A_1670 = arith.constant 1 : i32
        %get3A_1671 = arith.constant 13 : i32
        %get3A_1672 = arith.index_cast %get3A_1670 : i32 to index
        %get3A_1673 = arith.index_cast %get3A_1671 : i32 to index
        %get3A_1674 = arith.index_cast %scan3A_1055 : i32 to index
        %get3A_1675 = arith.constant 16 : index
        %get3A_1676 = tpu.vector_load %arg8[%get3A_1672, %get3A_1673, %get3A_1674, %get3A_1675] {strides = array<i32>} : memref<2x25x32x64xf32, #tpu.memory_space<vmem>>, vector<16xf32>,
        %mul3A_1677 = arith.mulf %get3A_1676, %get3A_1064 : vector<16xf32>
        %add3A_1678 = arith.addf %mul3A_1669, %mul3A_1677 : vector<16xf32>
        %get3A_1679 = arith.constant 1 : i32
        %get3A_1680 = arith.constant 13 : i32
        %get3A_1681 = arith.index_cast %get3A_1679 : i32 to index
        %get3A_1682 = arith.index_cast %get3A_1680 : i32 to index
        %get3A_1683 = arith.index_cast %scan3A_1055 : i32 to index
        %get3A_1684 = arith.constant 32 : index
        %get3A_1685 = tpu.vector_load %arg8[%get3A_1681, %get3A_1682, %get3A_1683, %get3A_1684] {strides = array<i32>} : memref<2x25x32x64xf32, #tpu.memory_space<vmem>>, vector<16xf32>,
        %mul3A_1686 = arith.mulf %get3A_1685, %get3A_1069 : vector<16xf32>
        %add3A_1687 = arith.addf %add3A_1678, %mul3A_1686 : vector<16xf32>
        %get3A_1688 = arith.constant 1 : i32
        %get3A_1689 = arith.constant 13 : i32
        %get3A_1690 = arith.index_cast %get3A_1688 : i32 to index
        %get3A_1691 = arith.index_cast %get3A_1689 : i32 to index
        %get3A_1692 = arith.index_cast %scan3A_1055 : i32 to index
        %get3A_1693 = arith.constant 48 : index
        %get3A_1694 = tpu.vector_load %arg8[%get3A_1690, %get3A_1691, %get3A_1692, %get3A_1693] {strides = array<i32>} : memref<2x25x32x64xf32, #tpu.memory_space<vmem>>, vector<16xf32>,
        %mul3A_1695 = arith.mulf %get3A_1694, %get3A_1074 : vector<16xf32>
        %add3A_1696 = arith.addf %add3A_1687, %mul3A_1695 : vector<16xf32>
        %reduce_sum3A_1697 = arith.constant true
        %reduce_sum3A_1698 = vector.broadcast %reduce_sum3A_1697 : i1 to vector<16xi1>
        %reduce_sum3A_1699 = tpu.scan <sum>, %add3A_1696 masked %reduce_sum3A_1698 : vector<16xf32>, vector<16xi1> -> vector<16xf32>
        %reduce_sum3A_1700 = vector.extract %reduce_sum3A_1699[15] : f32 from vector<16xf32>
        %neg3A_1701 = arith.constant 0.000000e+00 : f32
        %neg3A_1702 = arith.subf %neg3A_1701, %reduce_sum3A_1700 : f32
        %eq3A_1703 = arith.constant 13 : i32
        %eq3A_1704 = vector.broadcast %eq3A_1703 : i32 to vector<16xi32>
        %eq3A_1705 = arith.cmpi eq, %iota3A, %eq3A_1704 : vector<16xi32>
        %broadcast_in_dim3A_1706 = vector.broadcast %neg3A_1702 : f32 to vector<16xf32>
        %select_n3A_1707 = arith.select %eq3A_1705, %broadcast_in_dim3A_1706, %select_n3A_1661 : vector<16xi1>, vector<16xf32>
        %get3A_1708 = arith.constant 1 : i32
        %get3A_1709 = arith.constant 14 : i32
        %get3A_1710 = arith.index_cast %get3A_1708 : i32 to index
        %get3A_1711 = arith.index_cast %get3A_1709 : i32 to index
        %get3A_1712 = arith.index_cast %scan3A_1055 : i32 to index
        %get3A_1713 = arith.constant 0 : index
        %get3A_1714 = tpu.vector_load %arg8[%get3A_1710, %get3A_1711, %get3A_1712, %get3A_1713] {strides = array<i32>} : memref<2x25x32x64xf32, #tpu.memory_space<vmem>>, vector<16xf32>,
        %mul3A_1715 = arith.mulf %get3A_1714, %get3A_1059 : vector<16xf32>
        %get3A_1716 = arith.constant 1 : i32
        %get3A_1717 = arith.constant 14 : i32
        %get3A_1718 = arith.index_cast %get3A_1716 : i32 to index
        %get3A_1719 = arith.index_cast %get3A_1717 : i32 to index
        %get3A_1720 = arith.index_cast %scan3A_1055 : i32 to index
        %get3A_1721 = arith.constant 16 : index
        %get3A_1722 = tpu.vector_load %arg8[%get3A_1718, %get3A_1719, %get3A_1720, %get3A_1721] {strides = array<i32>} : memref<2x25x32x64xf32, #tpu.memory_space<vmem>>, vector<16xf32>,
        %mul3A_1723 = arith.mulf %get3A_1722, %get3A_1064 : vector<16xf32>
        %add3A_1724 = arith.addf %mul3A_1715, %mul3A_1723 : vector<16xf32>
        %get3A_1725 = arith.constant 1 : i32
        %get3A_1726 = arith.constant 14 : i32
        %get3A_1727 = arith.index_cast %get3A_1725 : i32 to index
        %get3A_1728 = arith.index_cast %get3A_1726 : i32 to index
        %get3A_1729 = arith.index_cast %scan3A_1055 : i32 to index
        %get3A_1730 = arith.constant 32 : index
        %get3A_1731 = tpu.vector_load %arg8[%get3A_1727, %get3A_1728, %get3A_1729, %get3A_1730] {strides = array<i32>} : memref<2x25x32x64xf32, #tpu.memory_space<vmem>>, vector<16xf32>,
        %mul3A_1732 = arith.mulf %get3A_1731, %get3A_1069 : vector<16xf32>
        %add3A_1733 = arith.addf %add3A_1724, %mul3A_1732 : vector<16xf32>
        %get3A_1734 = arith.constant 1 : i32
        %get3A_1735 = arith.constant 14 : i32
        %get3A_1736 = arith.index_cast %get3A_1734 : i32 to index
        %get3A_1737 = arith.index_cast %get3A_1735 : i32 to index
        %get3A_1738 = arith.index_cast %scan3A_1055 : i32 to index
        %get3A_1739 = arith.constant 48 : index
        %get3A_1740 = tpu.vector_load %arg8[%get3A_1736, %get3A_1737, %get3A_1738, %get3A_1739] {strides = array<i32>} : memref<2x25x32x64xf32, #tpu.memory_space<vmem>>, vector<16xf32>,
        %mul3A_1741 = arith.mulf %get3A_1740, %get3A_1074 : vector<16xf32>
        %add3A_1742 = arith.addf %add3A_1733, %mul3A_1741 : vector<16xf32>
        %reduce_sum3A_1743 = arith.constant true
        %reduce_sum3A_1744 = vector.broadcast %reduce_sum3A_1743 : i1 to vector<16xi1>
        %reduce_sum3A_1745 = tpu.scan <sum>, %add3A_1742 masked %reduce_sum3A_1744 : vector<16xf32>, vector<16xi1> -> vector<16xf32>
        %reduce_sum3A_1746 = vector.extract %reduce_sum3A_1745[15] : f32 from vector<16xf32>
        %neg3A_1747 = arith.constant 0.000000e+00 : f32
        %neg3A_1748 = arith.subf %neg3A_1747, %reduce_sum3A_1746 : f32
        %eq3A_1749 = arith.constant 14 : i32
        %eq3A_1750 = vector.broadcast %eq3A_1749 : i32 to vector<16xi32>
        %eq3A_1751 = arith.cmpi eq, %iota3A, %eq3A_1750 : vector<16xi32>
        %broadcast_in_dim3A_1752 = vector.broadcast %neg3A_1748 : f32 to vector<16xf32>
        %select_n3A_1753 = arith.select %eq3A_1751, %broadcast_in_dim3A_1752, %select_n3A_1707 : vector<16xi1>, vector<16xf32>
        %get3A_1754 = arith.constant 1 : i32
        %get3A_1755 = arith.constant 15 : i32
        %get3A_1756 = arith.index_cast %get3A_1754 : i32 to index
        %get3A_1757 = arith.index_cast %get3A_1755 : i32 to index
        %get3A_1758 = arith.index_cast %scan3A_1055 : i32 to index
        %get3A_1759 = arith.constant 0 : index
        %get3A_1760 = tpu.vector_load %arg8[%get3A_1756, %get3A_1757, %get3A_1758, %get3A_1759] {strides = array<i32>} : memref<2x25x32x64xf32, #tpu.memory_space<vmem>>, vector<16xf32>,
        %mul3A_1761 = arith.mulf %get3A_1760, %get3A_1059 : vector<16xf32>
        %get3A_1762 = arith.constant 1 : i32
        %get3A_1763 = arith.constant 15 : i32
        %get3A_1764 = arith.index_cast %get3A_1762 : i32 to index
        %get3A_1765 = arith.index_cast %get3A_1763 : i32 to index
        %get3A_1766 = arith.index_cast %scan3A_1055 : i32 to index
        %get3A_1767 = arith.constant 16 : index
        %get3A_1768 = tpu.vector_load %arg8[%get3A_1764, %get3A_1765, %get3A_1766, %get3A_1767] {strides = array<i32>} : memref<2x25x32x64xf32, #tpu.memory_space<vmem>>, vector<16xf32>,
        %mul3A_1769 = arith.mulf %get3A_1768, %get3A_1064 : vector<16xf32>
        %add3A_1770 = arith.addf %mul3A_1761, %mul3A_1769 : vector<16xf32>
        %get3A_1771 = arith.constant 1 : i32
        %get3A_1772 = arith.constant 15 : i32
        %get3A_1773 = arith.index_cast %get3A_1771 : i32 to index
        %get3A_1774 = arith.index_cast %get3A_1772 : i32 to index
        %get3A_1775 = arith.index_cast %scan3A_1055 : i32 to index
        %get3A_1776 = arith.constant 32 : index
        %get3A_1777 = tpu.vector_load %arg8[%get3A_1773, %get3A_1774, %get3A_1775, %get3A_1776] {strides = array<i32>} : memref<2x25x32x64xf32, #tpu.memory_space<vmem>>, vector<16xf32>,
        %mul3A_1778 = arith.mulf %get3A_1777, %get3A_1069 : vector<16xf32>
        %add3A_1779 = arith.addf %add3A_1770, %mul3A_1778 : vector<16xf32>
        %get3A_1780 = arith.constant 1 : i32
        %get3A_1781 = arith.constant 15 : i32
        %get3A_1782 = arith.index_cast %get3A_1780 : i32 to index
        %get3A_1783 = arith.index_cast %get3A_1781 : i32 to index
        %get3A_1784 = arith.index_cast %scan3A_1055 : i32 to index
        %get3A_1785 = arith.constant 48 : index
        %get3A_1786 = tpu.vector_load %arg8[%get3A_1782, %get3A_1783, %get3A_1784, %get3A_1785] {strides = array<i32>} : memref<2x25x32x64xf32, #tpu.memory_space<vmem>>, vector<16xf32>,
        %mul3A_1787 = arith.mulf %get3A_1786, %get3A_1074 : vector<16xf32>
        %add3A_1788 = arith.addf %add3A_1779, %mul3A_1787 : vector<16xf32>
        %reduce_sum3A_1789 = arith.constant true
        %reduce_sum3A_1790 = vector.broadcast %reduce_sum3A_1789 : i1 to vector<16xi1>
        %reduce_sum3A_1791 = tpu.scan <sum>, %add3A_1788 masked %reduce_sum3A_1790 : vector<16xf32>, vector<16xi1> -> vector<16xf32>
        %reduce_sum3A_1792 = vector.extract %reduce_sum3A_1791[15] : f32 from vector<16xf32>
        %neg3A_1793 = arith.constant 0.000000e+00 : f32
        %neg3A_1794 = arith.subf %neg3A_1793, %reduce_sum3A_1792 : f32
        %eq3A_1795 = arith.constant 15 : i32
        %eq3A_1796 = vector.broadcast %eq3A_1795 : i32 to vector<16xi32>
        %eq3A_1797 = arith.cmpi eq, %iota3A, %eq3A_1796 : vector<16xi32>
        %broadcast_in_dim3A_1798 = vector.broadcast %neg3A_1794 : f32 to vector<16xf32>
        %select_n3A_1799 = arith.select %eq3A_1797, %broadcast_in_dim3A_1798, %select_n3A_1753 : vector<16xi1>, vector<16xf32>
        %get3A_1800 = arith.constant 1 : i32
        %get3A_1801 = arith.constant 16 : i32
        %get3A_1802 = arith.index_cast %get3A_1800 : i32 to index
        %get3A_1803 = arith.index_cast %get3A_1801 : i32 to index
        %get3A_1804 = arith.index_cast %scan3A_1055 : i32 to index
        %get3A_1805 = arith.constant 0 : index
        %get3A_1806 = tpu.vector_load %arg8[%get3A_1802, %get3A_1803, %get3A_1804, %get3A_1805] {strides = array<i32>} : memref<2x25x32x64xf32, #tpu.memory_space<vmem>>, vector<16xf32>,
        %mul3A_1807 = arith.mulf %get3A_1806, %get3A_1059 : vector<16xf32>
        %get3A_1808 = arith.constant 1 : i32
        %get3A_1809 = arith.constant 16 : i32
        %get3A_1810 = arith.index_cast %get3A_1808 : i32 to index
        %get3A_1811 = arith.index_cast %get3A_1809 : i32 to index
        %get3A_1812 = arith.index_cast %scan3A_1055 : i32 to index
        %get3A_1813 = arith.constant 16 : index
        %get3A_1814 = tpu.vector_load %arg8[%get3A_1810, %get3A_1811, %get3A_1812, %get3A_1813] {strides = array<i32>} : memref<2x25x32x64xf32, #tpu.memory_space<vmem>>, vector<16xf32>,
        %mul3A_1815 = arith.mulf %get3A_1814, %get3A_1064 : vector<16xf32>
        %add3A_1816 = arith.addf %mul3A_1807, %mul3A_1815 : vector<16xf32>
        %get3A_1817 = arith.constant 1 : i32
        %get3A_1818 = arith.constant 16 : i32
        %get3A_1819 = arith.index_cast %get3A_1817 : i32 to index
        %get3A_1820 = arith.index_cast %get3A_1818 : i32 to index
        %get3A_1821 = arith.index_cast %scan3A_1055 : i32 to index
        %get3A_1822 = arith.constant 32 : index
        %get3A_1823 = tpu.vector_load %arg8[%get3A_1819, %get3A_1820, %get3A_1821, %get3A_1822] {strides = array<i32>} : memref<2x25x32x64xf32, #tpu.memory_space<vmem>>, vector<16xf32>,
        %mul3A_1824 = arith.mulf %get3A_1823, %get3A_1069 : vector<16xf32>
        %add3A_1825 = arith.addf %add3A_1816, %mul3A_1824 : vector<16xf32>
        %get3A_1826 = arith.constant 1 : i32
        %get3A_1827 = arith.constant 16 : i32
        %get3A_1828 = arith.index_cast %get3A_1826 : i32 to index
        %get3A_1829 = arith.index_cast %get3A_1827 : i32 to index
        %get3A_1830 = arith.index_cast %scan3A_1055 : i32 to index
        %get3A_1831 = arith.constant 48 : index
        %get3A_1832 = tpu.vector_load %arg8[%get3A_1828, %get3A_1829, %get3A_1830, %get3A_1831] {strides = array<i32>} : memref<2x25x32x64xf32, #tpu.memory_space<vmem>>, vector<16xf32>,
        %mul3A_1833 = arith.mulf %get3A_1832, %get3A_1074 : vector<16xf32>
        %add3A_1834 = arith.addf %add3A_1825, %mul3A_1833 : vector<16xf32>
        %reduce_sum3A_1835 = arith.constant true
        %reduce_sum3A_1836 = vector.broadcast %reduce_sum3A_1835 : i1 to vector<16xi1>
        %reduce_sum3A_1837 = tpu.scan <sum>, %add3A_1834 masked %reduce_sum3A_1836 : vector<16xf32>, vector<16xi1> -> vector<16xf32>
        %reduce_sum3A_1838 = vector.extract %reduce_sum3A_1837[15] : f32 from vector<16xf32>
        %neg3A_1839 = arith.constant 0.000000e+00 : f32
        %neg3A_1840 = arith.subf %neg3A_1839, %reduce_sum3A_1838 : f32
        %eq3A_1841 = arith.constant 0 : i32
        %eq3A_1842 = vector.broadcast %eq3A_1841 : i32 to vector<16xi32>
        %eq3A_1843 = arith.cmpi eq, %iota3A, %eq3A_1842 : vector<16xi32>
        %broadcast_in_dim3A_1844 = vector.broadcast %neg3A_1840 : f32 to vector<16xf32>
        %select_n3A_1845 = arith.select %eq3A_1843, %broadcast_in_dim3A_1844, %broadcast_in_dim3A_1077 : vector<16xi1>, vector<16xf32>
        %get3A_1846 = arith.constant 1 : i32
        %get3A_1847 = arith.constant 17 : i32
        %get3A_1848 = arith.index_cast %get3A_1846 : i32 to index
        %get3A_1849 = arith.index_cast %get3A_1847 : i32 to index
        %get3A_1850 = arith.index_cast %scan3A_1055 : i32 to index
        %get3A_1851 = arith.constant 0 : index
        %get3A_1852 = tpu.vector_load %arg8[%get3A_1848, %get3A_1849, %get3A_1850, %get3A_1851] {strides = array<i32>} : memref<2x25x32x64xf32, #tpu.memory_space<vmem>>, vector<16xf32>,
        %mul3A_1853 = arith.mulf %get3A_1852, %get3A_1059 : vector<16xf32>
        %get3A_1854 = arith.constant 1 : i32
        %get3A_1855 = arith.constant 17 : i32
        %get3A_1856 = arith.index_cast %get3A_1854 : i32 to index
        %get3A_1857 = arith.index_cast %get3A_1855 : i32 to index
        %get3A_1858 = arith.index_cast %scan3A_1055 : i32 to index
        %get3A_1859 = arith.constant 16 : index
        %get3A_1860 = tpu.vector_load %arg8[%get3A_1856, %get3A_1857, %get3A_1858, %get3A_1859] {strides = array<i32>} : memref<2x25x32x64xf32, #tpu.memory_space<vmem>>, vector<16xf32>,
        %mul3A_1861 = arith.mulf %get3A_1860, %get3A_1064 : vector<16xf32>
        %add3A_1862 = arith.addf %mul3A_1853, %mul3A_1861 : vector<16xf32>
        %get3A_1863 = arith.constant 1 : i32
        %get3A_1864 = arith.constant 17 : i32
        %get3A_1865 = arith.index_cast %get3A_1863 : i32 to index
        %get3A_1866 = arith.index_cast %get3A_1864 : i32 to index
        %get3A_1867 = arith.index_cast %scan3A_1055 : i32 to index
        %get3A_1868 = arith.constant 32 : index
        %get3A_1869 = tpu.vector_load %arg8[%get3A_1865, %get3A_1866, %get3A_1867, %get3A_1868] {strides = array<i32>} : memref<2x25x32x64xf32, #tpu.memory_space<vmem>>, vector<16xf32>,
        %mul3A_1870 = arith.mulf %get3A_1869, %get3A_1069 : vector<16xf32>
        %add3A_1871 = arith.addf %add3A_1862, %mul3A_1870 : vector<16xf32>
        %get3A_1872 = arith.constant 1 : i32
        %get3A_1873 = arith.constant 17 : i32
        %get3A_1874 = arith.index_cast %get3A_1872 : i32 to index
        %get3A_1875 = arith.index_cast %get3A_1873 : i32 to index
        %get3A_1876 = arith.index_cast %scan3A_1055 : i32 to index
        %get3A_1877 = arith.constant 48 : index
        %get3A_1878 = tpu.vector_load %arg8[%get3A_1874, %get3A_1875, %get3A_1876, %get3A_1877] {strides = array<i32>} : memref<2x25x32x64xf32, #tpu.memory_space<vmem>>, vector<16xf32>,
        %mul3A_1879 = arith.mulf %get3A_1878, %get3A_1074 : vector<16xf32>
        %add3A_1880 = arith.addf %add3A_1871, %mul3A_1879 : vector<16xf32>
        %reduce_sum3A_1881 = arith.constant true
        %reduce_sum3A_1882 = vector.broadcast %reduce_sum3A_1881 : i1 to vector<16xi1>
        %reduce_sum3A_1883 = tpu.scan <sum>, %add3A_1880 masked %reduce_sum3A_1882 : vector<16xf32>, vector<16xi1> -> vector<16xf32>
        %reduce_sum3A_1884 = vector.extract %reduce_sum3A_1883[15] : f32 from vector<16xf32>
        %neg3A_1885 = arith.constant 0.000000e+00 : f32
        %neg3A_1886 = arith.subf %neg3A_1885, %reduce_sum3A_1884 : f32
        %eq3A_1887 = arith.constant 1 : i32
        %eq3A_1888 = vector.broadcast %eq3A_1887 : i32 to vector<16xi32>
        %eq3A_1889 = arith.cmpi eq, %iota3A, %eq3A_1888 : vector<16xi32>
        %broadcast_in_dim3A_1890 = vector.broadcast %neg3A_1886 : f32 to vector<16xf32>
        %select_n3A_1891 = arith.select %eq3A_1889, %broadcast_in_dim3A_1890, %select_n3A_1845 : vector<16xi1>, vector<16xf32>
        %get3A_1892 = arith.constant 1 : i32
        %get3A_1893 = arith.constant 18 : i32
        %get3A_1894 = arith.index_cast %get3A_1892 : i32 to index
        %get3A_1895 = arith.index_cast %get3A_1893 : i32 to index
        %get3A_1896 = arith.index_cast %scan3A_1055 : i32 to index
        %get3A_1897 = arith.constant 0 : index
        %get3A_1898 = tpu.vector_load %arg8[%get3A_1894, %get3A_1895, %get3A_1896, %get3A_1897] {strides = array<i32>} : memref<2x25x32x64xf32, #tpu.memory_space<vmem>>, vector<16xf32>,
        %mul3A_1899 = arith.mulf %get3A_1898, %get3A_1059 : vector<16xf32>
        %get3A_1900 = arith.constant 1 : i32
        %get3A_1901 = arith.constant 18 : i32
        %get3A_1902 = arith.index_cast %get3A_1900 : i32 to index
        %get3A_1903 = arith.index_cast %get3A_1901 : i32 to index
        %get3A_1904 = arith.index_cast %scan3A_1055 : i32 to index
        %get3A_1905 = arith.constant 16 : index
        %get3A_1906 = tpu.vector_load %arg8[%get3A_1902, %get3A_1903, %get3A_1904, %get3A_1905] {strides = array<i32>} : memref<2x25x32x64xf32, #tpu.memory_space<vmem>>, vector<16xf32>,
        %mul3A_1907 = arith.mulf %get3A_1906, %get3A_1064 : vector<16xf32>
        %add3A_1908 = arith.addf %mul3A_1899, %mul3A_1907 : vector<16xf32>
        %get3A_1909 = arith.constant 1 : i32
        %get3A_1910 = arith.constant 18 : i32
        %get3A_1911 = arith.index_cast %get3A_1909 : i32 to index
        %get3A_1912 = arith.index_cast %get3A_1910 : i32 to index
        %get3A_1913 = arith.index_cast %scan3A_1055 : i32 to index
        %get3A_1914 = arith.constant 32 : index
        %get3A_1915 = tpu.vector_load %arg8[%get3A_1911, %get3A_1912, %get3A_1913, %get3A_1914] {strides = array<i32>} : memref<2x25x32x64xf32, #tpu.memory_space<vmem>>, vector<16xf32>,
        %mul3A_1916 = arith.mulf %get3A_1915, %get3A_1069 : vector<16xf32>
        %add3A_1917 = arith.addf %add3A_1908, %mul3A_1916 : vector<16xf32>
        %get3A_1918 = arith.constant 1 : i32
        %get3A_1919 = arith.constant 18 : i32
        %get3A_1920 = arith.index_cast %get3A_1918 : i32 to index
        %get3A_1921 = arith.index_cast %get3A_1919 : i32 to index
        %get3A_1922 = arith.index_cast %scan3A_1055 : i32 to index
        %get3A_1923 = arith.constant 48 : index
        %get3A_1924 = tpu.vector_load %arg8[%get3A_1920, %get3A_1921, %get3A_1922, %get3A_1923] {strides = array<i32>} : memref<2x25x32x64xf32, #tpu.memory_space<vmem>>, vector<16xf32>,
        %mul3A_1925 = arith.mulf %get3A_1924, %get3A_1074 : vector<16xf32>
        %add3A_1926 = arith.addf %add3A_1917, %mul3A_1925 : vector<16xf32>
        %reduce_sum3A_1927 = arith.constant true
        %reduce_sum3A_1928 = vector.broadcast %reduce_sum3A_1927 : i1 to vector<16xi1>
        %reduce_sum3A_1929 = tpu.scan <sum>, %add3A_1926 masked %reduce_sum3A_1928 : vector<16xf32>, vector<16xi1> -> vector<16xf32>
        %reduce_sum3A_1930 = vector.extract %reduce_sum3A_1929[15] : f32 from vector<16xf32>
        %neg3A_1931 = arith.constant 0.000000e+00 : f32
        %neg3A_1932 = arith.subf %neg3A_1931, %reduce_sum3A_1930 : f32
        %eq3A_1933 = arith.constant 2 : i32
        %eq3A_1934 = vector.broadcast %eq3A_1933 : i32 to vector<16xi32>
        %eq3A_1935 = arith.cmpi eq, %iota3A, %eq3A_1934 : vector<16xi32>
        %broadcast_in_dim3A_1936 = vector.broadcast %neg3A_1932 : f32 to vector<16xf32>
        %select_n3A_1937 = arith.select %eq3A_1935, %broadcast_in_dim3A_1936, %select_n3A_1891 : vector<16xi1>, vector<16xf32>
        %get3A_1938 = arith.constant 1 : i32
        %get3A_1939 = arith.constant 19 : i32
        %get3A_1940 = arith.index_cast %get3A_1938 : i32 to index
        %get3A_1941 = arith.index_cast %get3A_1939 : i32 to index
        %get3A_1942 = arith.index_cast %scan3A_1055 : i32 to index
        %get3A_1943 = arith.constant 0 : index
        %get3A_1944 = tpu.vector_load %arg8[%get3A_1940, %get3A_1941, %get3A_1942, %get3A_1943] {strides = array<i32>} : memref<2x25x32x64xf32, #tpu.memory_space<vmem>>, vector<16xf32>,
        %mul3A_1945 = arith.mulf %get3A_1944, %get3A_1059 : vector<16xf32>
        %get3A_1946 = arith.constant 1 : i32
        %get3A_1947 = arith.constant 19 : i32
        %get3A_1948 = arith.index_cast %get3A_1946 : i32 to index
        %get3A_1949 = arith.index_cast %get3A_1947 : i32 to index
        %get3A_1950 = arith.index_cast %scan3A_1055 : i32 to index
        %get3A_1951 = arith.constant 16 : index
        %get3A_1952 = tpu.vector_load %arg8[%get3A_1948, %get3A_1949, %get3A_1950, %get3A_1951] {strides = array<i32>} : memref<2x25x32x64xf32, #tpu.memory_space<vmem>>, vector<16xf32>,
        %mul3A_1953 = arith.mulf %get3A_1952, %get3A_1064 : vector<16xf32>
        %add3A_1954 = arith.addf %mul3A_1945, %mul3A_1953 : vector<16xf32>
        %get3A_1955 = arith.constant 1 : i32
        %get3A_1956 = arith.constant 19 : i32
        %get3A_1957 = arith.index_cast %get3A_1955 : i32 to index
        %get3A_1958 = arith.index_cast %get3A_1956 : i32 to index
        %get3A_1959 = arith.index_cast %scan3A_1055 : i32 to index
        %get3A_1960 = arith.constant 32 : index
        %get3A_1961 = tpu.vector_load %arg8[%get3A_1957, %get3A_1958, %get3A_1959, %get3A_1960] {strides = array<i32>} : memref<2x25x32x64xf32, #tpu.memory_space<vmem>>, vector<16xf32>,
        %mul3A_1962 = arith.mulf %get3A_1961, %get3A_1069 : vector<16xf32>
        %add3A_1963 = arith.addf %add3A_1954, %mul3A_1962 : vector<16xf32>
        %get3A_1964 = arith.constant 1 : i32
        %get3A_1965 = arith.constant 19 : i32
        %get3A_1966 = arith.index_cast %get3A_1964 : i32 to index
        %get3A_1967 = arith.index_cast %get3A_1965 : i32 to index
        %get3A_1968 = arith.index_cast %scan3A_1055 : i32 to index
        %get3A_1969 = arith.constant 48 : index
        %get3A_1970 = tpu.vector_load %arg8[%get3A_1966, %get3A_1967, %get3A_1968, %get3A_1969] {strides = array<i32>} : memref<2x25x32x64xf32, #tpu.memory_space<vmem>>, vector<16xf32>,
        %mul3A_1971 = arith.mulf %get3A_1970, %get3A_1074 : vector<16xf32>
        %add3A_1972 = arith.addf %add3A_1963, %mul3A_1971 : vector<16xf32>
        %reduce_sum3A_1973 = arith.constant true
        %reduce_sum3A_1974 = vector.broadcast %reduce_sum3A_1973 : i1 to vector<16xi1>
        %reduce_sum3A_1975 = tpu.scan <sum>, %add3A_1972 masked %reduce_sum3A_1974 : vector<16xf32>, vector<16xi1> -> vector<16xf32>
        %reduce_sum3A_1976 = vector.extract %reduce_sum3A_1975[15] : f32 from vector<16xf32>
        %neg3A_1977 = arith.constant 0.000000e+00 : f32
        %neg3A_1978 = arith.subf %neg3A_1977, %reduce_sum3A_1976 : f32
        %eq3A_1979 = arith.constant 3 : i32
        %eq3A_1980 = vector.broadcast %eq3A_1979 : i32 to vector<16xi32>
        %eq3A_1981 = arith.cmpi eq, %iota3A, %eq3A_1980 : vector<16xi32>
        %broadcast_in_dim3A_1982 = vector.broadcast %neg3A_1978 : f32 to vector<16xf32>
        %select_n3A_1983 = arith.select %eq3A_1981, %broadcast_in_dim3A_1982, %select_n3A_1937 : vector<16xi1>, vector<16xf32>
        %get3A_1984 = arith.constant 1 : i32
        %get3A_1985 = arith.constant 20 : i32
        %get3A_1986 = arith.index_cast %get3A_1984 : i32 to index
        %get3A_1987 = arith.index_cast %get3A_1985 : i32 to index
        %get3A_1988 = arith.index_cast %scan3A_1055 : i32 to index
        %get3A_1989 = arith.constant 0 : index
        %get3A_1990 = tpu.vector_load %arg8[%get3A_1986, %get3A_1987, %get3A_1988, %get3A_1989] {strides = array<i32>} : memref<2x25x32x64xf32, #tpu.memory_space<vmem>>, vector<16xf32>,
        %mul3A_1991 = arith.mulf %get3A_1990, %get3A_1059 : vector<16xf32>
        %get3A_1992 = arith.constant 1 : i32
        %get3A_1993 = arith.constant 20 : i32
        %get3A_1994 = arith.index_cast %get3A_1992 : i32 to index
        %get3A_1995 = arith.index_cast %get3A_1993 : i32 to index
        %get3A_1996 = arith.index_cast %scan3A_1055 : i32 to index
        %get3A_1997 = arith.constant 16 : index
        %get3A_1998 = tpu.vector_load %arg8[%get3A_1994, %get3A_1995, %get3A_1996, %get3A_1997] {strides = array<i32>} : memref<2x25x32x64xf32, #tpu.memory_space<vmem>>, vector<16xf32>,
        %mul3A_1999 = arith.mulf %get3A_1998, %get3A_1064 : vector<16xf32>
        %add3A_2000 = arith.addf %mul3A_1991, %mul3A_1999 : vector<16xf32>
        %get3A_2001 = arith.constant 1 : i32
        %get3A_2002 = arith.constant 20 : i32
        %get3A_2003 = arith.index_cast %get3A_2001 : i32 to index
        %get3A_2004 = arith.index_cast %get3A_2002 : i32 to index
        %get3A_2005 = arith.index_cast %scan3A_1055 : i32 to index
        %get3A_2006 = arith.constant 32 : index
        %get3A_2007 = tpu.vector_load %arg8[%get3A_2003, %get3A_2004, %get3A_2005, %get3A_2006] {strides = array<i32>} : memref<2x25x32x64xf32, #tpu.memory_space<vmem>>, vector<16xf32>,
        %mul3A_2008 = arith.mulf %get3A_2007, %get3A_1069 : vector<16xf32>
        %add3A_2009 = arith.addf %add3A_2000, %mul3A_2008 : vector<16xf32>
        %get3A_2010 = arith.constant 1 : i32
        %get3A_2011 = arith.constant 20 : i32
        %get3A_2012 = arith.index_cast %get3A_2010 : i32 to index
        %get3A_2013 = arith.index_cast %get3A_2011 : i32 to index
        %get3A_2014 = arith.index_cast %scan3A_1055 : i32 to index
        %get3A_2015 = arith.constant 48 : index
        %get3A_2016 = tpu.vector_load %arg8[%get3A_2012, %get3A_2013, %get3A_2014, %get3A_2015] {strides = array<i32>} : memref<2x25x32x64xf32, #tpu.memory_space<vmem>>, vector<16xf32>,
        %mul3A_2017 = arith.mulf %get3A_2016, %get3A_1074 : vector<16xf32>
        %add3A_2018 = arith.addf %add3A_2009, %mul3A_2017 : vector<16xf32>
        %reduce_sum3A_2019 = arith.constant true
        %reduce_sum3A_2020 = vector.broadcast %reduce_sum3A_2019 : i1 to vector<16xi1>
        %reduce_sum3A_2021 = tpu.scan <sum>, %add3A_2018 masked %reduce_sum3A_2020 : vector<16xf32>, vector<16xi1> -> vector<16xf32>
        %reduce_sum3A_2022 = vector.extract %reduce_sum3A_2021[15] : f32 from vector<16xf32>
        %neg3A_2023 = arith.constant 0.000000e+00 : f32
        %neg3A_2024 = arith.subf %neg3A_2023, %reduce_sum3A_2022 : f32
        %eq3A_2025 = arith.constant 4 : i32
        %eq3A_2026 = vector.broadcast %eq3A_2025 : i32 to vector<16xi32>
        %eq3A_2027 = arith.cmpi eq, %iota3A, %eq3A_2026 : vector<16xi32>
        %broadcast_in_dim3A_2028 = vector.broadcast %neg3A_2024 : f32 to vector<16xf32>
        %select_n3A_2029 = arith.select %eq3A_2027, %broadcast_in_dim3A_2028, %select_n3A_1983 : vector<16xi1>, vector<16xf32>
        %get3A_2030 = arith.constant 1 : i32
        %get3A_2031 = arith.constant 21 : i32
        %get3A_2032 = arith.index_cast %get3A_2030 : i32 to index
        %get3A_2033 = arith.index_cast %get3A_2031 : i32 to index
        %get3A_2034 = arith.index_cast %scan3A_1055 : i32 to index
        %get3A_2035 = arith.constant 0 : index
        %get3A_2036 = tpu.vector_load %arg8[%get3A_2032, %get3A_2033, %get3A_2034, %get3A_2035] {strides = array<i32>} : memref<2x25x32x64xf32, #tpu.memory_space<vmem>>, vector<16xf32>,
        %mul3A_2037 = arith.mulf %get3A_2036, %get3A_1059 : vector<16xf32>
        %get3A_2038 = arith.constant 1 : i32
        %get3A_2039 = arith.constant 21 : i32
        %get3A_2040 = arith.index_cast %get3A_2038 : i32 to index
        %get3A_2041 = arith.index_cast %get3A_2039 : i32 to index
        %get3A_2042 = arith.index_cast %scan3A_1055 : i32 to index
        %get3A_2043 = arith.constant 16 : index
        %get3A_2044 = tpu.vector_load %arg8[%get3A_2040, %get3A_2041, %get3A_2042, %get3A_2043] {strides = array<i32>} : memref<2x25x32x64xf32, #tpu.memory_space<vmem>>, vector<16xf32>,
        %mul3A_2045 = arith.mulf %get3A_2044, %get3A_1064 : vector<16xf32>
        %add3A_2046 = arith.addf %mul3A_2037, %mul3A_2045 : vector<16xf32>
        %get3A_2047 = arith.constant 1 : i32
        %get3A_2048 = arith.constant 21 : i32
        %get3A_2049 = arith.index_cast %get3A_2047 : i32 to index
        %get3A_2050 = arith.index_cast %get3A_2048 : i32 to index
        %get3A_2051 = arith.index_cast %scan3A_1055 : i32 to index
        %get3A_2052 = arith.constant 32 : index
        %get3A_2053 = tpu.vector_load %arg8[%get3A_2049, %get3A_2050, %get3A_2051, %get3A_2052] {strides = array<i32>} : memref<2x25x32x64xf32, #tpu.memory_space<vmem>>, vector<16xf32>,
        %mul3A_2054 = arith.mulf %get3A_2053, %get3A_1069 : vector<16xf32>
        %add3A_2055 = arith.addf %add3A_2046, %mul3A_2054 : vector<16xf32>
        %get3A_2056 = arith.constant 1 : i32
        %get3A_2057 = arith.constant 21 : i32
        %get3A_2058 = arith.index_cast %get3A_2056 : i32 to index
        %get3A_2059 = arith.index_cast %get3A_2057 : i32 to index
        %get3A_2060 = arith.index_cast %scan3A_1055 : i32 to index
        %get3A_2061 = arith.constant 48 : index
        %get3A_2062 = tpu.vector_load %arg8[%get3A_2058, %get3A_2059, %get3A_2060, %get3A_2061] {strides = array<i32>} : memref<2x25x32x64xf32, #tpu.memory_space<vmem>>, vector<16xf32>,
        %mul3A_2063 = arith.mulf %get3A_2062, %get3A_1074 : vector<16xf32>
        %add3A_2064 = arith.addf %add3A_2055, %mul3A_2063 : vector<16xf32>
        %reduce_sum3A_2065 = arith.constant true
        %reduce_sum3A_2066 = vector.broadcast %reduce_sum3A_2065 : i1 to vector<16xi1>
        %reduce_sum3A_2067 = tpu.scan <sum>, %add3A_2064 masked %reduce_sum3A_2066 : vector<16xf32>, vector<16xi1> -> vector<16xf32>
        %reduce_sum3A_2068 = vector.extract %reduce_sum3A_2067[15] : f32 from vector<16xf32>
        %neg3A_2069 = arith.constant 0.000000e+00 : f32
        %neg3A_2070 = arith.subf %neg3A_2069, %reduce_sum3A_2068 : f32
        %eq3A_2071 = arith.constant 5 : i32
        %eq3A_2072 = vector.broadcast %eq3A_2071 : i32 to vector<16xi32>
        %eq3A_2073 = arith.cmpi eq, %iota3A, %eq3A_2072 : vector<16xi32>
        %broadcast_in_dim3A_2074 = vector.broadcast %neg3A_2070 : f32 to vector<16xf32>
        %select_n3A_2075 = arith.select %eq3A_2073, %broadcast_in_dim3A_2074, %select_n3A_2029 : vector<16xi1>, vector<16xf32>
        %get3A_2076 = arith.constant 1 : i32
        %get3A_2077 = arith.constant 22 : i32
        %get3A_2078 = arith.index_cast %get3A_2076 : i32 to index
        %get3A_2079 = arith.index_cast %get3A_2077 : i32 to index
        %get3A_2080 = arith.index_cast %scan3A_1055 : i32 to index
        %get3A_2081 = arith.constant 0 : index
        %get3A_2082 = tpu.vector_load %arg8[%get3A_2078, %get3A_2079, %get3A_2080, %get3A_2081] {strides = array<i32>} : memref<2x25x32x64xf32, #tpu.memory_space<vmem>>, vector<16xf32>,
        %mul3A_2083 = arith.mulf %get3A_2082, %get3A_1059 : vector<16xf32>
        %get3A_2084 = arith.constant 1 : i32
        %get3A_2085 = arith.constant 22 : i32
        %get3A_2086 = arith.index_cast %get3A_2084 : i32 to index
        %get3A_2087 = arith.index_cast %get3A_2085 : i32 to index
        %get3A_2088 = arith.index_cast %scan3A_1055 : i32 to index
        %get3A_2089 = arith.constant 16 : index
        %get3A_2090 = tpu.vector_load %arg8[%get3A_2086, %get3A_2087, %get3A_2088, %get3A_2089] {strides = array<i32>} : memref<2x25x32x64xf32, #tpu.memory_space<vmem>>, vector<16xf32>,
        %mul3A_2091 = arith.mulf %get3A_2090, %get3A_1064 : vector<16xf32>
        %add3A_2092 = arith.addf %mul3A_2083, %mul3A_2091 : vector<16xf32>
        %get3A_2093 = arith.constant 1 : i32
        %get3A_2094 = arith.constant 22 : i32
        %get3A_2095 = arith.index_cast %get3A_2093 : i32 to index
        %get3A_2096 = arith.index_cast %get3A_2094 : i32 to index
        %get3A_2097 = arith.index_cast %scan3A_1055 : i32 to index
        %get3A_2098 = arith.constant 32 : index
        %get3A_2099 = tpu.vector_load %arg8[%get3A_2095, %get3A_2096, %get3A_2097, %get3A_2098] {strides = array<i32>} : memref<2x25x32x64xf32, #tpu.memory_space<vmem>>, vector<16xf32>,
        %mul3A_2100 = arith.mulf %get3A_2099, %get3A_1069 : vector<16xf32>
        %add3A_2101 = arith.addf %add3A_2092, %mul3A_2100 : vector<16xf32>
        %get3A_2102 = arith.constant 1 : i32
        %get3A_2103 = arith.constant 22 : i32
        %get3A_2104 = arith.index_cast %get3A_2102 : i32 to index
        %get3A_2105 = arith.index_cast %get3A_2103 : i32 to index
        %get3A_2106 = arith.index_cast %scan3A_1055 : i32 to index
        %get3A_2107 = arith.constant 48 : index
        %get3A_2108 = tpu.vector_load %arg8[%get3A_2104, %get3A_2105, %get3A_2106, %get3A_2107] {strides = array<i32>} : memref<2x25x32x64xf32, #tpu.memory_space<vmem>>, vector<16xf32>,
        %mul3A_2109 = arith.mulf %get3A_2108, %get3A_1074 : vector<16xf32>
        %add3A_2110 = arith.addf %add3A_2101, %mul3A_2109 : vector<16xf32>
        %reduce_sum3A_2111 = arith.constant true
        %reduce_sum3A_2112 = vector.broadcast %reduce_sum3A_2111 : i1 to vector<16xi1>
        %reduce_sum3A_2113 = tpu.scan <sum>, %add3A_2110 masked %reduce_sum3A_2112 : vector<16xf32>, vector<16xi1> -> vector<16xf32>
        %reduce_sum3A_2114 = vector.extract %reduce_sum3A_2113[15] : f32 from vector<16xf32>
        %neg3A_2115 = arith.constant 0.000000e+00 : f32
        %neg3A_2116 = arith.subf %neg3A_2115, %reduce_sum3A_2114 : f32
        %eq3A_2117 = arith.constant 6 : i32
        %eq3A_2118 = vector.broadcast %eq3A_2117 : i32 to vector<16xi32>
        %eq3A_2119 = arith.cmpi eq, %iota3A, %eq3A_2118 : vector<16xi32>
        %broadcast_in_dim3A_2120 = vector.broadcast %neg3A_2116 : f32 to vector<16xf32>
        %select_n3A_2121 = arith.select %eq3A_2119, %broadcast_in_dim3A_2120, %select_n3A_2075 : vector<16xi1>, vector<16xf32>
        %get3A_2122 = arith.constant 1 : i32
        %get3A_2123 = arith.constant 23 : i32
        %get3A_2124 = arith.index_cast %get3A_2122 : i32 to index
        %get3A_2125 = arith.index_cast %get3A_2123 : i32 to index
        %get3A_2126 = arith.index_cast %scan3A_1055 : i32 to index
        %get3A_2127 = arith.constant 0 : index
        %get3A_2128 = tpu.vector_load %arg8[%get3A_2124, %get3A_2125, %get3A_2126, %get3A_2127] {strides = array<i32>} : memref<2x25x32x64xf32, #tpu.memory_space<vmem>>, vector<16xf32>,
        %mul3A_2129 = arith.mulf %get3A_2128, %get3A_1059 : vector<16xf32>
        %get3A_2130 = arith.constant 1 : i32
        %get3A_2131 = arith.constant 23 : i32
        %get3A_2132 = arith.index_cast %get3A_2130 : i32 to index
        %get3A_2133 = arith.index_cast %get3A_2131 : i32 to index
        %get3A_2134 = arith.index_cast %scan3A_1055 : i32 to index
        %get3A_2135 = arith.constant 16 : index
        %get3A_2136 = tpu.vector_load %arg8[%get3A_2132, %get3A_2133, %get3A_2134, %get3A_2135] {strides = array<i32>} : memref<2x25x32x64xf32, #tpu.memory_space<vmem>>, vector<16xf32>,
        %mul3A_2137 = arith.mulf %get3A_2136, %get3A_1064 : vector<16xf32>
        %add3A_2138 = arith.addf %mul3A_2129, %mul3A_2137 : vector<16xf32>
        %get3A_2139 = arith.constant 1 : i32
        %get3A_2140 = arith.constant 23 : i32
        %get3A_2141 = arith.index_cast %get3A_2139 : i32 to index
        %get3A_2142 = arith.index_cast %get3A_2140 : i32 to index
        %get3A_2143 = arith.index_cast %scan3A_1055 : i32 to index
        %get3A_2144 = arith.constant 32 : index
        %get3A_2145 = tpu.vector_load %arg8[%get3A_2141, %get3A_2142, %get3A_2143, %get3A_2144] {strides = array<i32>} : memref<2x25x32x64xf32, #tpu.memory_space<vmem>>, vector<16xf32>,
        %mul3A_2146 = arith.mulf %get3A_2145, %get3A_1069 : vector<16xf32>
        %add3A_2147 = arith.addf %add3A_2138, %mul3A_2146 : vector<16xf32>
        %get3A_2148 = arith.constant 1 : i32
        %get3A_2149 = arith.constant 23 : i32
        %get3A_2150 = arith.index_cast %get3A_2148 : i32 to index
        %get3A_2151 = arith.index_cast %get3A_2149 : i32 to index
        %get3A_2152 = arith.index_cast %scan3A_1055 : i32 to index
        %get3A_2153 = arith.constant 48 : index
        %get3A_2154 = tpu.vector_load %arg8[%get3A_2150, %get3A_2151, %get3A_2152, %get3A_2153] {strides = array<i32>} : memref<2x25x32x64xf32, #tpu.memory_space<vmem>>, vector<16xf32>,
        %mul3A_2155 = arith.mulf %get3A_2154, %get3A_1074 : vector<16xf32>
        %add3A_2156 = arith.addf %add3A_2147, %mul3A_2155 : vector<16xf32>
        %reduce_sum3A_2157 = arith.constant true
        %reduce_sum3A_2158 = vector.broadcast %reduce_sum3A_2157 : i1 to vector<16xi1>
        %reduce_sum3A_2159 = tpu.scan <sum>, %add3A_2156 masked %reduce_sum3A_2158 : vector<16xf32>, vector<16xi1> -> vector<16xf32>
        %reduce_sum3A_2160 = vector.extract %reduce_sum3A_2159[15] : f32 from vector<16xf32>
        %neg3A_2161 = arith.constant 0.000000e+00 : f32
        %neg3A_2162 = arith.subf %neg3A_2161, %reduce_sum3A_2160 : f32
        %eq3A_2163 = arith.constant 7 : i32
        %eq3A_2164 = vector.broadcast %eq3A_2163 : i32 to vector<16xi32>
        %eq3A_2165 = arith.cmpi eq, %iota3A, %eq3A_2164 : vector<16xi32>
        %broadcast_in_dim3A_2166 = vector.broadcast %neg3A_2162 : f32 to vector<16xf32>
        %select_n3A_2167 = arith.select %eq3A_2165, %broadcast_in_dim3A_2166, %select_n3A_2121 : vector<16xi1>, vector<16xf32>
        %get3A_2168 = arith.constant 1 : i32
        %get3A_2169 = arith.constant 24 : i32
        %get3A_2170 = arith.index_cast %get3A_2168 : i32 to index
        %get3A_2171 = arith.index_cast %get3A_2169 : i32 to index
        %get3A_2172 = arith.index_cast %scan3A_1055 : i32 to index
        %get3A_2173 = arith.constant 0 : index
        %get3A_2174 = tpu.vector_load %arg8[%get3A_2170, %get3A_2171, %get3A_2172, %get3A_2173] {strides = array<i32>} : memref<2x25x32x64xf32, #tpu.memory_space<vmem>>, vector<16xf32>,
        %mul3A_2175 = arith.mulf %get3A_2174, %get3A_1059 : vector<16xf32>
        %get3A_2176 = arith.constant 1 : i32
        %get3A_2177 = arith.constant 24 : i32
        %get3A_2178 = arith.index_cast %get3A_2176 : i32 to index
        %get3A_2179 = arith.index_cast %get3A_2177 : i32 to index
        %get3A_2180 = arith.index_cast %scan3A_1055 : i32 to index
        %get3A_2181 = arith.constant 16 : index
        %get3A_2182 = tpu.vector_load %arg8[%get3A_2178, %get3A_2179, %get3A_2180, %get3A_2181] {strides = array<i32>} : memref<2x25x32x64xf32, #tpu.memory_space<vmem>>, vector<16xf32>,
        %mul3A_2183 = arith.mulf %get3A_2182, %get3A_1064 : vector<16xf32>
        %add3A_2184 = arith.addf %mul3A_2175, %mul3A_2183 : vector<16xf32>
        %get3A_2185 = arith.constant 1 : i32
        %get3A_2186 = arith.constant 24 : i32
        %get3A_2187 = arith.index_cast %get3A_2185 : i32 to index
        %get3A_2188 = arith.index_cast %get3A_2186 : i32 to index
        %get3A_2189 = arith.index_cast %scan3A_1055 : i32 to index
        %get3A_2190 = arith.constant 32 : index
        %get3A_2191 = tpu.vector_load %arg8[%get3A_2187, %get3A_2188, %get3A_2189, %get3A_2190] {strides = array<i32>} : memref<2x25x32x64xf32, #tpu.memory_space<vmem>>, vector<16xf32>,
        %mul3A_2192 = arith.mulf %get3A_2191, %get3A_1069 : vector<16xf32>
        %add3A_2193 = arith.addf %add3A_2184, %mul3A_2192 : vector<16xf32>
        %get3A_2194 = arith.constant 1 : i32
        %get3A_2195 = arith.constant 24 : i32
        %get3A_2196 = arith.index_cast %get3A_2194 : i32 to index
        %get3A_2197 = arith.index_cast %get3A_2195 : i32 to index
        %get3A_2198 = arith.index_cast %scan3A_1055 : i32 to index
        %get3A_2199 = arith.constant 48 : index
        %get3A_2200 = tpu.vector_load %arg8[%get3A_2196, %get3A_2197, %get3A_2198, %get3A_2199] {strides = array<i32>} : memref<2x25x32x64xf32, #tpu.memory_space<vmem>>, vector<16xf32>,
        %mul3A_2201 = arith.mulf %get3A_2200, %get3A_1074 : vector<16xf32>
        %add3A_2202 = arith.addf %add3A_2193, %mul3A_2201 : vector<16xf32>
        %reduce_sum3A_2203 = arith.constant true
        %reduce_sum3A_2204 = vector.broadcast %reduce_sum3A_2203 : i1 to vector<16xi1>
        %reduce_sum3A_2205 = tpu.scan <sum>, %add3A_2202 masked %reduce_sum3A_2204 : vector<16xf32>, vector<16xi1> -> vector<16xf32>
        %reduce_sum3A_2206 = vector.extract %reduce_sum3A_2205[15] : f32 from vector<16xf32>
        %neg3A_2207 = arith.constant 0.000000e+00 : f32
        %neg3A_2208 = arith.subf %neg3A_2207, %reduce_sum3A_2206 : f32
        %eq3A_2209 = arith.constant 8 : i32
        %eq3A_2210 = vector.broadcast %eq3A_2209 : i32 to vector<16xi32>
        %eq3A_2211 = arith.cmpi eq, %iota3A, %eq3A_2210 : vector<16xi32>
        %broadcast_in_dim3A_2212 = vector.broadcast %neg3A_2208 : f32 to vector<16xf32>
        %select_n3A_2213 = arith.select %eq3A_2211, %broadcast_in_dim3A_2212, %select_n3A_2167 : vector<16xi1>, vector<16xf32>
        %mul3A_2214 = arith.constant 32 : i32
        %mul3A_2215 = arith.muli %add3A_704, %mul3A_2214 : i32
        %add3A_2216 = arith.addi %mul3A_2215, %scan3A_1055 : i32
        %shift_right_arithmetic3A = arith.constant 2 : i32
        %shift_right_arithmetic3A_2217 = arith.shrsi %add3A_2216, %shift_right_arithmetic3A : i32
        %and3A = arith.constant 3 : i32
        %and3A_2218 = arith.andi %add3A_2216, %and3A : i32
        %mul3A_2219 = arith.constant 2 : i32
        %mul3A_2220 = arith.muli %and3A_2218, %mul3A_2219 : i32
        %mul3A_2221 = arith.constant 16 : i32
        %mul3A_2222 = arith.muli %mul3A_2220, %mul3A_2221 : i32
        %swap3A = arith.index_cast %shift_right_arithmetic3A_2217 : i32 to index
        %swap3A_2223 = arith.index_cast %mul3A_2222 : i32 to index
        %swap3A_2224 = tpu.vector_load %arg9[%swap3A, %swap3A_2223] {strides = array<i32>} : memref<128x128xf32, #tpu.memory_space<vmem>>, vector<16xf32>,
        tpu.vector_store %arg9[%swap3A, %swap3A_2223], %select_n3A_1799 {strides = array<i32>} : memref<128x128xf32, #tpu.memory_space<vmem>>, vector<16xf32>,
        %add3A_2225 = arith.constant 16 : i32
        %add3A_2226 = arith.addi %mul3A_2222, %add3A_2225 : i32
        %swap3A_2227 = arith.index_cast %shift_right_arithmetic3A_2217 : i32 to index
        %swap3A_2228 = arith.index_cast %add3A_2226 : i32 to index
        %swap3A_2229 = tpu.vector_load %arg9[%swap3A_2227, %swap3A_2228] {strides = array<i32>} : memref<128x128xf32, #tpu.memory_space<vmem>>, vector<16xf32>,
        tpu.vector_store %arg9[%swap3A_2227, %swap3A_2228], %select_n3A_2213 {strides = array<i32>} : memref<128x128xf32, #tpu.memory_space<vmem>>, vector<16xf32>,
      }
      %scan3A_1054 = arith.constant 32 : i32
    }
    %scan3A_347 = arith.constant 8 : i32
    %mul3A_348 = arith.constant 128 : i32
    %mul3A_349 = arith.muli %add3A, %mul3A_348 : i32
    "tpu.region"() ({
      %run_scoped3A_350 = tpu.sem_alloc : memref<!tpu.dma_semaphore, #tpu.memory_space<semaphore_mem>>
      %dma_start3A_351 = arith.constant 0 : i32
      %dma_start3A_352 = tpu.memref_slice %arg5[%mul3A_349, %dma_start3A_351] : memref<4096x128xf32, #tpu.memory_space<hbm>> -> memref<128x128xf32, #tpu.memory_space<hbm>>
      %dma_start3A_353 = arith.constant 0 : i32
      %dma_start3A_354 = tpu.memref_slice %arg5[%mul3A_349, %dma_start3A_353] : memref<4096x128xf32, #tpu.memory_space<hbm>> -> memref<128x128xf32, #tpu.memory_space<hbm>>
      tpu.enqueue_dma source(%arg9 : memref<128x128xf32, #tpu.memory_space<vmem>>) target(%dma_start3A_354 : memref<128x128xf32, #tpu.memory_space<hbm>>) target_semaphore(%run_scoped3A_350 : memref<!tpu.dma_semaphore, #tpu.memory_space<semaphore_mem>>)
      %dma_wait3A = arith.constant 0 : i32
      %dma_wait3A_355 = tpu.memref_slice %arg5[%mul3A_349, %dma_wait3A] : memref<4096x128xf32, #tpu.memory_space<hbm>> -> memref<128x128xf32, #tpu.memory_space<hbm>>
      %dma_wait3A_356 = arith.constant 0 : i32
      %dma_wait3A_357 = tpu.memref_slice %arg5[%mul3A_349, %dma_wait3A_356] : memref<4096x128xf32, #tpu.memory_space<hbm>> -> memref<128x128xf32, #tpu.memory_space<hbm>>
      tpu.wait_dma2 semaphore(%run_scoped3A_350 : memref<!tpu.dma_semaphore, #tpu.memory_space<semaphore_mem>>) src(%arg9 : memref<128x128xf32, #tpu.memory_space<vmem>>) dst(%dma_wait3A_357 : memref<128x128xf32, #tpu.memory_space<hbm>>)
      tpu.yield
    }) : () -> ()
    return
  }
}

module attributes {stable_mosaic.version = 14 : i64} {
  func.func @_loss_body(%arg0: i32, %arg1: memref<1024x128xf32, #tpu.memory_space<vmem>>, %arg2: memref<1024x4xf32, #tpu.memory_space<vmem>>) attributes {dimension_semantics = [#tpu.dimension_semantics<arbitrary>], iteration_bounds = array<i64: 4>, scalar_prefetch = 0 : i64, scratch_operands = 0 : i64, tpu.core_type = #tpu.core_type<tc>, window_params = [{transform_indices = @transform_0, window_bounds = array<i64: 1024, 128>}, {transform_indices = @transform_1, window_bounds = array<i64: 1024, 4>}]} {
    %get3A = arith.constant 0 : index
    %get3A_0 = arith.constant 0 : index
    %get3A_1 = vector.load %arg1[%get3A, %get3A_0] : memref<1024x128xf32, #tpu.memory_space<vmem>>, vector<1024x128xf32>
    %neg3A = arith.constant 0.000000e+00 : f32
    %neg3A_2 = vector.broadcast %neg3A : f32 to vector<1024x128xf32>
    %neg3A_3 = arith.subf %neg3A_2, %get3A_1 : vector<1024x128xf32>
    %custom_jvp_call3A = arith.constant 0.000000e+00 : f32
    %max3A = vector.broadcast %custom_jvp_call3A : f32 to vector<1024x128xf32>
    %max3A_4 = arith.maximumf %neg3A_3, %max3A : vector<1024x128xf32>
    %sub3A = vector.broadcast %custom_jvp_call3A : f32 to vector<1024x128xf32>
    %sub3A_5 = arith.subf %neg3A_3, %sub3A : vector<1024x128xf32>
    %ne3A = arith.cmpf one, %sub3A_5, %sub3A_5 : vector<1024x128xf32>
    %add3A = vector.broadcast %custom_jvp_call3A : f32 to vector<1024x128xf32>
    %add3A_6 = arith.addf %neg3A_3, %add3A : vector<1024x128xf32>
    %abs3A = math.absf %sub3A_5 : vector<1024x128xf32>
    %neg3A_7 = arith.constant 0.000000e+00 : f32
    %neg3A_8 = vector.broadcast %neg3A_7 : f32 to vector<1024x128xf32>
    %neg3A_9 = arith.subf %neg3A_8, %abs3A : vector<1024x128xf32>
    %exp3A = math.exp %neg3A_9 : vector<1024x128xf32>
    %log1p3A = math.log1p %exp3A : vector<1024x128xf32>
    %add3A_10 = arith.addf %max3A_4, %log1p3A : vector<1024x128xf32>
    %select_n3A = arith.select %ne3A, %add3A_6, %add3A_10 : vector<1024x128xi1>, vector<1024x128xf32>
    %neg3A_11 = arith.constant 0.000000e+00 : f32
    %neg3A_12 = vector.broadcast %neg3A_11 : f32 to vector<1024x128xf32>
    %neg3A_13 = arith.subf %neg3A_12, %select_n3A : vector<1024x128xf32>
    %iota3A = tpu.iota {dimensions = array<i32: 0>} : vector<128x4xi32>
    %iota3A_14 = tpu.iota {dimensions = array<i32: 1>} : vector<128x4xi32>
    %jit3A = arith.constant 32 : i32
    %div3A = vector.broadcast %jit3A : i32 to vector<128x4xi32>
    %div3A_15 = arith.divsi %iota3A, %div3A : vector<128x4xi32>
    %sign3A = arith.constant 0 : i32
    %sign3A_16 = vector.broadcast %sign3A : i32 to vector<128x4xi32>
    %sign3A_17 = arith.cmpi sgt, %iota3A, %sign3A_16 : vector<128x4xi32>
    %sign3A_18 = arith.extui %sign3A_17 : vector<128x4xi1> to vector<128x4xi32>
    %sign3A_19 = arith.constant 0 : i32
    %sign3A_20 = vector.broadcast %sign3A_19 : i32 to vector<128x4xi32>
    %sign3A_21 = arith.cmpi slt, %iota3A, %sign3A_20 : vector<128x4xi32>
    %sign3A_22 = arith.extui %sign3A_21 : vector<128x4xi1> to vector<128x4xi32>
    %sign3A_23 = arith.subi %sign3A_18, %sign3A_22 : vector<128x4xi32>
    %sign3A_24 = arith.constant 0 : i32
    %sign3A_25 = arith.cmpi sgt, %jit3A, %sign3A_24 : i32
    %sign3A_26 = arith.extui %sign3A_25 : i1 to i32
    %sign3A_27 = arith.constant 0 : i32
    %sign3A_28 = arith.cmpi slt, %jit3A, %sign3A_27 : i32
    %sign3A_29 = arith.extui %sign3A_28 : i1 to i32
    %sign3A_30 = arith.subi %sign3A_26, %sign3A_29 : i32
    %ne3A_31 = vector.broadcast %sign3A_30 : i32 to vector<128x4xi32>
    %ne3A_32 = arith.cmpi ne, %sign3A_23, %ne3A_31 : vector<128x4xi32>
    %rem3A = vector.broadcast %jit3A : i32 to vector<128x4xi32>
    %rem3A_33 = arith.remsi %iota3A, %rem3A : vector<128x4xi32>
    %ne3A_34 = arith.constant 0 : i32
    %ne3A_35 = vector.broadcast %ne3A_34 : i32 to vector<128x4xi32>
    %ne3A_36 = arith.cmpi ne, %rem3A_33, %ne3A_35 : vector<128x4xi32>
    %and3A = arith.andi %ne3A_32, %ne3A_36 : vector<128x4xi1>
    %sub3A_37 = arith.constant 1 : i32
    %sub3A_38 = vector.broadcast %sub3A_37 : i32 to vector<128x4xi32>
    %sub3A_39 = arith.subi %div3A_15, %sub3A_38 : vector<128x4xi32>
    %select_n3A_40 = arith.select %and3A, %sub3A_39, %div3A_15 : vector<128x4xi1>, vector<128x4xi32>
    %eq3A = arith.cmpi eq, %select_n3A_40, %iota3A_14 : vector<128x4xi32>
    %convert_element_type3A = arith.extui %eq3A : vector<128x4xi1> to vector<128x4xi32>
    %convert_element_type3A_41 = arith.sitofp %convert_element_type3A : vector<128x4xi32> to vector<128x4xf32>
    %dot_general3A = arith.constant dense<0.000000e+00> : vector<1024x4xf32>
    %dot_general3A_42 = tpu.matmul %neg3A_13, %convert_element_type3A_41, %dot_general3A {dimension_numbers = #tpu.dot_dimension_numbers<[1], [0], [0], [1], [0, 0, 1, 1], [], []>, precision = #tpu.contract_precision<fp32>, transpose_lhs_hint = false} : vector<1024x128xf32>, vector<128x4xf32>, vector<1024x4xf32> -> vector<1024x4xf32>
    %neg3A_43 = arith.constant 0.000000e+00 : f32
    %neg3A_44 = vector.broadcast %neg3A_43 : f32 to vector<1024x4xf32>
    %neg3A_45 = arith.subf %neg3A_44, %dot_general3A_42 : vector<1024x4xf32>
    %swap3A = arith.constant 0 : index
    %swap3A_46 = arith.constant 0 : index
    %swap3A_47 = vector.load %arg2[%swap3A, %swap3A_46] : memref<1024x4xf32, #tpu.memory_space<vmem>>, vector<1024x4xf32>
    tpu.vector_store %arg2[%swap3A, %swap3A_46], %neg3A_45 {strides = array<i32>} : memref<1024x4xf32, #tpu.memory_space<vmem>>, vector<1024x4xf32>,
    return
  }
  func.func @transform_0(%arg0: i32) -> (i32, i32) {
    %c0_i32 = arith.constant 0 : i32
    %c0_i32_0 = arith.constant 0 : i32
    return %arg0, %c0_i32 : i32, i32
  }
  func.func @transform_1(%arg0: i32) -> (i32, i32) {
    %c0_i32 = arith.constant 0 : i32
    %c0_i32_0 = arith.constant 0 : i32
    return %arg0, %c0_i32 : i32, i32
  }
}

</mosaic_0001>

<sc_bundles>
// kernel: kernel.4.cloned.1.call-start
scs
__scs_entry_jumppad:
0x0: {  	(pc) =	sbr.rel $0x88, $3  }
0x1: {  	(tag) =	ssettag $0x0;
	lr =	simm.s32 $0x1  }
0x2: {  	[smem:$0x3F9C] =	sst lr;
	_ =	strace $0xD0000000  }
0x3: {  	_ = 	snop  }
0x4: {  	_ = 	snop  }
0x5: {  	_ = 	snop  }
0x6: {  	_ = 	snop  }
0x7: {  	_ = 	snop  }
__scs_overlays_trampoline_lowered:
0x8: {  	[smem:$0x3FAB] =	sst s0  }
0x9: {  	[smem:$0x3FAC] =	sst s1  }
0xa: {  	[smem:$0x3FAD] =	sst s2  }
0xb: {  	[smem:$0x3FAE] =	sst s3  }
0xc: {  	[smem:$0x3FAF] =	sst s4  }
0xd: {  	[smem:$0x3FB0] =	sst s5  }
0xe: {  	[smem:$0x3FB1] =	sst s6  }
0xf: {  	[smem:$0x3FB2] =	sst s7  }
0x10: {  	[smem:$0x3FB3] =	sst s8  }
0x11: {  	[smem:$0x3FB4] =	sst s9;
	s0 =	simm.s32 @!p0 $0x0  }
0x12: {  	s1 =	sld [smem:$0x3F9A];
	s0 =	simm.s32 @p0 $0x1  }
0x13: {  	[smem:$0x3FB5] =	sst s0;
	s0 =	simm.s32 @!p1 $0x0  }
0x14: {  	s2 =	sld [smem:$0x3F99];
	s0 =	simm.s32 @p1 $0x1  }
0x15: {  	[smem:$0x3FB6] =	sst s0;
	s0 =	simm.s32 @!p2 $0x0  }
0x16: {  	s3 =	sld [smem:$0x3FDB];
	s0 =	simm.s32 @p2 $0x1  }
0x17: {  	s4 =	simm.s32 $0x1BF5;
	[smem:$0x3FB8] =	sst s0  }
0x18: {  	s0 =	sld [smem:$0x3F9B];
	_ =	swait.ge [sflag:s4], $0x0  }
0x19: {  	s7 =	sld [smem:$0x3F9C]  }
0x1a: {  	s8 =	sadd.s32 $0xFFFFE003, lr  }
0x1b: {  	s9 =	sadd.s32 $0xFFFFFEF7, lr;
	s5 =	simm.s32 $0xFFFFFFFF;
	p2 =	slt.u32 s8, $0xFFFFF086  }
0x1c: {  	p1 =	slt.u32 s9, $0xF7A;
	s5 =	simm.s32 @!p2 $0x0  }
0x1d: {  	s5 =	simm.s32 @p1 $0x1;
	p0 =	seq.s32 s7, s2  }
0x1e: {  	s7 =	smul.u32 @!p0 $0xF7A, s2;
	p2 =	seq.s32 @!p0 s5, $0x0  }
0x1f: {  	s9 =	smul.u32 $0xF7A, s1;
	s8 =	simm.s32 @!p0 $0x1BF5;
	p2 =	por !p2, p0  }
0x20: {  	[sflag:s8] =	ssyncset.s32 @!p0 $0xFFFFF086;
	s6 =	sadd.s32 @!p0 s3, s7;
	s7 =	simm.s32 @!p0 $0x108  }
0x21: {  	s3 =	sadd.s32 s3, s9;
	s6 =	sadd.s32 @!p0 $0x88, s6;
	s7 =	simm.s32 @p2 $0x1082  }
0x22: {  	[simem:s7], [sflag:s8] =	dma.local @!p0 [hbm:s6], $0xF7A  }
0x23: {  	s9 =	sor.u32 $0xD0000000, s2;
	s6 =	simm.s32 $0x108;
	_ =	swait.ge @!p0 [sflag:s8], $0x0  }
0x24: {  	s3 =	sadd.s32 $0x88, s3;
	s6 =	simm.s32 @!p1 $0x1082;
	[sflag:s4] =	ssyncset.s32 $0xFFFFF086  }
0x25: {  	[simem:s6], [sflag:s4] =	dma.local [hbm:s3], $0xF7A  }
0x26: {  	[smem:$0x3F9C] =	sst s1;
	(tag) =	ssettag s2;
	_ =	strace s9  }
0x27: {  	s1 =	sld [smem:$0x3FAC]  }
0x28: {  	s2 =	sld [smem:$0x3FAD]  }
0x29: {  	s4 =	sld [smem:$0x3FAF]  }
0x2a: {  	p0 =	seq.s32 s5, $0x0;
	s5 =	sld [smem:$0x3FB0]  }
0x2b: {  	s6 =	sld [smem:$0x3FB1]  }
0x2c: {  	s7 =	sld [smem:$0x3FB2]  }
0x2d: {  	s3 =	simm.s32 $0x108;
	s8 =	sld [smem:$0x3FB3]  }
0x2e: {  	s3 =	simm.s32 @!p0 $0x1082;
	s9 =	sld [smem:$0x3FB4]  }
0x2f: {  	lr =	sadd.s32 s0, s3;
	s0 =	sld [smem:$0x3FAB]  }
0x30: {  	s3 =	sld [smem:$0x3FAE]  }
0x31: {  	[smem:$0x3FB7] =	sst s10  }
0x32: {  	s10 =	sld [smem:$0x3FB5];
	_ =	sdelay $0x3  }
0x33: {  	p0 =	seq.s32 s10, $0x1;
	s10 =	sld [smem:$0x3FB7];
	_ =	sdelay $0x3  }
0x34: {  	[smem:$0x3FB7] =	sst s10  }
0x35: {  	s10 =	sld [smem:$0x3FB6];
	_ =	sdelay $0x3  }
0x36: {  	p1 =	seq.s32 s10, $0x1;
	s10 =	sld [smem:$0x3FB7];
	_ =	sdelay $0x3  }
0x37: {  	[smem:$0x3FB7] =	sst s10  }
0x38: {  	s10 =	sld [smem:$0x3FB8]  }
0x39: {  	_ = 	snop;
	(pc) =	sbr.ind lr, $3  }
0x3a: {  	_ = 	snop  }
0x3b: {  	_ = 	snop  }
0x3c: {  	p2 =	seq.s32 s10, $0x1;
	s10 =	sld [smem:$0x3FB7]  }
0x3d: {  	_ =	shalt  }
0x3e: {  	_ =	shalt  }
0x3f: {  	_ =	shalt  }
0x40: {  	_ =	shalt  }
0x41: {  	_ =	shalt  }
0x42: {  	_ =	shalt  }
0x43: {  	_ =	shalt  }
0x44: {  	_ =	shalt  }
0x45: {  	_ =	shalt  }
0x46: {  	_ =	shalt  }
0x47: {  	_ =	shalt  }
0x48: {  	_ =	shalt  }
0x49: {  	_ =	shalt  }
0x4a: {  	_ =	shalt  }
0x4b: {  	_ =	shalt  }
0x4c: {  	_ =	shalt  }
0x4d: {  	_ =	shalt  }
0x4e: {  	_ =	shalt  }
0x4f: {  	_ =	shalt  }
0x50: {  	_ =	shalt  }
0x51: {  	_ =	shalt  }
0x52: {  	_ =	shalt  }
0x53: {  	_ =	shalt  }
0x54: {  	_ =	shalt  }
0x55: {  	_ =	shalt  }
0x56: {  	_ =	shalt  }
0x57: {  	_ =	shalt  }
0x58: {  	_ =	shalt  }
0x59: {  	_ =	shalt  }
0x5a: {  	_ =	shalt  }
0x5b: {  	_ =	shalt  }
0x5c: {  	_ =	shalt  }
0x5d: {  	_ =	shalt  }
0x5e: {  	_ =	shalt  }
0x5f: {  	_ =	shalt  }
0x60: {  	_ =	shalt  }
0x61: {  	_ =	shalt  }
0x62: {  	_ =	shalt  }
0x63: {  	_ =	shalt  }
0x64: {  	_ =	shalt  }
0x65: {  	_ =	shalt  }
0x66: {  	_ =	shalt  }
0x67: {  	_ =	shalt  }
0x68: {  	_ =	shalt  }
0x69: {  	_ =	shalt  }
0x6a: {  	_ =	shalt  }
0x6b: {  	_ =	shalt  }
0x6c: {  	_ =	shalt  }
0x6d: {  	_ =	shalt  }
0x6e: {  	_ =	shalt  }
0x6f: {  	_ =	shalt  }
0x70: {  	_ =	shalt  }
0x71: {  	_ =	shalt  }
0x72: {  	_ =	shalt  }
0x73: {  	_ =	shalt  }
0x74: {  	_ =	shalt  }
0x75: {  	_ =	shalt  }
0x76: {  	_ =	shalt  }
0x77: {  	_ =	shalt  }
0x78: {  	_ =	shalt  }
0x79: {  	_ =	shalt  }
0x7a: {  	_ =	shalt  }
0x7b: {  	_ =	shalt  }
0x7c: {  	_ =	shalt  }
0x7d: {  	_ =	shalt  }
0x7e: {  	_ =	shalt  }
0x7f: {  	_ =	shalt  }
0x80: {  	_ =	shalt  }
0x81: {  	_ =	shalt  }
0x82: {  	_ =	shalt  }
0x83: {  	_ =	shalt  }
0x84: {  	_ =	shalt  }
0x85: {  	_ =	shalt  }
0x86: {  	_ =	shalt  }
0x87: {  	_ =	shalt  }
.Lfunc_end0:
.L_simem_size_0:
called_computation_lowered:
.L_overlay_start_0:
0x88: {  	s2 =	sld [smem:$0x3FD9]  }
0x89: {  	s3 =	sld [smem:$0x3FFE];
	_ =	sdelay $0x1  }
0x8a: {  	s1 =	srdreg.scid  }
0x8b: {  	s0 =	sand.u32 $0x1, s1  }
0x8c: {  	s16 =	sshll.u32 s0, $0xA;
	s2 =	sadd.s32 s3, s2  }
0x8d: {  	s2 =	sadd.s32 s2, s16  }
0x8e: {  	[smem:$0x3FC3] =	sst s2  }
0x8f: {  	_ = 	snop  }
0x90: {  	(tm) =	ssettm $0x1  }
0x91: {  	s17 =	sld [smem:$0x3FFB];
	_ =	sdelay $0x3  }
0x92: {  	_ =	strace s17  }
0x93: {  	s2 =	sld [smem:$0x3FFC];
	_ =	sdelay $0x3  }
0x94: {  	_ =	strace s2  }
0x95: {  	s2 =	sld [smem:$0x3FFD];
	_ =	sdelay $0x3  }
0x96: {  	_ =	strace s2  }
0x97: {  	_ =	strace $0x8FFFFFFF  }
0x98: {  	s18 =	sld [smem:$0x3FDB];
	_ =	sdelay $0x1  }
0x99: {  	s19 =	simm.s32 $_scs_section_size  }
0x9a: {  	s4 =	simm.s32 $_size__tile_overlayer_lowered;
	s5 =	simm.s32 $_tile_overlayer_lowered  }
0x9b: {  	s22 =	simm.s32 $0x1BFF;
	s21 =	sshll.u32 s5, $0x1;
	s2 =	sadd.s32 s19, s18  }
0x9c: {  	s6 =	simm.s32 $0x0;
	s20 =	sshll.u32 s4, $0x1;
	s4 =	sadd.s32 s21, s2  }
0x9d: {  	[timem:s6], [sflag:s22] =	dma.local [hbm:s4], s20  }
0x9e: {  	_ =	swait.ge [sflag:s22], s20  }
0x9f: {  	s3 =	ssub.s32 $0x0, s20;
	[sflag:s22] =	ssyncset.done $0x0  }
0xa0: {  	[sflag:s22] =	ssyncadd.s32 s3;
	_ =	sdelay $0x1  }
0xa1: {  	s23 =	simm.s32 $0x1B8B  }
0xa2: {  	_ =	swait.ge [sflag:s23], $0x1  }
0xa3: {  	[sflag:s23] =	ssyncset.done $0x0  }
0xa4: {  	s25 =	simm.s32 $0x1B8E;
	s24 =	sld [smem:$0x3FFE];
	[sflag:s23] =	ssyncadd.s32 $0xFFFFFFFF  }
0xa5: {  	s26 =	simm.s32 $execute0_lowered;
	[smem:$0x3FD2] =	sst s25  }
0xa6: {  	s4 =	sshll.u32 s26, $0x1;
	_ =	strace $0x80000046;
	[dreg:$0x1] =	wrdreg $0xFFFFFFFF  }
0xa7: {  	s28 =	simm.s32 $_size_execute0_lowered;
	s2 =	sadd.s32 s2, s4;
	[dreg:$0x0] =	wrdreg $0x0  }
0xa8: {  	s4 =	sshll.u32 s28, $0x1;
	[dreg:$0x2] =	wrdreg s2  }
0xa9: {  	[dreg:$0x3] =	wrdreg s4  }
0xaa: {  	[dreg:$0x4] =	wrdreg $0xC0  }
0xab: {  	_ =	task [dreg:s6], $0x5FFFF  }
0xac: {  	[dreg:$0x1] =	wrdreg $0xFFFFFFFF  }
0xad: {  	[dreg:$0x0] =	wrdreg $0x60  }
0xae: {  	[dreg:$0x2] =	wrdreg s24  }
0xaf: {  	[dreg:$0x3] =	wrdreg $0x9  }
0xb0: {  	_ =	task.clear_ibuf [dreg:s6], $0x4FFFF;
	_ =	strace $0x90000046  }
0xb1: {  	s29 =	simm.s32 $0x9;
	_ =	strace $0x80000048  }
0xb2: {  	_ =	swait.ge [sflag:s29], $0x1  }
0xb3: {  	[sflag:s29] =	ssyncadd.s32 $0xFFFFFFFF  }
0xb4: {  	_ =	strace $0x90000048  }
0xb5: {  	_ =	sfence  }
0xb6: {  	s30 =	sld [smem:$0x0];
	_ =	sdelay $0x2  }
0xb7: {  	s31 =	sshll.u32 s1, $0xD;
	s1 =	sshrl.u32 s1, $0x2  }
0xb8: {  	s3 =	sand.u32 $0x4000, s31;
	s1 =	sadd.s32 s1, s30  }
0xb9: {  	s0 =	sor.u32 s3, s0;
	s1 =	sshll.u32 s1, $0x11  }
0xba: {  	s0 =	sor.u32 s1, s0  }
0xbb: {  	s0 =	sadd.s32 $0x8F2B, s0  }
0xbc: {  	[sflag:s0] =	ssyncadd.remote.s32 $0x1  }
0xbd: {  	_ =	sfence.sel $0xFFFF  }
0xbe: {  	[dreg:$0x0] =	wrdreg $0xFFFFFFFF;
	(pc) =	sbr.abs _section_cstart, $3  }
0xbf: {  	[dreg:$0x1] =	wrdreg $0xFFFFFFFF  }
0xc0: {  	_ =	task.clear_ibuf [dreg:s6], $0x2FFFF;
	_ =	strace $0x9FFFFFFF  }
0xc1: {  	(tm) =	ssettm $0x7FFFFFFF  }
tec
execute0_lowered:
.L_overlay_start_1:
0x0: {  	(tag) =	ssettag $0x1  }
0x1: {  	s0 =	rddreg [dreg:$0x0];
	s1 =	srdreg.scid;
	s7 =	simm.s32 $0x0  }
0x2: {  	s2 =	stileid.u32;
	s9 =	simm.s32 $0x3;
	s10 =	simm.s32 $0x20  }
0x3: {  	s13 =	simm.s32 $0x400;
	s8 =	simm.s32 $0x18800;
	s11 =	simm.s32 $0x6E0  }
0x4: {  	s12 =	simm.s32 $0x19000;
	s14 =	simm.s32 $0x19800;
	s15 =	simm.s32 $0x720  }
0x5: {  	s16 =	simm.s32 $0x1A000;
	s17 =	simm.s32 $0x1;
	s1 =	sand.u32 $0x1, s1  }
0x6: {  	[smem:$0x7FF] =	sst s7;
	s3 =	sshll.u32 s2, $0xC;
	s4 =	sshll.u32 s1, $0xB  }
0x7: {  	s18 =	simm.s32 $0x2;
	_ =	strace $0x80000047;
	s4 =	sor.u32 s4, s3  }
0x8: {  	vm0 =	vmmov $0x1;
	vm1 =	vmmov $0x3;
	s1 =	ssub.s32 $0x2, s1;
	s3 =	sadd.s32 $0x16E4200, s0;
	s6 =	sadd.s32 s4, s0  }
0x9: {  	vm2 =	vmmov $0x7;
	vm3 =	vmmov $0xf;
	v0 =	vlaneseq.u32;
	s5 =	sshrl.u32 s1, $0x1;
	s4 =	sadd.s32 $0xF43000, s0;
	s30 =	sadd.s32 $0xD00, s6  }
0xa: {  	vm4 =	vcmask $0x300;
	vm5 =	vcmask $0x704;
	vm6 =	vcmask $0xB08;
	s29 =	ssub.s32 s1, s5;
	s31 =	sadd.s32 $0x10C00, s6;
	[dreg:$0x4] =	wrdreg s30  }
0xb: {  	vm7 =	vcmask $0xF0C;
	vm8 =	vcmask $0x1310;
	vm9 =	vcmask $0x1714;
	s1 =	simm.s32 $0x0;
	s0 =	smax.u32 s29, $0x1;
	[dreg:$0x5] =	wrdreg s31  }
0xc: {  	vm10 =	vcmask $0x1B18;
	vm11 =	vcmask $0x1F1C;
	vm12 =	vcmask $0x2320;
	s5 =	sadd.s32 $0xC00, s6;
	s6 =	simm.s32 $0x700;
	[dreg:$0x6] =	wrdreg s0  }
.LBB2_1:
0xd: {  	[dreg:$0x7] =	wrdreg s1  }
0xe: {  	[tilespmem:s7], [sflag:$0x3] =	stream.linear.gather [hbm4b:s5+s7], $0x400, $0x38;
	[tilespmem:$0x1E800] =	vst v63  }
0xf: {  	_ =	swait.ge [sflag:s9], $0x400  }
0x10: {  	[sflag:s9] =	ssyncset.done $0x0  }
0x11: {  	s0 =	simm.s32 $0x800;
	[sflag:s9] =	ssyncadd.s32 $0xFFFFFC00  }
0x12: {  	[tilespmem:s0], [sflag:$0x1] =	stream.indirect.gather [hbm4b:s3+s10], $0x40, s7, s10, $0xb8;
	[tilespmem:$0x1E800] =	vst v63  }
0x13: {  	s24 =	simm.s32 $0x1800  }
0x14: {  	[tilespmem:s24], [sflag:$0x1] =	stream.indirect.gather [hbm4b:s4+s10], $0x40, s10, s10, $0xb8;
	[tilespmem:$0x1E800] =	vst v63  }
0x15: {  	s25 =	simm.s32 $0x40;
	s26 =	simm.s32 $0x2000  }
0x16: {  	[tilespmem:s26], [sflag:$0x1] =	stream.indirect.gather [hbm4b:s4+s10], $0x40, s25, s10, $0xb8;
	[tilespmem:$0x1E800] =	vst v63  }
0x17: {  	s28 =	simm.s32 $0x60;
	s29 =	simm.s32 $0x2800  }
0x18: {  	[tilespmem:s29], [sflag:$0x1] =	stream.indirect.gather [hbm4b:s4+s10], $0x40, s28, s10, $0xb8;
	[tilespmem:$0x1E800] =	vst v63  }
0x19: {  	s30 =	simm.s32 $0x80;
	s31 =	simm.s32 $0x3000  }
0x1a: {  	[tilespmem:s31], [sflag:$0x1] =	stream.indirect.gather [hbm4b:s4+s10], $0x40, s30, s10, $0xb8;
	[tilespmem:$0x1E800] =	vst v63  }
0x1b: {  	s2 =	simm.s32 $0xA0;
	s7 =	simm.s32 $0x3800  }
0x1c: {  	[tilespmem:s7], [sflag:$0x1] =	stream.indirect.gather [hbm4b:s4+s10], $0x40, s2, s10, $0xb8;
	[tilespmem:$0x1E800] =	vst v63  }
0x1d: {  	s19 =	simm.s32 $0xC0;
	s20 =	simm.s32 $0x4000  }
0x1e: {  	[tilespmem:s20], [sflag:$0x1] =	stream.indirect.gather [hbm4b:s4+s10], $0x40, s19, s10, $0xb8;
	[tilespmem:$0x1E800] =	vst v63  }
0x1f: {  	s21 =	simm.s32 $0xE0;
	s22 =	simm.s32 $0x4800  }
0x20: {  	[tilespmem:s22], [sflag:$0x1] =	stream.indirect.gather [hbm4b:s4+s10], $0x40, s21, s10, $0xb8;
	[tilespmem:$0x1E800] =	vst v63  }
0x21: {  	s23 =	simm.s32 $0x100;
	s24 =	simm.s32 $0x5000  }
0x22: {  	[tilespmem:s24], [sflag:$0x1] =	stream.indirect.gather [hbm4b:s4+s10], $0x40, s23, s10, $0xb8;
	[tilespmem:$0x1E800] =	vst v63  }
0x23: {  	s25 =	simm.s32 $0x120;
	s26 =	simm.s32 $0x5800  }
0x24: {  	[tilespmem:s26], [sflag:$0x1] =	stream.indirect.gather [hbm4b:s4+s10], $0x40, s25, s10, $0xb8;
	[tilespmem:$0x1E800] =	vst v63  }
0x25: {  	s28 =	simm.s32 $0x140;
	s29 =	simm.s32 $0x6000  }
0x26: {  	[tilespmem:s29], [sflag:$0x1] =	stream.indirect.gather [hbm4b:s4+s10], $0x40, s28, s10, $0xb8;
	[tilespmem:$0x1E800] =	vst v63  }
0x27: {  	s30 =	simm.s32 $0x160;
	s31 =	simm.s32 $0x6800  }
0x28: {  	[tilespmem:s31], [sflag:$0x1] =	stream.indirect.gather [hbm4b:s4+s10], $0x40, s30, s10, $0xb8;
	[tilespmem:$0x1E800] =	vst v63  }
0x29: {  	s2 =	simm.s32 $0x180;
	s7 =	simm.s32 $0x7000  }
0x2a: {  	[tilespmem:s7], [sflag:$0x1] =	stream.indirect.gather [hbm4b:s4+s10], $0x40, s2, s10, $0xb8;
	[tilespmem:$0x1E800] =	vst v63  }
0x2b: {  	s19 =	simm.s32 $0x1A0;
	s20 =	simm.s32 $0x7800  }
0x2c: {  	[tilespmem:s20], [sflag:$0x1] =	stream.indirect.gather [hbm4b:s4+s10], $0x40, s19, s10, $0xb8;
	[tilespmem:$0x1E800] =	vst v63  }
0x2d: {  	s21 =	simm.s32 $0x1C0;
	s22 =	simm.s32 $0x8000  }
0x2e: {  	[tilespmem:s22], [sflag:$0x1] =	stream.indirect.gather [hbm4b:s4+s10], $0x40, s21, s10, $0xb8;
	[tilespmem:$0x1E800] =	vst v63  }
0x2f: {  	s23 =	simm.s32 $0x1E0;
	s24 =	simm.s32 $0x8800  }
0x30: {  	[tilespmem:s24], [sflag:$0x1] =	stream.indirect.gather [hbm4b:s4+s10], $0x40, s23, s10, $0xb8;
	[tilespmem:$0x1E800] =	vst v63  }
0x31: {  	s25 =	simm.s32 $0x200;
	s26 =	simm.s32 $0x9000  }
0x32: {  	[tilespmem:s26], [sflag:$0x1] =	stream.indirect.gather [hbm4b:s4+s10], $0x40, s25, s10, $0xb8;
	[tilespmem:$0x1E800] =	vst v63  }
0x33: {  	s28 =	simm.s32 $0x220;
	s29 =	simm.s32 $0x9800  }
0x34: {  	[tilespmem:s29], [sflag:$0x1] =	stream.indirect.gather [hbm4b:s4+s10], $0x40, s28, s10, $0xb8;
	[tilespmem:$0x1E800] =	vst v63  }
0x35: {  	s30 =	simm.s32 $0x240;
	s31 =	simm.s32 $0xA000  }
0x36: {  	[tilespmem:s31], [sflag:$0x1] =	stream.indirect.gather [hbm4b:s4+s10], $0x40, s30, s10, $0xb8;
	[tilespmem:$0x1E800] =	vst v63  }
0x37: {  	s2 =	simm.s32 $0x260;
	s7 =	simm.s32 $0xA800  }
0x38: {  	[tilespmem:s7], [sflag:$0x1] =	stream.indirect.gather [hbm4b:s4+s10], $0x40, s2, s10, $0xb8;
	[tilespmem:$0x1E800] =	vst v63  }
0x39: {  	s19 =	simm.s32 $0x280;
	s20 =	simm.s32 $0xB000  }
0x3a: {  	[tilespmem:s20], [sflag:$0x1] =	stream.indirect.gather [hbm4b:s4+s10], $0x40, s19, s10, $0xb8;
	[tilespmem:$0x1E800] =	vst v63  }
0x3b: {  	s21 =	simm.s32 $0x2A0;
	s22 =	simm.s32 $0xB800  }
0x3c: {  	[tilespmem:s22], [sflag:$0x1] =	stream.indirect.gather [hbm4b:s4+s10], $0x40, s21, s10, $0xb8;
	[tilespmem:$0x1E800] =	vst v63  }
0x3d: {  	s23 =	simm.s32 $0x2C0;
	s24 =	simm.s32 $0xC000  }
0x3e: {  	[tilespmem:s24], [sflag:$0x1] =	stream.indirect.gather [hbm4b:s4+s10], $0x40, s23, s10, $0xb8;
	[tilespmem:$0x1E800] =	vst v63  }
0x3f: {  	s25 =	simm.s32 $0x2E0;
	s26 =	simm.s32 $0xC800  }
0x40: {  	[tilespmem:s26], [sflag:$0x1] =	stream.indirect.gather [hbm4b:s4+s10], $0x40, s25, s10, $0xb8;
	[tilespmem:$0x1E800] =	vst v63  }
0x41: {  	s28 =	simm.s32 $0x300;
	s29 =	simm.s32 $0xD000  }
0x42: {  	[tilespmem:s29], [sflag:$0x1] =	stream.indirect.gather [hbm4b:s4+s10], $0x40, s28, s10, $0xb8;
	[tilespmem:$0x1E800] =	vst v63  }
0x43: {  	s30 =	simm.s32 $0x320;
	s31 =	simm.s32 $0xD800;
	s19 =	simm.s32 $0x0  }
0x44: {  	[tilespmem:s31], [sflag:$0x1] =	stream.indirect.gather [hbm4b:s4+s10], $0x40, s30, s10, $0xb8;
	[tilespmem:$0x1E800] =	vst v63  }
.LBB2_2:
0x45: {  	s20 =	sshllo.u32 s19, $0x1  }
0x46: {  	s21 =	sshll.u32 s20, $0x7  }
0x47: {  	s22 =	sadd.s32 s21, s5;
	s21 =	simm.s32 $0x0  }
0x48: {  	[tilespmem:s13], [sflag:$0x3] =	stream.linear.gather [hbm4b:s22+s21], $0x400, $0x38;
	[tilespmem:$0x1E800] =	vst v63  }
0x49: {  	_ =	swait.ge [sflag:s9], $0x400  }
0x4a: {  	[sflag:s9] =	ssyncset.done $0x0  }
0x4b: {  	s0 =	simm.s32 $0x1000;
	[sflag:s9] =	ssyncadd.s32 $0xFFFFFC00  }
0x4c: {  	[tilespmem:s0], [sflag:$0x2] =	stream.indirect.gather [hbm4b:s3+s10], $0x40, s13, s10, $0xb8;
	[tilespmem:$0x1E800] =	vst v63  }
0x4d: {  	s24 =	simm.s32 $0x420;
	s1 =	simm.s32 $0xE000  }
0x4e: {  	[tilespmem:s1], [sflag:$0x2] =	stream.indirect.gather [hbm4b:s4+s10], $0x40, s24, s10, $0xb8;
	[tilespmem:$0x1E800] =	vst v63  }
0x4f: {  	s25 =	simm.s32 $0x440;
	s26 =	simm.s32 $0xE800  }
0x50: {  	[tilespmem:s26], [sflag:$0x2] =	stream.indirect.gather [hbm4b:s4+s10], $0x40, s25, s10, $0xb8;
	[tilespmem:$0x1E800] =	vst v63  }
0x51: {  	s28 =	simm.s32 $0x460;
	s29 =	simm.s32 $0xF000  }
0x52: {  	[tilespmem:s29], [sflag:$0x2] =	stream.indirect.gather [hbm4b:s4+s10], $0x40, s28, s10, $0xb8;
	[tilespmem:$0x1E800] =	vst v63  }
0x53: {  	s30 =	simm.s32 $0x480;
	s31 =	simm.s32 $0xF800  }
0x54: {  	[tilespmem:s31], [sflag:$0x2] =	stream.indirect.gather [hbm4b:s4+s10], $0x40, s30, s10, $0xb8;
	[tilespmem:$0x1E800] =	vst v63  }
0x55: {  	s2 =	simm.s32 $0x10000;
	s1 =	simm.s32 $0x4A0  }
0x56: {  	[tilespmem:s2], [sflag:$0x2] =	stream.indirect.gather [hbm4b:s4+s10], $0x40, s1, s10, $0xb8;
	[tilespmem:$0x1E800] =	vst v63  }
0x57: {  	s7 =	simm.s32 $0x4C0;
	s22 =	simm.s32 $0x10800  }
0x58: {  	[tilespmem:s22], [sflag:$0x2] =	stream.indirect.gather [hbm4b:s4+s10], $0x40, s7, s10, $0xb8;
	[tilespmem:$0x1E800] =	vst v63  }
0x59: {  	s23 =	simm.s32 $0x4E0;
	s24 =	simm.s32 $0x11000  }
0x5a: {  	[tilespmem:s24], [sflag:$0x2] =	stream.indirect.gather [hbm4b:s4+s10], $0x40, s23, s10, $0xb8;
	[tilespmem:$0x1E800] =	vst v63  }
0x5b: {  	s25 =	simm.s32 $0x500;
	s26 =	simm.s32 $0x11800  }
0x5c: {  	[tilespmem:s26], [sflag:$0x2] =	stream.indirect.gather [hbm4b:s4+s10], $0x40, s25, s10, $0xb8;
	[tilespmem:$0x1E800] =	vst v63  }
0x5d: {  	s28 =	simm.s32 $0x520;
	s29 =	simm.s32 $0x12000  }
0x5e: {  	[tilespmem:s29], [sflag:$0x2] =	stream.indirect.gather [hbm4b:s4+s10], $0x40, s28, s10, $0xb8;
	[tilespmem:$0x1E800] =	vst v63  }
0x5f: {  	s30 =	simm.s32 $0x540;
	s31 =	simm.s32 $0x12800  }
0x60: {  	[tilespmem:s31], [sflag:$0x2] =	stream.indirect.gather [hbm4b:s4+s10], $0x40, s30, s10, $0xb8;
	[tilespmem:$0x1E800] =	vst v63  }
0x61: {  	s1 =	simm.s32 $0x560;
	s2 =	simm.s32 $0x13000  }
0x62: {  	[tilespmem:s2], [sflag:$0x2] =	stream.indirect.gather [hbm4b:s4+s10], $0x40, s1, s10, $0xb8;
	[tilespmem:$0x1E800] =	vst v63  }
0x63: {  	s7 =	simm.s32 $0x580;
	s22 =	simm.s32 $0x13800  }
0x64: {  	[tilespmem:s22], [sflag:$0x2] =	stream.indirect.gather [hbm4b:s4+s10], $0x40, s7, s10, $0xb8;
	[tilespmem:$0x1E800] =	vst v63  }
0x65: {  	s23 =	simm.s32 $0x5A0;
	s24 =	simm.s32 $0x14000  }
0x66: {  	[tilespmem:s24], [sflag:$0x2] =	stream.indirect.gather [hbm4b:s4+s10], $0x40, s23, s10, $0xb8;
	[tilespmem:$0x1E800] =	vst v63  }
0x67: {  	s25 =	simm.s32 $0x5C0;
	s26 =	simm.s32 $0x14800  }
0x68: {  	[tilespmem:s26], [sflag:$0x2] =	stream.indirect.gather [hbm4b:s4+s10], $0x40, s25, s10, $0xb8;
	[tilespmem:$0x1E800] =	vst v63  }
0x69: {  	s28 =	simm.s32 $0x5E0;
	s29 =	simm.s32 $0x15000  }
0x6a: {  	[tilespmem:s29], [sflag:$0x2] =	stream.indirect.gather [hbm4b:s4+s10], $0x40, s28, s10, $0xb8;
	[tilespmem:$0x1E800] =	vst v63  }
0x6b: {  	s30 =	simm.s32 $0x600;
	s31 =	simm.s32 $0x15800  }
0x6c: {  	[tilespmem:s31], [sflag:$0x2] =	stream.indirect.gather [hbm4b:s4+s10], $0x40, s30, s10, $0xb8;
	[tilespmem:$0x1E800] =	vst v63  }
0x6d: {  	s1 =	simm.s32 $0x620;
	s2 =	simm.s32 $0x16000  }
0x6e: {  	[tilespmem:s2], [sflag:$0x2] =	stream.indirect.gather [hbm4b:s4+s10], $0x40, s1, s10, $0xb8;
	[tilespmem:$0x1E800] =	vst v63  }
0x6f: {  	s7 =	simm.s32 $0x640;
	s22 =	simm.s32 $0x16800  }
0x70: {  	[tilespmem:s22], [sflag:$0x2] =	stream.indirect.gather [hbm4b:s4+s10], $0x40, s7, s10, $0xb8;
	[tilespmem:$0x1E800] =	vst v63  }
0x71: {  	s23 =	simm.s32 $0x660;
	s24 =	simm.s32 $0x17000  }
0x72: {  	[tilespmem:s24], [sflag:$0x2] =	stream.indirect.gather [hbm4b:s4+s10], $0x40, s23, s10, $0xb8;
	[tilespmem:$0x1E800] =	vst v63  }
0x73: {  	s25 =	simm.s32 $0x680;
	s26 =	simm.s32 $0x17800  }
0x74: {  	[tilespmem:s26], [sflag:$0x2] =	stream.indirect.gather [hbm4b:s4+s10], $0x40, s25, s10, $0xb8;
	[tilespmem:$0x1E800] =	vst v63  }
0x75: {  	s28 =	simm.s32 $0x6A0;
	s29 =	simm.s32 $0x18000  }
0x76: {  	[tilespmem:s29], [sflag:$0x2] =	stream.indirect.gather [hbm4b:s4+s10], $0x40, s28, s10, $0xb8;
	[tilespmem:$0x1E800] =	vst v63  }
0x77: {  	s30 =	simm.s32 $0x6C0  }
0x78: {  	[tilespmem:s8], [sflag:$0x2] =	stream.indirect.gather [hbm4b:s4+s10], $0x40, s30, s10, $0xb8;
	[tilespmem:$0x1E800] =	vst v63  }
0x79: {  	_ = 	snop  }
0x7a: {  	[tilespmem:s12], [sflag:$0x2] =	stream.indirect.gather [hbm4b:s4+s10], $0x40, s11, s10, $0xb8;
	[tilespmem:$0x1E800] =	vst v63  }
0x7b: {  	_ = 	snop  }
0x7c: {  	[tilespmem:s14], [sflag:$0x2] =	stream.indirect.gather [hbm4b:s4+s10], $0x40, s6, s10, $0xb8;
	[tilespmem:$0x1E800] =	vst v63  }
0x7d: {  	_ = 	snop  }
0x7e: {  	[tilespmem:s16], [sflag:$0x2] =	stream.indirect.gather [hbm4b:s4+s10], $0x40, s15, s10, $0xb8;
	[tilespmem:$0x1E800] =	vst v63  }
0x7f: {  	_ =	swait.ge [sflag:s17], $0x800  }
0x80: {  	[sflag:s17] =	ssyncset.done $0x0  }
0x81: {  	[sflag:s17] =	ssyncadd.s32 $0xFFFFF800  }
0x82: {  	_ =	swait.ge [sflag:s17], $0x800  }
0x83: {  	[sflag:s17] =	ssyncset.done $0x0  }
0x84: {  	[sflag:s17] =	ssyncadd.s32 $0xFFFFF800  }
0x85: {  	_ =	swait.ge [sflag:s17], $0x800  }
0x86: {  	[sflag:s17] =	ssyncset.done $0x0  }
0x87: {  	[sflag:s17] =	ssyncadd.s32 $0xFFFFF800  }
0x88: {  	_ =	swait.ge [sflag:s17], $0x800  }
0x89: {  	[sflag:s17] =	ssyncset.done $0x0  }
0x8a: {  	[sflag:s17] =	ssyncadd.s32 $0xFFFFF800  }
0x8b: {  	_ =	swait.ge [sflag:s17], $0x800  }
0x8c: {  	[sflag:s17] =	ssyncset.done $0x0  }
0x8d: {  	[sflag:s17] =	ssyncadd.s32 $0xFFFFF800  }
0x8e: {  	_ =	swait.ge [sflag:s17], $0x800  }
0x8f: {  	[sflag:s17] =	ssyncset.done $0x0  }
0x90: {  	[sflag:s17] =	ssyncadd.s32 $0xFFFFF800  }
0x91: {  	_ =	swait.ge [sflag:s17], $0x800  }
0x92: {  	[sflag:s17] =	ssyncset.done $0x0  }
0x93: {  	[sflag:s17] =	ssyncadd.s32 $0xFFFFF800  }
0x94: {  	_ =	swait.ge [sflag:s17], $0x800  }
0x95: {  	[sflag:s17] =	ssyncset.done $0x0  }
0x96: {  	[sflag:s17] =	ssyncadd.s32 $0xFFFFF800  }
0x97: {  	_ =	swait.ge [sflag:s17], $0x800  }
0x98: {  	[sflag:s17] =	ssyncset.done $0x0  }
0x99: {  	[sflag:s17] =	ssyncadd.s32 $0xFFFFF800  }
0x9a: {  	_ =	swait.ge [sflag:s17], $0x800  }
0x9b: {  	[sflag:s17] =	ssyncset.done $0x0  }
0x9c: {  	[sflag:s17] =	ssyncadd.s32 $0xFFFFF800  }
0x9d: {  	_ =	swait.ge [sflag:s17], $0x800  }
0x9e: {  	[sflag:s17] =	ssyncset.done $0x0  }
0x9f: {  	[sflag:s17] =	ssyncadd.s32 $0xFFFFF800  }
0xa0: {  	_ =	swait.ge [sflag:s17], $0x800  }
0xa1: {  	[sflag:s17] =	ssyncset.done $0x0  }
0xa2: {  	[sflag:s17] =	ssyncadd.s32 $0xFFFFF800  }
0xa3: {  	_ =	swait.ge [sflag:s17], $0x800  }
0xa4: {  	[sflag:s17] =	ssyncset.done $0x0  }
0xa5: {  	[sflag:s17] =	ssyncadd.s32 $0xFFFFF800  }
0xa6: {  	_ =	swait.ge [sflag:s17], $0x800  }
0xa7: {  	[sflag:s17] =	ssyncset.done $0x0  }
0xa8: {  	[sflag:s17] =	ssyncadd.s32 $0xFFFFF800  }
0xa9: {  	_ =	swait.ge [sflag:s17], $0x800  }
0xaa: {  	[sflag:s17] =	ssyncset.done $0x0  }
0xab: {  	[sflag:s17] =	ssyncadd.s32 $0xFFFFF800  }
0xac: {  	_ =	swait.ge [sflag:s17], $0x800  }
0xad: {  	[sflag:s17] =	ssyncset.done $0x0  }
0xae: {  	[sflag:s17] =	ssyncadd.s32 $0xFFFFF800  }
0xaf: {  	_ =	swait.ge [sflag:s17], $0x800  }
0xb0: {  	[sflag:s17] =	ssyncset.done $0x0  }
0xb1: {  	[sflag:s17] =	ssyncadd.s32 $0xFFFFF800  }
0xb2: {  	_ =	swait.ge [sflag:s17], $0x800  }
0xb3: {  	[sflag:s17] =	ssyncset.done $0x0  }
0xb4: {  	[sflag:s17] =	ssyncadd.s32 $0xFFFFF800  }
0xb5: {  	_ =	swait.ge [sflag:s17], $0x800  }
0xb6: {  	[sflag:s17] =	ssyncset.done $0x0  }
0xb7: {  	[sflag:s17] =	ssyncadd.s32 $0xFFFFF800  }
0xb8: {  	_ =	swait.ge [sflag:s17], $0x800  }
0xb9: {  	[sflag:s17] =	ssyncset.done $0x0  }
0xba: {  	[sflag:s17] =	ssyncadd.s32 $0xFFFFF800  }
0xbb: {  	_ =	swait.ge [sflag:s17], $0x800  }
0xbc: {  	[sflag:s17] =	ssyncset.done $0x0  }
0xbd: {  	[sflag:s17] =	ssyncadd.s32 $0xFFFFF800  }
0xbe: {  	_ =	swait.ge [sflag:s17], $0x800  }
0xbf: {  	[sflag:s17] =	ssyncset.done $0x0  }
0xc0: {  	[sflag:s17] =	ssyncadd.s32 $0xFFFFF800  }
0xc1: {  	_ =	swait.ge [sflag:s17], $0x800  }
0xc2: {  	[sflag:s17] =	ssyncset.done $0x0  }
0xc3: {  	[sflag:s17] =	ssyncadd.s32 $0xFFFFF800  }
0xc4: {  	_ =	swait.ge [sflag:s17], $0x800  }
0xc5: {  	[sflag:s17] =	ssyncset.done $0x0  }
0xc6: {  	[sflag:s17] =	ssyncadd.s32 $0xFFFFF800  }
0xc7: {  	_ =	swait.ge [sflag:s17], $0x800  }
0xc8: {  	[sflag:s17] =	ssyncset.done $0x0  }
0xc9: {  	s31 =	sshll.u32 s19, $0xB;
	[sflag:s17] =	ssyncadd.s32 $0xFFFFF800  }
0xca: {  	s22 =	sand.u32 $0x3FFFF800, s31;
	_ =	swait.ge [sflag:s17], $0x800  }
0xcb: {  	s22 =	sadd.s32 $0x1A800, s22;
	[sflag:s17] =	ssyncset.done $0x0  }
0xcc: {  	[dreg:$0x2] =	wrdreg s22;
	s22 =	simm.s32 $0x0;
	[sflag:s17] =	ssyncadd.s32 $0xFFFFF800  }
.LBB2_3:
0xcd: {  	s23 =	sshra.s32 s22, $0x2  }
0xce: {  	v3 =	vld [tilespmem:s23+$0x800]  }
0xcf: {  	v4 =	vld [tilespmem:s23+$0x810]  }
0xd0: {  	v2 =	vld [tilespmem:s23+$0x820]  }
0xd1: {  	v1 =	vld [tilespmem:s23+$0x830]  }
0xd2: {  	v5 =	vld [tilespmem:s23+$0x1800]  }
0xd3: {  	v6 =	vld [tilespmem:s23+$0x1810]  }
0xd4: {  	v7 =	vld [tilespmem:s23+$0x1820]  }
0xd5: {  	v8 =	vld [tilespmem:s23+$0x1830]  }
0xd6: {  	v9 =	vld [tilespmem:s23+$0x2000]  }
0xd7: {  	v10 =	vld [tilespmem:s23+$0x2010]  }
0xd8: {  	v11 =	vld [tilespmem:s23+$0x2020]  }
0xd9: {  	v12 =	vld [tilespmem:s23+$0x2030]  }
0xda: {  	v13 =	vld [tilespmem:s23+$0x2800]  }
0xdb: {  	v14 =	vld [tilespmem:s23+$0x2810]  }
0xdc: {  	v15 =	vld [tilespmem:s23+$0x2820]  }
0xdd: {  	v16 =	vld [tilespmem:s23+$0x2830]  }
0xde: {  	v17 =	vld [tilespmem:s23+$0x3000]  }
0xdf: {  	v18 =	vld [tilespmem:s23+$0x3010]  }
0xe0: {  	v19 =	vld [tilespmem:s23+$0x3020]  }
0xe1: {  	v20 =	vld [tilespmem:s23+$0x3030]  }
0xe2: {  	v21 =	vld [tilespmem:s23+$0x3800]  }
0xe3: {  	v22 =	vld [tilespmem:s23+$0x3810]  }
0xe4: {  	v23 =	vld [tilespmem:s23+$0x3820]  }
0xe5: {  	v24 =	vld [tilespmem:s23+$0x3830]  }
0xe6: {  	v25 =	vld [tilespmem:s23+$0x4000]  }
0xe7: {  	v26 =	vld [tilespmem:s23+$0x4010]  }
0xe8: {  	v27 =	vld [tilespmem:s23+$0x4020]  }
0xe9: {  	v28 =	vld [tilespmem:s23+$0x4030]  }
0xea: {  	v29 =	vld [tilespmem:s23+$0x4800]  }
0xeb: {  	v30 =	vld [tilespmem:s23+$0x4810]  }
0xec: {  	v31 =	vld [tilespmem:s23+$0x4820]  }
0xed: {  	v32 =	vld [tilespmem:s23+$0x4830]  }
0xee: {  	v33 =	vld [tilespmem:s23+$0x5000]  }
0xef: {  	v34 =	vld [tilespmem:s23+$0x5010]  }
0xf0: {  	v35 =	vld [tilespmem:s23+$0x5020]  }
0xf1: {  	v36 =	vld [tilespmem:s23+$0x5030]  }
0xf2: {  	v37 =	vld [tilespmem:s23+$0x5800]  }
0xf3: {  	v38 =	vld [tilespmem:s23+$0x5810]  }
0xf4: {  	v39 =	vld [tilespmem:s23+$0x5820]  }
0xf5: {  	v40 =	vld [tilespmem:s23+$0x5830]  }
0xf6: {  	v41 =	vld [tilespmem:s23+$0x6010]  }
0xf7: {  	v48 =	vmul.f32 v7, v2;
	v7 =	vld [tilespmem:s23+$0x6000]  }
0xf8: {  	v50 =	vmul.f32 v14, v4;
	v14 =	vld [tilespmem:s23+$0x6020]  }
0xf9: {  	v51 =	vmul.f32 v11, v2;
	v11 =	vld [tilespmem:s23+$0x6030]  }
0xfa: {  	v52 =	vmul.f32 v15, v2;
	v15 =	vld [tilespmem:s23+$0x6800]  }
0xfb: {  	v54 =	vmul.f32 v18, v4;
	v18 =	vld [tilespmem:s23+$0x6810]  }
0xfc: {  	v49 =	vmul.f32 v13, v3;
	v13 =	vld [tilespmem:s23+$0x6820]  }
0xfd: {  	v55 =	vmul.f32 v16, v1;
	v16 =	vld [tilespmem:s23+$0x6830]  }
0xfe: {  	v56 =	vmul.f32 v19, v2;
	v19 =	vld [tilespmem:s23+$0x7000]  }
0xff: {  	v5 =	vmul.f32 v5, v3;
	v58 =	vmul.f32 v22, v4;
	v22 =	vld [tilespmem:s23+$0x7010]  }
0x100: {  	v6 =	vmul.f32 v6, v4;
	v61 =	vmul.f32 v23, v2;
	v23 =	vld [tilespmem:s23+$0x7020]  }
0x101: {  	v9 =	vmul.f32 v9, v3;
	v59 =	vmul.f32 v25, v3;
	v25 =	vld [tilespmem:s23+$0x7030]  }
0x102: {  	v10 =	vmul.f32 v10, v4;
	v62 =	vmul.f32 v27, v2;
	v27 =	vld [tilespmem:s23+$0x7800]  }
0x103: {  	v8 =	vmul.f32 v8, v1;
	v57 =	vmul.f32 v21, v3;
	v21 =	vld [tilespmem:s23+$0x7810]  }
0x104: {  	v12 =	vmul.f32 v12, v1;
	v60 =	vmul.f32 v26, v4;
	v26 =	vld [tilespmem:s23+$0x7820]  }
0x105: {  	v53 =	vmul.f32 v17, v3;
	v63 =	vmul.f32 v29, v3;
	v29 =	vld [tilespmem:s23+$0x7830]  }
0x106: {  	v20 =	vmul.f32 v20, v1;
	v42 =	vmul.f32 v30, v4;
	v30 =	vld [tilespmem:s23+$0x8000]  }
0x107: {  	v24 =	vmul.f32 v24, v1;
	v44 =	vmul.f32 v31, v2;
	v31 =	vld [tilespmem:s23+$0x8010]  }
0x108: {  	v43 =	vmul.f32 v28, v1;
	v45 =	vmul.f32 v33, v3;
	v28 =	vld [tilespmem:s23+$0x8030];
	v5 =	vadd.f32 v6, v5  }
0x109: {  	v46 =	vmul.f32 v34, v4;
	v33 =	vld [tilespmem:s23+$0x9030];
	v9 =	vadd.f32 v10, v9;
	v6 =	vadd.f32 v50, v49  }
0x10a: {  	v34 =	vld [tilespmem:s23+$0x9800];
	v10 =	vadd.f32 v54, v53;
	v17 =	vadd.f32 v42, v63;
	v49 =	vmul.f32 v38, v4  }
0x10b: {  	v50 =	vmul.f32 v32, v1;
	v53 =	vmul.f32 v39, v2;
	v32 =	vld [tilespmem:s23+$0x8020];
	v5 =	vadd.f32 v48, v5  }
0x10c: {  	v63 =	vld [tilespmem:s23+$0x9010];
	v9 =	vadd.f32 v51, v9;
	v48 =	vmul.f32 v37, v3;
	v51 =	vmul.f32 v35, v2  }
0x10d: {  	v38 =	vld [tilespmem:s23+$0x9830];
	v6 =	vadd.f32 v52, v6;
	v52 =	vmul.f32 v36, v1;
	v7 =	vmul.f32 v7, v3  }
0x10e: {  	v42 =	vld [tilespmem:s23+$0xB820];
	v15 =	vmul.f32 v15, v3;
	v18 =	vmul.f32 v18, v4  }
0x10f: {  	v47 =	vadd.f32 v44, v17;
	v44 =	vld [tilespmem:s23+$0x9810];
	v19 =	vmul.f32 v19, v3;
	v22 =	vmul.f32 v22, v4  }
0x110: {  	v10 =	vadd.f32 v56, v10;
	v36 =	vld [tilespmem:s23+$0x9820];
	v13 =	vmul.f32 v13, v2;
	v16 =	vmul.f32 v16, v1  }
0x111: {  	v5 =	vadd.f32 v8, v5;
	v8 =	vadd.f32 v58, v57;
	v58 =	vmul.f32 v14, v2;
	v14 =	vld [tilespmem:s23+$0x8820]  }
0x112: {  	v21 =	vmul.f32 v21, v4;
	v29 =	vmul.f32 v29, v1;
	v17 =	vadd.f32 v49, v48;
	v49 =	vld [tilespmem:s23+$0xA010]  }
0x113: {  	v9 =	vadd.f32 v12, v9;
	v6 =	vadd.f32 v55, v6;
	v55 =	vmul.f32 v41, v4;
	v41 =	vld [tilespmem:s23+$0xA020]  }
0x114: {  	v12 =	vadd.f32 v60, v59;
	v10 =	vadd.f32 v20, v10;
	v57 =	vmul.f32 v40, v1;
	v40 =	vld [tilespmem:s23+$0xD810]  }
0x115: {  	v28 =	vmul.f32 v28, v1;
	v20 =	vadd.f32 v46, v45;
	v15 =	vadd.f32 v18, v15;
	v18 =	vld [tilespmem:s23+$0xA030]  }
0x116: {  	v33 =	vmul.f32 v33, v1;
	v19 =	vadd.f32 v22, v19;
	v56 =	vadd.f32 v53, v17;
	v17 =	vld [tilespmem:s23+$0x8800]  }
0x117: {  	v8 =	vadd.f32 v61, v8;
	v12 =	vadd.f32 v62, v12;
	v61 =	vmul.f32 v11, v1;
	v11 =	vld [tilespmem:s23+$0x9000]  }
0x118: {  	(xrf2) =	vadd.scan.msk.f32 $0xffff, v5;
	v54 =	vadd.f32 v51, v20;
	v5 =	vadd.f32 v50, v47;
	v47 =	vld [tilespmem:s23+$0xA000];
	v51 =	vmul.f32 v23, v2  }
0x119: {  	v7 =	vadd.f32 v55, v7;
	v23 =	vld [tilespmem:s23+$0xA800];
	v53 =	vmul.f32 v27, v3;
	v55 =	vmul.f32 v26, v2  }
0x11a: {  	v27 =	vld [tilespmem:s23+$0xA810];
	v20 =	vmul.f32 v63, v4;
	(xrf2) =	vadd.scan.msk.f32 $0xffff, v9;
	v13 =	vadd.f32 v13, v15;
	v8 =	vadd.f32 v24, v8  }
0x11b: {  	v63 =	vld [tilespmem:s23+$0xB810];
	v44 =	vmul.f32 v44, v4;
	v12 =	vadd.f32 v43, v12;
	(xrf2) =	vadd.scan.msk.f32 $0xffff, v6;
	v6 =	vadd.f32 v52, v54  }
0x11c: {  	v59 =	vadd.f32 v57, v56;
	v60 =	vadd.f32 v58, v7;
	v24 =	vld [tilespmem:s23+$0x9020];
	v54 =	vmul.f32 v25, v1  }
0x11d: {  	v19 =	vadd.f32 v51, v19;
	v25 =	vld [tilespmem:s23+$0xA820];
	v56 =	vmul.f32 v30, v3;
	v57 =	vmul.f32 v31, v4;
	(xrf2) =	vadd.scan.msk.f32 $0xffff, v10  }
0x11e: {  	v15 =	vadd.f32 v21, v53;
	v21 =	vld [tilespmem:s23+$0xA830];
	v43 =	vmul.f32 v34, v3;
	v51 =	vmul.f32 v38, v1;
	(xrf2) =	vadd.scan.msk.f32 $0xffff, v8  }
0x11f: {  	v58 =	vld [tilespmem:s23+$0xB000];
	v13 =	vadd.f32 v16, v13;
	v14 =	vmul.f32 v14, v2;
	v62 =	vadd.f32 v61, v60;
	(xrf2) =	vadd.scan.msk.f32 $0xffff, v12  }
0x120: {  	v19 =	vadd.f32 v54, v19;
	v22 =	vadd.f32 v57, v56;
	v61 =	vmul.f32 v32, v2;
	v12 =	vld [tilespmem:s23+$0x8810]  }
0x121: {  	v15 =	vadd.f32 v55, v15;
	v60 =	vld [tilespmem:s23+$0xB010];
	v18 =	vmul.f32 v18, v1;
	v11 =	vmul.f32 v11, v3;
	(xrf2) =	vadd.scan.msk.f32 $0xffff, v5  }
0x122: {  	v31 =	vld [tilespmem:s23+$0xB020];
	v23 =	vmul.f32 v23, v3;
	v27 =	vmul.f32 v27, v4;
	v22 =	vadd.f32 v61, v22;
	(xrf2) =	vadd.scan.msk.f32 $0xffff, v6  }
0x123: {  	v10 =	vld [tilespmem:s23+$0x8830];
	v15 =	vadd.f32 v29, v15;
	v37 =	vmul.f32 v24, v2;
	v25 =	vmul.f32 v25, v2;
	(xrf2) =	vadd.scan.msk.f32 $0xffff, v59  }
0x124: {  	v11 =	vadd.f32 v20, v11;
	v57 =	vmul.f32 v58, v3;
	v61 =	vmul.f32 v21, v1;
	(xrf2) =	vadd.scan.msk.f32 $0xffff, v62;
	v62 =	vld [tilespmem:s23+$0xB800];
	v7, _, _ =	vpop (xrf2)  }
0x125: {  	v53 =	vld [tilespmem:s23+$0xC020];
	v23 =	vadd.f32 v27, v23;
	v59 =	vmul.f32 v17, v3;
	v12 =	vmul.f32 v12, v4;
	v8, _, _ =	vpop (xrf2)  }
0x126: {  	v16 =	vld [tilespmem:s23+$0xB030];
	v22 =	vadd.f32 v28, v22;
	v11 =	vadd.f32 v37, v11;
	v17 =	vmul.f32 v60, v4;
	v9, _, _ =	vpop (xrf2)  }
0x127: {  	v54 =	vld [tilespmem:s23+$0xC030];
	v24 =	vmul.f32 v42, v2;
	v23 =	vadd.f32 v25, v23;
	v12 =	vadd.f32 v12, v59;
	v6, _, _ =	vpop (xrf2)  }
0x128: {  	v55 =	vld [tilespmem:s23+$0xC800];
	v10 =	vmul.f32 v10, v1;
	v11 =	vadd.f32 v33, v11;
	v17 =	vadd.f32 v17, v57;
	v5, _, _ =	vpop (xrf2)  }
0x129: {  	v56 =	vld [tilespmem:s23+$0xC810];
	(xrf2) =	vadd.scan.msk.f32 $0xffff, v13;
	v13 =	vadd.f32 v61, v23;
	v12 =	vadd.f32 v14, v12;
	v59 =	vmul.f32 v62, v3;
	v45, _, _ =	vpop (xrf2)  }
0x12a: {  	v60 =	vld [tilespmem:s23+$0xC830];
	v14 =	vmul.f32 v63, v4;
	v62 =	vmul.f32 v31, v2;
	(v2sf) =	vpush v45, $0xF  }
0x12b: {  	v42 =	vmul.f32 v53, v2;
	v33 =	vld [tilespmem:s23+$0xD010];
	v10 =	vadd.f32 v10, v12;
	v12 =	vadd.f32 v44, v43  }
0x12c: {  	v16 =	vmul.f32 v16, v1;
	v63 =	vld [tilespmem:s23+$0xD000];
	v46, _, _ =	vpop (xrf2);
	v14 =	vadd.f32 v14, v59;
	v17 =	vadd.f32 v62, v17  }
0x12d: {  	v45 =	vld [tilespmem:s23+$0xB830];
	(v2sf) =	vpush v46, $0xF;
	v48, _, _ =	vpop (xrf2);
	v46 =	vmul.f32 v47, v3;
	v47 =	vmul.f32 v49, v4  }
0x12e: {  	v43 =	vld [tilespmem:s23+$0xD020];
	v49 =	vmul.f32 v36, v2;
	(v2sf) =	vpush v48, $0xF;
	v50, _, _ =	vpop (xrf2);
	v14 =	vadd.f32 v24, v14  }
0x12f: {  	v59 =	vmul.f32 v60, v1;
	v48 =	vld [tilespmem:s23+$0xC000];
	(v2sf) =	vpush v50, $0xF;
	v20 =	vadd.f32 v47, v46  }
0x130: {  	(xrf2) =	vadd.scan.msk.f32 $0xffff, v19;
	v50 =	vld [tilespmem:s23+$0xC010];
	v12 =	vadd.f32 v49, v12;
	v46 =	vmul.f32 v56, v4;
	v49 =	vmul.f32 v54, v1  }
0x131: {  	v38 =	vld [tilespmem:s23+$0xD800];
	v16 =	vadd.f32 v16, v17;
	v52, _, _ =	vpop (xrf2);
	v53 =	vmul.f32 v63, v3;
	v54 =	vmul.f32 v33, v4  }
0x132: {  	v58 =	vld [tilespmem:s23+$0xC820];
	(xrf2) =	vadd.scan.msk.f32 $0xffff, v15;
	(v2sf) =	vpush v52, $0xF;
	v52 =	vmul.f32 v41, v2;
	v12 =	vadd.f32 v51, v12  }
0x133: {  	(xrf2) =	vadd.scan.msk.f32 $0xffff, v22;
	v47 =	vld [tilespmem:s23+$0xD820];
	v39 =	vmul.f32 v45, v1;
	v45 =	vmul.f32 v55, v3;
	v56 =	vadd.f32 v54, v53  }
0x134: {  	(xrf2) =	vadd.scan.msk.f32 $0xffff, v10;
	v51 =	vld [tilespmem:s23+$0xD030];
	v57 =	vmul.f32 v43, v2;
	v20 =	vadd.f32 v52, v20;
	v34 =	vmul.f32 v48, v3  }
0x135: {  	(xrf2) =	vadd.scan.msk.f32 $0xffff, v11;
	v55 =	vld [tilespmem:s23+$0xD830];
	v44 =	vadd.f32 v39, v14;
	v52 =	vadd.f32 v46, v45;
	v36 =	vmul.f32 v50, v4  }
0x136: {  	(xrf2) =	vadd.scan.msk.f32 $0xffff, v12;
	v3 =	vmul.f32 v38, v3;
	v18 =	vadd.f32 v18, v20;
	v4 =	vmul.f32 v40, v4  }
0x137: {  	v60 =	vadd.f32 v57, v56;
	v50 =	vmul.f32 v58, v2;
	v58, _, _ =	vpop (xrf2);
	v41 =	vadd.f32 v36, v34  }
0x138: {  	v2 =	vmul.f32 v47, v2;
	(v2sf) =	vpush v58, $0xF;
	(xrf2) =	vadd.scan.msk.f32 $0xffff, v18;
	v3 =	vadd.f32 v4, v3  }
0x139: {  	v12 =	vadd.f32 v50, v52;
	(xrf2) =	vadd.scan.msk.f32 $0xffff, v13;
	v48 =	vadd.f32 v42, v41  }
0x13a: {  	v62, _, _ =	vpop (xrf2);
	v61 =	vmul.f32 v51, v1;
	v1 =	vmul.f32 v55, v1;
	(xrf2) =	vadd.scan.msk.f32 $0xffff, v16;
	v2 =	vadd.f32 v2, v3  }
0x13b: {  	(v2sf) =	vpush v62, $0xF;
	(xrf2) =	vadd.scan.msk.f32 $0xffff, v44;
	v11 =	vadd.f32 v49, v48  }
0x13c: {  	v63 =	vadd.f32 v59, v12;
	v3, _, _ =	vpop (xrf2);
	v1 =	vadd.f32 v1, v2  }
0x13d: {  	v4 =	vadd.f32 v61, v60;
	(v2sf) =	vpush v3, $0xF;
	v3, _, _ =	vpop (xrf2);
	(xrf2) =	vadd.scan.msk.f32 $0xffff, v11  }
0x13e: {  	(v2sf) =	vpush v3, $0xF;
	v2, _, _ =	vpop (xrf2);
	(xrf2) =	vadd.scan.msk.f32 $0xffff, v63  }
0x13f: {  	(v2sf) =	vpush v2, $0xF;
	v2, _, _ =	vpop (xrf2);
	(xrf2) =	vadd.scan.msk.f32 $0xffff, v4  }
0x140: {  	(v2sf) =	vpush v2, $0xF;
	(xrf2) =	vadd.scan.msk.f32 $0xffff, v1;
	v1, _, _ =	vpop (xrf2)  }
0x141: {  	(v2sf) =	vpush v1, $0xF  }
0x142: {  	v2, _, _ =	vpop (xrf2)  }
0x143: {  	v1, _, _ =	vpop (xrf2);
	(v2sf) =	vpush v2, $0xF  }
0x144: {  	v2, _, _ =	vpop (xrf2);
	(v2sf) =	vpush v1, $0xF  }
0x145: {  	s24 =	spop (v2sf);
	v1, _, _ =	vpop (xrf2);
	(v2sf) =	vpush v2, $0xF  }
0x146: {  	s23 =	ssub.f32 $0.0e+00, s24;
	s24 =	spop (v2sf);
	(v2sf) =	vpush v1, $0xF  }
0x147: {  	s25 =	spop (v2sf);
	v2, _, _ =	vpop (xrf2)  }
0x148: {  	s24 =	ssub.f32 $0.0e+00, s24;
	s26 =	spop (v2sf);
	(v2sf) =	vpush v2, $0xF;
	v1, _, _ =	vpop (xrf2)  }
0x149: {  	s25 =	ssub.f32 $0.0e+00, s25;
	s28 =	spop (v2sf);
	v2, _, _ =	vpop (xrf2);
	(v2sf) =	vpush v1, $0xF  }
0x14a: {  	s26 =	ssub.f32 $0.0e+00, s26;
	s29 =	spop (v2sf);
	(v2sf) =	vpush v2, $0xF  }
0x14b: {  	s28 =	ssub.f32 $0.0e+00, s28;
	s30 =	spop (v2sf);
	v1, _, _ =	vpop (xrf2)  }
0x14c: {  	s29 =	ssub.f32 $0.0e+00, s29;
	v2 =	vbroadcast v8, $0xF;
	(v2sf) =	vpush v1, $0xF;
	v1 =	vbroadcast v7, $0xF;
	s31 =	spop (v2sf)  }
0x14d: {  	v3 =	vbroadcast v9, $0xF;
	s30 =	ssub.f32 $0.0e+00, s30;
	s0 =	spop (v2sf)  }
0x14e: {  	s31 =	ssub.f32 $0.0e+00, s31;
	v1 =	vsel vm0, v1, v2;
	v2 =	vbroadcast v6, $0xF;
	s1 =	spop (v2sf)  }
0x14f: {  	s0 =	ssub.f32 $0.0e+00, s0;
	v1 =	vsel vm1, v1, v3;
	v3 =	vbroadcast v5, $0xF;
	s2 =	spop (v2sf)  }
0x150: {  	s1 =	ssub.f32 $0.0e+00, s1;
	v1 =	vsel vm2, v1, v2;
	s7 =	spop (v2sf)  }
0x151: {  	vm13 =	veq.s32 v0, $0x5;
	v1 =	vsel vm3, v1, v3;
	s7 =	ssub.f32 $0.0e+00, s7  }
0x152: {  	s2 =	ssub.f32 $0.0e+00, s2;
	v1 =	vsel vm13, s23, v1;
	s23 =	spop (v2sf);
	vm13 =	veq.s32 v0, $0x6  }
0x153: {  	v1 =	vsel vm13, s24, v1;
	s24 =	spop (v2sf);
	vm13 =	veq.s32 v0, $0x7;
	s23 =	ssub.f32 $0.0e+00, s23;
	v2 =	vmov s7  }
0x154: {  	v1 =	vsel vm13, s25, v1;
	s25 =	spop (v2sf);
	vm13 =	veq.s32 v0, $0x8;
	s24 =	ssub.f32 $0.0e+00, s24;
	v2 =	vnsel vm4, $0x41F00000, v2  }
0x155: {  	v1 =	vsel vm13, s26, v1;
	s26 =	spop (v2sf);
	s7 =	ssub.f32 $0.0e+00, s25;
	v2 =	vsel vm5, s23, v2  }
0x156: {  	vm13 =	veq.s32 v0, $0x9;
	s25 =	ssub.f32 $0.0e+00, s26;
	v2 =	vsel vm6, s24, v2  }
0x157: {  	v1 =	vsel vm13, s28, v1;
	vm13 =	veq.s32 v0, $0xA;
	s28 =	spop (v2sf);
	v2 =	vsel vm7, s7, v2;
	s7 =	rddreg [dreg:$0x2]  }
0x158: {  	v1 =	vsel vm13, s29, v1;
	vm13 =	veq.s32 v0, $0xB;
	s23 =	ssub.f32 $0.0e+00, s28;
	s29 =	spop (v2sf)  }
0x159: {  	v1 =	vsel vm13, s30, v1;
	vm13 =	veq.s32 v0, $0xC;
	s30 =	spop (v2sf);
	s24 =	ssub.f32 $0.0e+00, s29  }
0x15a: {  	p0 =	sne.s32 s22, $0x1F00;
	v1 =	vsel vm13, s31, v1;
	vm13 =	veq.s32 v0, $0xD;
	v2 =	vsel vm8, s25, v2;
	s31 =	ssub.f32 $0.0e+00, s30  }
.Ltmp0:
0x15b: {  	s28 =	sand.u32 $0x380, s21;
	v1 =	vsel vm13, s0, v1;
	vm13 =	veq.s32 v0, $0xE;
	s26 =	spop (v2sf);
	v2 =	vsel vm9, s23, v2;
	(pc) =	sbr.rel @p0 .LBB2_3-.Ltmp0, $4  }
0x15c: {  	s7 =	sadd.s32 s28, s7;
	v1 =	vsel vm13, s1, v1;
	vm13 =	veq.s32 v0, $0xF;
	s30 =	sand.u32 $0x60, s21;
	s29 =	ssub.f32 $0.0e+00, s26;
	v2 =	vsel vm10, s24, v2  }
0x15d: {  	v1 =	vsel vm13, s2, v1;
	v2 =	vsel vm11, s31, v2;
	s31 =	sadd.s32 s30, s7  }
0x15e: {  	v2 =	vsel vm12, s29, v2;
	[tilespmem:s31+$0x0] =	vst v1  }
0x15f: {  	s22 =	sadd.s32 $0x100, s22;
	s21 =	sadd.s32 $0x20, s21;
	[tilespmem:s31+$0x10] =	vst v2  }
0x160: {  	p0 =	seq.s32 s19, $0x7  }
.Ltmp1:
0x161: {  	_ = 	snop;
	(pc) =	sbr.rel @p0 .LBB2_6-.Ltmp1, $1  }
0x162: {  	_ =	sdelay $0x3  }
0x163: {  	s0 =	sshll.u32 s19, $0x8;
	s1 =	rddreg [dreg:$0x4]  }
0x164: {  	s30 =	simm.s32 $0x0;
	s0 =	sadd.s32 s0, s1  }
0x165: {  	[tilespmem:s30], [sflag:$0x3] =	stream.linear.gather [hbm4b:s0+s30], $0x400, $0x38;
	[tilespmem:$0x1E800] =	vst v63  }
0x166: {  	_ =	swait.ge [sflag:s9], $0x400  }
0x167: {  	[sflag:s9] =	ssyncset.done $0x0  }
0x168: {  	s31 =	simm.s32 $0x800;
	[sflag:s9] =	ssyncadd.s32 $0xFFFFFC00  }
0x169: {  	[tilespmem:s31], [sflag:$0x1] =	stream.indirect.gather [hbm4b:s3+s10], $0x40, s30, s10, $0xb8;
	[tilespmem:$0x1E800] =	vst v63  }
0x16a: {  	s1 =	simm.s32 $0x1800  }
0x16b: {  	[tilespmem:s1], [sflag:$0x1] =	stream.indirect.gather [hbm4b:s4+s10], $0x40, s10, s10, $0xb8;
	[tilespmem:$0x1E800] =	vst v63  }
0x16c: {  	s2 =	simm.s32 $0x40;
	s7 =	simm.s32 $0x2000  }
0x16d: {  	[tilespmem:s7], [sflag:$0x1] =	stream.indirect.gather [hbm4b:s4+s10], $0x40, s2, s10, $0xb8;
	[tilespmem:$0x1E800] =	vst v63  }
0x16e: {  	s21 =	simm.s32 $0x60;
	s22 =	simm.s32 $0x2800  }
0x16f: {  	[tilespmem:s22], [sflag:$0x1] =	stream.indirect.gather [hbm4b:s4+s10], $0x40, s21, s10, $0xb8;
	[tilespmem:$0x1E800] =	vst v63  }
0x170: {  	s23 =	simm.s32 $0x80;
	s24 =	simm.s32 $0x3000  }
0x171: {  	[tilespmem:s24], [sflag:$0x1] =	stream.indirect.gather [hbm4b:s4+s10], $0x40, s23, s10, $0xb8;
	[tilespmem:$0x1E800] =	vst v63  }
0x172: {  	s25 =	simm.s32 $0xA0;
	s26 =	simm.s32 $0x3800  }
0x173: {  	[tilespmem:s26], [sflag:$0x1] =	stream.indirect.gather [hbm4b:s4+s10], $0x40, s25, s10, $0xb8;
	[tilespmem:$0x1E800] =	vst v63  }
0x174: {  	s28 =	simm.s32 $0xC0;
	s29 =	simm.s32 $0x4000  }
0x175: {  	[tilespmem:s29], [sflag:$0x1] =	stream.indirect.gather [hbm4b:s4+s10], $0x40, s28, s10, $0xb8;
	[tilespmem:$0x1E800] =	vst v63  }
0x176: {  	s30 =	simm.s32 $0xE0;
	s31 =	simm.s32 $0x4800  }
0x177: {  	[tilespmem:s31], [sflag:$0x1] =	stream.indirect.gather [hbm4b:s4+s10], $0x40, s30, s10, $0xb8;
	[tilespmem:$0x1E800] =	vst v63  }
0x178: {  	s2 =	simm.s32 $0x100;
	s7 =	simm.s32 $0x5000  }
0x179: {  	[tilespmem:s7], [sflag:$0x1] =	stream.indirect.gather [hbm4b:s4+s10], $0x40, s2, s10, $0xb8;
	[tilespmem:$0x1E800] =	vst v63  }
0x17a: {  	s21 =	simm.s32 $0x120;
	s22 =	simm.s32 $0x5800  }
0x17b: {  	[tilespmem:s22], [sflag:$0x1] =	stream.indirect.gather [hbm4b:s4+s10], $0x40, s21, s10, $0xb8;
	[tilespmem:$0x1E800] =	vst v63  }
0x17c: {  	s23 =	simm.s32 $0x140;
	s24 =	simm.s32 $0x6000  }
0x17d: {  	[tilespmem:s24], [sflag:$0x1] =	stream.indirect.gather [hbm4b:s4+s10], $0x40, s23, s10, $0xb8;
	[tilespmem:$0x1E800] =	vst v63  }
0x17e: {  	s25 =	simm.s32 $0x160;
	s26 =	simm.s32 $0x6800  }
0x17f: {  	[tilespmem:s26], [sflag:$0x1] =	stream.indirect.gather [hbm4b:s4+s10], $0x40, s25, s10, $0xb8;
	[tilespmem:$0x1E800] =	vst v63  }
0x180: {  	s28 =	simm.s32 $0x180;
	s29 =	simm.s32 $0x7000  }
0x181: {  	[tilespmem:s29], [sflag:$0x1] =	stream.indirect.gather [hbm4b:s4+s10], $0x40, s28, s10, $0xb8;
	[tilespmem:$0x1E800] =	vst v63  }
0x182: {  	s30 =	simm.s32 $0x1A0;
	s31 =	simm.s32 $0x7800  }
0x183: {  	[tilespmem:s31], [sflag:$0x1] =	stream.indirect.gather [hbm4b:s4+s10], $0x40, s30, s10, $0xb8;
	[tilespmem:$0x1E800] =	vst v63  }
0x184: {  	s2 =	simm.s32 $0x1C0;
	s7 =	simm.s32 $0x8000  }
0x185: {  	[tilespmem:s7], [sflag:$0x1] =	stream.indirect.gather [hbm4b:s4+s10], $0x40, s2, s10, $0xb8;
	[tilespmem:$0x1E800] =	vst v63  }
0x186: {  	s21 =	simm.s32 $0x1E0;
	s22 =	simm.s32 $0x8800  }
0x187: {  	[tilespmem:s22], [sflag:$0x1] =	stream.indirect.gather [hbm4b:s4+s10], $0x40, s21, s10, $0xb8;
	[tilespmem:$0x1E800] =	vst v63  }
0x188: {  	s23 =	simm.s32 $0x200;
	s24 =	simm.s32 $0x9000  }
0x189: {  	[tilespmem:s24], [sflag:$0x1] =	stream.indirect.gather [hbm4b:s4+s10], $0x40, s23, s10, $0xb8;
	[tilespmem:$0x1E800] =	vst v63  }
0x18a: {  	s25 =	simm.s32 $0x220;
	s26 =	simm.s32 $0x9800  }
0x18b: {  	[tilespmem:s26], [sflag:$0x1] =	stream.indirect.gather [hbm4b:s4+s10], $0x40, s25, s10, $0xb8;
	[tilespmem:$0x1E800] =	vst v63  }
0x18c: {  	s28 =	simm.s32 $0x240;
	s29 =	simm.s32 $0xA000  }
0x18d: {  	[tilespmem:s29], [sflag:$0x1] =	stream.indirect.gather [hbm4b:s4+s10], $0x40, s28, s10, $0xb8;
	[tilespmem:$0x1E800] =	vst v63  }
0x18e: {  	s30 =	simm.s32 $0x260;
	s31 =	simm.s32 $0xA800  }
0x18f: {  	[tilespmem:s31], [sflag:$0x1] =	stream.indirect.gather [hbm4b:s4+s10], $0x40, s30, s10, $0xb8;
	[tilespmem:$0x1E800] =	vst v63  }
0x190: {  	s2 =	simm.s32 $0x280;
	s7 =	simm.s32 $0xB000  }
0x191: {  	[tilespmem:s7], [sflag:$0x1] =	stream.indirect.gather [hbm4b:s4+s10], $0x40, s2, s10, $0xb8;
	[tilespmem:$0x1E800] =	vst v63  }
0x192: {  	s21 =	simm.s32 $0x2A0;
	s22 =	simm.s32 $0xB800  }
0x193: {  	[tilespmem:s22], [sflag:$0x1] =	stream.indirect.gather [hbm4b:s4+s10], $0x40, s21, s10, $0xb8;
	[tilespmem:$0x1E800] =	vst v63  }
0x194: {  	s23 =	simm.s32 $0x2C0;
	s24 =	simm.s32 $0xC000  }
0x195: {  	[tilespmem:s24], [sflag:$0x1] =	stream.indirect.gather [hbm4b:s4+s10], $0x40, s23, s10, $0xb8;
	[tilespmem:$0x1E800] =	vst v63  }
0x196: {  	s25 =	simm.s32 $0x2E0;
	s26 =	simm.s32 $0xC800  }
0x197: {  	[tilespmem:s26], [sflag:$0x1] =	stream.indirect.gather [hbm4b:s4+s10], $0x40, s25, s10, $0xb8;
	[tilespmem:$0x1E800] =	vst v63  }
0x198: {  	s28 =	simm.s32 $0x300;
	s29 =	simm.s32 $0xD000  }
0x199: {  	[tilespmem:s29], [sflag:$0x1] =	stream.indirect.gather [hbm4b:s4+s10], $0x40, s28, s10, $0xb8;
	[tilespmem:$0x1E800] =	vst v63  }
0x19a: {  	s30 =	simm.s32 $0x320;
	s31 =	simm.s32 $0xD800  }
0x19b: {  	[tilespmem:s31], [sflag:$0x1] =	stream.indirect.gather [hbm4b:s4+s10], $0x40, s30, s10, $0xb8;
	[tilespmem:$0x1E800] =	vst v63  }
.LBB2_6:
0x19c: {  	_ =	swait.ge [sflag:s18], $0x800  }
0x19d: {  	[sflag:s18] =	ssyncset.done $0x0  }
0x19e: {  	[sflag:s18] =	ssyncadd.s32 $0xFFFFF800  }
0x19f: {  	_ =	swait.ge [sflag:s18], $0x800  }
0x1a0: {  	[sflag:s18] =	ssyncset.done $0x0  }
0x1a1: {  	[sflag:s18] =	ssyncadd.s32 $0xFFFFF800  }
0x1a2: {  	_ =	swait.ge [sflag:s18], $0x800  }
0x1a3: {  	[sflag:s18] =	ssyncset.done $0x0  }
0x1a4: {  	[sflag:s18] =	ssyncadd.s32 $0xFFFFF800  }
0x1a5: {  	_ =	swait.ge [sflag:s18], $0x800  }
0x1a6: {  	[sflag:s18] =	ssyncset.done $0x0  }
0x1a7: {  	[sflag:s18] =	ssyncadd.s32 $0xFFFFF800  }
0x1a8: {  	_ =	swait.ge [sflag:s18], $0x800  }
0x1a9: {  	[sflag:s18] =	ssyncset.done $0x0  }
0x1aa: {  	[sflag:s18] =	ssyncadd.s32 $0xFFFFF800  }
0x1ab: {  	_ =	swait.ge [sflag:s18], $0x800  }
0x1ac: {  	[sflag:s18] =	ssyncset.done $0x0  }
0x1ad: {  	[sflag:s18] =	ssyncadd.s32 $0xFFFFF800  }
0x1ae: {  	_ =	swait.ge [sflag:s18], $0x800  }
0x1af: {  	[sflag:s18] =	ssyncset.done $0x0  }
0x1b0: {  	[sflag:s18] =	ssyncadd.s32 $0xFFFFF800  }
0x1b1: {  	_ =	swait.ge [sflag:s18], $0x800  }
0x1b2: {  	[sflag:s18] =	ssyncset.done $0x0  }
0x1b3: {  	[sflag:s18] =	ssyncadd.s32 $0xFFFFF800  }
0x1b4: {  	_ =	swait.ge [sflag:s18], $0x800  }
0x1b5: {  	[sflag:s18] =	ssyncset.done $0x0  }
0x1b6: {  	[sflag:s18] =	ssyncadd.s32 $0xFFFFF800  }
0x1b7: {  	_ =	swait.ge [sflag:s18], $0x800  }
0x1b8: {  	[sflag:s18] =	ssyncset.done $0x0  }
0x1b9: {  	[sflag:s18] =	ssyncadd.s32 $0xFFFFF800  }
0x1ba: {  	_ =	swait.ge [sflag:s18], $0x800  }
0x1bb: {  	[sflag:s18] =	ssyncset.done $0x0  }
0x1bc: {  	[sflag:s18] =	ssyncadd.s32 $0xFFFFF800  }
0x1bd: {  	_ =	swait.ge [sflag:s18], $0x800  }
0x1be: {  	[sflag:s18] =	ssyncset.done $0x0  }
0x1bf: {  	[sflag:s18] =	ssyncadd.s32 $0xFFFFF800  }
0x1c0: {  	_ =	swait.ge [sflag:s18], $0x800  }
0x1c1: {  	[sflag:s18] =	ssyncset.done $0x0  }
0x1c2: {  	[sflag:s18] =	ssyncadd.s32 $0xFFFFF800  }
0x1c3: {  	_ =	swait.ge [sflag:s18], $0x800  }
0x1c4: {  	[sflag:s18] =	ssyncset.done $0x0  }
0x1c5: {  	[sflag:s18] =	ssyncadd.s32 $0xFFFFF800  }
0x1c6: {  	_ =	swait.ge [sflag:s18], $0x800  }
0x1c7: {  	[sflag:s18] =	ssyncset.done $0x0  }
0x1c8: {  	[sflag:s18] =	ssyncadd.s32 $0xFFFFF800  }
0x1c9: {  	_ =	swait.ge [sflag:s18], $0x800  }
0x1ca: {  	[sflag:s18] =	ssyncset.done $0x0  }
0x1cb: {  	[sflag:s18] =	ssyncadd.s32 $0xFFFFF800  }
0x1cc: {  	_ =	swait.ge [sflag:s18], $0x800  }
0x1cd: {  	[sflag:s18] =	ssyncset.done $0x0  }
0x1ce: {  	[sflag:s18] =	ssyncadd.s32 $0xFFFFF800  }
0x1cf: {  	_ =	swait.ge [sflag:s18], $0x800  }
0x1d0: {  	[sflag:s18] =	ssyncset.done $0x0  }
0x1d1: {  	[sflag:s18] =	ssyncadd.s32 $0xFFFFF800  }
0x1d2: {  	_ =	swait.ge [sflag:s18], $0x800  }
0x1d3: {  	[sflag:s18] =	ssyncset.done $0x0  }
0x1d4: {  	[sflag:s18] =	ssyncadd.s32 $0xFFFFF800  }
0x1d5: {  	_ =	swait.ge [sflag:s18], $0x800  }
0x1d6: {  	[sflag:s18] =	ssyncset.done $0x0  }
0x1d7: {  	[sflag:s18] =	ssyncadd.s32 $0xFFFFF800  }
0x1d8: {  	_ =	swait.ge [sflag:s18], $0x800  }
0x1d9: {  	[sflag:s18] =	ssyncset.done $0x0  }
0x1da: {  	[sflag:s18] =	ssyncadd.s32 $0xFFFFF800  }
0x1db: {  	_ =	swait.ge [sflag:s18], $0x800  }
0x1dc: {  	[sflag:s18] =	ssyncset.done $0x0  }
0x1dd: {  	[sflag:s18] =	ssyncadd.s32 $0xFFFFF800  }
0x1de: {  	_ =	swait.ge [sflag:s18], $0x800  }
0x1df: {  	[sflag:s18] =	ssyncset.done $0x0  }
0x1e0: {  	[sflag:s18] =	ssyncadd.s32 $0xFFFFF800  }
0x1e1: {  	_ =	swait.ge [sflag:s18], $0x800  }
0x1e2: {  	[sflag:s18] =	ssyncset.done $0x0  }
0x1e3: {  	[sflag:s18] =	ssyncadd.s32 $0xFFFFF800  }
0x1e4: {  	_ =	swait.ge [sflag:s18], $0x800  }
0x1e5: {  	[sflag:s18] =	ssyncset.done $0x0  }
0x1e6: {  	s0 =	sshll.u32 s20, $0xA;
	[sflag:s18] =	ssyncadd.s32 $0xFFFFF800  }
0x1e7: {  	s0 =	sand.u32 $0x3FFFFC00, s0;
	_ =	swait.ge [sflag:s18], $0x800  }
0x1e8: {  	s20 =	simm.s32 $0x0;
	s0 =	sadd.s32 $0x1A800, s0;
	[sflag:s18] =	ssyncset.done $0x0  }
0x1e9: {  	s21 =	simm.s32 $0x0;
	[dreg:$0x3] =	wrdreg s0;
	[sflag:s18] =	ssyncadd.s32 $0xFFFFF800  }
.LBB2_7:
0x1ea: {  	s22 =	sshra.s32 s21, $0x2  }
0x1eb: {  	v3 =	vld [tilespmem:s22+$0x1000]  }
0x1ec: {  	v4 =	vld [tilespmem:s22+$0x1010]  }
0x1ed: {  	v2 =	vld [tilespmem:s22+$0x1020]  }
0x1ee: {  	v1 =	vld [tilespmem:s22+$0x1030]  }
0x1ef: {  	v5 =	vld [tilespmem:s22+$0xE000]  }
0x1f0: {  	v6 =	vld [tilespmem:s22+$0xE010]  }
0x1f1: {  	v7 =	vld [tilespmem:s22+$0xE020]  }
0x1f2: {  	v8 =	vld [tilespmem:s22+$0xE030]  }
0x1f3: {  	v9 =	vld [tilespmem:s22+$0xE800]  }
0x1f4: {  	v10 =	vld [tilespmem:s22+$0xE810]  }
0x1f5: {  	v11 =	vld [tilespmem:s22+$0xE820]  }
0x1f6: {  	v12 =	vld [tilespmem:s22+$0xE830]  }
0x1f7: {  	v13 =	vld [tilespmem:s22+$0xF000]  }
0x1f8: {  	v14 =	vld [tilespmem:s22+$0xF010]  }
0x1f9: {  	v15 =	vld [tilespmem:s22+$0xF020]  }
0x1fa: {  	v16 =	vld [tilespmem:s22+$0xF030]  }
0x1fb: {  	v17 =	vld [tilespmem:s22+$0xF800]  }
0x1fc: {  	v18 =	vld [tilespmem:s22+$0xF810]  }
0x1fd: {  	v19 =	vld [tilespmem:s22+$0xF820]  }
0x1fe: {  	v20 =	vld [tilespmem:s22+$0xF830]  }
0x1ff: {  	v21 =	vld [tilespmem:s22+$0x10000]  }
0x200: {  	v22 =	vld [tilespmem:s22+$0x10010]  }
0x201: {  	v23 =	vld [tilespmem:s22+$0x10020]  }
0x202: {  	v24 =	vld [tilespmem:s22+$0x10030]  }
0x203: {  	v25 =	vld [tilespmem:s22+$0x10800]  }
0x204: {  	v26 =	vld [tilespmem:s22+$0x10810]  }
0x205: {  	v27 =	vld [tilespmem:s22+$0x10820]  }
0x206: {  	v28 =	vld [tilespmem:s22+$0x10830]  }
0x207: {  	v29 =	vld [tilespmem:s22+$0x11000]  }
0x208: {  	v30 =	vld [tilespmem:s22+$0x11010]  }
0x209: {  	v31 =	vld [tilespmem:s22+$0x11020]  }
0x20a: {  	v32 =	vld [tilespmem:s22+$0x11030]  }
0x20b: {  	v33 =	vld [tilespmem:s22+$0x11800]  }
0x20c: {  	v34 =	vld [tilespmem:s22+$0x11810]  }
0x20d: {  	v35 =	vld [tilespmem:s22+$0x11820]  }
0x20e: {  	v36 =	vld [tilespmem:s22+$0x11830]  }
0x20f: {  	v37 =	vld [tilespmem:s22+$0x12000]  }
0x210: {  	v38 =	vld [tilespmem:s22+$0x12010]  }
0x211: {  	v39 =	vld [tilespmem:s22+$0x12020]  }
0x212: {  	v40 =	vld [tilespmem:s22+$0x12030]  }
0x213: {  	v41 =	vld [tilespmem:s22+$0x12810]  }
0x214: {  	v48 =	vmul.f32 v7, v2;
	v7 =	vld [tilespmem:s22+$0x12800]  }
0x215: {  	v50 =	vmul.f32 v14, v4;
	v14 =	vld [tilespmem:s22+$0x12820]  }
0x216: {  	v51 =	vmul.f32 v11, v2;
	v11 =	vld [tilespmem:s22+$0x12830]  }
0x217: {  	v52 =	vmul.f32 v15, v2;
	v15 =	vld [tilespmem:s22+$0x13000]  }
0x218: {  	v54 =	vmul.f32 v18, v4;
	v18 =	vld [tilespmem:s22+$0x13010]  }
0x219: {  	v49 =	vmul.f32 v13, v3;
	v13 =	vld [tilespmem:s22+$0x13020]  }
0x21a: {  	v55 =	vmul.f32 v16, v1;
	v16 =	vld [tilespmem:s22+$0x13030]  }
0x21b: {  	v56 =	vmul.f32 v19, v2;
	v19 =	vld [tilespmem:s22+$0x13800]  }
0x21c: {  	v5 =	vmul.f32 v5, v3;
	v58 =	vmul.f32 v22, v4;
	v22 =	vld [tilespmem:s22+$0x13810]  }
0x21d: {  	v6 =	vmul.f32 v6, v4;
	v61 =	vmul.f32 v23, v2;
	v23 =	vld [tilespmem:s22+$0x13820]  }
0x21e: {  	v9 =	vmul.f32 v9, v3;
	v59 =	vmul.f32 v25, v3;
	v25 =	vld [tilespmem:s22+$0x13830]  }
0x21f: {  	v10 =	vmul.f32 v10, v4;
	v62 =	vmul.f32 v27, v2;
	v27 =	vld [tilespmem:s22+$0x14000]  }
0x220: {  	v8 =	vmul.f32 v8, v1;
	v57 =	vmul.f32 v21, v3;
	v21 =	vld [tilespmem:s22+$0x14010]  }
0x221: {  	v12 =	vmul.f32 v12, v1;
	v60 =	vmul.f32 v26, v4;
	v26 =	vld [tilespmem:s22+$0x14020]  }
0x222: {  	v53 =	vmul.f32 v17, v3;
	v63 =	vmul.f32 v29, v3;
	v29 =	vld [tilespmem:s22+$0x14030]  }
0x223: {  	v20 =	vmul.f32 v20, v1;
	v42 =	vmul.f32 v30, v4;
	v30 =	vld [tilespmem:s22+$0x14800]  }
0x224: {  	v24 =	vmul.f32 v24, v1;
	v44 =	vmul.f32 v31, v2;
	v31 =	vld [tilespmem:s22+$0x14810]  }
0x225: {  	v43 =	vmul.f32 v28, v1;
	v45 =	vmul.f32 v33, v3;
	v28 =	vld [tilespmem:s22+$0x14830];
	v5 =	vadd.f32 v6, v5  }
0x226: {  	v46 =	vmul.f32 v34, v4;
	v33 =	vld [tilespmem:s22+$0x15830];
	v9 =	vadd.f32 v10, v9;
	v6 =	vadd.f32 v50, v49  }
0x227: {  	v34 =	vld [tilespmem:s22+$0x16000];
	v10 =	vadd.f32 v54, v53;
	v17 =	vadd.f32 v42, v63;
	v49 =	vmul.f32 v38, v4  }
0x228: {  	v50 =	vmul.f32 v32, v1;
	v53 =	vmul.f32 v39, v2;
	v32 =	vld [tilespmem:s22+$0x14820];
	v5 =	vadd.f32 v48, v5  }
0x229: {  	v63 =	vld [tilespmem:s22+$0x15810];
	v9 =	vadd.f32 v51, v9;
	v48 =	vmul.f32 v37, v3;
	v51 =	vmul.f32 v35, v2  }
0x22a: {  	v38 =	vld [tilespmem:s22+$0x16030];
	v6 =	vadd.f32 v52, v6;
	v52 =	vmul.f32 v36, v1;
	v7 =	vmul.f32 v7, v3  }
0x22b: {  	v42 =	vld [tilespmem:s22+$0x18020];
	v15 =	vmul.f32 v15, v3;
	v18 =	vmul.f32 v18, v4  }
0x22c: {  	v47 =	vadd.f32 v44, v17;
	v44 =	vld [tilespmem:s22+$0x16010];
	v19 =	vmul.f32 v19, v3;
	v22 =	vmul.f32 v22, v4  }
0x22d: {  	v10 =	vadd.f32 v56, v10;
	v36 =	vld [tilespmem:s22+$0x16020];
	v13 =	vmul.f32 v13, v2;
	v16 =	vmul.f32 v16, v1  }
0x22e: {  	v5 =	vadd.f32 v8, v5;
	v8 =	vadd.f32 v58, v57;
	v58 =	vmul.f32 v14, v2;
	v14 =	vld [tilespmem:s22+$0x15020]  }
0x22f: {  	v21 =	vmul.f32 v21, v4;
	v29 =	vmul.f32 v29, v1;
	v17 =	vadd.f32 v49, v48;
	v49 =	vld [tilespmem:s22+$0x16810]  }
0x230: {  	v9 =	vadd.f32 v12, v9;
	v6 =	vadd.f32 v55, v6;
	v55 =	vmul.f32 v41, v4;
	v41 =	vld [tilespmem:s22+$0x16820]  }
0x231: {  	v12 =	vadd.f32 v60, v59;
	v10 =	vadd.f32 v20, v10;
	v57 =	vmul.f32 v40, v1;
	v40 =	vld [tilespmem:s22+$0x1A010]  }
0x232: {  	v28 =	vmul.f32 v28, v1;
	v20 =	vadd.f32 v46, v45;
	v15 =	vadd.f32 v18, v15;
	v18 =	vld [tilespmem:s22+$0x16830]  }
0x233: {  	v33 =	vmul.f32 v33, v1;
	v19 =	vadd.f32 v22, v19;
	v56 =	vadd.f32 v53, v17;
	v17 =	vld [tilespmem:s22+$0x15000]  }
0x234: {  	v8 =	vadd.f32 v61, v8;
	v12 =	vadd.f32 v62, v12;
	v61 =	vmul.f32 v11, v1;
	v11 =	vld [tilespmem:s22+$0x15800]  }
0x235: {  	(xrf2) =	vadd.scan.msk.f32 $0xffff, v5;
	v54 =	vadd.f32 v51, v20;
	v5 =	vadd.f32 v50, v47;
	v47 =	vld [tilespmem:s22+$0x16800];
	v51 =	vmul.f32 v23, v2  }
0x236: {  	v7 =	vadd.f32 v55, v7;
	v23 =	vld [tilespmem:s22+$0x17000];
	v53 =	vmul.f32 v27, v3;
	v55 =	vmul.f32 v26, v2  }
0x237: {  	v27 =	vld [tilespmem:s22+$0x17010];
	v20 =	vmul.f32 v63, v4;
	(xrf2) =	vadd.scan.msk.f32 $0xffff, v9;
	v13 =	vadd.f32 v13, v15;
	v8 =	vadd.f32 v24, v8  }
0x238: {  	v63 =	vld [tilespmem:s22+$0x18010];
	v44 =	vmul.f32 v44, v4;
	v12 =	vadd.f32 v43, v12;
	(xrf2) =	vadd.scan.msk.f32 $0xffff, v6;
	v6 =	vadd.f32 v52, v54  }
0x239: {  	v59 =	vadd.f32 v57, v56;
	v60 =	vadd.f32 v58, v7;
	v24 =	vld [tilespmem:s22+$0x15820];
	v54 =	vmul.f32 v25, v1  }
0x23a: {  	v19 =	vadd.f32 v51, v19;
	v25 =	vld [tilespmem:s22+$0x17020];
	v56 =	vmul.f32 v30, v3;
	v57 =	vmul.f32 v31, v4;
	(xrf2) =	vadd.scan.msk.f32 $0xffff, v10  }
0x23b: {  	v15 =	vadd.f32 v21, v53;
	v21 =	vld [tilespmem:s22+$0x17030];
	v43 =	vmul.f32 v34, v3;
	v51 =	vmul.f32 v38, v1;
	(xrf2) =	vadd.scan.msk.f32 $0xffff, v8  }
0x23c: {  	v58 =	vld [tilespmem:s22+$0x17800];
	v13 =	vadd.f32 v16, v13;
	v14 =	vmul.f32 v14, v2;
	v62 =	vadd.f32 v61, v60;
	(xrf2) =	vadd.scan.msk.f32 $0xffff, v12  }
0x23d: {  	v19 =	vadd.f32 v54, v19;
	v22 =	vadd.f32 v57, v56;
	v61 =	vmul.f32 v32, v2;
	v12 =	vld [tilespmem:s22+$0x15010]  }
0x23e: {  	v15 =	vadd.f32 v55, v15;
	v60 =	vld [tilespmem:s22+$0x17810];
	v18 =	vmul.f32 v18, v1;
	v11 =	vmul.f32 v11, v3;
	(xrf2) =	vadd.scan.msk.f32 $0xffff, v5  }
0x23f: {  	v31 =	vld [tilespmem:s22+$0x17820];
	v23 =	vmul.f32 v23, v3;
	v27 =	vmul.f32 v27, v4;
	v22 =	vadd.f32 v61, v22;
	(xrf2) =	vadd.scan.msk.f32 $0xffff, v6  }
0x240: {  	v10 =	vld [tilespmem:s22+$0x15030];
	v15 =	vadd.f32 v29, v15;
	v37 =	vmul.f32 v24, v2;
	v25 =	vmul.f32 v25, v2;
	(xrf2) =	vadd.scan.msk.f32 $0xffff, v59  }
0x241: {  	v11 =	vadd.f32 v20, v11;
	v57 =	vmul.f32 v58, v3;
	v61 =	vmul.f32 v21, v1;
	(xrf2) =	vadd.scan.msk.f32 $0xffff, v62;
	v62 =	vld [tilespmem:s22+$0x18000];
	v7, _, _ =	vpop (xrf2)  }
0x242: {  	v53 =	vld [tilespmem:s22+$0x18820];
	v23 =	vadd.f32 v27, v23;
	v59 =	vmul.f32 v17, v3;
	v12 =	vmul.f32 v12, v4;
	v8, _, _ =	vpop (xrf2)  }
0x243: {  	v16 =	vld [tilespmem:s22+$0x17830];
	v22 =	vadd.f32 v28, v22;
	v11 =	vadd.f32 v37, v11;
	v17 =	vmul.f32 v60, v4;
	v9, _, _ =	vpop (xrf2)  }
0x244: {  	v54 =	vld [tilespmem:s22+$0x18830];
	v24 =	vmul.f32 v42, v2;
	v23 =	vadd.f32 v25, v23;
	v12 =	vadd.f32 v12, v59;
	v6, _, _ =	vpop (xrf2)  }
0x245: {  	v55 =	vld [tilespmem:s22+$0x19000];
	v10 =	vmul.f32 v10, v1;
	v11 =	vadd.f32 v33, v11;
	v17 =	vadd.f32 v17, v57;
	v5, _, _ =	vpop (xrf2)  }
0x246: {  	v56 =	vld [tilespmem:s22+$0x19010];
	(xrf2) =	vadd.scan.msk.f32 $0xffff, v13;
	v13 =	vadd.f32 v61, v23;
	v12 =	vadd.f32 v14, v12;
	v59 =	vmul.f32 v62, v3;
	v45, _, _ =	vpop (xrf2)  }
0x247: {  	v60 =	vld [tilespmem:s22+$0x19030];
	v14 =	vmul.f32 v63, v4;
	v62 =	vmul.f32 v31, v2;
	(v2sf) =	vpush v45, $0xF  }
0x248: {  	v42 =	vmul.f32 v53, v2;
	v33 =	vld [tilespmem:s22+$0x19810];
	v10 =	vadd.f32 v10, v12;
	v12 =	vadd.f32 v44, v43  }
0x249: {  	v16 =	vmul.f32 v16, v1;
	v63 =	vld [tilespmem:s22+$0x19800];
	v46, _, _ =	vpop (xrf2);
	v14 =	vadd.f32 v14, v59;
	v17 =	vadd.f32 v62, v17  }
0x24a: {  	v45 =	vld [tilespmem:s22+$0x18030];
	(v2sf) =	vpush v46, $0xF;
	v48, _, _ =	vpop (xrf2);
	v46 =	vmul.f32 v47, v3;
	v47 =	vmul.f32 v49, v4  }
0x24b: {  	v49 =	vmul.f32 v36, v2;
	(v2sf) =	vpush v48, $0xF;
	v50, _, _ =	vpop (xrf2);
	v48 =	vld [tilespmem:s22+$0x18800];
	v14 =	vadd.f32 v24, v14  }
0x24c: {  	v59 =	vmul.f32 v60, v1;
	v16 =	vadd.f32 v16, v17;
	(v2sf) =	vpush v50, $0xF;
	v50 =	vld [tilespmem:s22+$0x18810]  }
0x24d: {  	(xrf2) =	vadd.scan.msk.f32 $0xffff, v19;
	v43 =	vld [tilespmem:s22+$0x19820];
	v52, _, _ =	vpop (xrf2);
	v20 =	vadd.f32 v47, v46;
	v12 =	vadd.f32 v49, v12;
	v46 =	vmul.f32 v56, v4  }
0x24e: {  	v38 =	vld [tilespmem:s22+$0x1A000];
	v49 =	vmul.f32 v54, v1;
	(v2sf) =	vpush v52, $0xF;
	v52 =	vmul.f32 v41, v2  }
0x24f: {  	v58 =	vld [tilespmem:s22+$0x19020];
	(xrf2) =	vadd.scan.msk.f32 $0xffff, v15;
	v53 =	vmul.f32 v63, v3;
	v54 =	vmul.f32 v33, v4;
	v12 =	vadd.f32 v51, v12  }
0x250: {  	(xrf2) =	vadd.scan.msk.f32 $0xffff, v22;
	v47 =	vld [tilespmem:s22+$0x1A020];
	v39 =	vmul.f32 v45, v1;
	v45 =	vmul.f32 v55, v3;
	v20 =	vadd.f32 v52, v20  }
0x251: {  	(xrf2) =	vadd.scan.msk.f32 $0xffff, v10;
	v51 =	vld [tilespmem:s22+$0x19830];
	v56 =	vadd.f32 v54, v53;
	v34 =	vmul.f32 v48, v3;
	v36 =	vmul.f32 v50, v4  }
0x252: {  	(xrf2) =	vadd.scan.msk.f32 $0xffff, v11;
	v55 =	vld [tilespmem:s22+$0x1A030];
	v57 =	vmul.f32 v43, v2;
	v44 =	vadd.f32 v39, v14;
	v18 =	vadd.f32 v18, v20  }
0x253: {  	(xrf2) =	vadd.scan.msk.f32 $0xffff, v12;
	v3 =	vmul.f32 v38, v3;
	v4 =	vmul.f32 v40, v4;
	v41 =	vadd.f32 v36, v34  }
0x254: {  	v52 =	vadd.f32 v46, v45;
	v60 =	vadd.f32 v57, v56;
	v50 =	vmul.f32 v58, v2;
	(xrf2) =	vadd.scan.msk.f32 $0xffff, v18  }
0x255: {  	v2 =	vmul.f32 v47, v2;
	v58, _, _ =	vpop (xrf2);
	v3 =	vadd.f32 v4, v3;
	(xrf2) =	vadd.scan.msk.f32 $0xffff, v13;
	v48 =	vadd.f32 v42, v41  }
0x256: {  	(v2sf) =	vpush v58, $0xF;
	v12 =	vadd.f32 v50, v52;
	v61 =	vmul.f32 v51, v1;
	(xrf2) =	vadd.scan.msk.f32 $0xffff, v16  }
0x257: {  	v62, _, _ =	vpop (xrf2);
	v1 =	vmul.f32 v55, v1;
	v2 =	vadd.f32 v2, v3;
	(xrf2) =	vadd.scan.msk.f32 $0xffff, v44;
	v11 =	vadd.f32 v49, v48  }
0x258: {  	(v2sf) =	vpush v62, $0xF;
	v63 =	vadd.f32 v59, v12  }
0x259: {  	v4 =	vadd.f32 v61, v60;
	v3, _, _ =	vpop (xrf2);
	v1 =	vadd.f32 v1, v2;
	(xrf2) =	vadd.scan.msk.f32 $0xffff, v11  }
0x25a: {  	(v2sf) =	vpush v3, $0xF;
	v3, _, _ =	vpop (xrf2);
	(xrf2) =	vadd.scan.msk.f32 $0xffff, v63  }
0x25b: {  	(v2sf) =	vpush v3, $0xF;
	v2, _, _ =	vpop (xrf2);
	(xrf2) =	vadd.scan.msk.f32 $0xffff, v4  }
0x25c: {  	(v2sf) =	vpush v2, $0xF;
	v2, _, _ =	vpop (xrf2)  }
0x25d: {  	(v2sf) =	vpush v2, $0xF;
	(xrf2) =	vadd.scan.msk.f32 $0xffff, v1;
	v1, _, _ =	vpop (xrf2)  }
0x25e: {  	v2, _, _ =	vpop (xrf2);
	(v2sf) =	vpush v1, $0xF  }
0x25f: {  	v1, _, _ =	vpop (xrf2);
	(v2sf) =	vpush v2, $0xF  }
0x260: {  	v2, _, _ =	vpop (xrf2);
	(v2sf) =	vpush v1, $0xF  }
0x261: {  	v1, _, _ =	vpop (xrf2);
	(v2sf) =	vpush v2, $0xF  }
0x262: {  	s0 =	spop (v2sf);
	(v2sf) =	vpush v1, $0xF  }
0x263: {  	s0 =	ssub.f32 $0.0e+00, s0;
	s1 =	spop (v2sf);
	v2, _, _ =	vpop (xrf2)  }
0x264: {  	s2 =	spop (v2sf);
	s1 =	ssub.f32 $0.0e+00, s1;
	(v2sf) =	vpush v2, $0xF;
	v1, _, _ =	vpop (xrf2)  }
0x265: {  	s2 =	ssub.f32 $0.0e+00, s2;
	s7 =	spop (v2sf);
	v2, _, _ =	vpop (xrf2);
	(v2sf) =	vpush v1, $0xF  }
0x266: {  	s7 =	ssub.f32 $0.0e+00, s7;
	s30 =	spop (v2sf);
	(v2sf) =	vpush v2, $0xF  }
0x267: {  	s22 =	ssub.f32 $0.0e+00, s30;
	s23 =	spop (v2sf);
	v1, _, _ =	vpop (xrf2)  }
0x268: {  	s24 =	spop (v2sf);
	s23 =	ssub.f32 $0.0e+00, s23;
	v2 =	vbroadcast v8, $0xF;
	(v2sf) =	vpush v1, $0xF;
	v1 =	vbroadcast v7, $0xF  }
0x269: {  	v3 =	vbroadcast v9, $0xF;
	s24 =	ssub.f32 $0.0e+00, s24;
	s25 =	spop (v2sf)  }
0x26a: {  	s26 =	spop (v2sf);
	s25 =	ssub.f32 $0.0e+00, s25;
	v1 =	vsel vm0, v1, v2;
	v2 =	vbroadcast v6, $0xF  }
0x26b: {  	s28 =	spop (v2sf);
	s26 =	ssub.f32 $0.0e+00, s26;
	v1 =	vsel vm1, v1, v3;
	v3 =	vbroadcast v5, $0xF  }
0x26c: {  	s29 =	spop (v2sf);
	s28 =	ssub.f32 $0.0e+00, s28;
	v1 =	vsel vm2, v1, v2  }
0x26d: {  	vm13 =	veq.s32 v0, $0x5;
	s29 =	ssub.f32 $0.0e+00, s29;
	s30 =	spop (v2sf);
	v1 =	vsel vm3, v1, v3  }
0x26e: {  	v1 =	vsel vm13, s0, v1;
	s31 =	spop (v2sf);
	vm13 =	veq.s32 v0, $0x6;
	s30 =	ssub.f32 $0.0e+00, s30  }
0x26f: {  	v1 =	vsel vm13, s1, v1;
	s1 =	spop (v2sf);
	vm13 =	veq.s32 v0, $0x7;
	s0 =	ssub.f32 $0.0e+00, s31  }
0x270: {  	v1 =	vsel vm13, s2, v1;
	s31 =	spop (v2sf);
	vm13 =	veq.s32 v0, $0x8;
	s1 =	ssub.f32 $0.0e+00, s1  }
0x271: {  	v2 =	vmov s30;
	v1 =	vsel vm13, s7, v1;
	s30 =	spop (v2sf);
	vm13 =	veq.s32 v0, $0x9;
	s2 =	ssub.f32 $0.0e+00, s31  }
0x272: {  	v2 =	vnsel vm4, $0x41F00000, v2;
	v1 =	vsel vm13, s22, v1;
	vm13 =	veq.s32 v0, $0xA;
	s7 =	ssub.f32 $0.0e+00, s30  }
0x273: {  	v2 =	vsel vm5, s0, v2;
	v1 =	vsel vm13, s23, v1;
	s23 =	rddreg [dreg:$0x3];
	s31 =	spop (v2sf)  }
0x274: {  	vm13 =	veq.s32 v0, $0xB;
	v2 =	vsel vm6, s1, v2;
	s0 =	ssub.f32 $0.0e+00, s31;
	s22 =	spop (v2sf)  }
0x275: {  	v1 =	vsel vm13, s24, v1;
	vm13 =	veq.s32 v0, $0xC;
	v2 =	vsel vm7, s2, v2;
	s24 =	spop (v2sf);
	s1 =	ssub.f32 $0.0e+00, s22  }
0x276: {  	p0 =	sne.s32 s21, $0x1F00;
	v1 =	vsel vm13, s25, v1;
	vm13 =	veq.s32 v0, $0xD;
	v2 =	vsel vm8, s7, v2;
	s25 =	ssub.f32 $0.0e+00, s24  }
.Ltmp2:
0x277: {  	s30 =	sand.u32 $0x380, s20;
	v1 =	vsel vm13, s26, v1;
	vm13 =	veq.s32 v0, $0xE;
	s26 =	spop (v2sf);
	v2 =	vsel vm9, s0, v2;
	(pc) =	sbr.rel @p0 .LBB2_7-.Ltmp2, $4  }
0x278: {  	s31 =	sand.u32 $0x60, s20;
	v1 =	vsel vm13, s28, v1;
	vm13 =	veq.s32 v0, $0xF;
	s0 =	sadd.s32 s30, s23;
	s22 =	ssub.f32 $0.0e+00, s26;
	v2 =	vsel vm10, s1, v2  }
0x279: {  	v1 =	vsel vm13, s29, v1;
	s0 =	sadd.s32 s31, s0;
	v2 =	vsel vm11, s25, v2  }
0x27a: {  	[tilespmem:s0+$0x0] =	vst v1;
	v2 =	vsel vm12, s22, v2  }
0x27b: {  	s21 =	sadd.s32 $0x100, s21;
	s20 =	sadd.s32 $0x20, s20;
	[tilespmem:s0+$0x10] =	vst v2  }
0x27c: {  	s19 =	sadd.s32 $0x1, s19  }
0x27d: {  	p0 =	sne.s32 s19, $0x8  }
.Ltmp3:
0x27e: {  	_ = 	snop;
	(pc) =	sbr.rel @p0 .LBB2_2-.Ltmp3, $1  }
0x27f: {  	_ =	sdelay $0x3  }
0x280: {  	s7 =	simm.s32 $0x0;
	s0 =	rddreg [dreg:$0x5];
	s1 =	simm.s32 $0x1A800  }
0x281: {  	[hbm4b:s0+s7] =	stream.linear.scatter [tilespmem:s1], [sflag:$0x3], $0x4000, $0x38;
	[tilespmem:$0x1E800] =	vst v63  }
0x282: {  	_ =	swait.ge [sflag:s9], $0x4000  }
0x283: {  	s30 =	rddreg [dreg:$0x7]  }
0x284: {  	s31 =	rddreg [dreg:$0x6];
	s1 =	sadd.s32 $0x1, s30  }
0x285: {  	p0 =	sne.s32 s1, s31  }
.Ltmp4:
0x286: {  	_ = 	snop;
	(pc) =	sbr.rel @p0 .LBB2_1-.Ltmp4, $3  }
0x287: {  	_ =	sdelay $0x1  }
0x288: {  	[sflag:s9] =	ssyncset.done $0x0  }
0x289: {  	[sflag:s9] =	ssyncadd.s32 $0xFFFFC000  }
0x28a: {  	_ =	sfence.sel $0x180000  }
0x28b: {  	[bflag:$0x0] =	sbarrier.arrive $0xFFFF  }
0x28c: {  	_ =	strace $0x90000047  }
0x28d: {  	s0 =	stileid.u32;
	[bflag:$0x2] =	sbarrier.arrive $0xFFFF  }
0x28e: {  	p0 =	sne.s32 s0, $0x0;
	s0 =	rddreg [dreg:$0x1]  }
0x28f: {  	s0 =	sadd.s32 @!p0 $0x100000, s0  }
0x290: {  	[sflag:s0] =	ssyncadd.tile.s32 @!p0 $0x1;
	_ =	shalt  }
.Lfunc_end2:
_tile_overlayer_lowered:
.L_overlay_start_2:
0x291: {  	(tag) =	ssettag $0x2  }
0x292: {  	s0 =	rddreg [dreg:$0x0];
	s2 =	stileid.u32  }
0x293: {  	s1 =	rddreg [dreg:$0x1];
	p0 =	sne.s32 s2, $0x0  }
0x294: {  	s3 =	rddreg [dreg:$0x2];
	[bflag:$0x3] =	sbarrier.arrive $0xFFFF;
	s2 =	simm.s32 @!p0 $0x1C03  }
0x295: {  	[timem:s3], [sflag:s2] =	dma.local @!p0 [hbm:s0], s1  }
0x296: {  	s0 =	simm.s32 @!p0 $0x3  }
0x297: {  	_ =	swait.ge @!p0 [sflag:s0], s1  }
0x298: {  	s1 =	ssub.s32 @!p0 $0x0, s1;
	[sflag:s0] =	ssyncset.done @!p0 $0x0  }
0x299: {  	[sflag:s0] =	ssyncadd.s32 @!p0 s1  }
0x29a: {  	[bflag:$0x3] =	sbarrier.arrive $0xFFFF  }
0x29b: {  	_ =	shalt  }

</sc_bundles>
